<compile_context>
chip_gen: v7x
topology: tpu7x:2x2x1
jax: 0.10.2.dev20260603
libtpu: 0.0.44.dev20260713+nightly
codegen_flags: <defaults>
</compile_context>

<pallas_src>
import functools

import jax
import jax.numpy as jnp
from jax import lax
from jax.experimental import pallas as pl
from jax.experimental.pallas import tpu as pltpu
from jax.experimental.pallas import tpu_sc as plsc

D_MODEL_K = 768
N_EXP_K = 64
TOPK_K = 2
LANES = 16


def _matmul_body(x_ref, wt_ref, b_ref, g_ref):
    g_ref[...] = (
        jnp.dot(x_ref[...], wt_ref[...], preferred_element_type=jnp.float32)
        + b_ref[...]
    )


def _logits(inp, wt, b2, bt, blk0, nblk):
    return pl.pallas_call(
        _matmul_body,
        grid=(nblk,),
        in_specs=[
            pl.BlockSpec((bt, D_MODEL_K), lambda i: (blk0 + i, 0)),
            pl.BlockSpec((D_MODEL_K, N_EXP_K), lambda i: (0, 0)),
            pl.BlockSpec((1, N_EXP_K), lambda i: (0, 0)),
        ],
        out_specs=pl.BlockSpec((bt, N_EXP_K), lambda i: (i, 0)),
        out_shape=jax.ShapeDtypeStruct((nblk * bt, N_EXP_K), jnp.float32),
    )(inp, wt, b2)


def _sc_topk(logits_flat, n_tok):
    nw = 32
    tpw = n_tok // nw
    mesh = plsc.VectorSubcoreMesh(core_axis_name="c", subcore_axis_name="s")

    @functools.partial(
        pl.kernel,
        out_type=(
            jax.ShapeDtypeStruct((TOPK_K * n_tok,), jnp.int32),
            jax.ShapeDtypeStruct((TOPK_K * n_tok,), jnp.float32),
        ),
        mesh=mesh,
        compiler_params=pltpu.CompilerParams(needs_layout_passes=False),
        scratch_types=[
            pltpu.VMEM((tpw * N_EXP_K,), jnp.float32),
            pltpu.VMEM((TOPK_K * tpw,), jnp.int32),
            pltpu.VMEM((TOPK_K * tpw,), jnp.float32),
        ],
    )
    def topk_kernel(logits_hbm, idx_hbm, score_hbm, buf, idxb, scoreb):
        wid = lax.axis_index("s") * 2 + lax.axis_index("c")
        t0 = wid * tpw
        pltpu.sync_copy(
            logits_hbm.at[pl.ds(t0 * N_EXP_K, tpw * N_EXP_K)], buf
        )

        def group(g, carry):
            base = g * LANES
            row = base + lax.iota(jnp.int32, LANES)
            flat = row * N_EXP_K
            m1 = plsc.load_gather(buf, [flat])
            i1 = jnp.zeros((LANES,), jnp.int32)
            m2 = jnp.full((LANES,), -jnp.inf, jnp.float32)
            i2 = jnp.zeros((LANES,), jnp.int32)
            for e in range(1, N_EXP_K):
                col = jnp.full((LANES,), e, jnp.int32)
                v = plsc.load_gather(buf, [flat + e])
                g1 = v > m1
                g2 = v > m2
                i2 = jnp.where(g1, i1, jnp.where(g2, col, i2))
                m2 = jnp.where(g1, m1, jnp.where(g2, v, m2))
                i1 = jnp.where(g1, col, i1)
                m1 = jnp.where(g1, v, m1)
            e2 = jnp.exp(m2 - m1)
            denom = 1.0 + e2
            st = TOPK_K * row
            plsc.store_scatter(idxb, [st], i1)
            plsc.store_scatter(idxb, [st + 1], i2)
            plsc.store_scatter(scoreb, [st], 1.0 / denom)
            plsc.store_scatter(scoreb, [st + 1], e2 / denom)
            return carry

        lax.fori_loop(0, tpw // LANES, group, 0)
        pltpu.sync_copy(idxb, idx_hbm.at[pl.ds(TOPK_K * t0, TOPK_K * tpw)])
        pltpu.sync_copy(scoreb, score_hbm.at[pl.ds(TOPK_K * t0, TOPK_K * tpw)])

    return topk_kernel(logits_flat)


def kernel(inp, W, b):
    n_tok = inp.shape[0]
    bt = 4096
    n_chunks = 2
    blk_per_chunk = n_tok // bt // n_chunks
    chunk = blk_per_chunk * bt
    wt = W.T
    b2 = b[None, :]
    idx_parts, score_parts = [], []
    for c in range(n_chunks):
        logits_c = _logits(inp, wt, b2, bt, c * blk_per_chunk, blk_per_chunk)
        idx_c, score_c = _sc_topk(logits_c.reshape(-1), chunk)
        idx_parts.append(idx_c)
        score_parts.append(score_c)
    idx = jnp.concatenate(idx_parts)
    score = jnp.concatenate(score_parts).reshape(n_tok, 1, TOPK_K)
    return (idx, score)

# --- scband reference (transcript-rebuilt; emitter-appended) ---
"""Pipeline reference for scband-fmo-enaive-gate-1958505087362 (READ-ONLY COPY).

The authoritative reference and input builder live on the scoring server;
editing this copy changes nothing except your own understanding.
"""

import jax, jax.numpy as jnp
import numpy as np

D_MODEL = 768
NUM_EXPERT = 64
WORLD_SIZE = 1
TOP_K = 2
N_TOK = 32768


def setup_inputs(seed: int = 0) -> dict:
    key = jax.random.key(seed)
    k1, k2, k3 = jax.random.split(key, 3)
    inp = jax.random.normal(k1, (N_TOK, D_MODEL), dtype=jnp.float32)
    # nn.Linear(d_model, num_expert * world_size): weight [out, in], bias [out]
    W = jax.random.normal(k2, (NUM_EXPERT * WORLD_SIZE, D_MODEL), dtype=jnp.float32) * 0.02
    b = jax.random.normal(k3, (NUM_EXPERT * WORLD_SIZE,), dtype=jnp.float32) * 0.02
    return {"inp": inp, "W": W, "b": b}


def reference(inp, W, b):
    # gate = self.gate(inp)
    gate = inp @ W.T + b
    # topk over experts (largest=True; sorting does not change softmax semantics,
    # and val/idx pairing is kept consistent)
    gate_top_k_val, gate_top_k_idx = jax.lax.top_k(gate, TOP_K)
    gate_top_k_val = gate_top_k_val.reshape(-1, TOP_K)
    gate_score = jax.nn.softmax(gate_top_k_val, axis=-1)[:, None, :]
    gate_top_k_idx = gate_top_k_idx.reshape(-1)
    return (gate_top_k_idx, gate_score)

if __name__ == "__main__":
    import jax
    _d = setup_inputs()
    print(jax.jit(kernel)(*tuple(_d.values())))

</pallas_src>

<mosaic_0001>
#map = affine_map<(d0, d1) -> (0)>
module attributes {stable_mosaic.version = 14 : i64} {
  func.func @topk_kernel(%arg0: i32, %arg1: i32, %arg2: memref<1048576xf32, #tpu.memory_space<hbm>>, %arg3: memref<32768xi32, #tpu.memory_space<hbm>>, %arg4: memref<32768xf32, #tpu.memory_space<hbm>>, %arg5: memref<32768xf32, #tpu.memory_space<vmem>>, %arg6: memref<1024xi32, #tpu.memory_space<vmem>>, %arg7: memref<1024xf32, #tpu.memory_space<vmem>>) attributes {dimension_semantics = [#tpu.dimension_semantics<core_parallel>, #tpu.dimension_semantics<subcore_parallel>], iteration_bounds = array<i64: 2, 16>, scalar_prefetch = 0 : i64, scratch_operands = 3 : i64, tpu.core_type = #tpu.core_type<sc_vector_subcore>, window_params = [{transform_indices = #map}, {transform_indices = #map}, {transform_indices = #map}]} {
    %mul3A = arith.constant 2 : i32
    %mul3A_0 = arith.muli %arg1, %mul3A : i32
    %add3A = arith.addi %mul3A_0, %arg0 : i32
    %mul3A_1 = arith.constant 512 : i32
    %mul3A_2 = arith.muli %add3A, %mul3A_1 : i32
    %mul3A_3 = arith.constant 64 : i32
    %mul3A_4 = arith.muli %mul3A_2, %mul3A_3 : i32
    "tpu.region"() ({
      %run_scoped3A = tpu.sem_alloc : memref<!tpu.dma_semaphore, #tpu.memory_space<semaphore_mem>>
      %dma_start3A = tpu.memref_slice %arg2[%mul3A_4] : memref<1048576xf32, #tpu.memory_space<hbm>> -> memref<32768xf32, #tpu.memory_space<hbm>>
      %dma_start3A_14 = tpu.memref_slice %arg2[%mul3A_4] : memref<1048576xf32, #tpu.memory_space<hbm>> -> memref<32768xf32, #tpu.memory_space<hbm>>
      tpu.enqueue_dma source(%dma_start3A_14 : memref<32768xf32, #tpu.memory_space<hbm>>) target(%arg5 : memref<32768xf32, #tpu.memory_space<vmem>>) target_semaphore(%run_scoped3A : memref<!tpu.dma_semaphore, #tpu.memory_space<semaphore_mem>>)
      %dma_wait3A = tpu.memref_slice %arg2[%mul3A_4] : memref<1048576xf32, #tpu.memory_space<hbm>> -> memref<32768xf32, #tpu.memory_space<hbm>>
      %dma_wait3A_15 = tpu.memref_slice %arg2[%mul3A_4] : memref<1048576xf32, #tpu.memory_space<hbm>> -> memref<32768xf32, #tpu.memory_space<hbm>>
      tpu.wait_dma2 semaphore(%run_scoped3A : memref<!tpu.dma_semaphore, #tpu.memory_space<semaphore_mem>>) src(%dma_wait3A_15 : memref<32768xf32, #tpu.memory_space<hbm>>) dst(%arg5 : memref<32768xf32, #tpu.memory_space<vmem>>)
      tpu.yield
    }) : () -> ()
    %scan3A = arith.constant 0 : i32
    %scan3A_5 = arith.constant 0 : i32
    %scan3A_6 = arith.constant 32 : i32
    %scan3A_7 = arith.addi %scan3A_5, %scan3A_6 : i32
    %scan3A_8 = arith.constant 1 : i32
    scf.for %scan3A_14 = %scan3A_5 to %scan3A_7 step %scan3A_8  : i32 {
      %mul3A_15 = arith.constant 16 : i32
      %mul3A_16 = arith.muli %scan3A_14, %mul3A_15 : i32
      %iota3A = tpu.iota {dimensions = array<i32: 0>} : vector<16xi32>
      %add3A_17 = vector.broadcast %mul3A_16 : i32 to vector<16xi32>
      %add3A_18 = arith.addi %add3A_17, %iota3A : vector<16xi32>
      %mul3A_19 = arith.constant 64 : i32
      %mul3A_20 = vector.broadcast %mul3A_19 : i32 to vector<16xi32>
      %mul3A_21 = arith.muli %add3A_18, %mul3A_20 : vector<16xi32>
      %gather3A = tpu.vector_load_idx %arg5[%mul3A_21] : memref<32768xf32, #tpu.memory_space<vmem>>[vector<16xi32>], vector<16xf32>,
      %broadcast_in_dim3A = arith.constant 0 : i32
      %broadcast_in_dim3A_22 = vector.broadcast %broadcast_in_dim3A : i32 to vector<16xi32>
      %broadcast_in_dim3A_23 = arith.constant 0xFF800000 : f32
      %broadcast_in_dim3A_24 = vector.broadcast %broadcast_in_dim3A_23 : f32 to vector<16xf32>
      %broadcast_in_dim3A_25 = arith.constant 0 : i32
      %broadcast_in_dim3A_26 = vector.broadcast %broadcast_in_dim3A_25 : i32 to vector<16xi32>
      %broadcast_in_dim3A_27 = arith.constant 1 : i32
      %broadcast_in_dim3A_28 = vector.broadcast %broadcast_in_dim3A_27 : i32 to vector<16xi32>
      %add3A_29 = arith.constant 1 : i32
      %add3A_30 = vector.broadcast %add3A_29 : i32 to vector<16xi32>
      %add3A_31 = arith.addi %mul3A_21, %add3A_30 : vector<16xi32>
      %gather3A_32 = tpu.vector_load_idx %arg5[%add3A_31] : memref<32768xf32, #tpu.memory_space<vmem>>[vector<16xi32>], vector<16xf32>,
      %gt3A = arith.cmpf ogt, %gather3A_32, %gather3A : vector<16xf32>
      %gt3A_33 = arith.cmpf ogt, %gather3A_32, %broadcast_in_dim3A_24 : vector<16xf32>
      %select_n3A = arith.select %gt3A_33, %broadcast_in_dim3A_28, %broadcast_in_dim3A_26 : vector<16xi1>, vector<16xi32>
      %select_n3A_34 = arith.select %gt3A, %broadcast_in_dim3A_22, %select_n3A : vector<16xi1>, vector<16xi32>
      %select_n3A_35 = arith.select %gt3A_33, %gather3A_32, %broadcast_in_dim3A_24 : vector<16xi1>, vector<16xf32>
      %select_n3A_36 = arith.select %gt3A, %gather3A, %select_n3A_35 : vector<16xi1>, vector<16xf32>
      %select_n3A_37 = arith.select %gt3A, %broadcast_in_dim3A_28, %broadcast_in_dim3A_22 : vector<16xi1>, vector<16xi32>
      %select_n3A_38 = arith.select %gt3A, %gather3A_32, %gather3A : vector<16xi1>, vector<16xf32>
      %broadcast_in_dim3A_39 = arith.constant 2 : i32
      %broadcast_in_dim3A_40 = vector.broadcast %broadcast_in_dim3A_39 : i32 to vector<16xi32>
      %add3A_41 = arith.constant 2 : i32
      %add3A_42 = vector.broadcast %add3A_41 : i32 to vector<16xi32>
      %add3A_43 = arith.addi %mul3A_21, %add3A_42 : vector<16xi32>
      %gather3A_44 = tpu.vector_load_idx %arg5[%add3A_43] : memref<32768xf32, #tpu.memory_space<vmem>>[vector<16xi32>], vector<16xf32>,
      %gt3A_45 = arith.cmpf ogt, %gather3A_44, %select_n3A_38 : vector<16xf32>
      %gt3A_46 = arith.cmpf ogt, %gather3A_44, %select_n3A_36 : vector<16xf32>
      %select_n3A_47 = arith.select %gt3A_46, %broadcast_in_dim3A_40, %select_n3A_34 : vector<16xi1>, vector<16xi32>
      %select_n3A_48 = arith.select %gt3A_45, %select_n3A_37, %select_n3A_47 : vector<16xi1>, vector<16xi32>
      %select_n3A_49 = arith.select %gt3A_46, %gather3A_44, %select_n3A_36 : vector<16xi1>, vector<16xf32>
      %select_n3A_50 = arith.select %gt3A_45, %select_n3A_38, %select_n3A_49 : vector<16xi1>, vector<16xf32>
      %select_n3A_51 = arith.select %gt3A_45, %broadcast_in_dim3A_40, %select_n3A_37 : vector<16xi1>, vector<16xi32>
      %select_n3A_52 = arith.select %gt3A_45, %gather3A_44, %select_n3A_38 : vector<16xi1>, vector<16xf32>
      %broadcast_in_dim3A_53 = arith.constant 3 : i32
      %broadcast_in_dim3A_54 = vector.broadcast %broadcast_in_dim3A_53 : i32 to vector<16xi32>
      %add3A_55 = arith.constant 3 : i32
      %add3A_56 = vector.broadcast %add3A_55 : i32 to vector<16xi32>
      %add3A_57 = arith.addi %mul3A_21, %add3A_56 : vector<16xi32>
      %gather3A_58 = tpu.vector_load_idx %arg5[%add3A_57] : memref<32768xf32, #tpu.memory_space<vmem>>[vector<16xi32>], vector<16xf32>,
      %gt3A_59 = arith.cmpf ogt, %gather3A_58, %select_n3A_52 : vector<16xf32>
      %gt3A_60 = arith.cmpf ogt, %gather3A_58, %select_n3A_50 : vector<16xf32>
      %select_n3A_61 = arith.select %gt3A_60, %broadcast_in_dim3A_54, %select_n3A_48 : vector<16xi1>, vector<16xi32>
      %select_n3A_62 = arith.select %gt3A_59, %select_n3A_51, %select_n3A_61 : vector<16xi1>, vector<16xi32>
      %select_n3A_63 = arith.select %gt3A_60, %gather3A_58, %select_n3A_50 : vector<16xi1>, vector<16xf32>
      %select_n3A_64 = arith.select %gt3A_59, %select_n3A_52, %select_n3A_63 : vector<16xi1>, vector<16xf32>
      %select_n3A_65 = arith.select %gt3A_59, %broadcast_in_dim3A_54, %select_n3A_51 : vector<16xi1>, vector<16xi32>
      %select_n3A_66 = arith.select %gt3A_59, %gather3A_58, %select_n3A_52 : vector<16xi1>, vector<16xf32>
      %broadcast_in_dim3A_67 = arith.constant 4 : i32
      %broadcast_in_dim3A_68 = vector.broadcast %broadcast_in_dim3A_67 : i32 to vector<16xi32>
      %add3A_69 = arith.constant 4 : i32
      %add3A_70 = vector.broadcast %add3A_69 : i32 to vector<16xi32>
      %add3A_71 = arith.addi %mul3A_21, %add3A_70 : vector<16xi32>
      %gather3A_72 = tpu.vector_load_idx %arg5[%add3A_71] : memref<32768xf32, #tpu.memory_space<vmem>>[vector<16xi32>], vector<16xf32>,
      %gt3A_73 = arith.cmpf ogt, %gather3A_72, %select_n3A_66 : vector<16xf32>
      %gt3A_74 = arith.cmpf ogt, %gather3A_72, %select_n3A_64 : vector<16xf32>
      %select_n3A_75 = arith.select %gt3A_74, %broadcast_in_dim3A_68, %select_n3A_62 : vector<16xi1>, vector<16xi32>
      %select_n3A_76 = arith.select %gt3A_73, %select_n3A_65, %select_n3A_75 : vector<16xi1>, vector<16xi32>
      %select_n3A_77 = arith.select %gt3A_74, %gather3A_72, %select_n3A_64 : vector<16xi1>, vector<16xf32>
      %select_n3A_78 = arith.select %gt3A_73, %select_n3A_66, %select_n3A_77 : vector<16xi1>, vector<16xf32>
      %select_n3A_79 = arith.select %gt3A_73, %broadcast_in_dim3A_68, %select_n3A_65 : vector<16xi1>, vector<16xi32>
      %select_n3A_80 = arith.select %gt3A_73, %gather3A_72, %select_n3A_66 : vector<16xi1>, vector<16xf32>
      %broadcast_in_dim3A_81 = arith.constant 5 : i32
      %broadcast_in_dim3A_82 = vector.broadcast %broadcast_in_dim3A_81 : i32 to vector<16xi32>
      %add3A_83 = arith.constant 5 : i32
      %add3A_84 = vector.broadcast %add3A_83 : i32 to vector<16xi32>
      %add3A_85 = arith.addi %mul3A_21, %add3A_84 : vector<16xi32>
      %gather3A_86 = tpu.vector_load_idx %arg5[%add3A_85] : memref<32768xf32, #tpu.memory_space<vmem>>[vector<16xi32>], vector<16xf32>,
      %gt3A_87 = arith.cmpf ogt, %gather3A_86, %select_n3A_80 : vector<16xf32>
      %gt3A_88 = arith.cmpf ogt, %gather3A_86, %select_n3A_78 : vector<16xf32>
      %select_n3A_89 = arith.select %gt3A_88, %broadcast_in_dim3A_82, %select_n3A_76 : vector<16xi1>, vector<16xi32>
      %select_n3A_90 = arith.select %gt3A_87, %select_n3A_79, %select_n3A_89 : vector<16xi1>, vector<16xi32>
      %select_n3A_91 = arith.select %gt3A_88, %gather3A_86, %select_n3A_78 : vector<16xi1>, vector<16xf32>
      %select_n3A_92 = arith.select %gt3A_87, %select_n3A_80, %select_n3A_91 : vector<16xi1>, vector<16xf32>
      %select_n3A_93 = arith.select %gt3A_87, %broadcast_in_dim3A_82, %select_n3A_79 : vector<16xi1>, vector<16xi32>
      %select_n3A_94 = arith.select %gt3A_87, %gather3A_86, %select_n3A_80 : vector<16xi1>, vector<16xf32>
      %broadcast_in_dim3A_95 = arith.constant 6 : i32
      %broadcast_in_dim3A_96 = vector.broadcast %broadcast_in_dim3A_95 : i32 to vector<16xi32>
      %add3A_97 = arith.constant 6 : i32
      %add3A_98 = vector.broadcast %add3A_97 : i32 to vector<16xi32>
      %add3A_99 = arith.addi %mul3A_21, %add3A_98 : vector<16xi32>
      %gather3A_100 = tpu.vector_load_idx %arg5[%add3A_99] : memref<32768xf32, #tpu.memory_space<vmem>>[vector<16xi32>], vector<16xf32>,
      %gt3A_101 = arith.cmpf ogt, %gather3A_100, %select_n3A_94 : vector<16xf32>
      %gt3A_102 = arith.cmpf ogt, %gather3A_100, %select_n3A_92 : vector<16xf32>
      %select_n3A_103 = arith.select %gt3A_102, %broadcast_in_dim3A_96, %select_n3A_90 : vector<16xi1>, vector<16xi32>
      %select_n3A_104 = arith.select %gt3A_101, %select_n3A_93, %select_n3A_103 : vector<16xi1>, vector<16xi32>
      %select_n3A_105 = arith.select %gt3A_102, %gather3A_100, %select_n3A_92 : vector<16xi1>, vector<16xf32>
      %select_n3A_106 = arith.select %gt3A_101, %select_n3A_94, %select_n3A_105 : vector<16xi1>, vector<16xf32>
      %select_n3A_107 = arith.select %gt3A_101, %broadcast_in_dim3A_96, %select_n3A_93 : vector<16xi1>, vector<16xi32>
      %select_n3A_108 = arith.select %gt3A_101, %gather3A_100, %select_n3A_94 : vector<16xi1>, vector<16xf32>
      %broadcast_in_dim3A_109 = arith.constant 7 : i32
      %broadcast_in_dim3A_110 = vector.broadcast %broadcast_in_dim3A_109 : i32 to vector<16xi32>
      %add3A_111 = arith.constant 7 : i32
      %add3A_112 = vector.broadcast %add3A_111 : i32 to vector<16xi32>
      %add3A_113 = arith.addi %mul3A_21, %add3A_112 : vector<16xi32>
      %gather3A_114 = tpu.vector_load_idx %arg5[%add3A_113] : memref<32768xf32, #tpu.memory_space<vmem>>[vector<16xi32>], vector<16xf32>,
      %gt3A_115 = arith.cmpf ogt, %gather3A_114, %select_n3A_108 : vector<16xf32>
      %gt3A_116 = arith.cmpf ogt, %gather3A_114, %select_n3A_106 : vector<16xf32>
      %select_n3A_117 = arith.select %gt3A_116, %broadcast_in_dim3A_110, %select_n3A_104 : vector<16xi1>, vector<16xi32>
      %select_n3A_118 = arith.select %gt3A_115, %select_n3A_107, %select_n3A_117 : vector<16xi1>, vector<16xi32>
      %select_n3A_119 = arith.select %gt3A_116, %gather3A_114, %select_n3A_106 : vector<16xi1>, vector<16xf32>
      %select_n3A_120 = arith.select %gt3A_115, %select_n3A_108, %select_n3A_119 : vector<16xi1>, vector<16xf32>
      %select_n3A_121 = arith.select %gt3A_115, %broadcast_in_dim3A_110, %select_n3A_107 : vector<16xi1>, vector<16xi32>
      %select_n3A_122 = arith.select %gt3A_115, %gather3A_114, %select_n3A_108 : vector<16xi1>, vector<16xf32>
      %broadcast_in_dim3A_123 = arith.constant 8 : i32
      %broadcast_in_dim3A_124 = vector.broadcast %broadcast_in_dim3A_123 : i32 to vector<16xi32>
      %add3A_125 = arith.constant 8 : i32
      %add3A_126 = vector.broadcast %add3A_125 : i32 to vector<16xi32>
      %add3A_127 = arith.addi %mul3A_21, %add3A_126 : vector<16xi32>
      %gather3A_128 = tpu.vector_load_idx %arg5[%add3A_127] : memref<32768xf32, #tpu.memory_space<vmem>>[vector<16xi32>], vector<16xf32>,
      %gt3A_129 = arith.cmpf ogt, %gather3A_128, %select_n3A_122 : vector<16xf32>
      %gt3A_130 = arith.cmpf ogt, %gather3A_128, %select_n3A_120 : vector<16xf32>
      %select_n3A_131 = arith.select %gt3A_130, %broadcast_in_dim3A_124, %select_n3A_118 : vector<16xi1>, vector<16xi32>
      %select_n3A_132 = arith.select %gt3A_129, %select_n3A_121, %select_n3A_131 : vector<16xi1>, vector<16xi32>
      %select_n3A_133 = arith.select %gt3A_130, %gather3A_128, %select_n3A_120 : vector<16xi1>, vector<16xf32>
      %select_n3A_134 = arith.select %gt3A_129, %select_n3A_122, %select_n3A_133 : vector<16xi1>, vector<16xf32>
      %select_n3A_135 = arith.select %gt3A_129, %broadcast_in_dim3A_124, %select_n3A_121 : vector<16xi1>, vector<16xi32>
      %select_n3A_136 = arith.select %gt3A_129, %gather3A_128, %select_n3A_122 : vector<16xi1>, vector<16xf32>
      %broadcast_in_dim3A_137 = arith.constant 9 : i32
      %broadcast_in_dim3A_138 = vector.broadcast %broadcast_in_dim3A_137 : i32 to vector<16xi32>
      %add3A_139 = arith.constant 9 : i32
      %add3A_140 = vector.broadcast %add3A_139 : i32 to vector<16xi32>
      %add3A_141 = arith.addi %mul3A_21, %add3A_140 : vector<16xi32>
      %gather3A_142 = tpu.vector_load_idx %arg5[%add3A_141] : memref<32768xf32, #tpu.memory_space<vmem>>[vector<16xi32>], vector<16xf32>,
      %gt3A_143 = arith.cmpf ogt, %gather3A_142, %select_n3A_136 : vector<16xf32>
      %gt3A_144 = arith.cmpf ogt, %gather3A_142, %select_n3A_134 : vector<16xf32>
      %select_n3A_145 = arith.select %gt3A_144, %broadcast_in_dim3A_138, %select_n3A_132 : vector<16xi1>, vector<16xi32>
      %select_n3A_146 = arith.select %gt3A_143, %select_n3A_135, %select_n3A_145 : vector<16xi1>, vector<16xi32>
      %select_n3A_147 = arith.select %gt3A_144, %gather3A_142, %select_n3A_134 : vector<16xi1>, vector<16xf32>
      %select_n3A_148 = arith.select %gt3A_143, %select_n3A_136, %select_n3A_147 : vector<16xi1>, vector<16xf32>
      %select_n3A_149 = arith.select %gt3A_143, %broadcast_in_dim3A_138, %select_n3A_135 : vector<16xi1>, vector<16xi32>
      %select_n3A_150 = arith.select %gt3A_143, %gather3A_142, %select_n3A_136 : vector<16xi1>, vector<16xf32>
      %broadcast_in_dim3A_151 = arith.constant 10 : i32
      %broadcast_in_dim3A_152 = vector.broadcast %broadcast_in_dim3A_151 : i32 to vector<16xi32>
      %add3A_153 = arith.constant 10 : i32
      %add3A_154 = vector.broadcast %add3A_153 : i32 to vector<16xi32>
      %add3A_155 = arith.addi %mul3A_21, %add3A_154 : vector<16xi32>
      %gather3A_156 = tpu.vector_load_idx %arg5[%add3A_155] : memref<32768xf32, #tpu.memory_space<vmem>>[vector<16xi32>], vector<16xf32>,
      %gt3A_157 = arith.cmpf ogt, %gather3A_156, %select_n3A_150 : vector<16xf32>
      %gt3A_158 = arith.cmpf ogt, %gather3A_156, %select_n3A_148 : vector<16xf32>
      %select_n3A_159 = arith.select %gt3A_158, %broadcast_in_dim3A_152, %select_n3A_146 : vector<16xi1>, vector<16xi32>
      %select_n3A_160 = arith.select %gt3A_157, %select_n3A_149, %select_n3A_159 : vector<16xi1>, vector<16xi32>
      %select_n3A_161 = arith.select %gt3A_158, %gather3A_156, %select_n3A_148 : vector<16xi1>, vector<16xf32>
      %select_n3A_162 = arith.select %gt3A_157, %select_n3A_150, %select_n3A_161 : vector<16xi1>, vector<16xf32>
      %select_n3A_163 = arith.select %gt3A_157, %broadcast_in_dim3A_152, %select_n3A_149 : vector<16xi1>, vector<16xi32>
      %select_n3A_164 = arith.select %gt3A_157, %gather3A_156, %select_n3A_150 : vector<16xi1>, vector<16xf32>
      %broadcast_in_dim3A_165 = arith.constant 11 : i32
      %broadcast_in_dim3A_166 = vector.broadcast %broadcast_in_dim3A_165 : i32 to vector<16xi32>
      %add3A_167 = arith.constant 11 : i32
      %add3A_168 = vector.broadcast %add3A_167 : i32 to vector<16xi32>
      %add3A_169 = arith.addi %mul3A_21, %add3A_168 : vector<16xi32>
      %gather3A_170 = tpu.vector_load_idx %arg5[%add3A_169] : memref<32768xf32, #tpu.memory_space<vmem>>[vector<16xi32>], vector<16xf32>,
      %gt3A_171 = arith.cmpf ogt, %gather3A_170, %select_n3A_164 : vector<16xf32>
      %gt3A_172 = arith.cmpf ogt, %gather3A_170, %select_n3A_162 : vector<16xf32>
      %select_n3A_173 = arith.select %gt3A_172, %broadcast_in_dim3A_166, %select_n3A_160 : vector<16xi1>, vector<16xi32>
      %select_n3A_174 = arith.select %gt3A_171, %select_n3A_163, %select_n3A_173 : vector<16xi1>, vector<16xi32>
      %select_n3A_175 = arith.select %gt3A_172, %gather3A_170, %select_n3A_162 : vector<16xi1>, vector<16xf32>
      %select_n3A_176 = arith.select %gt3A_171, %select_n3A_164, %select_n3A_175 : vector<16xi1>, vector<16xf32>
      %select_n3A_177 = arith.select %gt3A_171, %broadcast_in_dim3A_166, %select_n3A_163 : vector<16xi1>, vector<16xi32>
      %select_n3A_178 = arith.select %gt3A_171, %gather3A_170, %select_n3A_164 : vector<16xi1>, vector<16xf32>
      %broadcast_in_dim3A_179 = arith.constant 12 : i32
      %broadcast_in_dim3A_180 = vector.broadcast %broadcast_in_dim3A_179 : i32 to vector<16xi32>
      %add3A_181 = arith.constant 12 : i32
      %add3A_182 = vector.broadcast %add3A_181 : i32 to vector<16xi32>
      %add3A_183 = arith.addi %mul3A_21, %add3A_182 : vector<16xi32>
      %gather3A_184 = tpu.vector_load_idx %arg5[%add3A_183] : memref<32768xf32, #tpu.memory_space<vmem>>[vector<16xi32>], vector<16xf32>,
      %gt3A_185 = arith.cmpf ogt, %gather3A_184, %select_n3A_178 : vector<16xf32>
      %gt3A_186 = arith.cmpf ogt, %gather3A_184, %select_n3A_176 : vector<16xf32>
      %select_n3A_187 = arith.select %gt3A_186, %broadcast_in_dim3A_180, %select_n3A_174 : vector<16xi1>, vector<16xi32>
      %select_n3A_188 = arith.select %gt3A_185, %select_n3A_177, %select_n3A_187 : vector<16xi1>, vector<16xi32>
      %select_n3A_189 = arith.select %gt3A_186, %gather3A_184, %select_n3A_176 : vector<16xi1>, vector<16xf32>
      %select_n3A_190 = arith.select %gt3A_185, %select_n3A_178, %select_n3A_189 : vector<16xi1>, vector<16xf32>
      %select_n3A_191 = arith.select %gt3A_185, %broadcast_in_dim3A_180, %select_n3A_177 : vector<16xi1>, vector<16xi32>
      %select_n3A_192 = arith.select %gt3A_185, %gather3A_184, %select_n3A_178 : vector<16xi1>, vector<16xf32>
      %broadcast_in_dim3A_193 = arith.constant 13 : i32
      %broadcast_in_dim3A_194 = vector.broadcast %broadcast_in_dim3A_193 : i32 to vector<16xi32>
      %add3A_195 = arith.constant 13 : i32
      %add3A_196 = vector.broadcast %add3A_195 : i32 to vector<16xi32>
      %add3A_197 = arith.addi %mul3A_21, %add3A_196 : vector<16xi32>
      %gather3A_198 = tpu.vector_load_idx %arg5[%add3A_197] : memref<32768xf32, #tpu.memory_space<vmem>>[vector<16xi32>], vector<16xf32>,
      %gt3A_199 = arith.cmpf ogt, %gather3A_198, %select_n3A_192 : vector<16xf32>
      %gt3A_200 = arith.cmpf ogt, %gather3A_198, %select_n3A_190 : vector<16xf32>
      %select_n3A_201 = arith.select %gt3A_200, %broadcast_in_dim3A_194, %select_n3A_188 : vector<16xi1>, vector<16xi32>
      %select_n3A_202 = arith.select %gt3A_199, %select_n3A_191, %select_n3A_201 : vector<16xi1>, vector<16xi32>
      %select_n3A_203 = arith.select %gt3A_200, %gather3A_198, %select_n3A_190 : vector<16xi1>, vector<16xf32>
      %select_n3A_204 = arith.select %gt3A_199, %select_n3A_192, %select_n3A_203 : vector<16xi1>, vector<16xf32>
      %select_n3A_205 = arith.select %gt3A_199, %broadcast_in_dim3A_194, %select_n3A_191 : vector<16xi1>, vector<16xi32>
      %select_n3A_206 = arith.select %gt3A_199, %gather3A_198, %select_n3A_192 : vector<16xi1>, vector<16xf32>
      %broadcast_in_dim3A_207 = arith.constant 14 : i32
      %broadcast_in_dim3A_208 = vector.broadcast %broadcast_in_dim3A_207 : i32 to vector<16xi32>
      %add3A_209 = arith.constant 14 : i32
      %add3A_210 = vector.broadcast %add3A_209 : i32 to vector<16xi32>
      %add3A_211 = arith.addi %mul3A_21, %add3A_210 : vector<16xi32>
      %gather3A_212 = tpu.vector_load_idx %arg5[%add3A_211] : memref<32768xf32, #tpu.memory_space<vmem>>[vector<16xi32>], vector<16xf32>,
      %gt3A_213 = arith.cmpf ogt, %gather3A_212, %select_n3A_206 : vector<16xf32>
      %gt3A_214 = arith.cmpf ogt, %gather3A_212, %select_n3A_204 : vector<16xf32>
      %select_n3A_215 = arith.select %gt3A_214, %broadcast_in_dim3A_208, %select_n3A_202 : vector<16xi1>, vector<16xi32>
      %select_n3A_216 = arith.select %gt3A_213, %select_n3A_205, %select_n3A_215 : vector<16xi1>, vector<16xi32>
      %select_n3A_217 = arith.select %gt3A_214, %gather3A_212, %select_n3A_204 : vector<16xi1>, vector<16xf32>
      %select_n3A_218 = arith.select %gt3A_213, %select_n3A_206, %select_n3A_217 : vector<16xi1>, vector<16xf32>
      %select_n3A_219 = arith.select %gt3A_213, %broadcast_in_dim3A_208, %select_n3A_205 : vector<16xi1>, vector<16xi32>
      %select_n3A_220 = arith.select %gt3A_213, %gather3A_212, %select_n3A_206 : vector<16xi1>, vector<16xf32>
      %broadcast_in_dim3A_221 = arith.constant 15 : i32
      %broadcast_in_dim3A_222 = vector.broadcast %broadcast_in_dim3A_221 : i32 to vector<16xi32>
      %add3A_223 = arith.constant 15 : i32
      %add3A_224 = vector.broadcast %add3A_223 : i32 to vector<16xi32>
      %add3A_225 = arith.addi %mul3A_21, %add3A_224 : vector<16xi32>
      %gather3A_226 = tpu.vector_load_idx %arg5[%add3A_225] : memref<32768xf32, #tpu.memory_space<vmem>>[vector<16xi32>], vector<16xf32>,
      %gt3A_227 = arith.cmpf ogt, %gather3A_226, %select_n3A_220 : vector<16xf32>
      %gt3A_228 = arith.cmpf ogt, %gather3A_226, %select_n3A_218 : vector<16xf32>
      %select_n3A_229 = arith.select %gt3A_228, %broadcast_in_dim3A_222, %select_n3A_216 : vector<16xi1>, vector<16xi32>
      %select_n3A_230 = arith.select %gt3A_227, %select_n3A_219, %select_n3A_229 : vector<16xi1>, vector<16xi32>
      %select_n3A_231 = arith.select %gt3A_228, %gather3A_226, %select_n3A_218 : vector<16xi1>, vector<16xf32>
      %select_n3A_232 = arith.select %gt3A_227, %select_n3A_220, %select_n3A_231 : vector<16xi1>, vector<16xf32>
      %select_n3A_233 = arith.select %gt3A_227, %broadcast_in_dim3A_222, %select_n3A_219 : vector<16xi1>, vector<16xi32>
      %select_n3A_234 = arith.select %gt3A_227, %gather3A_226, %select_n3A_220 : vector<16xi1>, vector<16xf32>
      %broadcast_in_dim3A_235 = arith.constant 16 : i32
      %broadcast_in_dim3A_236 = vector.broadcast %broadcast_in_dim3A_235 : i32 to vector<16xi32>
      %add3A_237 = arith.constant 16 : i32
      %add3A_238 = vector.broadcast %add3A_237 : i32 to vector<16xi32>
      %add3A_239 = arith.addi %mul3A_21, %add3A_238 : vector<16xi32>
      %gather3A_240 = tpu.vector_load_idx %arg5[%add3A_239] : memref<32768xf32, #tpu.memory_space<vmem>>[vector<16xi32>], vector<16xf32>,
      %gt3A_241 = arith.cmpf ogt, %gather3A_240, %select_n3A_234 : vector<16xf32>
      %gt3A_242 = arith.cmpf ogt, %gather3A_240, %select_n3A_232 : vector<16xf32>
      %select_n3A_243 = arith.select %gt3A_242, %broadcast_in_dim3A_236, %select_n3A_230 : vector<16xi1>, vector<16xi32>
      %select_n3A_244 = arith.select %gt3A_241, %select_n3A_233, %select_n3A_243 : vector<16xi1>, vector<16xi32>
      %select_n3A_245 = arith.select %gt3A_242, %gather3A_240, %select_n3A_232 : vector<16xi1>, vector<16xf32>
      %select_n3A_246 = arith.select %gt3A_241, %select_n3A_234, %select_n3A_245 : vector<16xi1>, vector<16xf32>
      %select_n3A_247 = arith.select %gt3A_241, %broadcast_in_dim3A_236, %select_n3A_233 : vector<16xi1>, vector<16xi32>
      %select_n3A_248 = arith.select %gt3A_241, %gather3A_240, %select_n3A_234 : vector<16xi1>, vector<16xf32>
      %broadcast_in_dim3A_249 = arith.constant 17 : i32
      %broadcast_in_dim3A_250 = vector.broadcast %broadcast_in_dim3A_249 : i32 to vector<16xi32>
      %add3A_251 = arith.constant 17 : i32
      %add3A_252 = vector.broadcast %add3A_251 : i32 to vector<16xi32>
      %add3A_253 = arith.addi %mul3A_21, %add3A_252 : vector<16xi32>
      %gather3A_254 = tpu.vector_load_idx %arg5[%add3A_253] : memref<32768xf32, #tpu.memory_space<vmem>>[vector<16xi32>], vector<16xf32>,
      %gt3A_255 = arith.cmpf ogt, %gather3A_254, %select_n3A_248 : vector<16xf32>
      %gt3A_256 = arith.cmpf ogt, %gather3A_254, %select_n3A_246 : vector<16xf32>
      %select_n3A_257 = arith.select %gt3A_256, %broadcast_in_dim3A_250, %select_n3A_244 : vector<16xi1>, vector<16xi32>
      %select_n3A_258 = arith.select %gt3A_255, %select_n3A_247, %select_n3A_257 : vector<16xi1>, vector<16xi32>
      %select_n3A_259 = arith.select %gt3A_256, %gather3A_254, %select_n3A_246 : vector<16xi1>, vector<16xf32>
      %select_n3A_260 = arith.select %gt3A_255, %select_n3A_248, %select_n3A_259 : vector<16xi1>, vector<16xf32>
      %select_n3A_261 = arith.select %gt3A_255, %broadcast_in_dim3A_250, %select_n3A_247 : vector<16xi1>, vector<16xi32>
      %select_n3A_262 = arith.select %gt3A_255, %gather3A_254, %select_n3A_248 : vector<16xi1>, vector<16xf32>
      %broadcast_in_dim3A_263 = arith.constant 18 : i32
      %broadcast_in_dim3A_264 = vector.broadcast %broadcast_in_dim3A_263 : i32 to vector<16xi32>
      %add3A_265 = arith.constant 18 : i32
      %add3A_266 = vector.broadcast %add3A_265 : i32 to vector<16xi32>
      %add3A_267 = arith.addi %mul3A_21, %add3A_266 : vector<16xi32>
      %gather3A_268 = tpu.vector_load_idx %arg5[%add3A_267] : memref<32768xf32, #tpu.memory_space<vmem>>[vector<16xi32>], vector<16xf32>,
      %gt3A_269 = arith.cmpf ogt, %gather3A_268, %select_n3A_262 : vector<16xf32>
      %gt3A_270 = arith.cmpf ogt, %gather3A_268, %select_n3A_260 : vector<16xf32>
      %select_n3A_271 = arith.select %gt3A_270, %broadcast_in_dim3A_264, %select_n3A_258 : vector<16xi1>, vector<16xi32>
      %select_n3A_272 = arith.select %gt3A_269, %select_n3A_261, %select_n3A_271 : vector<16xi1>, vector<16xi32>
      %select_n3A_273 = arith.select %gt3A_270, %gather3A_268, %select_n3A_260 : vector<16xi1>, vector<16xf32>
      %select_n3A_274 = arith.select %gt3A_269, %select_n3A_262, %select_n3A_273 : vector<16xi1>, vector<16xf32>
      %select_n3A_275 = arith.select %gt3A_269, %broadcast_in_dim3A_264, %select_n3A_261 : vector<16xi1>, vector<16xi32>
      %select_n3A_276 = arith.select %gt3A_269, %gather3A_268, %select_n3A_262 : vector<16xi1>, vector<16xf32>
      %broadcast_in_dim3A_277 = arith.constant 19 : i32
      %broadcast_in_dim3A_278 = vector.broadcast %broadcast_in_dim3A_277 : i32 to vector<16xi32>
      %add3A_279 = arith.constant 19 : i32
      %add3A_280 = vector.broadcast %add3A_279 : i32 to vector<16xi32>
      %add3A_281 = arith.addi %mul3A_21, %add3A_280 : vector<16xi32>
      %gather3A_282 = tpu.vector_load_idx %arg5[%add3A_281] : memref<32768xf32, #tpu.memory_space<vmem>>[vector<16xi32>], vector<16xf32>,
      %gt3A_283 = arith.cmpf ogt, %gather3A_282, %select_n3A_276 : vector<16xf32>
      %gt3A_284 = arith.cmpf ogt, %gather3A_282, %select_n3A_274 : vector<16xf32>
      %select_n3A_285 = arith.select %gt3A_284, %broadcast_in_dim3A_278, %select_n3A_272 : vector<16xi1>, vector<16xi32>
      %select_n3A_286 = arith.select %gt3A_283, %select_n3A_275, %select_n3A_285 : vector<16xi1>, vector<16xi32>
      %select_n3A_287 = arith.select %gt3A_284, %gather3A_282, %select_n3A_274 : vector<16xi1>, vector<16xf32>
      %select_n3A_288 = arith.select %gt3A_283, %select_n3A_276, %select_n3A_287 : vector<16xi1>, vector<16xf32>
      %select_n3A_289 = arith.select %gt3A_283, %broadcast_in_dim3A_278, %select_n3A_275 : vector<16xi1>, vector<16xi32>
      %select_n3A_290 = arith.select %gt3A_283, %gather3A_282, %select_n3A_276 : vector<16xi1>, vector<16xf32>
      %broadcast_in_dim3A_291 = arith.constant 20 : i32
      %broadcast_in_dim3A_292 = vector.broadcast %broadcast_in_dim3A_291 : i32 to vector<16xi32>
      %add3A_293 = arith.constant 20 : i32
      %add3A_294 = vector.broadcast %add3A_293 : i32 to vector<16xi32>
      %add3A_295 = arith.addi %mul3A_21, %add3A_294 : vector<16xi32>
      %gather3A_296 = tpu.vector_load_idx %arg5[%add3A_295] : memref<32768xf32, #tpu.memory_space<vmem>>[vector<16xi32>], vector<16xf32>,
      %gt3A_297 = arith.cmpf ogt, %gather3A_296, %select_n3A_290 : vector<16xf32>
      %gt3A_298 = arith.cmpf ogt, %gather3A_296, %select_n3A_288 : vector<16xf32>
      %select_n3A_299 = arith.select %gt3A_298, %broadcast_in_dim3A_292, %select_n3A_286 : vector<16xi1>, vector<16xi32>
      %select_n3A_300 = arith.select %gt3A_297, %select_n3A_289, %select_n3A_299 : vector<16xi1>, vector<16xi32>
      %select_n3A_301 = arith.select %gt3A_298, %gather3A_296, %select_n3A_288 : vector<16xi1>, vector<16xf32>
      %select_n3A_302 = arith.select %gt3A_297, %select_n3A_290, %select_n3A_301 : vector<16xi1>, vector<16xf32>
      %select_n3A_303 = arith.select %gt3A_297, %broadcast_in_dim3A_292, %select_n3A_289 : vector<16xi1>, vector<16xi32>
      %select_n3A_304 = arith.select %gt3A_297, %gather3A_296, %select_n3A_290 : vector<16xi1>, vector<16xf32>
      %broadcast_in_dim3A_305 = arith.constant 21 : i32
      %broadcast_in_dim3A_306 = vector.broadcast %broadcast_in_dim3A_305 : i32 to vector<16xi32>
      %add3A_307 = arith.constant 21 : i32
      %add3A_308 = vector.broadcast %add3A_307 : i32 to vector<16xi32>
      %add3A_309 = arith.addi %mul3A_21, %add3A_308 : vector<16xi32>
      %gather3A_310 = tpu.vector_load_idx %arg5[%add3A_309] : memref<32768xf32, #tpu.memory_space<vmem>>[vector<16xi32>], vector<16xf32>,
      %gt3A_311 = arith.cmpf ogt, %gather3A_310, %select_n3A_304 : vector<16xf32>
      %gt3A_312 = arith.cmpf ogt, %gather3A_310, %select_n3A_302 : vector<16xf32>
      %select_n3A_313 = arith.select %gt3A_312, %broadcast_in_dim3A_306, %select_n3A_300 : vector<16xi1>, vector<16xi32>
      %select_n3A_314 = arith.select %gt3A_311, %select_n3A_303, %select_n3A_313 : vector<16xi1>, vector<16xi32>
      %select_n3A_315 = arith.select %gt3A_312, %gather3A_310, %select_n3A_302 : vector<16xi1>, vector<16xf32>
      %select_n3A_316 = arith.select %gt3A_311, %select_n3A_304, %select_n3A_315 : vector<16xi1>, vector<16xf32>
      %select_n3A_317 = arith.select %gt3A_311, %broadcast_in_dim3A_306, %select_n3A_303 : vector<16xi1>, vector<16xi32>
      %select_n3A_318 = arith.select %gt3A_311, %gather3A_310, %select_n3A_304 : vector<16xi1>, vector<16xf32>
      %broadcast_in_dim3A_319 = arith.constant 22 : i32
      %broadcast_in_dim3A_320 = vector.broadcast %broadcast_in_dim3A_319 : i32 to vector<16xi32>
      %add3A_321 = arith.constant 22 : i32
      %add3A_322 = vector.broadcast %add3A_321 : i32 to vector<16xi32>
      %add3A_323 = arith.addi %mul3A_21, %add3A_322 : vector<16xi32>
      %gather3A_324 = tpu.vector_load_idx %arg5[%add3A_323] : memref<32768xf32, #tpu.memory_space<vmem>>[vector<16xi32>], vector<16xf32>,
      %gt3A_325 = arith.cmpf ogt, %gather3A_324, %select_n3A_318 : vector<16xf32>
      %gt3A_326 = arith.cmpf ogt, %gather3A_324, %select_n3A_316 : vector<16xf32>
      %select_n3A_327 = arith.select %gt3A_326, %broadcast_in_dim3A_320, %select_n3A_314 : vector<16xi1>, vector<16xi32>
      %select_n3A_328 = arith.select %gt3A_325, %select_n3A_317, %select_n3A_327 : vector<16xi1>, vector<16xi32>
      %select_n3A_329 = arith.select %gt3A_326, %gather3A_324, %select_n3A_316 : vector<16xi1>, vector<16xf32>
      %select_n3A_330 = arith.select %gt3A_325, %select_n3A_318, %select_n3A_329 : vector<16xi1>, vector<16xf32>
      %select_n3A_331 = arith.select %gt3A_325, %broadcast_in_dim3A_320, %select_n3A_317 : vector<16xi1>, vector<16xi32>
      %select_n3A_332 = arith.select %gt3A_325, %gather3A_324, %select_n3A_318 : vector<16xi1>, vector<16xf32>
      %broadcast_in_dim3A_333 = arith.constant 23 : i32
      %broadcast_in_dim3A_334 = vector.broadcast %broadcast_in_dim3A_333 : i32 to vector<16xi32>
      %add3A_335 = arith.constant 23 : i32
      %add3A_336 = vector.broadcast %add3A_335 : i32 to vector<16xi32>
      %add3A_337 = arith.addi %mul3A_21, %add3A_336 : vector<16xi32>
      %gather3A_338 = tpu.vector_load_idx %arg5[%add3A_337] : memref<32768xf32, #tpu.memory_space<vmem>>[vector<16xi32>], vector<16xf32>,
      %gt3A_339 = arith.cmpf ogt, %gather3A_338, %select_n3A_332 : vector<16xf32>
      %gt3A_340 = arith.cmpf ogt, %gather3A_338, %select_n3A_330 : vector<16xf32>
      %select_n3A_341 = arith.select %gt3A_340, %broadcast_in_dim3A_334, %select_n3A_328 : vector<16xi1>, vector<16xi32>
      %select_n3A_342 = arith.select %gt3A_339, %select_n3A_331, %select_n3A_341 : vector<16xi1>, vector<16xi32>
      %select_n3A_343 = arith.select %gt3A_340, %gather3A_338, %select_n3A_330 : vector<16xi1>, vector<16xf32>
      %select_n3A_344 = arith.select %gt3A_339, %select_n3A_332, %select_n3A_343 : vector<16xi1>, vector<16xf32>
      %select_n3A_345 = arith.select %gt3A_339, %broadcast_in_dim3A_334, %select_n3A_331 : vector<16xi1>, vector<16xi32>
      %select_n3A_346 = arith.select %gt3A_339, %gather3A_338, %select_n3A_332 : vector<16xi1>, vector<16xf32>
      %broadcast_in_dim3A_347 = arith.constant 24 : i32
      %broadcast_in_dim3A_348 = vector.broadcast %broadcast_in_dim3A_347 : i32 to vector<16xi32>
      %add3A_349 = arith.constant 24 : i32
      %add3A_350 = vector.broadcast %add3A_349 : i32 to vector<16xi32>
      %add3A_351 = arith.addi %mul3A_21, %add3A_350 : vector<16xi32>
      %gather3A_352 = tpu.vector_load_idx %arg5[%add3A_351] : memref<32768xf32, #tpu.memory_space<vmem>>[vector<16xi32>], vector<16xf32>,
      %gt3A_353 = arith.cmpf ogt, %gather3A_352, %select_n3A_346 : vector<16xf32>
      %gt3A_354 = arith.cmpf ogt, %gather3A_352, %select_n3A_344 : vector<16xf32>
      %select_n3A_355 = arith.select %gt3A_354, %broadcast_in_dim3A_348, %select_n3A_342 : vector<16xi1>, vector<16xi32>
      %select_n3A_356 = arith.select %gt3A_353, %select_n3A_345, %select_n3A_355 : vector<16xi1>, vector<16xi32>
      %select_n3A_357 = arith.select %gt3A_354, %gather3A_352, %select_n3A_344 : vector<16xi1>, vector<16xf32>
      %select_n3A_358 = arith.select %gt3A_353, %select_n3A_346, %select_n3A_357 : vector<16xi1>, vector<16xf32>
      %select_n3A_359 = arith.select %gt3A_353, %broadcast_in_dim3A_348, %select_n3A_345 : vector<16xi1>, vector<16xi32>
      %select_n3A_360 = arith.select %gt3A_353, %gather3A_352, %select_n3A_346 : vector<16xi1>, vector<16xf32>
      %broadcast_in_dim3A_361 = arith.constant 25 : i32
      %broadcast_in_dim3A_362 = vector.broadcast %broadcast_in_dim3A_361 : i32 to vector<16xi32>
      %add3A_363 = arith.constant 25 : i32
      %add3A_364 = vector.broadcast %add3A_363 : i32 to vector<16xi32>
      %add3A_365 = arith.addi %mul3A_21, %add3A_364 : vector<16xi32>
      %gather3A_366 = tpu.vector_load_idx %arg5[%add3A_365] : memref<32768xf32, #tpu.memory_space<vmem>>[vector<16xi32>], vector<16xf32>,
      %gt3A_367 = arith.cmpf ogt, %gather3A_366, %select_n3A_360 : vector<16xf32>
      %gt3A_368 = arith.cmpf ogt, %gather3A_366, %select_n3A_358 : vector<16xf32>
      %select_n3A_369 = arith.select %gt3A_368, %broadcast_in_dim3A_362, %select_n3A_356 : vector<16xi1>, vector<16xi32>
      %select_n3A_370 = arith.select %gt3A_367, %select_n3A_359, %select_n3A_369 : vector<16xi1>, vector<16xi32>
      %select_n3A_371 = arith.select %gt3A_368, %gather3A_366, %select_n3A_358 : vector<16xi1>, vector<16xf32>
      %select_n3A_372 = arith.select %gt3A_367, %select_n3A_360, %select_n3A_371 : vector<16xi1>, vector<16xf32>
      %select_n3A_373 = arith.select %gt3A_367, %broadcast_in_dim3A_362, %select_n3A_359 : vector<16xi1>, vector<16xi32>
      %select_n3A_374 = arith.select %gt3A_367, %gather3A_366, %select_n3A_360 : vector<16xi1>, vector<16xf32>
      %broadcast_in_dim3A_375 = arith.constant 26 : i32
      %broadcast_in_dim3A_376 = vector.broadcast %broadcast_in_dim3A_375 : i32 to vector<16xi32>
      %add3A_377 = arith.constant 26 : i32
      %add3A_378 = vector.broadcast %add3A_377 : i32 to vector<16xi32>
      %add3A_379 = arith.addi %mul3A_21, %add3A_378 : vector<16xi32>
      %gather3A_380 = tpu.vector_load_idx %arg5[%add3A_379] : memref<32768xf32, #tpu.memory_space<vmem>>[vector<16xi32>], vector<16xf32>,
      %gt3A_381 = arith.cmpf ogt, %gather3A_380, %select_n3A_374 : vector<16xf32>
      %gt3A_382 = arith.cmpf ogt, %gather3A_380, %select_n3A_372 : vector<16xf32>
      %select_n3A_383 = arith.select %gt3A_382, %broadcast_in_dim3A_376, %select_n3A_370 : vector<16xi1>, vector<16xi32>
      %select_n3A_384 = arith.select %gt3A_381, %select_n3A_373, %select_n3A_383 : vector<16xi1>, vector<16xi32>
      %select_n3A_385 = arith.select %gt3A_382, %gather3A_380, %select_n3A_372 : vector<16xi1>, vector<16xf32>
      %select_n3A_386 = arith.select %gt3A_381, %select_n3A_374, %select_n3A_385 : vector<16xi1>, vector<16xf32>
      %select_n3A_387 = arith.select %gt3A_381, %broadcast_in_dim3A_376, %select_n3A_373 : vector<16xi1>, vector<16xi32>
      %select_n3A_388 = arith.select %gt3A_381, %gather3A_380, %select_n3A_374 : vector<16xi1>, vector<16xf32>
      %broadcast_in_dim3A_389 = arith.constant 27 : i32
      %broadcast_in_dim3A_390 = vector.broadcast %broadcast_in_dim3A_389 : i32 to vector<16xi32>
      %add3A_391 = arith.constant 27 : i32
      %add3A_392 = vector.broadcast %add3A_391 : i32 to vector<16xi32>
      %add3A_393 = arith.addi %mul3A_21, %add3A_392 : vector<16xi32>
      %gather3A_394 = tpu.vector_load_idx %arg5[%add3A_393] : memref<32768xf32, #tpu.memory_space<vmem>>[vector<16xi32>], vector<16xf32>,
      %gt3A_395 = arith.cmpf ogt, %gather3A_394, %select_n3A_388 : vector<16xf32>
      %gt3A_396 = arith.cmpf ogt, %gather3A_394, %select_n3A_386 : vector<16xf32>
      %select_n3A_397 = arith.select %gt3A_396, %broadcast_in_dim3A_390, %select_n3A_384 : vector<16xi1>, vector<16xi32>
      %select_n3A_398 = arith.select %gt3A_395, %select_n3A_387, %select_n3A_397 : vector<16xi1>, vector<16xi32>
      %select_n3A_399 = arith.select %gt3A_396, %gather3A_394, %select_n3A_386 : vector<16xi1>, vector<16xf32>
      %select_n3A_400 = arith.select %gt3A_395, %select_n3A_388, %select_n3A_399 : vector<16xi1>, vector<16xf32>
      %select_n3A_401 = arith.select %gt3A_395, %broadcast_in_dim3A_390, %select_n3A_387 : vector<16xi1>, vector<16xi32>
      %select_n3A_402 = arith.select %gt3A_395, %gather3A_394, %select_n3A_388 : vector<16xi1>, vector<16xf32>
      %broadcast_in_dim3A_403 = arith.constant 28 : i32
      %broadcast_in_dim3A_404 = vector.broadcast %broadcast_in_dim3A_403 : i32 to vector<16xi32>
      %add3A_405 = arith.constant 28 : i32
      %add3A_406 = vector.broadcast %add3A_405 : i32 to vector<16xi32>
      %add3A_407 = arith.addi %mul3A_21, %add3A_406 : vector<16xi32>
      %gather3A_408 = tpu.vector_load_idx %arg5[%add3A_407] : memref<32768xf32, #tpu.memory_space<vmem>>[vector<16xi32>], vector<16xf32>,
      %gt3A_409 = arith.cmpf ogt, %gather3A_408, %select_n3A_402 : vector<16xf32>
      %gt3A_410 = arith.cmpf ogt, %gather3A_408, %select_n3A_400 : vector<16xf32>
      %select_n3A_411 = arith.select %gt3A_410, %broadcast_in_dim3A_404, %select_n3A_398 : vector<16xi1>, vector<16xi32>
      %select_n3A_412 = arith.select %gt3A_409, %select_n3A_401, %select_n3A_411 : vector<16xi1>, vector<16xi32>
      %select_n3A_413 = arith.select %gt3A_410, %gather3A_408, %select_n3A_400 : vector<16xi1>, vector<16xf32>
      %select_n3A_414 = arith.select %gt3A_409, %select_n3A_402, %select_n3A_413 : vector<16xi1>, vector<16xf32>
      %select_n3A_415 = arith.select %gt3A_409, %broadcast_in_dim3A_404, %select_n3A_401 : vector<16xi1>, vector<16xi32>
      %select_n3A_416 = arith.select %gt3A_409, %gather3A_408, %select_n3A_402 : vector<16xi1>, vector<16xf32>
      %broadcast_in_dim3A_417 = arith.constant 29 : i32
      %broadcast_in_dim3A_418 = vector.broadcast %broadcast_in_dim3A_417 : i32 to vector<16xi32>
      %add3A_419 = arith.constant 29 : i32
      %add3A_420 = vector.broadcast %add3A_419 : i32 to vector<16xi32>
      %add3A_421 = arith.addi %mul3A_21, %add3A_420 : vector<16xi32>
      %gather3A_422 = tpu.vector_load_idx %arg5[%add3A_421] : memref<32768xf32, #tpu.memory_space<vmem>>[vector<16xi32>], vector<16xf32>,
      %gt3A_423 = arith.cmpf ogt, %gather3A_422, %select_n3A_416 : vector<16xf32>
      %gt3A_424 = arith.cmpf ogt, %gather3A_422, %select_n3A_414 : vector<16xf32>
      %select_n3A_425 = arith.select %gt3A_424, %broadcast_in_dim3A_418, %select_n3A_412 : vector<16xi1>, vector<16xi32>
      %select_n3A_426 = arith.select %gt3A_423, %select_n3A_415, %select_n3A_425 : vector<16xi1>, vector<16xi32>
      %select_n3A_427 = arith.select %gt3A_424, %gather3A_422, %select_n3A_414 : vector<16xi1>, vector<16xf32>
      %select_n3A_428 = arith.select %gt3A_423, %select_n3A_416, %select_n3A_427 : vector<16xi1>, vector<16xf32>
      %select_n3A_429 = arith.select %gt3A_423, %broadcast_in_dim3A_418, %select_n3A_415 : vector<16xi1>, vector<16xi32>
      %select_n3A_430 = arith.select %gt3A_423, %gather3A_422, %select_n3A_416 : vector<16xi1>, vector<16xf32>
      %broadcast_in_dim3A_431 = arith.constant 30 : i32
      %broadcast_in_dim3A_432 = vector.broadcast %broadcast_in_dim3A_431 : i32 to vector<16xi32>
      %add3A_433 = arith.constant 30 : i32
      %add3A_434 = vector.broadcast %add3A_433 : i32 to vector<16xi32>
      %add3A_435 = arith.addi %mul3A_21, %add3A_434 : vector<16xi32>
      %gather3A_436 = tpu.vector_load_idx %arg5[%add3A_435] : memref<32768xf32, #tpu.memory_space<vmem>>[vector<16xi32>], vector<16xf32>,
      %gt3A_437 = arith.cmpf ogt, %gather3A_436, %select_n3A_430 : vector<16xf32>
      %gt3A_438 = arith.cmpf ogt, %gather3A_436, %select_n3A_428 : vector<16xf32>
      %select_n3A_439 = arith.select %gt3A_438, %broadcast_in_dim3A_432, %select_n3A_426 : vector<16xi1>, vector<16xi32>
      %select_n3A_440 = arith.select %gt3A_437, %select_n3A_429, %select_n3A_439 : vector<16xi1>, vector<16xi32>
      %select_n3A_441 = arith.select %gt3A_438, %gather3A_436, %select_n3A_428 : vector<16xi1>, vector<16xf32>
      %select_n3A_442 = arith.select %gt3A_437, %select_n3A_430, %select_n3A_441 : vector<16xi1>, vector<16xf32>
      %select_n3A_443 = arith.select %gt3A_437, %broadcast_in_dim3A_432, %select_n3A_429 : vector<16xi1>, vector<16xi32>
      %select_n3A_444 = arith.select %gt3A_437, %gather3A_436, %select_n3A_430 : vector<16xi1>, vector<16xf32>
      %broadcast_in_dim3A_445 = arith.constant 31 : i32
      %broadcast_in_dim3A_446 = vector.broadcast %broadcast_in_dim3A_445 : i32 to vector<16xi32>
      %add3A_447 = arith.constant 31 : i32
      %add3A_448 = vector.broadcast %add3A_447 : i32 to vector<16xi32>
      %add3A_449 = arith.addi %mul3A_21, %add3A_448 : vector<16xi32>
      %gather3A_450 = tpu.vector_load_idx %arg5[%add3A_449] : memref<32768xf32, #tpu.memory_space<vmem>>[vector<16xi32>], vector<16xf32>,
      %gt3A_451 = arith.cmpf ogt, %gather3A_450, %select_n3A_444 : vector<16xf32>
      %gt3A_452 = arith.cmpf ogt, %gather3A_450, %select_n3A_442 : vector<16xf32>
      %select_n3A_453 = arith.select %gt3A_452, %broadcast_in_dim3A_446, %select_n3A_440 : vector<16xi1>, vector<16xi32>
      %select_n3A_454 = arith.select %gt3A_451, %select_n3A_443, %select_n3A_453 : vector<16xi1>, vector<16xi32>
      %select_n3A_455 = arith.select %gt3A_452, %gather3A_450, %select_n3A_442 : vector<16xi1>, vector<16xf32>
      %select_n3A_456 = arith.select %gt3A_451, %select_n3A_444, %select_n3A_455 : vector<16xi1>, vector<16xf32>
      %select_n3A_457 = arith.select %gt3A_451, %broadcast_in_dim3A_446, %select_n3A_443 : vector<16xi1>, vector<16xi32>
      %select_n3A_458 = arith.select %gt3A_451, %gather3A_450, %select_n3A_444 : vector<16xi1>, vector<16xf32>
      %broadcast_in_dim3A_459 = arith.constant 32 : i32
      %broadcast_in_dim3A_460 = vector.broadcast %broadcast_in_dim3A_459 : i32 to vector<16xi32>
      %add3A_461 = arith.constant 32 : i32
      %add3A_462 = vector.broadcast %add3A_461 : i32 to vector<16xi32>
      %add3A_463 = arith.addi %mul3A_21, %add3A_462 : vector<16xi32>
      %gather3A_464 = tpu.vector_load_idx %arg5[%add3A_463] : memref<32768xf32, #tpu.memory_space<vmem>>[vector<16xi32>], vector<16xf32>,
      %gt3A_465 = arith.cmpf ogt, %gather3A_464, %select_n3A_458 : vector<16xf32>
      %gt3A_466 = arith.cmpf ogt, %gather3A_464, %select_n3A_456 : vector<16xf32>
      %select_n3A_467 = arith.select %gt3A_466, %broadcast_in_dim3A_460, %select_n3A_454 : vector<16xi1>, vector<16xi32>
      %select_n3A_468 = arith.select %gt3A_465, %select_n3A_457, %select_n3A_467 : vector<16xi1>, vector<16xi32>
      %select_n3A_469 = arith.select %gt3A_466, %gather3A_464, %select_n3A_456 : vector<16xi1>, vector<16xf32>
      %select_n3A_470 = arith.select %gt3A_465, %select_n3A_458, %select_n3A_469 : vector<16xi1>, vector<16xf32>
      %select_n3A_471 = arith.select %gt3A_465, %broadcast_in_dim3A_460, %select_n3A_457 : vector<16xi1>, vector<16xi32>
      %select_n3A_472 = arith.select %gt3A_465, %gather3A_464, %select_n3A_458 : vector<16xi1>, vector<16xf32>
      %broadcast_in_dim3A_473 = arith.constant 33 : i32
      %broadcast_in_dim3A_474 = vector.broadcast %broadcast_in_dim3A_473 : i32 to vector<16xi32>
      %add3A_475 = arith.constant 33 : i32
      %add3A_476 = vector.broadcast %add3A_475 : i32 to vector<16xi32>
      %add3A_477 = arith.addi %mul3A_21, %add3A_476 : vector<16xi32>
      %gather3A_478 = tpu.vector_load_idx %arg5[%add3A_477] : memref<32768xf32, #tpu.memory_space<vmem>>[vector<16xi32>], vector<16xf32>,
      %gt3A_479 = arith.cmpf ogt, %gather3A_478, %select_n3A_472 : vector<16xf32>
      %gt3A_480 = arith.cmpf ogt, %gather3A_478, %select_n3A_470 : vector<16xf32>
      %select_n3A_481 = arith.select %gt3A_480, %broadcast_in_dim3A_474, %select_n3A_468 : vector<16xi1>, vector<16xi32>
      %select_n3A_482 = arith.select %gt3A_479, %select_n3A_471, %select_n3A_481 : vector<16xi1>, vector<16xi32>
      %select_n3A_483 = arith.select %gt3A_480, %gather3A_478, %select_n3A_470 : vector<16xi1>, vector<16xf32>
      %select_n3A_484 = arith.select %gt3A_479, %select_n3A_472, %select_n3A_483 : vector<16xi1>, vector<16xf32>
      %select_n3A_485 = arith.select %gt3A_479, %broadcast_in_dim3A_474, %select_n3A_471 : vector<16xi1>, vector<16xi32>
      %select_n3A_486 = arith.select %gt3A_479, %gather3A_478, %select_n3A_472 : vector<16xi1>, vector<16xf32>
      %broadcast_in_dim3A_487 = arith.constant 34 : i32
      %broadcast_in_dim3A_488 = vector.broadcast %broadcast_in_dim3A_487 : i32 to vector<16xi32>
      %add3A_489 = arith.constant 34 : i32
      %add3A_490 = vector.broadcast %add3A_489 : i32 to vector<16xi32>
      %add3A_491 = arith.addi %mul3A_21, %add3A_490 : vector<16xi32>
      %gather3A_492 = tpu.vector_load_idx %arg5[%add3A_491] : memref<32768xf32, #tpu.memory_space<vmem>>[vector<16xi32>], vector<16xf32>,
      %gt3A_493 = arith.cmpf ogt, %gather3A_492, %select_n3A_486 : vector<16xf32>
      %gt3A_494 = arith.cmpf ogt, %gather3A_492, %select_n3A_484 : vector<16xf32>
      %select_n3A_495 = arith.select %gt3A_494, %broadcast_in_dim3A_488, %select_n3A_482 : vector<16xi1>, vector<16xi32>
      %select_n3A_496 = arith.select %gt3A_493, %select_n3A_485, %select_n3A_495 : vector<16xi1>, vector<16xi32>
      %select_n3A_497 = arith.select %gt3A_494, %gather3A_492, %select_n3A_484 : vector<16xi1>, vector<16xf32>
      %select_n3A_498 = arith.select %gt3A_493, %select_n3A_486, %select_n3A_497 : vector<16xi1>, vector<16xf32>
      %select_n3A_499 = arith.select %gt3A_493, %broadcast_in_dim3A_488, %select_n3A_485 : vector<16xi1>, vector<16xi32>
      %select_n3A_500 = arith.select %gt3A_493, %gather3A_492, %select_n3A_486 : vector<16xi1>, vector<16xf32>
      %broadcast_in_dim3A_501 = arith.constant 35 : i32
      %broadcast_in_dim3A_502 = vector.broadcast %broadcast_in_dim3A_501 : i32 to vector<16xi32>
      %add3A_503 = arith.constant 35 : i32
      %add3A_504 = vector.broadcast %add3A_503 : i32 to vector<16xi32>
      %add3A_505 = arith.addi %mul3A_21, %add3A_504 : vector<16xi32>
      %gather3A_506 = tpu.vector_load_idx %arg5[%add3A_505] : memref<32768xf32, #tpu.memory_space<vmem>>[vector<16xi32>], vector<16xf32>,
      %gt3A_507 = arith.cmpf ogt, %gather3A_506, %select_n3A_500 : vector<16xf32>
      %gt3A_508 = arith.cmpf ogt, %gather3A_506, %select_n3A_498 : vector<16xf32>
      %select_n3A_509 = arith.select %gt3A_508, %broadcast_in_dim3A_502, %select_n3A_496 : vector<16xi1>, vector<16xi32>
      %select_n3A_510 = arith.select %gt3A_507, %select_n3A_499, %select_n3A_509 : vector<16xi1>, vector<16xi32>
      %select_n3A_511 = arith.select %gt3A_508, %gather3A_506, %select_n3A_498 : vector<16xi1>, vector<16xf32>
      %select_n3A_512 = arith.select %gt3A_507, %select_n3A_500, %select_n3A_511 : vector<16xi1>, vector<16xf32>
      %select_n3A_513 = arith.select %gt3A_507, %broadcast_in_dim3A_502, %select_n3A_499 : vector<16xi1>, vector<16xi32>
      %select_n3A_514 = arith.select %gt3A_507, %gather3A_506, %select_n3A_500 : vector<16xi1>, vector<16xf32>
      %broadcast_in_dim3A_515 = arith.constant 36 : i32
      %broadcast_in_dim3A_516 = vector.broadcast %broadcast_in_dim3A_515 : i32 to vector<16xi32>
      %add3A_517 = arith.constant 36 : i32
      %add3A_518 = vector.broadcast %add3A_517 : i32 to vector<16xi32>
      %add3A_519 = arith.addi %mul3A_21, %add3A_518 : vector<16xi32>
      %gather3A_520 = tpu.vector_load_idx %arg5[%add3A_519] : memref<32768xf32, #tpu.memory_space<vmem>>[vector<16xi32>], vector<16xf32>,
      %gt3A_521 = arith.cmpf ogt, %gather3A_520, %select_n3A_514 : vector<16xf32>
      %gt3A_522 = arith.cmpf ogt, %gather3A_520, %select_n3A_512 : vector<16xf32>
      %select_n3A_523 = arith.select %gt3A_522, %broadcast_in_dim3A_516, %select_n3A_510 : vector<16xi1>, vector<16xi32>
      %select_n3A_524 = arith.select %gt3A_521, %select_n3A_513, %select_n3A_523 : vector<16xi1>, vector<16xi32>
      %select_n3A_525 = arith.select %gt3A_522, %gather3A_520, %select_n3A_512 : vector<16xi1>, vector<16xf32>
      %select_n3A_526 = arith.select %gt3A_521, %select_n3A_514, %select_n3A_525 : vector<16xi1>, vector<16xf32>
      %select_n3A_527 = arith.select %gt3A_521, %broadcast_in_dim3A_516, %select_n3A_513 : vector<16xi1>, vector<16xi32>
      %select_n3A_528 = arith.select %gt3A_521, %gather3A_520, %select_n3A_514 : vector<16xi1>, vector<16xf32>
      %broadcast_in_dim3A_529 = arith.constant 37 : i32
      %broadcast_in_dim3A_530 = vector.broadcast %broadcast_in_dim3A_529 : i32 to vector<16xi32>
      %add3A_531 = arith.constant 37 : i32
      %add3A_532 = vector.broadcast %add3A_531 : i32 to vector<16xi32>
      %add3A_533 = arith.addi %mul3A_21, %add3A_532 : vector<16xi32>
      %gather3A_534 = tpu.vector_load_idx %arg5[%add3A_533] : memref<32768xf32, #tpu.memory_space<vmem>>[vector<16xi32>], vector<16xf32>,
      %gt3A_535 = arith.cmpf ogt, %gather3A_534, %select_n3A_528 : vector<16xf32>
      %gt3A_536 = arith.cmpf ogt, %gather3A_534, %select_n3A_526 : vector<16xf32>
      %select_n3A_537 = arith.select %gt3A_536, %broadcast_in_dim3A_530, %select_n3A_524 : vector<16xi1>, vector<16xi32>
      %select_n3A_538 = arith.select %gt3A_535, %select_n3A_527, %select_n3A_537 : vector<16xi1>, vector<16xi32>
      %select_n3A_539 = arith.select %gt3A_536, %gather3A_534, %select_n3A_526 : vector<16xi1>, vector<16xf32>
      %select_n3A_540 = arith.select %gt3A_535, %select_n3A_528, %select_n3A_539 : vector<16xi1>, vector<16xf32>
      %select_n3A_541 = arith.select %gt3A_535, %broadcast_in_dim3A_530, %select_n3A_527 : vector<16xi1>, vector<16xi32>
      %select_n3A_542 = arith.select %gt3A_535, %gather3A_534, %select_n3A_528 : vector<16xi1>, vector<16xf32>
      %broadcast_in_dim3A_543 = arith.constant 38 : i32
      %broadcast_in_dim3A_544 = vector.broadcast %broadcast_in_dim3A_543 : i32 to vector<16xi32>
      %add3A_545 = arith.constant 38 : i32
      %add3A_546 = vector.broadcast %add3A_545 : i32 to vector<16xi32>
      %add3A_547 = arith.addi %mul3A_21, %add3A_546 : vector<16xi32>
      %gather3A_548 = tpu.vector_load_idx %arg5[%add3A_547] : memref<32768xf32, #tpu.memory_space<vmem>>[vector<16xi32>], vector<16xf32>,
      %gt3A_549 = arith.cmpf ogt, %gather3A_548, %select_n3A_542 : vector<16xf32>
      %gt3A_550 = arith.cmpf ogt, %gather3A_548, %select_n3A_540 : vector<16xf32>
      %select_n3A_551 = arith.select %gt3A_550, %broadcast_in_dim3A_544, %select_n3A_538 : vector<16xi1>, vector<16xi32>
      %select_n3A_552 = arith.select %gt3A_549, %select_n3A_541, %select_n3A_551 : vector<16xi1>, vector<16xi32>
      %select_n3A_553 = arith.select %gt3A_550, %gather3A_548, %select_n3A_540 : vector<16xi1>, vector<16xf32>
      %select_n3A_554 = arith.select %gt3A_549, %select_n3A_542, %select_n3A_553 : vector<16xi1>, vector<16xf32>
      %select_n3A_555 = arith.select %gt3A_549, %broadcast_in_dim3A_544, %select_n3A_541 : vector<16xi1>, vector<16xi32>
      %select_n3A_556 = arith.select %gt3A_549, %gather3A_548, %select_n3A_542 : vector<16xi1>, vector<16xf32>
      %broadcast_in_dim3A_557 = arith.constant 39 : i32
      %broadcast_in_dim3A_558 = vector.broadcast %broadcast_in_dim3A_557 : i32 to vector<16xi32>
      %add3A_559 = arith.constant 39 : i32
      %add3A_560 = vector.broadcast %add3A_559 : i32 to vector<16xi32>
      %add3A_561 = arith.addi %mul3A_21, %add3A_560 : vector<16xi32>
      %gather3A_562 = tpu.vector_load_idx %arg5[%add3A_561] : memref<32768xf32, #tpu.memory_space<vmem>>[vector<16xi32>], vector<16xf32>,
      %gt3A_563 = arith.cmpf ogt, %gather3A_562, %select_n3A_556 : vector<16xf32>
      %gt3A_564 = arith.cmpf ogt, %gather3A_562, %select_n3A_554 : vector<16xf32>
      %select_n3A_565 = arith.select %gt3A_564, %broadcast_in_dim3A_558, %select_n3A_552 : vector<16xi1>, vector<16xi32>
      %select_n3A_566 = arith.select %gt3A_563, %select_n3A_555, %select_n3A_565 : vector<16xi1>, vector<16xi32>
      %select_n3A_567 = arith.select %gt3A_564, %gather3A_562, %select_n3A_554 : vector<16xi1>, vector<16xf32>
      %select_n3A_568 = arith.select %gt3A_563, %select_n3A_556, %select_n3A_567 : vector<16xi1>, vector<16xf32>
      %select_n3A_569 = arith.select %gt3A_563, %broadcast_in_dim3A_558, %select_n3A_555 : vector<16xi1>, vector<16xi32>
      %select_n3A_570 = arith.select %gt3A_563, %gather3A_562, %select_n3A_556 : vector<16xi1>, vector<16xf32>
      %broadcast_in_dim3A_571 = arith.constant 40 : i32
      %broadcast_in_dim3A_572 = vector.broadcast %broadcast_in_dim3A_571 : i32 to vector<16xi32>
      %add3A_573 = arith.constant 40 : i32
      %add3A_574 = vector.broadcast %add3A_573 : i32 to vector<16xi32>
      %add3A_575 = arith.addi %mul3A_21, %add3A_574 : vector<16xi32>
      %gather3A_576 = tpu.vector_load_idx %arg5[%add3A_575] : memref<32768xf32, #tpu.memory_space<vmem>>[vector<16xi32>], vector<16xf32>,
      %gt3A_577 = arith.cmpf ogt, %gather3A_576, %select_n3A_570 : vector<16xf32>
      %gt3A_578 = arith.cmpf ogt, %gather3A_576, %select_n3A_568 : vector<16xf32>
      %select_n3A_579 = arith.select %gt3A_578, %broadcast_in_dim3A_572, %select_n3A_566 : vector<16xi1>, vector<16xi32>
      %select_n3A_580 = arith.select %gt3A_577, %select_n3A_569, %select_n3A_579 : vector<16xi1>, vector<16xi32>
      %select_n3A_581 = arith.select %gt3A_578, %gather3A_576, %select_n3A_568 : vector<16xi1>, vector<16xf32>
      %select_n3A_582 = arith.select %gt3A_577, %select_n3A_570, %select_n3A_581 : vector<16xi1>, vector<16xf32>
      %select_n3A_583 = arith.select %gt3A_577, %broadcast_in_dim3A_572, %select_n3A_569 : vector<16xi1>, vector<16xi32>
      %select_n3A_584 = arith.select %gt3A_577, %gather3A_576, %select_n3A_570 : vector<16xi1>, vector<16xf32>
      %broadcast_in_dim3A_585 = arith.constant 41 : i32
      %broadcast_in_dim3A_586 = vector.broadcast %broadcast_in_dim3A_585 : i32 to vector<16xi32>
      %add3A_587 = arith.constant 41 : i32
      %add3A_588 = vector.broadcast %add3A_587 : i32 to vector<16xi32>
      %add3A_589 = arith.addi %mul3A_21, %add3A_588 : vector<16xi32>
      %gather3A_590 = tpu.vector_load_idx %arg5[%add3A_589] : memref<32768xf32, #tpu.memory_space<vmem>>[vector<16xi32>], vector<16xf32>,
      %gt3A_591 = arith.cmpf ogt, %gather3A_590, %select_n3A_584 : vector<16xf32>
      %gt3A_592 = arith.cmpf ogt, %gather3A_590, %select_n3A_582 : vector<16xf32>
      %select_n3A_593 = arith.select %gt3A_592, %broadcast_in_dim3A_586, %select_n3A_580 : vector<16xi1>, vector<16xi32>
      %select_n3A_594 = arith.select %gt3A_591, %select_n3A_583, %select_n3A_593 : vector<16xi1>, vector<16xi32>
      %select_n3A_595 = arith.select %gt3A_592, %gather3A_590, %select_n3A_582 : vector<16xi1>, vector<16xf32>
      %select_n3A_596 = arith.select %gt3A_591, %select_n3A_584, %select_n3A_595 : vector<16xi1>, vector<16xf32>
      %select_n3A_597 = arith.select %gt3A_591, %broadcast_in_dim3A_586, %select_n3A_583 : vector<16xi1>, vector<16xi32>
      %select_n3A_598 = arith.select %gt3A_591, %gather3A_590, %select_n3A_584 : vector<16xi1>, vector<16xf32>
      %broadcast_in_dim3A_599 = arith.constant 42 : i32
      %broadcast_in_dim3A_600 = vector.broadcast %broadcast_in_dim3A_599 : i32 to vector<16xi32>
      %add3A_601 = arith.constant 42 : i32
      %add3A_602 = vector.broadcast %add3A_601 : i32 to vector<16xi32>
      %add3A_603 = arith.addi %mul3A_21, %add3A_602 : vector<16xi32>
      %gather3A_604 = tpu.vector_load_idx %arg5[%add3A_603] : memref<32768xf32, #tpu.memory_space<vmem>>[vector<16xi32>], vector<16xf32>,
      %gt3A_605 = arith.cmpf ogt, %gather3A_604, %select_n3A_598 : vector<16xf32>
      %gt3A_606 = arith.cmpf ogt, %gather3A_604, %select_n3A_596 : vector<16xf32>
      %select_n3A_607 = arith.select %gt3A_606, %broadcast_in_dim3A_600, %select_n3A_594 : vector<16xi1>, vector<16xi32>
      %select_n3A_608 = arith.select %gt3A_605, %select_n3A_597, %select_n3A_607 : vector<16xi1>, vector<16xi32>
      %select_n3A_609 = arith.select %gt3A_606, %gather3A_604, %select_n3A_596 : vector<16xi1>, vector<16xf32>
      %select_n3A_610 = arith.select %gt3A_605, %select_n3A_598, %select_n3A_609 : vector<16xi1>, vector<16xf32>
      %select_n3A_611 = arith.select %gt3A_605, %broadcast_in_dim3A_600, %select_n3A_597 : vector<16xi1>, vector<16xi32>
      %select_n3A_612 = arith.select %gt3A_605, %gather3A_604, %select_n3A_598 : vector<16xi1>, vector<16xf32>
      %broadcast_in_dim3A_613 = arith.constant 43 : i32
      %broadcast_in_dim3A_614 = vector.broadcast %broadcast_in_dim3A_613 : i32 to vector<16xi32>
      %add3A_615 = arith.constant 43 : i32
      %add3A_616 = vector.broadcast %add3A_615 : i32 to vector<16xi32>
      %add3A_617 = arith.addi %mul3A_21, %add3A_616 : vector<16xi32>
      %gather3A_618 = tpu.vector_load_idx %arg5[%add3A_617] : memref<32768xf32, #tpu.memory_space<vmem>>[vector<16xi32>], vector<16xf32>,
      %gt3A_619 = arith.cmpf ogt, %gather3A_618, %select_n3A_612 : vector<16xf32>
      %gt3A_620 = arith.cmpf ogt, %gather3A_618, %select_n3A_610 : vector<16xf32>
      %select_n3A_621 = arith.select %gt3A_620, %broadcast_in_dim3A_614, %select_n3A_608 : vector<16xi1>, vector<16xi32>
      %select_n3A_622 = arith.select %gt3A_619, %select_n3A_611, %select_n3A_621 : vector<16xi1>, vector<16xi32>
      %select_n3A_623 = arith.select %gt3A_620, %gather3A_618, %select_n3A_610 : vector<16xi1>, vector<16xf32>
      %select_n3A_624 = arith.select %gt3A_619, %select_n3A_612, %select_n3A_623 : vector<16xi1>, vector<16xf32>
      %select_n3A_625 = arith.select %gt3A_619, %broadcast_in_dim3A_614, %select_n3A_611 : vector<16xi1>, vector<16xi32>
      %select_n3A_626 = arith.select %gt3A_619, %gather3A_618, %select_n3A_612 : vector<16xi1>, vector<16xf32>
      %broadcast_in_dim3A_627 = arith.constant 44 : i32
      %broadcast_in_dim3A_628 = vector.broadcast %broadcast_in_dim3A_627 : i32 to vector<16xi32>
      %add3A_629 = arith.constant 44 : i32
      %add3A_630 = vector.broadcast %add3A_629 : i32 to vector<16xi32>
      %add3A_631 = arith.addi %mul3A_21, %add3A_630 : vector<16xi32>
      %gather3A_632 = tpu.vector_load_idx %arg5[%add3A_631] : memref<32768xf32, #tpu.memory_space<vmem>>[vector<16xi32>], vector<16xf32>,
      %gt3A_633 = arith.cmpf ogt, %gather3A_632, %select_n3A_626 : vector<16xf32>
      %gt3A_634 = arith.cmpf ogt, %gather3A_632, %select_n3A_624 : vector<16xf32>
      %select_n3A_635 = arith.select %gt3A_634, %broadcast_in_dim3A_628, %select_n3A_622 : vector<16xi1>, vector<16xi32>
      %select_n3A_636 = arith.select %gt3A_633, %select_n3A_625, %select_n3A_635 : vector<16xi1>, vector<16xi32>
      %select_n3A_637 = arith.select %gt3A_634, %gather3A_632, %select_n3A_624 : vector<16xi1>, vector<16xf32>
      %select_n3A_638 = arith.select %gt3A_633, %select_n3A_626, %select_n3A_637 : vector<16xi1>, vector<16xf32>
      %select_n3A_639 = arith.select %gt3A_633, %broadcast_in_dim3A_628, %select_n3A_625 : vector<16xi1>, vector<16xi32>
      %select_n3A_640 = arith.select %gt3A_633, %gather3A_632, %select_n3A_626 : vector<16xi1>, vector<16xf32>
      %broadcast_in_dim3A_641 = arith.constant 45 : i32
      %broadcast_in_dim3A_642 = vector.broadcast %broadcast_in_dim3A_641 : i32 to vector<16xi32>
      %add3A_643 = arith.constant 45 : i32
      %add3A_644 = vector.broadcast %add3A_643 : i32 to vector<16xi32>
      %add3A_645 = arith.addi %mul3A_21, %add3A_644 : vector<16xi32>
      %gather3A_646 = tpu.vector_load_idx %arg5[%add3A_645] : memref<32768xf32, #tpu.memory_space<vmem>>[vector<16xi32>], vector<16xf32>,
      %gt3A_647 = arith.cmpf ogt, %gather3A_646, %select_n3A_640 : vector<16xf32>
      %gt3A_648 = arith.cmpf ogt, %gather3A_646, %select_n3A_638 : vector<16xf32>
      %select_n3A_649 = arith.select %gt3A_648, %broadcast_in_dim3A_642, %select_n3A_636 : vector<16xi1>, vector<16xi32>
      %select_n3A_650 = arith.select %gt3A_647, %select_n3A_639, %select_n3A_649 : vector<16xi1>, vector<16xi32>
      %select_n3A_651 = arith.select %gt3A_648, %gather3A_646, %select_n3A_638 : vector<16xi1>, vector<16xf32>
      %select_n3A_652 = arith.select %gt3A_647, %select_n3A_640, %select_n3A_651 : vector<16xi1>, vector<16xf32>
      %select_n3A_653 = arith.select %gt3A_647, %broadcast_in_dim3A_642, %select_n3A_639 : vector<16xi1>, vector<16xi32>
      %select_n3A_654 = arith.select %gt3A_647, %gather3A_646, %select_n3A_640 : vector<16xi1>, vector<16xf32>
      %broadcast_in_dim3A_655 = arith.constant 46 : i32
      %broadcast_in_dim3A_656 = vector.broadcast %broadcast_in_dim3A_655 : i32 to vector<16xi32>
      %add3A_657 = arith.constant 46 : i32
      %add3A_658 = vector.broadcast %add3A_657 : i32 to vector<16xi32>
      %add3A_659 = arith.addi %mul3A_21, %add3A_658 : vector<16xi32>
      %gather3A_660 = tpu.vector_load_idx %arg5[%add3A_659] : memref<32768xf32, #tpu.memory_space<vmem>>[vector<16xi32>], vector<16xf32>,
      %gt3A_661 = arith.cmpf ogt, %gather3A_660, %select_n3A_654 : vector<16xf32>
      %gt3A_662 = arith.cmpf ogt, %gather3A_660, %select_n3A_652 : vector<16xf32>
      %select_n3A_663 = arith.select %gt3A_662, %broadcast_in_dim3A_656, %select_n3A_650 : vector<16xi1>, vector<16xi32>
      %select_n3A_664 = arith.select %gt3A_661, %select_n3A_653, %select_n3A_663 : vector<16xi1>, vector<16xi32>
      %select_n3A_665 = arith.select %gt3A_662, %gather3A_660, %select_n3A_652 : vector<16xi1>, vector<16xf32>
      %select_n3A_666 = arith.select %gt3A_661, %select_n3A_654, %select_n3A_665 : vector<16xi1>, vector<16xf32>
      %select_n3A_667 = arith.select %gt3A_661, %broadcast_in_dim3A_656, %select_n3A_653 : vector<16xi1>, vector<16xi32>
      %select_n3A_668 = arith.select %gt3A_661, %gather3A_660, %select_n3A_654 : vector<16xi1>, vector<16xf32>
      %broadcast_in_dim3A_669 = arith.constant 47 : i32
      %broadcast_in_dim3A_670 = vector.broadcast %broadcast_in_dim3A_669 : i32 to vector<16xi32>
      %add3A_671 = arith.constant 47 : i32
      %add3A_672 = vector.broadcast %add3A_671 : i32 to vector<16xi32>
      %add3A_673 = arith.addi %mul3A_21, %add3A_672 : vector<16xi32>
      %gather3A_674 = tpu.vector_load_idx %arg5[%add3A_673] : memref<32768xf32, #tpu.memory_space<vmem>>[vector<16xi32>], vector<16xf32>,
      %gt3A_675 = arith.cmpf ogt, %gather3A_674, %select_n3A_668 : vector<16xf32>
      %gt3A_676 = arith.cmpf ogt, %gather3A_674, %select_n3A_666 : vector<16xf32>
      %select_n3A_677 = arith.select %gt3A_676, %broadcast_in_dim3A_670, %select_n3A_664 : vector<16xi1>, vector<16xi32>
      %select_n3A_678 = arith.select %gt3A_675, %select_n3A_667, %select_n3A_677 : vector<16xi1>, vector<16xi32>
      %select_n3A_679 = arith.select %gt3A_676, %gather3A_674, %select_n3A_666 : vector<16xi1>, vector<16xf32>
      %select_n3A_680 = arith.select %gt3A_675, %select_n3A_668, %select_n3A_679 : vector<16xi1>, vector<16xf32>
      %select_n3A_681 = arith.select %gt3A_675, %broadcast_in_dim3A_670, %select_n3A_667 : vector<16xi1>, vector<16xi32>
      %select_n3A_682 = arith.select %gt3A_675, %gather3A_674, %select_n3A_668 : vector<16xi1>, vector<16xf32>
      %broadcast_in_dim3A_683 = arith.constant 48 : i32
      %broadcast_in_dim3A_684 = vector.broadcast %broadcast_in_dim3A_683 : i32 to vector<16xi32>
      %add3A_685 = arith.constant 48 : i32
      %add3A_686 = vector.broadcast %add3A_685 : i32 to vector<16xi32>
      %add3A_687 = arith.addi %mul3A_21, %add3A_686 : vector<16xi32>
      %gather3A_688 = tpu.vector_load_idx %arg5[%add3A_687] : memref<32768xf32, #tpu.memory_space<vmem>>[vector<16xi32>], vector<16xf32>,
      %gt3A_689 = arith.cmpf ogt, %gather3A_688, %select_n3A_682 : vector<16xf32>
      %gt3A_690 = arith.cmpf ogt, %gather3A_688, %select_n3A_680 : vector<16xf32>
      %select_n3A_691 = arith.select %gt3A_690, %broadcast_in_dim3A_684, %select_n3A_678 : vector<16xi1>, vector<16xi32>
      %select_n3A_692 = arith.select %gt3A_689, %select_n3A_681, %select_n3A_691 : vector<16xi1>, vector<16xi32>
      %select_n3A_693 = arith.select %gt3A_690, %gather3A_688, %select_n3A_680 : vector<16xi1>, vector<16xf32>
      %select_n3A_694 = arith.select %gt3A_689, %select_n3A_682, %select_n3A_693 : vector<16xi1>, vector<16xf32>
      %select_n3A_695 = arith.select %gt3A_689, %broadcast_in_dim3A_684, %select_n3A_681 : vector<16xi1>, vector<16xi32>
      %select_n3A_696 = arith.select %gt3A_689, %gather3A_688, %select_n3A_682 : vector<16xi1>, vector<16xf32>
      %broadcast_in_dim3A_697 = arith.constant 49 : i32
      %broadcast_in_dim3A_698 = vector.broadcast %broadcast_in_dim3A_697 : i32 to vector<16xi32>
      %add3A_699 = arith.constant 49 : i32
      %add3A_700 = vector.broadcast %add3A_699 : i32 to vector<16xi32>
      %add3A_701 = arith.addi %mul3A_21, %add3A_700 : vector<16xi32>
      %gather3A_702 = tpu.vector_load_idx %arg5[%add3A_701] : memref<32768xf32, #tpu.memory_space<vmem>>[vector<16xi32>], vector<16xf32>,
      %gt3A_703 = arith.cmpf ogt, %gather3A_702, %select_n3A_696 : vector<16xf32>
      %gt3A_704 = arith.cmpf ogt, %gather3A_702, %select_n3A_694 : vector<16xf32>
      %select_n3A_705 = arith.select %gt3A_704, %broadcast_in_dim3A_698, %select_n3A_692 : vector<16xi1>, vector<16xi32>
      %select_n3A_706 = arith.select %gt3A_703, %select_n3A_695, %select_n3A_705 : vector<16xi1>, vector<16xi32>
      %select_n3A_707 = arith.select %gt3A_704, %gather3A_702, %select_n3A_694 : vector<16xi1>, vector<16xf32>
      %select_n3A_708 = arith.select %gt3A_703, %select_n3A_696, %select_n3A_707 : vector<16xi1>, vector<16xf32>
      %select_n3A_709 = arith.select %gt3A_703, %broadcast_in_dim3A_698, %select_n3A_695 : vector<16xi1>, vector<16xi32>
      %select_n3A_710 = arith.select %gt3A_703, %gather3A_702, %select_n3A_696 : vector<16xi1>, vector<16xf32>
      %broadcast_in_dim3A_711 = arith.constant 50 : i32
      %broadcast_in_dim3A_712 = vector.broadcast %broadcast_in_dim3A_711 : i32 to vector<16xi32>
      %add3A_713 = arith.constant 50 : i32
      %add3A_714 = vector.broadcast %add3A_713 : i32 to vector<16xi32>
      %add3A_715 = arith.addi %mul3A_21, %add3A_714 : vector<16xi32>
      %gather3A_716 = tpu.vector_load_idx %arg5[%add3A_715] : memref<32768xf32, #tpu.memory_space<vmem>>[vector<16xi32>], vector<16xf32>,
      %gt3A_717 = arith.cmpf ogt, %gather3A_716, %select_n3A_710 : vector<16xf32>
      %gt3A_718 = arith.cmpf ogt, %gather3A_716, %select_n3A_708 : vector<16xf32>
      %select_n3A_719 = arith.select %gt3A_718, %broadcast_in_dim3A_712, %select_n3A_706 : vector<16xi1>, vector<16xi32>
      %select_n3A_720 = arith.select %gt3A_717, %select_n3A_709, %select_n3A_719 : vector<16xi1>, vector<16xi32>
      %select_n3A_721 = arith.select %gt3A_718, %gather3A_716, %select_n3A_708 : vector<16xi1>, vector<16xf32>
      %select_n3A_722 = arith.select %gt3A_717, %select_n3A_710, %select_n3A_721 : vector<16xi1>, vector<16xf32>
      %select_n3A_723 = arith.select %gt3A_717, %broadcast_in_dim3A_712, %select_n3A_709 : vector<16xi1>, vector<16xi32>
      %select_n3A_724 = arith.select %gt3A_717, %gather3A_716, %select_n3A_710 : vector<16xi1>, vector<16xf32>
      %broadcast_in_dim3A_725 = arith.constant 51 : i32
      %broadcast_in_dim3A_726 = vector.broadcast %broadcast_in_dim3A_725 : i32 to vector<16xi32>
      %add3A_727 = arith.constant 51 : i32
      %add3A_728 = vector.broadcast %add3A_727 : i32 to vector<16xi32>
      %add3A_729 = arith.addi %mul3A_21, %add3A_728 : vector<16xi32>
      %gather3A_730 = tpu.vector_load_idx %arg5[%add3A_729] : memref<32768xf32, #tpu.memory_space<vmem>>[vector<16xi32>], vector<16xf32>,
      %gt3A_731 = arith.cmpf ogt, %gather3A_730, %select_n3A_724 : vector<16xf32>
      %gt3A_732 = arith.cmpf ogt, %gather3A_730, %select_n3A_722 : vector<16xf32>
      %select_n3A_733 = arith.select %gt3A_732, %broadcast_in_dim3A_726, %select_n3A_720 : vector<16xi1>, vector<16xi32>
      %select_n3A_734 = arith.select %gt3A_731, %select_n3A_723, %select_n3A_733 : vector<16xi1>, vector<16xi32>
      %select_n3A_735 = arith.select %gt3A_732, %gather3A_730, %select_n3A_722 : vector<16xi1>, vector<16xf32>
      %select_n3A_736 = arith.select %gt3A_731, %select_n3A_724, %select_n3A_735 : vector<16xi1>, vector<16xf32>
      %select_n3A_737 = arith.select %gt3A_731, %broadcast_in_dim3A_726, %select_n3A_723 : vector<16xi1>, vector<16xi32>
      %select_n3A_738 = arith.select %gt3A_731, %gather3A_730, %select_n3A_724 : vector<16xi1>, vector<16xf32>
      %broadcast_in_dim3A_739 = arith.constant 52 : i32
      %broadcast_in_dim3A_740 = vector.broadcast %broadcast_in_dim3A_739 : i32 to vector<16xi32>
      %add3A_741 = arith.constant 52 : i32
      %add3A_742 = vector.broadcast %add3A_741 : i32 to vector<16xi32>
      %add3A_743 = arith.addi %mul3A_21, %add3A_742 : vector<16xi32>
      %gather3A_744 = tpu.vector_load_idx %arg5[%add3A_743] : memref<32768xf32, #tpu.memory_space<vmem>>[vector<16xi32>], vector<16xf32>,
      %gt3A_745 = arith.cmpf ogt, %gather3A_744, %select_n3A_738 : vector<16xf32>
      %gt3A_746 = arith.cmpf ogt, %gather3A_744, %select_n3A_736 : vector<16xf32>
      %select_n3A_747 = arith.select %gt3A_746, %broadcast_in_dim3A_740, %select_n3A_734 : vector<16xi1>, vector<16xi32>
      %select_n3A_748 = arith.select %gt3A_745, %select_n3A_737, %select_n3A_747 : vector<16xi1>, vector<16xi32>
      %select_n3A_749 = arith.select %gt3A_746, %gather3A_744, %select_n3A_736 : vector<16xi1>, vector<16xf32>
      %select_n3A_750 = arith.select %gt3A_745, %select_n3A_738, %select_n3A_749 : vector<16xi1>, vector<16xf32>
      %select_n3A_751 = arith.select %gt3A_745, %broadcast_in_dim3A_740, %select_n3A_737 : vector<16xi1>, vector<16xi32>
      %select_n3A_752 = arith.select %gt3A_745, %gather3A_744, %select_n3A_738 : vector<16xi1>, vector<16xf32>
      %broadcast_in_dim3A_753 = arith.constant 53 : i32
      %broadcast_in_dim3A_754 = vector.broadcast %broadcast_in_dim3A_753 : i32 to vector<16xi32>
      %add3A_755 = arith.constant 53 : i32
      %add3A_756 = vector.broadcast %add3A_755 : i32 to vector<16xi32>
      %add3A_757 = arith.addi %mul3A_21, %add3A_756 : vector<16xi32>
      %gather3A_758 = tpu.vector_load_idx %arg5[%add3A_757] : memref<32768xf32, #tpu.memory_space<vmem>>[vector<16xi32>], vector<16xf32>,
      %gt3A_759 = arith.cmpf ogt, %gather3A_758, %select_n3A_752 : vector<16xf32>
      %gt3A_760 = arith.cmpf ogt, %gather3A_758, %select_n3A_750 : vector<16xf32>
      %select_n3A_761 = arith.select %gt3A_760, %broadcast_in_dim3A_754, %select_n3A_748 : vector<16xi1>, vector<16xi32>
      %select_n3A_762 = arith.select %gt3A_759, %select_n3A_751, %select_n3A_761 : vector<16xi1>, vector<16xi32>
      %select_n3A_763 = arith.select %gt3A_760, %gather3A_758, %select_n3A_750 : vector<16xi1>, vector<16xf32>
      %select_n3A_764 = arith.select %gt3A_759, %select_n3A_752, %select_n3A_763 : vector<16xi1>, vector<16xf32>
      %select_n3A_765 = arith.select %gt3A_759, %broadcast_in_dim3A_754, %select_n3A_751 : vector<16xi1>, vector<16xi32>
      %select_n3A_766 = arith.select %gt3A_759, %gather3A_758, %select_n3A_752 : vector<16xi1>, vector<16xf32>
      %broadcast_in_dim3A_767 = arith.constant 54 : i32
      %broadcast_in_dim3A_768 = vector.broadcast %broadcast_in_dim3A_767 : i32 to vector<16xi32>
      %add3A_769 = arith.constant 54 : i32
      %add3A_770 = vector.broadcast %add3A_769 : i32 to vector<16xi32>
      %add3A_771 = arith.addi %mul3A_21, %add3A_770 : vector<16xi32>
      %gather3A_772 = tpu.vector_load_idx %arg5[%add3A_771] : memref<32768xf32, #tpu.memory_space<vmem>>[vector<16xi32>], vector<16xf32>,
      %gt3A_773 = arith.cmpf ogt, %gather3A_772, %select_n3A_766 : vector<16xf32>
      %gt3A_774 = arith.cmpf ogt, %gather3A_772, %select_n3A_764 : vector<16xf32>
      %select_n3A_775 = arith.select %gt3A_774, %broadcast_in_dim3A_768, %select_n3A_762 : vector<16xi1>, vector<16xi32>
      %select_n3A_776 = arith.select %gt3A_773, %select_n3A_765, %select_n3A_775 : vector<16xi1>, vector<16xi32>
      %select_n3A_777 = arith.select %gt3A_774, %gather3A_772, %select_n3A_764 : vector<16xi1>, vector<16xf32>
      %select_n3A_778 = arith.select %gt3A_773, %select_n3A_766, %select_n3A_777 : vector<16xi1>, vector<16xf32>
      %select_n3A_779 = arith.select %gt3A_773, %broadcast_in_dim3A_768, %select_n3A_765 : vector<16xi1>, vector<16xi32>
      %select_n3A_780 = arith.select %gt3A_773, %gather3A_772, %select_n3A_766 : vector<16xi1>, vector<16xf32>
      %broadcast_in_dim3A_781 = arith.constant 55 : i32
      %broadcast_in_dim3A_782 = vector.broadcast %broadcast_in_dim3A_781 : i32 to vector<16xi32>
      %add3A_783 = arith.constant 55 : i32
      %add3A_784 = vector.broadcast %add3A_783 : i32 to vector<16xi32>
      %add3A_785 = arith.addi %mul3A_21, %add3A_784 : vector<16xi32>
      %gather3A_786 = tpu.vector_load_idx %arg5[%add3A_785] : memref<32768xf32, #tpu.memory_space<vmem>>[vector<16xi32>], vector<16xf32>,
      %gt3A_787 = arith.cmpf ogt, %gather3A_786, %select_n3A_780 : vector<16xf32>
      %gt3A_788 = arith.cmpf ogt, %gather3A_786, %select_n3A_778 : vector<16xf32>
      %select_n3A_789 = arith.select %gt3A_788, %broadcast_in_dim3A_782, %select_n3A_776 : vector<16xi1>, vector<16xi32>
      %select_n3A_790 = arith.select %gt3A_787, %select_n3A_779, %select_n3A_789 : vector<16xi1>, vector<16xi32>
      %select_n3A_791 = arith.select %gt3A_788, %gather3A_786, %select_n3A_778 : vector<16xi1>, vector<16xf32>
      %select_n3A_792 = arith.select %gt3A_787, %select_n3A_780, %select_n3A_791 : vector<16xi1>, vector<16xf32>
      %select_n3A_793 = arith.select %gt3A_787, %broadcast_in_dim3A_782, %select_n3A_779 : vector<16xi1>, vector<16xi32>
      %select_n3A_794 = arith.select %gt3A_787, %gather3A_786, %select_n3A_780 : vector<16xi1>, vector<16xf32>
      %broadcast_in_dim3A_795 = arith.constant 56 : i32
      %broadcast_in_dim3A_796 = vector.broadcast %broadcast_in_dim3A_795 : i32 to vector<16xi32>
      %add3A_797 = arith.constant 56 : i32
      %add3A_798 = vector.broadcast %add3A_797 : i32 to vector<16xi32>
      %add3A_799 = arith.addi %mul3A_21, %add3A_798 : vector<16xi32>
      %gather3A_800 = tpu.vector_load_idx %arg5[%add3A_799] : memref<32768xf32, #tpu.memory_space<vmem>>[vector<16xi32>], vector<16xf32>,
      %gt3A_801 = arith.cmpf ogt, %gather3A_800, %select_n3A_794 : vector<16xf32>
      %gt3A_802 = arith.cmpf ogt, %gather3A_800, %select_n3A_792 : vector<16xf32>
      %select_n3A_803 = arith.select %gt3A_802, %broadcast_in_dim3A_796, %select_n3A_790 : vector<16xi1>, vector<16xi32>
      %select_n3A_804 = arith.select %gt3A_801, %select_n3A_793, %select_n3A_803 : vector<16xi1>, vector<16xi32>
      %select_n3A_805 = arith.select %gt3A_802, %gather3A_800, %select_n3A_792 : vector<16xi1>, vector<16xf32>
      %select_n3A_806 = arith.select %gt3A_801, %select_n3A_794, %select_n3A_805 : vector<16xi1>, vector<16xf32>
      %select_n3A_807 = arith.select %gt3A_801, %broadcast_in_dim3A_796, %select_n3A_793 : vector<16xi1>, vector<16xi32>
      %select_n3A_808 = arith.select %gt3A_801, %gather3A_800, %select_n3A_794 : vector<16xi1>, vector<16xf32>
      %broadcast_in_dim3A_809 = arith.constant 57 : i32
      %broadcast_in_dim3A_810 = vector.broadcast %broadcast_in_dim3A_809 : i32 to vector<16xi32>
      %add3A_811 = arith.constant 57 : i32
      %add3A_812 = vector.broadcast %add3A_811 : i32 to vector<16xi32>
      %add3A_813 = arith.addi %mul3A_21, %add3A_812 : vector<16xi32>
      %gather3A_814 = tpu.vector_load_idx %arg5[%add3A_813] : memref<32768xf32, #tpu.memory_space<vmem>>[vector<16xi32>], vector<16xf32>,
      %gt3A_815 = arith.cmpf ogt, %gather3A_814, %select_n3A_808 : vector<16xf32>
      %gt3A_816 = arith.cmpf ogt, %gather3A_814, %select_n3A_806 : vector<16xf32>
      %select_n3A_817 = arith.select %gt3A_816, %broadcast_in_dim3A_810, %select_n3A_804 : vector<16xi1>, vector<16xi32>
      %select_n3A_818 = arith.select %gt3A_815, %select_n3A_807, %select_n3A_817 : vector<16xi1>, vector<16xi32>
      %select_n3A_819 = arith.select %gt3A_816, %gather3A_814, %select_n3A_806 : vector<16xi1>, vector<16xf32>
      %select_n3A_820 = arith.select %gt3A_815, %select_n3A_808, %select_n3A_819 : vector<16xi1>, vector<16xf32>
      %select_n3A_821 = arith.select %gt3A_815, %broadcast_in_dim3A_810, %select_n3A_807 : vector<16xi1>, vector<16xi32>
      %select_n3A_822 = arith.select %gt3A_815, %gather3A_814, %select_n3A_808 : vector<16xi1>, vector<16xf32>
      %broadcast_in_dim3A_823 = arith.constant 58 : i32
      %broadcast_in_dim3A_824 = vector.broadcast %broadcast_in_dim3A_823 : i32 to vector<16xi32>
      %add3A_825 = arith.constant 58 : i32
      %add3A_826 = vector.broadcast %add3A_825 : i32 to vector<16xi32>
      %add3A_827 = arith.addi %mul3A_21, %add3A_826 : vector<16xi32>
      %gather3A_828 = tpu.vector_load_idx %arg5[%add3A_827] : memref<32768xf32, #tpu.memory_space<vmem>>[vector<16xi32>], vector<16xf32>,
      %gt3A_829 = arith.cmpf ogt, %gather3A_828, %select_n3A_822 : vector<16xf32>
      %gt3A_830 = arith.cmpf ogt, %gather3A_828, %select_n3A_820 : vector<16xf32>
      %select_n3A_831 = arith.select %gt3A_830, %broadcast_in_dim3A_824, %select_n3A_818 : vector<16xi1>, vector<16xi32>
      %select_n3A_832 = arith.select %gt3A_829, %select_n3A_821, %select_n3A_831 : vector<16xi1>, vector<16xi32>
      %select_n3A_833 = arith.select %gt3A_830, %gather3A_828, %select_n3A_820 : vector<16xi1>, vector<16xf32>
      %select_n3A_834 = arith.select %gt3A_829, %select_n3A_822, %select_n3A_833 : vector<16xi1>, vector<16xf32>
      %select_n3A_835 = arith.select %gt3A_829, %broadcast_in_dim3A_824, %select_n3A_821 : vector<16xi1>, vector<16xi32>
      %select_n3A_836 = arith.select %gt3A_829, %gather3A_828, %select_n3A_822 : vector<16xi1>, vector<16xf32>
      %broadcast_in_dim3A_837 = arith.constant 59 : i32
      %broadcast_in_dim3A_838 = vector.broadcast %broadcast_in_dim3A_837 : i32 to vector<16xi32>
      %add3A_839 = arith.constant 59 : i32
      %add3A_840 = vector.broadcast %add3A_839 : i32 to vector<16xi32>
      %add3A_841 = arith.addi %mul3A_21, %add3A_840 : vector<16xi32>
      %gather3A_842 = tpu.vector_load_idx %arg5[%add3A_841] : memref<32768xf32, #tpu.memory_space<vmem>>[vector<16xi32>], vector<16xf32>,
      %gt3A_843 = arith.cmpf ogt, %gather3A_842, %select_n3A_836 : vector<16xf32>
      %gt3A_844 = arith.cmpf ogt, %gather3A_842, %select_n3A_834 : vector<16xf32>
      %select_n3A_845 = arith.select %gt3A_844, %broadcast_in_dim3A_838, %select_n3A_832 : vector<16xi1>, vector<16xi32>
      %select_n3A_846 = arith.select %gt3A_843, %select_n3A_835, %select_n3A_845 : vector<16xi1>, vector<16xi32>
      %select_n3A_847 = arith.select %gt3A_844, %gather3A_842, %select_n3A_834 : vector<16xi1>, vector<16xf32>
      %select_n3A_848 = arith.select %gt3A_843, %select_n3A_836, %select_n3A_847 : vector<16xi1>, vector<16xf32>
      %select_n3A_849 = arith.select %gt3A_843, %broadcast_in_dim3A_838, %select_n3A_835 : vector<16xi1>, vector<16xi32>
      %select_n3A_850 = arith.select %gt3A_843, %gather3A_842, %select_n3A_836 : vector<16xi1>, vector<16xf32>
      %broadcast_in_dim3A_851 = arith.constant 60 : i32
      %broadcast_in_dim3A_852 = vector.broadcast %broadcast_in_dim3A_851 : i32 to vector<16xi32>
      %add3A_853 = arith.constant 60 : i32
      %add3A_854 = vector.broadcast %add3A_853 : i32 to vector<16xi32>
      %add3A_855 = arith.addi %mul3A_21, %add3A_854 : vector<16xi32>
      %gather3A_856 = tpu.vector_load_idx %arg5[%add3A_855] : memref<32768xf32, #tpu.memory_space<vmem>>[vector<16xi32>], vector<16xf32>,
      %gt3A_857 = arith.cmpf ogt, %gather3A_856, %select_n3A_850 : vector<16xf32>
      %gt3A_858 = arith.cmpf ogt, %gather3A_856, %select_n3A_848 : vector<16xf32>
      %select_n3A_859 = arith.select %gt3A_858, %broadcast_in_dim3A_852, %select_n3A_846 : vector<16xi1>, vector<16xi32>
      %select_n3A_860 = arith.select %gt3A_857, %select_n3A_849, %select_n3A_859 : vector<16xi1>, vector<16xi32>
      %select_n3A_861 = arith.select %gt3A_858, %gather3A_856, %select_n3A_848 : vector<16xi1>, vector<16xf32>
      %select_n3A_862 = arith.select %gt3A_857, %select_n3A_850, %select_n3A_861 : vector<16xi1>, vector<16xf32>
      %select_n3A_863 = arith.select %gt3A_857, %broadcast_in_dim3A_852, %select_n3A_849 : vector<16xi1>, vector<16xi32>
      %select_n3A_864 = arith.select %gt3A_857, %gather3A_856, %select_n3A_850 : vector<16xi1>, vector<16xf32>
      %broadcast_in_dim3A_865 = arith.constant 61 : i32
      %broadcast_in_dim3A_866 = vector.broadcast %broadcast_in_dim3A_865 : i32 to vector<16xi32>
      %add3A_867 = arith.constant 61 : i32
      %add3A_868 = vector.broadcast %add3A_867 : i32 to vector<16xi32>
      %add3A_869 = arith.addi %mul3A_21, %add3A_868 : vector<16xi32>
      %gather3A_870 = tpu.vector_load_idx %arg5[%add3A_869] : memref<32768xf32, #tpu.memory_space<vmem>>[vector<16xi32>], vector<16xf32>,
      %gt3A_871 = arith.cmpf ogt, %gather3A_870, %select_n3A_864 : vector<16xf32>
      %gt3A_872 = arith.cmpf ogt, %gather3A_870, %select_n3A_862 : vector<16xf32>
      %select_n3A_873 = arith.select %gt3A_872, %broadcast_in_dim3A_866, %select_n3A_860 : vector<16xi1>, vector<16xi32>
      %select_n3A_874 = arith.select %gt3A_871, %select_n3A_863, %select_n3A_873 : vector<16xi1>, vector<16xi32>
      %select_n3A_875 = arith.select %gt3A_872, %gather3A_870, %select_n3A_862 : vector<16xi1>, vector<16xf32>
      %select_n3A_876 = arith.select %gt3A_871, %select_n3A_864, %select_n3A_875 : vector<16xi1>, vector<16xf32>
      %select_n3A_877 = arith.select %gt3A_871, %broadcast_in_dim3A_866, %select_n3A_863 : vector<16xi1>, vector<16xi32>
      %select_n3A_878 = arith.select %gt3A_871, %gather3A_870, %select_n3A_864 : vector<16xi1>, vector<16xf32>
      %broadcast_in_dim3A_879 = arith.constant 62 : i32
      %broadcast_in_dim3A_880 = vector.broadcast %broadcast_in_dim3A_879 : i32 to vector<16xi32>
      %add3A_881 = arith.constant 62 : i32
      %add3A_882 = vector.broadcast %add3A_881 : i32 to vector<16xi32>
      %add3A_883 = arith.addi %mul3A_21, %add3A_882 : vector<16xi32>
      %gather3A_884 = tpu.vector_load_idx %arg5[%add3A_883] : memref<32768xf32, #tpu.memory_space<vmem>>[vector<16xi32>], vector<16xf32>,
      %gt3A_885 = arith.cmpf ogt, %gather3A_884, %select_n3A_878 : vector<16xf32>
      %gt3A_886 = arith.cmpf ogt, %gather3A_884, %select_n3A_876 : vector<16xf32>
      %select_n3A_887 = arith.select %gt3A_886, %broadcast_in_dim3A_880, %select_n3A_874 : vector<16xi1>, vector<16xi32>
      %select_n3A_888 = arith.select %gt3A_885, %select_n3A_877, %select_n3A_887 : vector<16xi1>, vector<16xi32>
      %select_n3A_889 = arith.select %gt3A_886, %gather3A_884, %select_n3A_876 : vector<16xi1>, vector<16xf32>
      %select_n3A_890 = arith.select %gt3A_885, %select_n3A_878, %select_n3A_889 : vector<16xi1>, vector<16xf32>
      %select_n3A_891 = arith.select %gt3A_885, %broadcast_in_dim3A_880, %select_n3A_877 : vector<16xi1>, vector<16xi32>
      %select_n3A_892 = arith.select %gt3A_885, %gather3A_884, %select_n3A_878 : vector<16xi1>, vector<16xf32>
      %broadcast_in_dim3A_893 = arith.constant 63 : i32
      %broadcast_in_dim3A_894 = vector.broadcast %broadcast_in_dim3A_893 : i32 to vector<16xi32>
      %add3A_895 = arith.constant 63 : i32
      %add3A_896 = vector.broadcast %add3A_895 : i32 to vector<16xi32>
      %add3A_897 = arith.addi %mul3A_21, %add3A_896 : vector<16xi32>
      %gather3A_898 = tpu.vector_load_idx %arg5[%add3A_897] : memref<32768xf32, #tpu.memory_space<vmem>>[vector<16xi32>], vector<16xf32>,
      %gt3A_899 = arith.cmpf ogt, %gather3A_898, %select_n3A_892 : vector<16xf32>
      %gt3A_900 = arith.cmpf ogt, %gather3A_898, %select_n3A_890 : vector<16xf32>
      %select_n3A_901 = arith.select %gt3A_900, %broadcast_in_dim3A_894, %select_n3A_888 : vector<16xi1>, vector<16xi32>
      %select_n3A_902 = arith.select %gt3A_899, %select_n3A_891, %select_n3A_901 : vector<16xi1>, vector<16xi32>
      %select_n3A_903 = arith.select %gt3A_900, %gather3A_898, %select_n3A_890 : vector<16xi1>, vector<16xf32>
      %select_n3A_904 = arith.select %gt3A_899, %select_n3A_892, %select_n3A_903 : vector<16xi1>, vector<16xf32>
      %select_n3A_905 = arith.select %gt3A_899, %broadcast_in_dim3A_894, %select_n3A_891 : vector<16xi1>, vector<16xi32>
      %select_n3A_906 = arith.select %gt3A_899, %gather3A_898, %select_n3A_892 : vector<16xi1>, vector<16xf32>
      %sub3A = arith.subf %select_n3A_904, %select_n3A_906 : vector<16xf32>
      %exp3A = math.exp %sub3A : vector<16xf32>
      %add3A_907 = arith.constant 1.000000e+00 : f32
      %add3A_908 = vector.broadcast %add3A_907 : f32 to vector<16xf32>
      %add3A_909 = arith.addf %add3A_908, %exp3A : vector<16xf32>
      %mul3A_910 = arith.constant 2 : i32
      %mul3A_911 = vector.broadcast %mul3A_910 : i32 to vector<16xi32>
      %mul3A_912 = arith.muli %mul3A_911, %add3A_18 : vector<16xi32>
      tpu.vector_store_idx %arg6[%mul3A_912], %select_n3A_905 : memref<1024xi32, #tpu.memory_space<vmem>>[vector<16xi32>], vector<16xi32>,
      %add3A_913 = arith.constant 1 : i32
      %add3A_914 = vector.broadcast %add3A_913 : i32 to vector<16xi32>
      %add3A_915 = arith.addi %mul3A_912, %add3A_914 : vector<16xi32>
      tpu.vector_store_idx %arg6[%add3A_915], %select_n3A_902 : memref<1024xi32, #tpu.memory_space<vmem>>[vector<16xi32>], vector<16xi32>,
      %div3A = arith.constant 1.000000e+00 : f32
      %div3A_916 = vector.broadcast %div3A : f32 to vector<16xf32>
      %div3A_917 = arith.divf %div3A_916, %add3A_909 : vector<16xf32>
      tpu.vector_store_idx %arg7[%mul3A_912], %div3A_917 : memref<1024xf32, #tpu.memory_space<vmem>>[vector<16xi32>], vector<16xf32>,
      %add3A_918 = arith.constant 1 : i32
      %add3A_919 = vector.broadcast %add3A_918 : i32 to vector<16xi32>
      %add3A_920 = arith.addi %mul3A_912, %add3A_919 : vector<16xi32>
      %div3A_921 = arith.divf %exp3A, %add3A_909 : vector<16xf32>
      tpu.vector_store_idx %arg7[%add3A_920], %div3A_921 : memref<1024xf32, #tpu.memory_space<vmem>>[vector<16xi32>], vector<16xf32>,
    }
    %scan3A_9 = arith.constant 32 : i32
    %mul3A_10 = arith.constant 2 : i32
    %mul3A_11 = arith.muli %mul3A_10, %mul3A_2 : i32
    "tpu.region"() ({
      %run_scoped3A = tpu.sem_alloc : memref<!tpu.dma_semaphore, #tpu.memory_space<semaphore_mem>>
      %dma_start3A = tpu.memref_slice %arg3[%mul3A_11] : memref<32768xi32, #tpu.memory_space<hbm>> -> memref<1024xi32, #tpu.memory_space<hbm>>
      %dma_start3A_14 = tpu.memref_slice %arg3[%mul3A_11] : memref<32768xi32, #tpu.memory_space<hbm>> -> memref<1024xi32, #tpu.memory_space<hbm>>
      tpu.enqueue_dma source(%arg6 : memref<1024xi32, #tpu.memory_space<vmem>>) target(%dma_start3A_14 : memref<1024xi32, #tpu.memory_space<hbm>>) target_semaphore(%run_scoped3A : memref<!tpu.dma_semaphore, #tpu.memory_space<semaphore_mem>>)
      %dma_wait3A = tpu.memref_slice %arg3[%mul3A_11] : memref<32768xi32, #tpu.memory_space<hbm>> -> memref<1024xi32, #tpu.memory_space<hbm>>
      %dma_wait3A_15 = tpu.memref_slice %arg3[%mul3A_11] : memref<32768xi32, #tpu.memory_space<hbm>> -> memref<1024xi32, #tpu.memory_space<hbm>>
      tpu.wait_dma2 semaphore(%run_scoped3A : memref<!tpu.dma_semaphore, #tpu.memory_space<semaphore_mem>>) src(%arg6 : memref<1024xi32, #tpu.memory_space<vmem>>) dst(%dma_wait3A_15 : memref<1024xi32, #tpu.memory_space<hbm>>)
      tpu.yield
    }) : () -> ()
    %mul3A_12 = arith.constant 2 : i32
    %mul3A_13 = arith.muli %mul3A_12, %mul3A_2 : i32
    "tpu.region"() ({
      %run_scoped3A = tpu.sem_alloc : memref<!tpu.dma_semaphore, #tpu.memory_space<semaphore_mem>>
      %dma_start3A = tpu.memref_slice %arg4[%mul3A_13] : memref<32768xf32, #tpu.memory_space<hbm>> -> memref<1024xf32, #tpu.memory_space<hbm>>
      %dma_start3A_14 = tpu.memref_slice %arg4[%mul3A_13] : memref<32768xf32, #tpu.memory_space<hbm>> -> memref<1024xf32, #tpu.memory_space<hbm>>
      tpu.enqueue_dma source(%arg7 : memref<1024xf32, #tpu.memory_space<vmem>>) target(%dma_start3A_14 : memref<1024xf32, #tpu.memory_space<hbm>>) target_semaphore(%run_scoped3A : memref<!tpu.dma_semaphore, #tpu.memory_space<semaphore_mem>>)
      %dma_wait3A = tpu.memref_slice %arg4[%mul3A_13] : memref<32768xf32, #tpu.memory_space<hbm>> -> memref<1024xf32, #tpu.memory_space<hbm>>
      %dma_wait3A_15 = tpu.memref_slice %arg4[%mul3A_13] : memref<32768xf32, #tpu.memory_space<hbm>> -> memref<1024xf32, #tpu.memory_space<hbm>>
      tpu.wait_dma2 semaphore(%run_scoped3A : memref<!tpu.dma_semaphore, #tpu.memory_space<semaphore_mem>>) src(%arg7 : memref<1024xf32, #tpu.memory_space<vmem>>) dst(%dma_wait3A_15 : memref<1024xf32, #tpu.memory_space<hbm>>)
      tpu.yield
    }) : () -> ()
    return
  }
}

#map = affine_map<(d0, d1) -> (0)>
module attributes {stable_mosaic.version = 14 : i64} {
  func.func @topk_kernel(%arg0: i32, %arg1: i32, %arg2: memref<1048576xf32, #tpu.memory_space<hbm>>, %arg3: memref<32768xi32, #tpu.memory_space<hbm>>, %arg4: memref<32768xf32, #tpu.memory_space<hbm>>, %arg5: memref<32768xf32, #tpu.memory_space<vmem>>, %arg6: memref<1024xi32, #tpu.memory_space<vmem>>, %arg7: memref<1024xf32, #tpu.memory_space<vmem>>) attributes {dimension_semantics = [#tpu.dimension_semantics<core_parallel>, #tpu.dimension_semantics<subcore_parallel>], iteration_bounds = array<i64: 2, 16>, scalar_prefetch = 0 : i64, scratch_operands = 3 : i64, tpu.core_type = #tpu.core_type<sc_vector_subcore>, window_params = [{transform_indices = #map}, {transform_indices = #map}, {transform_indices = #map}]} {
    %mul3A = arith.constant 2 : i32
    %mul3A_0 = arith.muli %arg1, %mul3A : i32
    %add3A = arith.addi %mul3A_0, %arg0 : i32
    %mul3A_1 = arith.constant 512 : i32
    %mul3A_2 = arith.muli %add3A, %mul3A_1 : i32
    %mul3A_3 = arith.constant 64 : i32
    %mul3A_4 = arith.muli %mul3A_2, %mul3A_3 : i32
    "tpu.region"() ({
      %run_scoped3A = tpu.sem_alloc : memref<!tpu.dma_semaphore, #tpu.memory_space<semaphore_mem>>
      %dma_start3A = tpu.memref_slice %arg2[%mul3A_4] : memref<1048576xf32, #tpu.memory_space<hbm>> -> memref<32768xf32, #tpu.memory_space<hbm>>
      %dma_start3A_14 = tpu.memref_slice %arg2[%mul3A_4] : memref<1048576xf32, #tpu.memory_space<hbm>> -> memref<32768xf32, #tpu.memory_space<hbm>>
      tpu.enqueue_dma source(%dma_start3A_14 : memref<32768xf32, #tpu.memory_space<hbm>>) target(%arg5 : memref<32768xf32, #tpu.memory_space<vmem>>) target_semaphore(%run_scoped3A : memref<!tpu.dma_semaphore, #tpu.memory_space<semaphore_mem>>)
      %dma_wait3A = tpu.memref_slice %arg2[%mul3A_4] : memref<1048576xf32, #tpu.memory_space<hbm>> -> memref<32768xf32, #tpu.memory_space<hbm>>
      %dma_wait3A_15 = tpu.memref_slice %arg2[%mul3A_4] : memref<1048576xf32, #tpu.memory_space<hbm>> -> memref<32768xf32, #tpu.memory_space<hbm>>
      tpu.wait_dma2 semaphore(%run_scoped3A : memref<!tpu.dma_semaphore, #tpu.memory_space<semaphore_mem>>) src(%dma_wait3A_15 : memref<32768xf32, #tpu.memory_space<hbm>>) dst(%arg5 : memref<32768xf32, #tpu.memory_space<vmem>>)
      tpu.yield
    }) : () -> ()
    %scan3A = arith.constant 0 : i32
    %scan3A_5 = arith.constant 0 : i32
    %scan3A_6 = arith.constant 32 : i32
    %scan3A_7 = arith.addi %scan3A_5, %scan3A_6 : i32
    %scan3A_8 = arith.constant 1 : i32
    scf.for %scan3A_14 = %scan3A_5 to %scan3A_7 step %scan3A_8  : i32 {
      %mul3A_15 = arith.constant 16 : i32
      %mul3A_16 = arith.muli %scan3A_14, %mul3A_15 : i32
      %iota3A = tpu.iota {dimensions = array<i32: 0>} : vector<16xi32>
      %add3A_17 = vector.broadcast %mul3A_16 : i32 to vector<16xi32>
      %add3A_18 = arith.addi %add3A_17, %iota3A : vector<16xi32>
      %mul3A_19 = arith.constant 64 : i32
      %mul3A_20 = vector.broadcast %mul3A_19 : i32 to vector<16xi32>
      %mul3A_21 = arith.muli %add3A_18, %mul3A_20 : vector<16xi32>
      %gather3A = tpu.vector_load_idx %arg5[%mul3A_21] : memref<32768xf32, #tpu.memory_space<vmem>>[vector<16xi32>], vector<16xf32>,
      %broadcast_in_dim3A = arith.constant 0 : i32
      %broadcast_in_dim3A_22 = vector.broadcast %broadcast_in_dim3A : i32 to vector<16xi32>
      %broadcast_in_dim3A_23 = arith.constant 0xFF800000 : f32
      %broadcast_in_dim3A_24 = vector.broadcast %broadcast_in_dim3A_23 : f32 to vector<16xf32>
      %broadcast_in_dim3A_25 = arith.constant 0 : i32
      %broadcast_in_dim3A_26 = vector.broadcast %broadcast_in_dim3A_25 : i32 to vector<16xi32>
      %broadcast_in_dim3A_27 = arith.constant 1 : i32
      %broadcast_in_dim3A_28 = vector.broadcast %broadcast_in_dim3A_27 : i32 to vector<16xi32>
      %add3A_29 = arith.constant 1 : i32
      %add3A_30 = vector.broadcast %add3A_29 : i32 to vector<16xi32>
      %add3A_31 = arith.addi %mul3A_21, %add3A_30 : vector<16xi32>
      %gather3A_32 = tpu.vector_load_idx %arg5[%add3A_31] : memref<32768xf32, #tpu.memory_space<vmem>>[vector<16xi32>], vector<16xf32>,
      %gt3A = arith.cmpf ogt, %gather3A_32, %gather3A : vector<16xf32>
      %gt3A_33 = arith.cmpf ogt, %gather3A_32, %broadcast_in_dim3A_24 : vector<16xf32>
      %select_n3A = arith.select %gt3A_33, %broadcast_in_dim3A_28, %broadcast_in_dim3A_26 : vector<16xi1>, vector<16xi32>
      %select_n3A_34 = arith.select %gt3A, %broadcast_in_dim3A_22, %select_n3A : vector<16xi1>, vector<16xi32>
      %select_n3A_35 = arith.select %gt3A_33, %gather3A_32, %broadcast_in_dim3A_24 : vector<16xi1>, vector<16xf32>
      %select_n3A_36 = arith.select %gt3A, %gather3A, %select_n3A_35 : vector<16xi1>, vector<16xf32>
      %select_n3A_37 = arith.select %gt3A, %broadcast_in_dim3A_28, %broadcast_in_dim3A_22 : vector<16xi1>, vector<16xi32>
      %select_n3A_38 = arith.select %gt3A, %gather3A_32, %gather3A : vector<16xi1>, vector<16xf32>
      %broadcast_in_dim3A_39 = arith.constant 2 : i32
      %broadcast_in_dim3A_40 = vector.broadcast %broadcast_in_dim3A_39 : i32 to vector<16xi32>
      %add3A_41 = arith.constant 2 : i32
      %add3A_42 = vector.broadcast %add3A_41 : i32 to vector<16xi32>
      %add3A_43 = arith.addi %mul3A_21, %add3A_42 : vector<16xi32>
      %gather3A_44 = tpu.vector_load_idx %arg5[%add3A_43] : memref<32768xf32, #tpu.memory_space<vmem>>[vector<16xi32>], vector<16xf32>,
      %gt3A_45 = arith.cmpf ogt, %gather3A_44, %select_n3A_38 : vector<16xf32>
      %gt3A_46 = arith.cmpf ogt, %gather3A_44, %select_n3A_36 : vector<16xf32>
      %select_n3A_47 = arith.select %gt3A_46, %broadcast_in_dim3A_40, %select_n3A_34 : vector<16xi1>, vector<16xi32>
      %select_n3A_48 = arith.select %gt3A_45, %select_n3A_37, %select_n3A_47 : vector<16xi1>, vector<16xi32>
      %select_n3A_49 = arith.select %gt3A_46, %gather3A_44, %select_n3A_36 : vector<16xi1>, vector<16xf32>
      %select_n3A_50 = arith.select %gt3A_45, %select_n3A_38, %select_n3A_49 : vector<16xi1>, vector<16xf32>
      %select_n3A_51 = arith.select %gt3A_45, %broadcast_in_dim3A_40, %select_n3A_37 : vector<16xi1>, vector<16xi32>
      %select_n3A_52 = arith.select %gt3A_45, %gather3A_44, %select_n3A_38 : vector<16xi1>, vector<16xf32>
      %broadcast_in_dim3A_53 = arith.constant 3 : i32
      %broadcast_in_dim3A_54 = vector.broadcast %broadcast_in_dim3A_53 : i32 to vector<16xi32>
      %add3A_55 = arith.constant 3 : i32
      %add3A_56 = vector.broadcast %add3A_55 : i32 to vector<16xi32>
      %add3A_57 = arith.addi %mul3A_21, %add3A_56 : vector<16xi32>
      %gather3A_58 = tpu.vector_load_idx %arg5[%add3A_57] : memref<32768xf32, #tpu.memory_space<vmem>>[vector<16xi32>], vector<16xf32>,
      %gt3A_59 = arith.cmpf ogt, %gather3A_58, %select_n3A_52 : vector<16xf32>
      %gt3A_60 = arith.cmpf ogt, %gather3A_58, %select_n3A_50 : vector<16xf32>
      %select_n3A_61 = arith.select %gt3A_60, %broadcast_in_dim3A_54, %select_n3A_48 : vector<16xi1>, vector<16xi32>
      %select_n3A_62 = arith.select %gt3A_59, %select_n3A_51, %select_n3A_61 : vector<16xi1>, vector<16xi32>
      %select_n3A_63 = arith.select %gt3A_60, %gather3A_58, %select_n3A_50 : vector<16xi1>, vector<16xf32>
      %select_n3A_64 = arith.select %gt3A_59, %select_n3A_52, %select_n3A_63 : vector<16xi1>, vector<16xf32>
      %select_n3A_65 = arith.select %gt3A_59, %broadcast_in_dim3A_54, %select_n3A_51 : vector<16xi1>, vector<16xi32>
      %select_n3A_66 = arith.select %gt3A_59, %gather3A_58, %select_n3A_52 : vector<16xi1>, vector<16xf32>
      %broadcast_in_dim3A_67 = arith.constant 4 : i32
      %broadcast_in_dim3A_68 = vector.broadcast %broadcast_in_dim3A_67 : i32 to vector<16xi32>
      %add3A_69 = arith.constant 4 : i32
      %add3A_70 = vector.broadcast %add3A_69 : i32 to vector<16xi32>
      %add3A_71 = arith.addi %mul3A_21, %add3A_70 : vector<16xi32>
      %gather3A_72 = tpu.vector_load_idx %arg5[%add3A_71] : memref<32768xf32, #tpu.memory_space<vmem>>[vector<16xi32>], vector<16xf32>,
      %gt3A_73 = arith.cmpf ogt, %gather3A_72, %select_n3A_66 : vector<16xf32>
      %gt3A_74 = arith.cmpf ogt, %gather3A_72, %select_n3A_64 : vector<16xf32>
      %select_n3A_75 = arith.select %gt3A_74, %broadcast_in_dim3A_68, %select_n3A_62 : vector<16xi1>, vector<16xi32>
      %select_n3A_76 = arith.select %gt3A_73, %select_n3A_65, %select_n3A_75 : vector<16xi1>, vector<16xi32>
      %select_n3A_77 = arith.select %gt3A_74, %gather3A_72, %select_n3A_64 : vector<16xi1>, vector<16xf32>
      %select_n3A_78 = arith.select %gt3A_73, %select_n3A_66, %select_n3A_77 : vector<16xi1>, vector<16xf32>
      %select_n3A_79 = arith.select %gt3A_73, %broadcast_in_dim3A_68, %select_n3A_65 : vector<16xi1>, vector<16xi32>
      %select_n3A_80 = arith.select %gt3A_73, %gather3A_72, %select_n3A_66 : vector<16xi1>, vector<16xf32>
      %broadcast_in_dim3A_81 = arith.constant 5 : i32
      %broadcast_in_dim3A_82 = vector.broadcast %broadcast_in_dim3A_81 : i32 to vector<16xi32>
      %add3A_83 = arith.constant 5 : i32
      %add3A_84 = vector.broadcast %add3A_83 : i32 to vector<16xi32>
      %add3A_85 = arith.addi %mul3A_21, %add3A_84 : vector<16xi32>
      %gather3A_86 = tpu.vector_load_idx %arg5[%add3A_85] : memref<32768xf32, #tpu.memory_space<vmem>>[vector<16xi32>], vector<16xf32>,
      %gt3A_87 = arith.cmpf ogt, %gather3A_86, %select_n3A_80 : vector<16xf32>
      %gt3A_88 = arith.cmpf ogt, %gather3A_86, %select_n3A_78 : vector<16xf32>
      %select_n3A_89 = arith.select %gt3A_88, %broadcast_in_dim3A_82, %select_n3A_76 : vector<16xi1>, vector<16xi32>
      %select_n3A_90 = arith.select %gt3A_87, %select_n3A_79, %select_n3A_89 : vector<16xi1>, vector<16xi32>
      %select_n3A_91 = arith.select %gt3A_88, %gather3A_86, %select_n3A_78 : vector<16xi1>, vector<16xf32>
      %select_n3A_92 = arith.select %gt3A_87, %select_n3A_80, %select_n3A_91 : vector<16xi1>, vector<16xf32>
      %select_n3A_93 = arith.select %gt3A_87, %broadcast_in_dim3A_82, %select_n3A_79 : vector<16xi1>, vector<16xi32>
      %select_n3A_94 = arith.select %gt3A_87, %gather3A_86, %select_n3A_80 : vector<16xi1>, vector<16xf32>
      %broadcast_in_dim3A_95 = arith.constant 6 : i32
      %broadcast_in_dim3A_96 = vector.broadcast %broadcast_in_dim3A_95 : i32 to vector<16xi32>
      %add3A_97 = arith.constant 6 : i32
      %add3A_98 = vector.broadcast %add3A_97 : i32 to vector<16xi32>
      %add3A_99 = arith.addi %mul3A_21, %add3A_98 : vector<16xi32>
      %gather3A_100 = tpu.vector_load_idx %arg5[%add3A_99] : memref<32768xf32, #tpu.memory_space<vmem>>[vector<16xi32>], vector<16xf32>,
      %gt3A_101 = arith.cmpf ogt, %gather3A_100, %select_n3A_94 : vector<16xf32>
      %gt3A_102 = arith.cmpf ogt, %gather3A_100, %select_n3A_92 : vector<16xf32>
      %select_n3A_103 = arith.select %gt3A_102, %broadcast_in_dim3A_96, %select_n3A_90 : vector<16xi1>, vector<16xi32>
      %select_n3A_104 = arith.select %gt3A_101, %select_n3A_93, %select_n3A_103 : vector<16xi1>, vector<16xi32>
      %select_n3A_105 = arith.select %gt3A_102, %gather3A_100, %select_n3A_92 : vector<16xi1>, vector<16xf32>
      %select_n3A_106 = arith.select %gt3A_101, %select_n3A_94, %select_n3A_105 : vector<16xi1>, vector<16xf32>
      %select_n3A_107 = arith.select %gt3A_101, %broadcast_in_dim3A_96, %select_n3A_93 : vector<16xi1>, vector<16xi32>
      %select_n3A_108 = arith.select %gt3A_101, %gather3A_100, %select_n3A_94 : vector<16xi1>, vector<16xf32>
      %broadcast_in_dim3A_109 = arith.constant 7 : i32
      %broadcast_in_dim3A_110 = vector.broadcast %broadcast_in_dim3A_109 : i32 to vector<16xi32>
      %add3A_111 = arith.constant 7 : i32
      %add3A_112 = vector.broadcast %add3A_111 : i32 to vector<16xi32>
      %add3A_113 = arith.addi %mul3A_21, %add3A_112 : vector<16xi32>
      %gather3A_114 = tpu.vector_load_idx %arg5[%add3A_113] : memref<32768xf32, #tpu.memory_space<vmem>>[vector<16xi32>], vector<16xf32>,
      %gt3A_115 = arith.cmpf ogt, %gather3A_114, %select_n3A_108 : vector<16xf32>
      %gt3A_116 = arith.cmpf ogt, %gather3A_114, %select_n3A_106 : vector<16xf32>
      %select_n3A_117 = arith.select %gt3A_116, %broadcast_in_dim3A_110, %select_n3A_104 : vector<16xi1>, vector<16xi32>
      %select_n3A_118 = arith.select %gt3A_115, %select_n3A_107, %select_n3A_117 : vector<16xi1>, vector<16xi32>
      %select_n3A_119 = arith.select %gt3A_116, %gather3A_114, %select_n3A_106 : vector<16xi1>, vector<16xf32>
      %select_n3A_120 = arith.select %gt3A_115, %select_n3A_108, %select_n3A_119 : vector<16xi1>, vector<16xf32>
      %select_n3A_121 = arith.select %gt3A_115, %broadcast_in_dim3A_110, %select_n3A_107 : vector<16xi1>, vector<16xi32>
      %select_n3A_122 = arith.select %gt3A_115, %gather3A_114, %select_n3A_108 : vector<16xi1>, vector<16xf32>
      %broadcast_in_dim3A_123 = arith.constant 8 : i32
      %broadcast_in_dim3A_124 = vector.broadcast %broadcast_in_dim3A_123 : i32 to vector<16xi32>
      %add3A_125 = arith.constant 8 : i32
      %add3A_126 = vector.broadcast %add3A_125 : i32 to vector<16xi32>
      %add3A_127 = arith.addi %mul3A_21, %add3A_126 : vector<16xi32>
      %gather3A_128 = tpu.vector_load_idx %arg5[%add3A_127] : memref<32768xf32, #tpu.memory_space<vmem>>[vector<16xi32>], vector<16xf32>,
      %gt3A_129 = arith.cmpf ogt, %gather3A_128, %select_n3A_122 : vector<16xf32>
      %gt3A_130 = arith.cmpf ogt, %gather3A_128, %select_n3A_120 : vector<16xf32>
      %select_n3A_131 = arith.select %gt3A_130, %broadcast_in_dim3A_124, %select_n3A_118 : vector<16xi1>, vector<16xi32>
      %select_n3A_132 = arith.select %gt3A_129, %select_n3A_121, %select_n3A_131 : vector<16xi1>, vector<16xi32>
      %select_n3A_133 = arith.select %gt3A_130, %gather3A_128, %select_n3A_120 : vector<16xi1>, vector<16xf32>
      %select_n3A_134 = arith.select %gt3A_129, %select_n3A_122, %select_n3A_133 : vector<16xi1>, vector<16xf32>
      %select_n3A_135 = arith.select %gt3A_129, %broadcast_in_dim3A_124, %select_n3A_121 : vector<16xi1>, vector<16xi32>
      %select_n3A_136 = arith.select %gt3A_129, %gather3A_128, %select_n3A_122 : vector<16xi1>, vector<16xf32>
      %broadcast_in_dim3A_137 = arith.constant 9 : i32
      %broadcast_in_dim3A_138 = vector.broadcast %broadcast_in_dim3A_137 : i32 to vector<16xi32>
      %add3A_139 = arith.constant 9 : i32
      %add3A_140 = vector.broadcast %add3A_139 : i32 to vector<16xi32>
      %add3A_141 = arith.addi %mul3A_21, %add3A_140 : vector<16xi32>
      %gather3A_142 = tpu.vector_load_idx %arg5[%add3A_141] : memref<32768xf32, #tpu.memory_space<vmem>>[vector<16xi32>], vector<16xf32>,
      %gt3A_143 = arith.cmpf ogt, %gather3A_142, %select_n3A_136 : vector<16xf32>
      %gt3A_144 = arith.cmpf ogt, %gather3A_142, %select_n3A_134 : vector<16xf32>
      %select_n3A_145 = arith.select %gt3A_144, %broadcast_in_dim3A_138, %select_n3A_132 : vector<16xi1>, vector<16xi32>
      %select_n3A_146 = arith.select %gt3A_143, %select_n3A_135, %select_n3A_145 : vector<16xi1>, vector<16xi32>
      %select_n3A_147 = arith.select %gt3A_144, %gather3A_142, %select_n3A_134 : vector<16xi1>, vector<16xf32>
      %select_n3A_148 = arith.select %gt3A_143, %select_n3A_136, %select_n3A_147 : vector<16xi1>, vector<16xf32>
      %select_n3A_149 = arith.select %gt3A_143, %broadcast_in_dim3A_138, %select_n3A_135 : vector<16xi1>, vector<16xi32>
      %select_n3A_150 = arith.select %gt3A_143, %gather3A_142, %select_n3A_136 : vector<16xi1>, vector<16xf32>
      %broadcast_in_dim3A_151 = arith.constant 10 : i32
      %broadcast_in_dim3A_152 = vector.broadcast %broadcast_in_dim3A_151 : i32 to vector<16xi32>
      %add3A_153 = arith.constant 10 : i32
      %add3A_154 = vector.broadcast %add3A_153 : i32 to vector<16xi32>
      %add3A_155 = arith.addi %mul3A_21, %add3A_154 : vector<16xi32>
      %gather3A_156 = tpu.vector_load_idx %arg5[%add3A_155] : memref<32768xf32, #tpu.memory_space<vmem>>[vector<16xi32>], vector<16xf32>,
      %gt3A_157 = arith.cmpf ogt, %gather3A_156, %select_n3A_150 : vector<16xf32>
      %gt3A_158 = arith.cmpf ogt, %gather3A_156, %select_n3A_148 : vector<16xf32>
      %select_n3A_159 = arith.select %gt3A_158, %broadcast_in_dim3A_152, %select_n3A_146 : vector<16xi1>, vector<16xi32>
      %select_n3A_160 = arith.select %gt3A_157, %select_n3A_149, %select_n3A_159 : vector<16xi1>, vector<16xi32>
      %select_n3A_161 = arith.select %gt3A_158, %gather3A_156, %select_n3A_148 : vector<16xi1>, vector<16xf32>
      %select_n3A_162 = arith.select %gt3A_157, %select_n3A_150, %select_n3A_161 : vector<16xi1>, vector<16xf32>
      %select_n3A_163 = arith.select %gt3A_157, %broadcast_in_dim3A_152, %select_n3A_149 : vector<16xi1>, vector<16xi32>
      %select_n3A_164 = arith.select %gt3A_157, %gather3A_156, %select_n3A_150 : vector<16xi1>, vector<16xf32>
      %broadcast_in_dim3A_165 = arith.constant 11 : i32
      %broadcast_in_dim3A_166 = vector.broadcast %broadcast_in_dim3A_165 : i32 to vector<16xi32>
      %add3A_167 = arith.constant 11 : i32
      %add3A_168 = vector.broadcast %add3A_167 : i32 to vector<16xi32>
      %add3A_169 = arith.addi %mul3A_21, %add3A_168 : vector<16xi32>
      %gather3A_170 = tpu.vector_load_idx %arg5[%add3A_169] : memref<32768xf32, #tpu.memory_space<vmem>>[vector<16xi32>], vector<16xf32>,
      %gt3A_171 = arith.cmpf ogt, %gather3A_170, %select_n3A_164 : vector<16xf32>
      %gt3A_172 = arith.cmpf ogt, %gather3A_170, %select_n3A_162 : vector<16xf32>
      %select_n3A_173 = arith.select %gt3A_172, %broadcast_in_dim3A_166, %select_n3A_160 : vector<16xi1>, vector<16xi32>
      %select_n3A_174 = arith.select %gt3A_171, %select_n3A_163, %select_n3A_173 : vector<16xi1>, vector<16xi32>
      %select_n3A_175 = arith.select %gt3A_172, %gather3A_170, %select_n3A_162 : vector<16xi1>, vector<16xf32>
      %select_n3A_176 = arith.select %gt3A_171, %select_n3A_164, %select_n3A_175 : vector<16xi1>, vector<16xf32>
      %select_n3A_177 = arith.select %gt3A_171, %broadcast_in_dim3A_166, %select_n3A_163 : vector<16xi1>, vector<16xi32>
      %select_n3A_178 = arith.select %gt3A_171, %gather3A_170, %select_n3A_164 : vector<16xi1>, vector<16xf32>
      %broadcast_in_dim3A_179 = arith.constant 12 : i32
      %broadcast_in_dim3A_180 = vector.broadcast %broadcast_in_dim3A_179 : i32 to vector<16xi32>
      %add3A_181 = arith.constant 12 : i32
      %add3A_182 = vector.broadcast %add3A_181 : i32 to vector<16xi32>
      %add3A_183 = arith.addi %mul3A_21, %add3A_182 : vector<16xi32>
      %gather3A_184 = tpu.vector_load_idx %arg5[%add3A_183] : memref<32768xf32, #tpu.memory_space<vmem>>[vector<16xi32>], vector<16xf32>,
      %gt3A_185 = arith.cmpf ogt, %gather3A_184, %select_n3A_178 : vector<16xf32>
      %gt3A_186 = arith.cmpf ogt, %gather3A_184, %select_n3A_176 : vector<16xf32>
      %select_n3A_187 = arith.select %gt3A_186, %broadcast_in_dim3A_180, %select_n3A_174 : vector<16xi1>, vector<16xi32>
      %select_n3A_188 = arith.select %gt3A_185, %select_n3A_177, %select_n3A_187 : vector<16xi1>, vector<16xi32>
      %select_n3A_189 = arith.select %gt3A_186, %gather3A_184, %select_n3A_176 : vector<16xi1>, vector<16xf32>
      %select_n3A_190 = arith.select %gt3A_185, %select_n3A_178, %select_n3A_189 : vector<16xi1>, vector<16xf32>
      %select_n3A_191 = arith.select %gt3A_185, %broadcast_in_dim3A_180, %select_n3A_177 : vector<16xi1>, vector<16xi32>
      %select_n3A_192 = arith.select %gt3A_185, %gather3A_184, %select_n3A_178 : vector<16xi1>, vector<16xf32>
      %broadcast_in_dim3A_193 = arith.constant 13 : i32
      %broadcast_in_dim3A_194 = vector.broadcast %broadcast_in_dim3A_193 : i32 to vector<16xi32>
      %add3A_195 = arith.constant 13 : i32
      %add3A_196 = vector.broadcast %add3A_195 : i32 to vector<16xi32>
      %add3A_197 = arith.addi %mul3A_21, %add3A_196 : vector<16xi32>
      %gather3A_198 = tpu.vector_load_idx %arg5[%add3A_197] : memref<32768xf32, #tpu.memory_space<vmem>>[vector<16xi32>], vector<16xf32>,
      %gt3A_199 = arith.cmpf ogt, %gather3A_198, %select_n3A_192 : vector<16xf32>
      %gt3A_200 = arith.cmpf ogt, %gather3A_198, %select_n3A_190 : vector<16xf32>
      %select_n3A_201 = arith.select %gt3A_200, %broadcast_in_dim3A_194, %select_n3A_188 : vector<16xi1>, vector<16xi32>
      %select_n3A_202 = arith.select %gt3A_199, %select_n3A_191, %select_n3A_201 : vector<16xi1>, vector<16xi32>
      %select_n3A_203 = arith.select %gt3A_200, %gather3A_198, %select_n3A_190 : vector<16xi1>, vector<16xf32>
      %select_n3A_204 = arith.select %gt3A_199, %select_n3A_192, %select_n3A_203 : vector<16xi1>, vector<16xf32>
      %select_n3A_205 = arith.select %gt3A_199, %broadcast_in_dim3A_194, %select_n3A_191 : vector<16xi1>, vector<16xi32>
      %select_n3A_206 = arith.select %gt3A_199, %gather3A_198, %select_n3A_192 : vector<16xi1>, vector<16xf32>
      %broadcast_in_dim3A_207 = arith.constant 14 : i32
      %broadcast_in_dim3A_208 = vector.broadcast %broadcast_in_dim3A_207 : i32 to vector<16xi32>
      %add3A_209 = arith.constant 14 : i32
      %add3A_210 = vector.broadcast %add3A_209 : i32 to vector<16xi32>
      %add3A_211 = arith.addi %mul3A_21, %add3A_210 : vector<16xi32>
      %gather3A_212 = tpu.vector_load_idx %arg5[%add3A_211] : memref<32768xf32, #tpu.memory_space<vmem>>[vector<16xi32>], vector<16xf32>,
      %gt3A_213 = arith.cmpf ogt, %gather3A_212, %select_n3A_206 : vector<16xf32>
      %gt3A_214 = arith.cmpf ogt, %gather3A_212, %select_n3A_204 : vector<16xf32>
      %select_n3A_215 = arith.select %gt3A_214, %broadcast_in_dim3A_208, %select_n3A_202 : vector<16xi1>, vector<16xi32>
      %select_n3A_216 = arith.select %gt3A_213, %select_n3A_205, %select_n3A_215 : vector<16xi1>, vector<16xi32>
      %select_n3A_217 = arith.select %gt3A_214, %gather3A_212, %select_n3A_204 : vector<16xi1>, vector<16xf32>
      %select_n3A_218 = arith.select %gt3A_213, %select_n3A_206, %select_n3A_217 : vector<16xi1>, vector<16xf32>
      %select_n3A_219 = arith.select %gt3A_213, %broadcast_in_dim3A_208, %select_n3A_205 : vector<16xi1>, vector<16xi32>
      %select_n3A_220 = arith.select %gt3A_213, %gather3A_212, %select_n3A_206 : vector<16xi1>, vector<16xf32>
      %broadcast_in_dim3A_221 = arith.constant 15 : i32
      %broadcast_in_dim3A_222 = vector.broadcast %broadcast_in_dim3A_221 : i32 to vector<16xi32>
      %add3A_223 = arith.constant 15 : i32
      %add3A_224 = vector.broadcast %add3A_223 : i32 to vector<16xi32>
      %add3A_225 = arith.addi %mul3A_21, %add3A_224 : vector<16xi32>
      %gather3A_226 = tpu.vector_load_idx %arg5[%add3A_225] : memref<32768xf32, #tpu.memory_space<vmem>>[vector<16xi32>], vector<16xf32>,
      %gt3A_227 = arith.cmpf ogt, %gather3A_226, %select_n3A_220 : vector<16xf32>
      %gt3A_228 = arith.cmpf ogt, %gather3A_226, %select_n3A_218 : vector<16xf32>
      %select_n3A_229 = arith.select %gt3A_228, %broadcast_in_dim3A_222, %select_n3A_216 : vector<16xi1>, vector<16xi32>
      %select_n3A_230 = arith.select %gt3A_227, %select_n3A_219, %select_n3A_229 : vector<16xi1>, vector<16xi32>
      %select_n3A_231 = arith.select %gt3A_228, %gather3A_226, %select_n3A_218 : vector<16xi1>, vector<16xf32>
      %select_n3A_232 = arith.select %gt3A_227, %select_n3A_220, %select_n3A_231 : vector<16xi1>, vector<16xf32>
      %select_n3A_233 = arith.select %gt3A_227, %broadcast_in_dim3A_222, %select_n3A_219 : vector<16xi1>, vector<16xi32>
      %select_n3A_234 = arith.select %gt3A_227, %gather3A_226, %select_n3A_220 : vector<16xi1>, vector<16xf32>
      %broadcast_in_dim3A_235 = arith.constant 16 : i32
      %broadcast_in_dim3A_236 = vector.broadcast %broadcast_in_dim3A_235 : i32 to vector<16xi32>
      %add3A_237 = arith.constant 16 : i32
      %add3A_238 = vector.broadcast %add3A_237 : i32 to vector<16xi32>
      %add3A_239 = arith.addi %mul3A_21, %add3A_238 : vector<16xi32>
      %gather3A_240 = tpu.vector_load_idx %arg5[%add3A_239] : memref<32768xf32, #tpu.memory_space<vmem>>[vector<16xi32>], vector<16xf32>,
      %gt3A_241 = arith.cmpf ogt, %gather3A_240, %select_n3A_234 : vector<16xf32>
      %gt3A_242 = arith.cmpf ogt, %gather3A_240, %select_n3A_232 : vector<16xf32>
      %select_n3A_243 = arith.select %gt3A_242, %broadcast_in_dim3A_236, %select_n3A_230 : vector<16xi1>, vector<16xi32>
      %select_n3A_244 = arith.select %gt3A_241, %select_n3A_233, %select_n3A_243 : vector<16xi1>, vector<16xi32>
      %select_n3A_245 = arith.select %gt3A_242, %gather3A_240, %select_n3A_232 : vector<16xi1>, vector<16xf32>
      %select_n3A_246 = arith.select %gt3A_241, %select_n3A_234, %select_n3A_245 : vector<16xi1>, vector<16xf32>
      %select_n3A_247 = arith.select %gt3A_241, %broadcast_in_dim3A_236, %select_n3A_233 : vector<16xi1>, vector<16xi32>
      %select_n3A_248 = arith.select %gt3A_241, %gather3A_240, %select_n3A_234 : vector<16xi1>, vector<16xf32>
      %broadcast_in_dim3A_249 = arith.constant 17 : i32
      %broadcast_in_dim3A_250 = vector.broadcast %broadcast_in_dim3A_249 : i32 to vector<16xi32>
      %add3A_251 = arith.constant 17 : i32
      %add3A_252 = vector.broadcast %add3A_251 : i32 to vector<16xi32>
      %add3A_253 = arith.addi %mul3A_21, %add3A_252 : vector<16xi32>
      %gather3A_254 = tpu.vector_load_idx %arg5[%add3A_253] : memref<32768xf32, #tpu.memory_space<vmem>>[vector<16xi32>], vector<16xf32>,
      %gt3A_255 = arith.cmpf ogt, %gather3A_254, %select_n3A_248 : vector<16xf32>
      %gt3A_256 = arith.cmpf ogt, %gather3A_254, %select_n3A_246 : vector<16xf32>
      %select_n3A_257 = arith.select %gt3A_256, %broadcast_in_dim3A_250, %select_n3A_244 : vector<16xi1>, vector<16xi32>
      %select_n3A_258 = arith.select %gt3A_255, %select_n3A_247, %select_n3A_257 : vector<16xi1>, vector<16xi32>
      %select_n3A_259 = arith.select %gt3A_256, %gather3A_254, %select_n3A_246 : vector<16xi1>, vector<16xf32>
      %select_n3A_260 = arith.select %gt3A_255, %select_n3A_248, %select_n3A_259 : vector<16xi1>, vector<16xf32>
      %select_n3A_261 = arith.select %gt3A_255, %broadcast_in_dim3A_250, %select_n3A_247 : vector<16xi1>, vector<16xi32>
      %select_n3A_262 = arith.select %gt3A_255, %gather3A_254, %select_n3A_248 : vector<16xi1>, vector<16xf32>
      %broadcast_in_dim3A_263 = arith.constant 18 : i32
      %broadcast_in_dim3A_264 = vector.broadcast %broadcast_in_dim3A_263 : i32 to vector<16xi32>
      %add3A_265 = arith.constant 18 : i32
      %add3A_266 = vector.broadcast %add3A_265 : i32 to vector<16xi32>
      %add3A_267 = arith.addi %mul3A_21, %add3A_266 : vector<16xi32>
      %gather3A_268 = tpu.vector_load_idx %arg5[%add3A_267] : memref<32768xf32, #tpu.memory_space<vmem>>[vector<16xi32>], vector<16xf32>,
      %gt3A_269 = arith.cmpf ogt, %gather3A_268, %select_n3A_262 : vector<16xf32>
      %gt3A_270 = arith.cmpf ogt, %gather3A_268, %select_n3A_260 : vector<16xf32>
      %select_n3A_271 = arith.select %gt3A_270, %broadcast_in_dim3A_264, %select_n3A_258 : vector<16xi1>, vector<16xi32>
      %select_n3A_272 = arith.select %gt3A_269, %select_n3A_261, %select_n3A_271 : vector<16xi1>, vector<16xi32>
      %select_n3A_273 = arith.select %gt3A_270, %gather3A_268, %select_n3A_260 : vector<16xi1>, vector<16xf32>
      %select_n3A_274 = arith.select %gt3A_269, %select_n3A_262, %select_n3A_273 : vector<16xi1>, vector<16xf32>
      %select_n3A_275 = arith.select %gt3A_269, %broadcast_in_dim3A_264, %select_n3A_261 : vector<16xi1>, vector<16xi32>
      %select_n3A_276 = arith.select %gt3A_269, %gather3A_268, %select_n3A_262 : vector<16xi1>, vector<16xf32>
      %broadcast_in_dim3A_277 = arith.constant 19 : i32
      %broadcast_in_dim3A_278 = vector.broadcast %broadcast_in_dim3A_277 : i32 to vector<16xi32>
      %add3A_279 = arith.constant 19 : i32
      %add3A_280 = vector.broadcast %add3A_279 : i32 to vector<16xi32>
      %add3A_281 = arith.addi %mul3A_21, %add3A_280 : vector<16xi32>
      %gather3A_282 = tpu.vector_load_idx %arg5[%add3A_281] : memref<32768xf32, #tpu.memory_space<vmem>>[vector<16xi32>], vector<16xf32>,
      %gt3A_283 = arith.cmpf ogt, %gather3A_282, %select_n3A_276 : vector<16xf32>
      %gt3A_284 = arith.cmpf ogt, %gather3A_282, %select_n3A_274 : vector<16xf32>
      %select_n3A_285 = arith.select %gt3A_284, %broadcast_in_dim3A_278, %select_n3A_272 : vector<16xi1>, vector<16xi32>
      %select_n3A_286 = arith.select %gt3A_283, %select_n3A_275, %select_n3A_285 : vector<16xi1>, vector<16xi32>
      %select_n3A_287 = arith.select %gt3A_284, %gather3A_282, %select_n3A_274 : vector<16xi1>, vector<16xf32>
      %select_n3A_288 = arith.select %gt3A_283, %select_n3A_276, %select_n3A_287 : vector<16xi1>, vector<16xf32>
      %select_n3A_289 = arith.select %gt3A_283, %broadcast_in_dim3A_278, %select_n3A_275 : vector<16xi1>, vector<16xi32>
      %select_n3A_290 = arith.select %gt3A_283, %gather3A_282, %select_n3A_276 : vector<16xi1>, vector<16xf32>
      %broadcast_in_dim3A_291 = arith.constant 20 : i32
      %broadcast_in_dim3A_292 = vector.broadcast %broadcast_in_dim3A_291 : i32 to vector<16xi32>
      %add3A_293 = arith.constant 20 : i32
      %add3A_294 = vector.broadcast %add3A_293 : i32 to vector<16xi32>
      %add3A_295 = arith.addi %mul3A_21, %add3A_294 : vector<16xi32>
      %gather3A_296 = tpu.vector_load_idx %arg5[%add3A_295] : memref<32768xf32, #tpu.memory_space<vmem>>[vector<16xi32>], vector<16xf32>,
      %gt3A_297 = arith.cmpf ogt, %gather3A_296, %select_n3A_290 : vector<16xf32>
      %gt3A_298 = arith.cmpf ogt, %gather3A_296, %select_n3A_288 : vector<16xf32>
      %select_n3A_299 = arith.select %gt3A_298, %broadcast_in_dim3A_292, %select_n3A_286 : vector<16xi1>, vector<16xi32>
      %select_n3A_300 = arith.select %gt3A_297, %select_n3A_289, %select_n3A_299 : vector<16xi1>, vector<16xi32>
      %select_n3A_301 = arith.select %gt3A_298, %gather3A_296, %select_n3A_288 : vector<16xi1>, vector<16xf32>
      %select_n3A_302 = arith.select %gt3A_297, %select_n3A_290, %select_n3A_301 : vector<16xi1>, vector<16xf32>
      %select_n3A_303 = arith.select %gt3A_297, %broadcast_in_dim3A_292, %select_n3A_289 : vector<16xi1>, vector<16xi32>
      %select_n3A_304 = arith.select %gt3A_297, %gather3A_296, %select_n3A_290 : vector<16xi1>, vector<16xf32>
      %broadcast_in_dim3A_305 = arith.constant 21 : i32
      %broadcast_in_dim3A_306 = vector.broadcast %broadcast_in_dim3A_305 : i32 to vector<16xi32>
      %add3A_307 = arith.constant 21 : i32
      %add3A_308 = vector.broadcast %add3A_307 : i32 to vector<16xi32>
      %add3A_309 = arith.addi %mul3A_21, %add3A_308 : vector<16xi32>
      %gather3A_310 = tpu.vector_load_idx %arg5[%add3A_309] : memref<32768xf32, #tpu.memory_space<vmem>>[vector<16xi32>], vector<16xf32>,
      %gt3A_311 = arith.cmpf ogt, %gather3A_310, %select_n3A_304 : vector<16xf32>
      %gt3A_312 = arith.cmpf ogt, %gather3A_310, %select_n3A_302 : vector<16xf32>
      %select_n3A_313 = arith.select %gt3A_312, %broadcast_in_dim3A_306, %select_n3A_300 : vector<16xi1>, vector<16xi32>
      %select_n3A_314 = arith.select %gt3A_311, %select_n3A_303, %select_n3A_313 : vector<16xi1>, vector<16xi32>
      %select_n3A_315 = arith.select %gt3A_312, %gather3A_310, %select_n3A_302 : vector<16xi1>, vector<16xf32>
      %select_n3A_316 = arith.select %gt3A_311, %select_n3A_304, %select_n3A_315 : vector<16xi1>, vector<16xf32>
      %select_n3A_317 = arith.select %gt3A_311, %broadcast_in_dim3A_306, %select_n3A_303 : vector<16xi1>, vector<16xi32>
      %select_n3A_318 = arith.select %gt3A_311, %gather3A_310, %select_n3A_304 : vector<16xi1>, vector<16xf32>
      %broadcast_in_dim3A_319 = arith.constant 22 : i32
      %broadcast_in_dim3A_320 = vector.broadcast %broadcast_in_dim3A_319 : i32 to vector<16xi32>
      %add3A_321 = arith.constant 22 : i32
      %add3A_322 = vector.broadcast %add3A_321 : i32 to vector<16xi32>
      %add3A_323 = arith.addi %mul3A_21, %add3A_322 : vector<16xi32>
      %gather3A_324 = tpu.vector_load_idx %arg5[%add3A_323] : memref<32768xf32, #tpu.memory_space<vmem>>[vector<16xi32>], vector<16xf32>,
      %gt3A_325 = arith.cmpf ogt, %gather3A_324, %select_n3A_318 : vector<16xf32>
      %gt3A_326 = arith.cmpf ogt, %gather3A_324, %select_n3A_316 : vector<16xf32>
      %select_n3A_327 = arith.select %gt3A_326, %broadcast_in_dim3A_320, %select_n3A_314 : vector<16xi1>, vector<16xi32>
      %select_n3A_328 = arith.select %gt3A_325, %select_n3A_317, %select_n3A_327 : vector<16xi1>, vector<16xi32>
      %select_n3A_329 = arith.select %gt3A_326, %gather3A_324, %select_n3A_316 : vector<16xi1>, vector<16xf32>
      %select_n3A_330 = arith.select %gt3A_325, %select_n3A_318, %select_n3A_329 : vector<16xi1>, vector<16xf32>
      %select_n3A_331 = arith.select %gt3A_325, %broadcast_in_dim3A_320, %select_n3A_317 : vector<16xi1>, vector<16xi32>
      %select_n3A_332 = arith.select %gt3A_325, %gather3A_324, %select_n3A_318 : vector<16xi1>, vector<16xf32>
      %broadcast_in_dim3A_333 = arith.constant 23 : i32
      %broadcast_in_dim3A_334 = vector.broadcast %broadcast_in_dim3A_333 : i32 to vector<16xi32>
      %add3A_335 = arith.constant 23 : i32
      %add3A_336 = vector.broadcast %add3A_335 : i32 to vector<16xi32>
      %add3A_337 = arith.addi %mul3A_21, %add3A_336 : vector<16xi32>
      %gather3A_338 = tpu.vector_load_idx %arg5[%add3A_337] : memref<32768xf32, #tpu.memory_space<vmem>>[vector<16xi32>], vector<16xf32>,
      %gt3A_339 = arith.cmpf ogt, %gather3A_338, %select_n3A_332 : vector<16xf32>
      %gt3A_340 = arith.cmpf ogt, %gather3A_338, %select_n3A_330 : vector<16xf32>
      %select_n3A_341 = arith.select %gt3A_340, %broadcast_in_dim3A_334, %select_n3A_328 : vector<16xi1>, vector<16xi32>
      %select_n3A_342 = arith.select %gt3A_339, %select_n3A_331, %select_n3A_341 : vector<16xi1>, vector<16xi32>
      %select_n3A_343 = arith.select %gt3A_340, %gather3A_338, %select_n3A_330 : vector<16xi1>, vector<16xf32>
      %select_n3A_344 = arith.select %gt3A_339, %select_n3A_332, %select_n3A_343 : vector<16xi1>, vector<16xf32>
      %select_n3A_345 = arith.select %gt3A_339, %broadcast_in_dim3A_334, %select_n3A_331 : vector<16xi1>, vector<16xi32>
      %select_n3A_346 = arith.select %gt3A_339, %gather3A_338, %select_n3A_332 : vector<16xi1>, vector<16xf32>
      %broadcast_in_dim3A_347 = arith.constant 24 : i32
      %broadcast_in_dim3A_348 = vector.broadcast %broadcast_in_dim3A_347 : i32 to vector<16xi32>
      %add3A_349 = arith.constant 24 : i32
      %add3A_350 = vector.broadcast %add3A_349 : i32 to vector<16xi32>
      %add3A_351 = arith.addi %mul3A_21, %add3A_350 : vector<16xi32>
      %gather3A_352 = tpu.vector_load_idx %arg5[%add3A_351] : memref<32768xf32, #tpu.memory_space<vmem>>[vector<16xi32>], vector<16xf32>,
      %gt3A_353 = arith.cmpf ogt, %gather3A_352, %select_n3A_346 : vector<16xf32>
      %gt3A_354 = arith.cmpf ogt, %gather3A_352, %select_n3A_344 : vector<16xf32>
      %select_n3A_355 = arith.select %gt3A_354, %broadcast_in_dim3A_348, %select_n3A_342 : vector<16xi1>, vector<16xi32>
      %select_n3A_356 = arith.select %gt3A_353, %select_n3A_345, %select_n3A_355 : vector<16xi1>, vector<16xi32>
      %select_n3A_357 = arith.select %gt3A_354, %gather3A_352, %select_n3A_344 : vector<16xi1>, vector<16xf32>
      %select_n3A_358 = arith.select %gt3A_353, %select_n3A_346, %select_n3A_357 : vector<16xi1>, vector<16xf32>
      %select_n3A_359 = arith.select %gt3A_353, %broadcast_in_dim3A_348, %select_n3A_345 : vector<16xi1>, vector<16xi32>
      %select_n3A_360 = arith.select %gt3A_353, %gather3A_352, %select_n3A_346 : vector<16xi1>, vector<16xf32>
      %broadcast_in_dim3A_361 = arith.constant 25 : i32
      %broadcast_in_dim3A_362 = vector.broadcast %broadcast_in_dim3A_361 : i32 to vector<16xi32>
      %add3A_363 = arith.constant 25 : i32
      %add3A_364 = vector.broadcast %add3A_363 : i32 to vector<16xi32>
      %add3A_365 = arith.addi %mul3A_21, %add3A_364 : vector<16xi32>
      %gather3A_366 = tpu.vector_load_idx %arg5[%add3A_365] : memref<32768xf32, #tpu.memory_space<vmem>>[vector<16xi32>], vector<16xf32>,
      %gt3A_367 = arith.cmpf ogt, %gather3A_366, %select_n3A_360 : vector<16xf32>
      %gt3A_368 = arith.cmpf ogt, %gather3A_366, %select_n3A_358 : vector<16xf32>
      %select_n3A_369 = arith.select %gt3A_368, %broadcast_in_dim3A_362, %select_n3A_356 : vector<16xi1>, vector<16xi32>
      %select_n3A_370 = arith.select %gt3A_367, %select_n3A_359, %select_n3A_369 : vector<16xi1>, vector<16xi32>
      %select_n3A_371 = arith.select %gt3A_368, %gather3A_366, %select_n3A_358 : vector<16xi1>, vector<16xf32>
      %select_n3A_372 = arith.select %gt3A_367, %select_n3A_360, %select_n3A_371 : vector<16xi1>, vector<16xf32>
      %select_n3A_373 = arith.select %gt3A_367, %broadcast_in_dim3A_362, %select_n3A_359 : vector<16xi1>, vector<16xi32>
      %select_n3A_374 = arith.select %gt3A_367, %gather3A_366, %select_n3A_360 : vector<16xi1>, vector<16xf32>
      %broadcast_in_dim3A_375 = arith.constant 26 : i32
      %broadcast_in_dim3A_376 = vector.broadcast %broadcast_in_dim3A_375 : i32 to vector<16xi32>
      %add3A_377 = arith.constant 26 : i32
      %add3A_378 = vector.broadcast %add3A_377 : i32 to vector<16xi32>
      %add3A_379 = arith.addi %mul3A_21, %add3A_378 : vector<16xi32>
      %gather3A_380 = tpu.vector_load_idx %arg5[%add3A_379] : memref<32768xf32, #tpu.memory_space<vmem>>[vector<16xi32>], vector<16xf32>,
      %gt3A_381 = arith.cmpf ogt, %gather3A_380, %select_n3A_374 : vector<16xf32>
      %gt3A_382 = arith.cmpf ogt, %gather3A_380, %select_n3A_372 : vector<16xf32>
      %select_n3A_383 = arith.select %gt3A_382, %broadcast_in_dim3A_376, %select_n3A_370 : vector<16xi1>, vector<16xi32>
      %select_n3A_384 = arith.select %gt3A_381, %select_n3A_373, %select_n3A_383 : vector<16xi1>, vector<16xi32>
      %select_n3A_385 = arith.select %gt3A_382, %gather3A_380, %select_n3A_372 : vector<16xi1>, vector<16xf32>
      %select_n3A_386 = arith.select %gt3A_381, %select_n3A_374, %select_n3A_385 : vector<16xi1>, vector<16xf32>
      %select_n3A_387 = arith.select %gt3A_381, %broadcast_in_dim3A_376, %select_n3A_373 : vector<16xi1>, vector<16xi32>
      %select_n3A_388 = arith.select %gt3A_381, %gather3A_380, %select_n3A_374 : vector<16xi1>, vector<16xf32>
      %broadcast_in_dim3A_389 = arith.constant 27 : i32
      %broadcast_in_dim3A_390 = vector.broadcast %broadcast_in_dim3A_389 : i32 to vector<16xi32>
      %add3A_391 = arith.constant 27 : i32
      %add3A_392 = vector.broadcast %add3A_391 : i32 to vector<16xi32>
      %add3A_393 = arith.addi %mul3A_21, %add3A_392 : vector<16xi32>
      %gather3A_394 = tpu.vector_load_idx %arg5[%add3A_393] : memref<32768xf32, #tpu.memory_space<vmem>>[vector<16xi32>], vector<16xf32>,
      %gt3A_395 = arith.cmpf ogt, %gather3A_394, %select_n3A_388 : vector<16xf32>
      %gt3A_396 = arith.cmpf ogt, %gather3A_394, %select_n3A_386 : vector<16xf32>
      %select_n3A_397 = arith.select %gt3A_396, %broadcast_in_dim3A_390, %select_n3A_384 : vector<16xi1>, vector<16xi32>
      %select_n3A_398 = arith.select %gt3A_395, %select_n3A_387, %select_n3A_397 : vector<16xi1>, vector<16xi32>
      %select_n3A_399 = arith.select %gt3A_396, %gather3A_394, %select_n3A_386 : vector<16xi1>, vector<16xf32>
      %select_n3A_400 = arith.select %gt3A_395, %select_n3A_388, %select_n3A_399 : vector<16xi1>, vector<16xf32>
      %select_n3A_401 = arith.select %gt3A_395, %broadcast_in_dim3A_390, %select_n3A_387 : vector<16xi1>, vector<16xi32>
      %select_n3A_402 = arith.select %gt3A_395, %gather3A_394, %select_n3A_388 : vector<16xi1>, vector<16xf32>
      %broadcast_in_dim3A_403 = arith.constant 28 : i32
      %broadcast_in_dim3A_404 = vector.broadcast %broadcast_in_dim3A_403 : i32 to vector<16xi32>
      %add3A_405 = arith.constant 28 : i32
      %add3A_406 = vector.broadcast %add3A_405 : i32 to vector<16xi32>
      %add3A_407 = arith.addi %mul3A_21, %add3A_406 : vector<16xi32>
      %gather3A_408 = tpu.vector_load_idx %arg5[%add3A_407] : memref<32768xf32, #tpu.memory_space<vmem>>[vector<16xi32>], vector<16xf32>,
      %gt3A_409 = arith.cmpf ogt, %gather3A_408, %select_n3A_402 : vector<16xf32>
      %gt3A_410 = arith.cmpf ogt, %gather3A_408, %select_n3A_400 : vector<16xf32>
      %select_n3A_411 = arith.select %gt3A_410, %broadcast_in_dim3A_404, %select_n3A_398 : vector<16xi1>, vector<16xi32>
      %select_n3A_412 = arith.select %gt3A_409, %select_n3A_401, %select_n3A_411 : vector<16xi1>, vector<16xi32>
      %select_n3A_413 = arith.select %gt3A_410, %gather3A_408, %select_n3A_400 : vector<16xi1>, vector<16xf32>
      %select_n3A_414 = arith.select %gt3A_409, %select_n3A_402, %select_n3A_413 : vector<16xi1>, vector<16xf32>
      %select_n3A_415 = arith.select %gt3A_409, %broadcast_in_dim3A_404, %select_n3A_401 : vector<16xi1>, vector<16xi32>
      %select_n3A_416 = arith.select %gt3A_409, %gather3A_408, %select_n3A_402 : vector<16xi1>, vector<16xf32>
      %broadcast_in_dim3A_417 = arith.constant 29 : i32
      %broadcast_in_dim3A_418 = vector.broadcast %broadcast_in_dim3A_417 : i32 to vector<16xi32>
      %add3A_419 = arith.constant 29 : i32
      %add3A_420 = vector.broadcast %add3A_419 : i32 to vector<16xi32>
      %add3A_421 = arith.addi %mul3A_21, %add3A_420 : vector<16xi32>
      %gather3A_422 = tpu.vector_load_idx %arg5[%add3A_421] : memref<32768xf32, #tpu.memory_space<vmem>>[vector<16xi32>], vector<16xf32>,
      %gt3A_423 = arith.cmpf ogt, %gather3A_422, %select_n3A_416 : vector<16xf32>
      %gt3A_424 = arith.cmpf ogt, %gather3A_422, %select_n3A_414 : vector<16xf32>
      %select_n3A_425 = arith.select %gt3A_424, %broadcast_in_dim3A_418, %select_n3A_412 : vector<16xi1>, vector<16xi32>
      %select_n3A_426 = arith.select %gt3A_423, %select_n3A_415, %select_n3A_425 : vector<16xi1>, vector<16xi32>
      %select_n3A_427 = arith.select %gt3A_424, %gather3A_422, %select_n3A_414 : vector<16xi1>, vector<16xf32>
      %select_n3A_428 = arith.select %gt3A_423, %select_n3A_416, %select_n3A_427 : vector<16xi1>, vector<16xf32>
      %select_n3A_429 = arith.select %gt3A_423, %broadcast_in_dim3A_418, %select_n3A_415 : vector<16xi1>, vector<16xi32>
      %select_n3A_430 = arith.select %gt3A_423, %gather3A_422, %select_n3A_416 : vector<16xi1>, vector<16xf32>
      %broadcast_in_dim3A_431 = arith.constant 30 : i32
      %broadcast_in_dim3A_432 = vector.broadcast %broadcast_in_dim3A_431 : i32 to vector<16xi32>
      %add3A_433 = arith.constant 30 : i32
      %add3A_434 = vector.broadcast %add3A_433 : i32 to vector<16xi32>
      %add3A_435 = arith.addi %mul3A_21, %add3A_434 : vector<16xi32>
      %gather3A_436 = tpu.vector_load_idx %arg5[%add3A_435] : memref<32768xf32, #tpu.memory_space<vmem>>[vector<16xi32>], vector<16xf32>,
      %gt3A_437 = arith.cmpf ogt, %gather3A_436, %select_n3A_430 : vector<16xf32>
      %gt3A_438 = arith.cmpf ogt, %gather3A_436, %select_n3A_428 : vector<16xf32>
      %select_n3A_439 = arith.select %gt3A_438, %broadcast_in_dim3A_432, %select_n3A_426 : vector<16xi1>, vector<16xi32>
      %select_n3A_440 = arith.select %gt3A_437, %select_n3A_429, %select_n3A_439 : vector<16xi1>, vector<16xi32>
      %select_n3A_441 = arith.select %gt3A_438, %gather3A_436, %select_n3A_428 : vector<16xi1>, vector<16xf32>
      %select_n3A_442 = arith.select %gt3A_437, %select_n3A_430, %select_n3A_441 : vector<16xi1>, vector<16xf32>
      %select_n3A_443 = arith.select %gt3A_437, %broadcast_in_dim3A_432, %select_n3A_429 : vector<16xi1>, vector<16xi32>
      %select_n3A_444 = arith.select %gt3A_437, %gather3A_436, %select_n3A_430 : vector<16xi1>, vector<16xf32>
      %broadcast_in_dim3A_445 = arith.constant 31 : i32
      %broadcast_in_dim3A_446 = vector.broadcast %broadcast_in_dim3A_445 : i32 to vector<16xi32>
      %add3A_447 = arith.constant 31 : i32
      %add3A_448 = vector.broadcast %add3A_447 : i32 to vector<16xi32>
      %add3A_449 = arith.addi %mul3A_21, %add3A_448 : vector<16xi32>
      %gather3A_450 = tpu.vector_load_idx %arg5[%add3A_449] : memref<32768xf32, #tpu.memory_space<vmem>>[vector<16xi32>], vector<16xf32>,
      %gt3A_451 = arith.cmpf ogt, %gather3A_450, %select_n3A_444 : vector<16xf32>
      %gt3A_452 = arith.cmpf ogt, %gather3A_450, %select_n3A_442 : vector<16xf32>
      %select_n3A_453 = arith.select %gt3A_452, %broadcast_in_dim3A_446, %select_n3A_440 : vector<16xi1>, vector<16xi32>
      %select_n3A_454 = arith.select %gt3A_451, %select_n3A_443, %select_n3A_453 : vector<16xi1>, vector<16xi32>
      %select_n3A_455 = arith.select %gt3A_452, %gather3A_450, %select_n3A_442 : vector<16xi1>, vector<16xf32>
      %select_n3A_456 = arith.select %gt3A_451, %select_n3A_444, %select_n3A_455 : vector<16xi1>, vector<16xf32>
      %select_n3A_457 = arith.select %gt3A_451, %broadcast_in_dim3A_446, %select_n3A_443 : vector<16xi1>, vector<16xi32>
      %select_n3A_458 = arith.select %gt3A_451, %gather3A_450, %select_n3A_444 : vector<16xi1>, vector<16xf32>
      %broadcast_in_dim3A_459 = arith.constant 32 : i32
      %broadcast_in_dim3A_460 = vector.broadcast %broadcast_in_dim3A_459 : i32 to vector<16xi32>
      %add3A_461 = arith.constant 32 : i32
      %add3A_462 = vector.broadcast %add3A_461 : i32 to vector<16xi32>
      %add3A_463 = arith.addi %mul3A_21, %add3A_462 : vector<16xi32>
      %gather3A_464 = tpu.vector_load_idx %arg5[%add3A_463] : memref<32768xf32, #tpu.memory_space<vmem>>[vector<16xi32>], vector<16xf32>,
      %gt3A_465 = arith.cmpf ogt, %gather3A_464, %select_n3A_458 : vector<16xf32>
      %gt3A_466 = arith.cmpf ogt, %gather3A_464, %select_n3A_456 : vector<16xf32>
      %select_n3A_467 = arith.select %gt3A_466, %broadcast_in_dim3A_460, %select_n3A_454 : vector<16xi1>, vector<16xi32>
      %select_n3A_468 = arith.select %gt3A_465, %select_n3A_457, %select_n3A_467 : vector<16xi1>, vector<16xi32>
      %select_n3A_469 = arith.select %gt3A_466, %gather3A_464, %select_n3A_456 : vector<16xi1>, vector<16xf32>
      %select_n3A_470 = arith.select %gt3A_465, %select_n3A_458, %select_n3A_469 : vector<16xi1>, vector<16xf32>
      %select_n3A_471 = arith.select %gt3A_465, %broadcast_in_dim3A_460, %select_n3A_457 : vector<16xi1>, vector<16xi32>
      %select_n3A_472 = arith.select %gt3A_465, %gather3A_464, %select_n3A_458 : vector<16xi1>, vector<16xf32>
      %broadcast_in_dim3A_473 = arith.constant 33 : i32
      %broadcast_in_dim3A_474 = vector.broadcast %broadcast_in_dim3A_473 : i32 to vector<16xi32>
      %add3A_475 = arith.constant 33 : i32
      %add3A_476 = vector.broadcast %add3A_475 : i32 to vector<16xi32>
      %add3A_477 = arith.addi %mul3A_21, %add3A_476 : vector<16xi32>
      %gather3A_478 = tpu.vector_load_idx %arg5[%add3A_477] : memref<32768xf32, #tpu.memory_space<vmem>>[vector<16xi32>], vector<16xf32>,
      %gt3A_479 = arith.cmpf ogt, %gather3A_478, %select_n3A_472 : vector<16xf32>
      %gt3A_480 = arith.cmpf ogt, %gather3A_478, %select_n3A_470 : vector<16xf32>
      %select_n3A_481 = arith.select %gt3A_480, %broadcast_in_dim3A_474, %select_n3A_468 : vector<16xi1>, vector<16xi32>
      %select_n3A_482 = arith.select %gt3A_479, %select_n3A_471, %select_n3A_481 : vector<16xi1>, vector<16xi32>
      %select_n3A_483 = arith.select %gt3A_480, %gather3A_478, %select_n3A_470 : vector<16xi1>, vector<16xf32>
      %select_n3A_484 = arith.select %gt3A_479, %select_n3A_472, %select_n3A_483 : vector<16xi1>, vector<16xf32>
      %select_n3A_485 = arith.select %gt3A_479, %broadcast_in_dim3A_474, %select_n3A_471 : vector<16xi1>, vector<16xi32>
      %select_n3A_486 = arith.select %gt3A_479, %gather3A_478, %select_n3A_472 : vector<16xi1>, vector<16xf32>
      %broadcast_in_dim3A_487 = arith.constant 34 : i32
      %broadcast_in_dim3A_488 = vector.broadcast %broadcast_in_dim3A_487 : i32 to vector<16xi32>
      %add3A_489 = arith.constant 34 : i32
      %add3A_490 = vector.broadcast %add3A_489 : i32 to vector<16xi32>
      %add3A_491 = arith.addi %mul3A_21, %add3A_490 : vector<16xi32>
      %gather3A_492 = tpu.vector_load_idx %arg5[%add3A_491] : memref<32768xf32, #tpu.memory_space<vmem>>[vector<16xi32>], vector<16xf32>,
      %gt3A_493 = arith.cmpf ogt, %gather3A_492, %select_n3A_486 : vector<16xf32>
      %gt3A_494 = arith.cmpf ogt, %gather3A_492, %select_n3A_484 : vector<16xf32>
      %select_n3A_495 = arith.select %gt3A_494, %broadcast_in_dim3A_488, %select_n3A_482 : vector<16xi1>, vector<16xi32>
      %select_n3A_496 = arith.select %gt3A_493, %select_n3A_485, %select_n3A_495 : vector<16xi1>, vector<16xi32>
      %select_n3A_497 = arith.select %gt3A_494, %gather3A_492, %select_n3A_484 : vector<16xi1>, vector<16xf32>
      %select_n3A_498 = arith.select %gt3A_493, %select_n3A_486, %select_n3A_497 : vector<16xi1>, vector<16xf32>
      %select_n3A_499 = arith.select %gt3A_493, %broadcast_in_dim3A_488, %select_n3A_485 : vector<16xi1>, vector<16xi32>
      %select_n3A_500 = arith.select %gt3A_493, %gather3A_492, %select_n3A_486 : vector<16xi1>, vector<16xf32>
      %broadcast_in_dim3A_501 = arith.constant 35 : i32
      %broadcast_in_dim3A_502 = vector.broadcast %broadcast_in_dim3A_501 : i32 to vector<16xi32>
      %add3A_503 = arith.constant 35 : i32
      %add3A_504 = vector.broadcast %add3A_503 : i32 to vector<16xi32>
      %add3A_505 = arith.addi %mul3A_21, %add3A_504 : vector<16xi32>
      %gather3A_506 = tpu.vector_load_idx %arg5[%add3A_505] : memref<32768xf32, #tpu.memory_space<vmem>>[vector<16xi32>], vector<16xf32>,
      %gt3A_507 = arith.cmpf ogt, %gather3A_506, %select_n3A_500 : vector<16xf32>
      %gt3A_508 = arith.cmpf ogt, %gather3A_506, %select_n3A_498 : vector<16xf32>
      %select_n3A_509 = arith.select %gt3A_508, %broadcast_in_dim3A_502, %select_n3A_496 : vector<16xi1>, vector<16xi32>
      %select_n3A_510 = arith.select %gt3A_507, %select_n3A_499, %select_n3A_509 : vector<16xi1>, vector<16xi32>
      %select_n3A_511 = arith.select %gt3A_508, %gather3A_506, %select_n3A_498 : vector<16xi1>, vector<16xf32>
      %select_n3A_512 = arith.select %gt3A_507, %select_n3A_500, %select_n3A_511 : vector<16xi1>, vector<16xf32>
      %select_n3A_513 = arith.select %gt3A_507, %broadcast_in_dim3A_502, %select_n3A_499 : vector<16xi1>, vector<16xi32>
      %select_n3A_514 = arith.select %gt3A_507, %gather3A_506, %select_n3A_500 : vector<16xi1>, vector<16xf32>
      %broadcast_in_dim3A_515 = arith.constant 36 : i32
      %broadcast_in_dim3A_516 = vector.broadcast %broadcast_in_dim3A_515 : i32 to vector<16xi32>
      %add3A_517 = arith.constant 36 : i32
      %add3A_518 = vector.broadcast %add3A_517 : i32 to vector<16xi32>
      %add3A_519 = arith.addi %mul3A_21, %add3A_518 : vector<16xi32>
      %gather3A_520 = tpu.vector_load_idx %arg5[%add3A_519] : memref<32768xf32, #tpu.memory_space<vmem>>[vector<16xi32>], vector<16xf32>,
      %gt3A_521 = arith.cmpf ogt, %gather3A_520, %select_n3A_514 : vector<16xf32>
      %gt3A_522 = arith.cmpf ogt, %gather3A_520, %select_n3A_512 : vector<16xf32>
      %select_n3A_523 = arith.select %gt3A_522, %broadcast_in_dim3A_516, %select_n3A_510 : vector<16xi1>, vector<16xi32>
      %select_n3A_524 = arith.select %gt3A_521, %select_n3A_513, %select_n3A_523 : vector<16xi1>, vector<16xi32>
      %select_n3A_525 = arith.select %gt3A_522, %gather3A_520, %select_n3A_512 : vector<16xi1>, vector<16xf32>
      %select_n3A_526 = arith.select %gt3A_521, %select_n3A_514, %select_n3A_525 : vector<16xi1>, vector<16xf32>
      %select_n3A_527 = arith.select %gt3A_521, %broadcast_in_dim3A_516, %select_n3A_513 : vector<16xi1>, vector<16xi32>
      %select_n3A_528 = arith.select %gt3A_521, %gather3A_520, %select_n3A_514 : vector<16xi1>, vector<16xf32>
      %broadcast_in_dim3A_529 = arith.constant 37 : i32
      %broadcast_in_dim3A_530 = vector.broadcast %broadcast_in_dim3A_529 : i32 to vector<16xi32>
      %add3A_531 = arith.constant 37 : i32
      %add3A_532 = vector.broadcast %add3A_531 : i32 to vector<16xi32>
      %add3A_533 = arith.addi %mul3A_21, %add3A_532 : vector<16xi32>
      %gather3A_534 = tpu.vector_load_idx %arg5[%add3A_533] : memref<32768xf32, #tpu.memory_space<vmem>>[vector<16xi32>], vector<16xf32>,
      %gt3A_535 = arith.cmpf ogt, %gather3A_534, %select_n3A_528 : vector<16xf32>
      %gt3A_536 = arith.cmpf ogt, %gather3A_534, %select_n3A_526 : vector<16xf32>
      %select_n3A_537 = arith.select %gt3A_536, %broadcast_in_dim3A_530, %select_n3A_524 : vector<16xi1>, vector<16xi32>
      %select_n3A_538 = arith.select %gt3A_535, %select_n3A_527, %select_n3A_537 : vector<16xi1>, vector<16xi32>
      %select_n3A_539 = arith.select %gt3A_536, %gather3A_534, %select_n3A_526 : vector<16xi1>, vector<16xf32>
      %select_n3A_540 = arith.select %gt3A_535, %select_n3A_528, %select_n3A_539 : vector<16xi1>, vector<16xf32>
      %select_n3A_541 = arith.select %gt3A_535, %broadcast_in_dim3A_530, %select_n3A_527 : vector<16xi1>, vector<16xi32>
      %select_n3A_542 = arith.select %gt3A_535, %gather3A_534, %select_n3A_528 : vector<16xi1>, vector<16xf32>
      %broadcast_in_dim3A_543 = arith.constant 38 : i32
      %broadcast_in_dim3A_544 = vector.broadcast %broadcast_in_dim3A_543 : i32 to vector<16xi32>
      %add3A_545 = arith.constant 38 : i32
      %add3A_546 = vector.broadcast %add3A_545 : i32 to vector<16xi32>
      %add3A_547 = arith.addi %mul3A_21, %add3A_546 : vector<16xi32>
      %gather3A_548 = tpu.vector_load_idx %arg5[%add3A_547] : memref<32768xf32, #tpu.memory_space<vmem>>[vector<16xi32>], vector<16xf32>,
      %gt3A_549 = arith.cmpf ogt, %gather3A_548, %select_n3A_542 : vector<16xf32>
      %gt3A_550 = arith.cmpf ogt, %gather3A_548, %select_n3A_540 : vector<16xf32>
      %select_n3A_551 = arith.select %gt3A_550, %broadcast_in_dim3A_544, %select_n3A_538 : vector<16xi1>, vector<16xi32>
      %select_n3A_552 = arith.select %gt3A_549, %select_n3A_541, %select_n3A_551 : vector<16xi1>, vector<16xi32>
      %select_n3A_553 = arith.select %gt3A_550, %gather3A_548, %select_n3A_540 : vector<16xi1>, vector<16xf32>
      %select_n3A_554 = arith.select %gt3A_549, %select_n3A_542, %select_n3A_553 : vector<16xi1>, vector<16xf32>
      %select_n3A_555 = arith.select %gt3A_549, %broadcast_in_dim3A_544, %select_n3A_541 : vector<16xi1>, vector<16xi32>
      %select_n3A_556 = arith.select %gt3A_549, %gather3A_548, %select_n3A_542 : vector<16xi1>, vector<16xf32>
      %broadcast_in_dim3A_557 = arith.constant 39 : i32
      %broadcast_in_dim3A_558 = vector.broadcast %broadcast_in_dim3A_557 : i32 to vector<16xi32>
      %add3A_559 = arith.constant 39 : i32
      %add3A_560 = vector.broadcast %add3A_559 : i32 to vector<16xi32>
      %add3A_561 = arith.addi %mul3A_21, %add3A_560 : vector<16xi32>
      %gather3A_562 = tpu.vector_load_idx %arg5[%add3A_561] : memref<32768xf32, #tpu.memory_space<vmem>>[vector<16xi32>], vector<16xf32>,
      %gt3A_563 = arith.cmpf ogt, %gather3A_562, %select_n3A_556 : vector<16xf32>
      %gt3A_564 = arith.cmpf ogt, %gather3A_562, %select_n3A_554 : vector<16xf32>
      %select_n3A_565 = arith.select %gt3A_564, %broadcast_in_dim3A_558, %select_n3A_552 : vector<16xi1>, vector<16xi32>
      %select_n3A_566 = arith.select %gt3A_563, %select_n3A_555, %select_n3A_565 : vector<16xi1>, vector<16xi32>
      %select_n3A_567 = arith.select %gt3A_564, %gather3A_562, %select_n3A_554 : vector<16xi1>, vector<16xf32>
      %select_n3A_568 = arith.select %gt3A_563, %select_n3A_556, %select_n3A_567 : vector<16xi1>, vector<16xf32>
      %select_n3A_569 = arith.select %gt3A_563, %broadcast_in_dim3A_558, %select_n3A_555 : vector<16xi1>, vector<16xi32>
      %select_n3A_570 = arith.select %gt3A_563, %gather3A_562, %select_n3A_556 : vector<16xi1>, vector<16xf32>
      %broadcast_in_dim3A_571 = arith.constant 40 : i32
      %broadcast_in_dim3A_572 = vector.broadcast %broadcast_in_dim3A_571 : i32 to vector<16xi32>
      %add3A_573 = arith.constant 40 : i32
      %add3A_574 = vector.broadcast %add3A_573 : i32 to vector<16xi32>
      %add3A_575 = arith.addi %mul3A_21, %add3A_574 : vector<16xi32>
      %gather3A_576 = tpu.vector_load_idx %arg5[%add3A_575] : memref<32768xf32, #tpu.memory_space<vmem>>[vector<16xi32>], vector<16xf32>,
      %gt3A_577 = arith.cmpf ogt, %gather3A_576, %select_n3A_570 : vector<16xf32>
      %gt3A_578 = arith.cmpf ogt, %gather3A_576, %select_n3A_568 : vector<16xf32>
      %select_n3A_579 = arith.select %gt3A_578, %broadcast_in_dim3A_572, %select_n3A_566 : vector<16xi1>, vector<16xi32>
      %select_n3A_580 = arith.select %gt3A_577, %select_n3A_569, %select_n3A_579 : vector<16xi1>, vector<16xi32>
      %select_n3A_581 = arith.select %gt3A_578, %gather3A_576, %select_n3A_568 : vector<16xi1>, vector<16xf32>
      %select_n3A_582 = arith.select %gt3A_577, %select_n3A_570, %select_n3A_581 : vector<16xi1>, vector<16xf32>
      %select_n3A_583 = arith.select %gt3A_577, %broadcast_in_dim3A_572, %select_n3A_569 : vector<16xi1>, vector<16xi32>
      %select_n3A_584 = arith.select %gt3A_577, %gather3A_576, %select_n3A_570 : vector<16xi1>, vector<16xf32>
      %broadcast_in_dim3A_585 = arith.constant 41 : i32
      %broadcast_in_dim3A_586 = vector.broadcast %broadcast_in_dim3A_585 : i32 to vector<16xi32>
      %add3A_587 = arith.constant 41 : i32
      %add3A_588 = vector.broadcast %add3A_587 : i32 to vector<16xi32>
      %add3A_589 = arith.addi %mul3A_21, %add3A_588 : vector<16xi32>
      %gather3A_590 = tpu.vector_load_idx %arg5[%add3A_589] : memref<32768xf32, #tpu.memory_space<vmem>>[vector<16xi32>], vector<16xf32>,
      %gt3A_591 = arith.cmpf ogt, %gather3A_590, %select_n3A_584 : vector<16xf32>
      %gt3A_592 = arith.cmpf ogt, %gather3A_590, %select_n3A_582 : vector<16xf32>
      %select_n3A_593 = arith.select %gt3A_592, %broadcast_in_dim3A_586, %select_n3A_580 : vector<16xi1>, vector<16xi32>
      %select_n3A_594 = arith.select %gt3A_591, %select_n3A_583, %select_n3A_593 : vector<16xi1>, vector<16xi32>
      %select_n3A_595 = arith.select %gt3A_592, %gather3A_590, %select_n3A_582 : vector<16xi1>, vector<16xf32>
      %select_n3A_596 = arith.select %gt3A_591, %select_n3A_584, %select_n3A_595 : vector<16xi1>, vector<16xf32>
      %select_n3A_597 = arith.select %gt3A_591, %broadcast_in_dim3A_586, %select_n3A_583 : vector<16xi1>, vector<16xi32>
      %select_n3A_598 = arith.select %gt3A_591, %gather3A_590, %select_n3A_584 : vector<16xi1>, vector<16xf32>
      %broadcast_in_dim3A_599 = arith.constant 42 : i32
      %broadcast_in_dim3A_600 = vector.broadcast %broadcast_in_dim3A_599 : i32 to vector<16xi32>
      %add3A_601 = arith.constant 42 : i32
      %add3A_602 = vector.broadcast %add3A_601 : i32 to vector<16xi32>
      %add3A_603 = arith.addi %mul3A_21, %add3A_602 : vector<16xi32>
      %gather3A_604 = tpu.vector_load_idx %arg5[%add3A_603] : memref<32768xf32, #tpu.memory_space<vmem>>[vector<16xi32>], vector<16xf32>,
      %gt3A_605 = arith.cmpf ogt, %gather3A_604, %select_n3A_598 : vector<16xf32>
      %gt3A_606 = arith.cmpf ogt, %gather3A_604, %select_n3A_596 : vector<16xf32>
      %select_n3A_607 = arith.select %gt3A_606, %broadcast_in_dim3A_600, %select_n3A_594 : vector<16xi1>, vector<16xi32>
      %select_n3A_608 = arith.select %gt3A_605, %select_n3A_597, %select_n3A_607 : vector<16xi1>, vector<16xi32>
      %select_n3A_609 = arith.select %gt3A_606, %gather3A_604, %select_n3A_596 : vector<16xi1>, vector<16xf32>
      %select_n3A_610 = arith.select %gt3A_605, %select_n3A_598, %select_n3A_609 : vector<16xi1>, vector<16xf32>
      %select_n3A_611 = arith.select %gt3A_605, %broadcast_in_dim3A_600, %select_n3A_597 : vector<16xi1>, vector<16xi32>
      %select_n3A_612 = arith.select %gt3A_605, %gather3A_604, %select_n3A_598 : vector<16xi1>, vector<16xf32>
      %broadcast_in_dim3A_613 = arith.constant 43 : i32
      %broadcast_in_dim3A_614 = vector.broadcast %broadcast_in_dim3A_613 : i32 to vector<16xi32>
      %add3A_615 = arith.constant 43 : i32
      %add3A_616 = vector.broadcast %add3A_615 : i32 to vector<16xi32>
      %add3A_617 = arith.addi %mul3A_21, %add3A_616 : vector<16xi32>
      %gather3A_618 = tpu.vector_load_idx %arg5[%add3A_617] : memref<32768xf32, #tpu.memory_space<vmem>>[vector<16xi32>], vector<16xf32>,
      %gt3A_619 = arith.cmpf ogt, %gather3A_618, %select_n3A_612 : vector<16xf32>
      %gt3A_620 = arith.cmpf ogt, %gather3A_618, %select_n3A_610 : vector<16xf32>
      %select_n3A_621 = arith.select %gt3A_620, %broadcast_in_dim3A_614, %select_n3A_608 : vector<16xi1>, vector<16xi32>
      %select_n3A_622 = arith.select %gt3A_619, %select_n3A_611, %select_n3A_621 : vector<16xi1>, vector<16xi32>
      %select_n3A_623 = arith.select %gt3A_620, %gather3A_618, %select_n3A_610 : vector<16xi1>, vector<16xf32>
      %select_n3A_624 = arith.select %gt3A_619, %select_n3A_612, %select_n3A_623 : vector<16xi1>, vector<16xf32>
      %select_n3A_625 = arith.select %gt3A_619, %broadcast_in_dim3A_614, %select_n3A_611 : vector<16xi1>, vector<16xi32>
      %select_n3A_626 = arith.select %gt3A_619, %gather3A_618, %select_n3A_612 : vector<16xi1>, vector<16xf32>
      %broadcast_in_dim3A_627 = arith.constant 44 : i32
      %broadcast_in_dim3A_628 = vector.broadcast %broadcast_in_dim3A_627 : i32 to vector<16xi32>
      %add3A_629 = arith.constant 44 : i32
      %add3A_630 = vector.broadcast %add3A_629 : i32 to vector<16xi32>
      %add3A_631 = arith.addi %mul3A_21, %add3A_630 : vector<16xi32>
      %gather3A_632 = tpu.vector_load_idx %arg5[%add3A_631] : memref<32768xf32, #tpu.memory_space<vmem>>[vector<16xi32>], vector<16xf32>,
      %gt3A_633 = arith.cmpf ogt, %gather3A_632, %select_n3A_626 : vector<16xf32>
      %gt3A_634 = arith.cmpf ogt, %gather3A_632, %select_n3A_624 : vector<16xf32>
      %select_n3A_635 = arith.select %gt3A_634, %broadcast_in_dim3A_628, %select_n3A_622 : vector<16xi1>, vector<16xi32>
      %select_n3A_636 = arith.select %gt3A_633, %select_n3A_625, %select_n3A_635 : vector<16xi1>, vector<16xi32>
      %select_n3A_637 = arith.select %gt3A_634, %gather3A_632, %select_n3A_624 : vector<16xi1>, vector<16xf32>
      %select_n3A_638 = arith.select %gt3A_633, %select_n3A_626, %select_n3A_637 : vector<16xi1>, vector<16xf32>
      %select_n3A_639 = arith.select %gt3A_633, %broadcast_in_dim3A_628, %select_n3A_625 : vector<16xi1>, vector<16xi32>
      %select_n3A_640 = arith.select %gt3A_633, %gather3A_632, %select_n3A_626 : vector<16xi1>, vector<16xf32>
      %broadcast_in_dim3A_641 = arith.constant 45 : i32
      %broadcast_in_dim3A_642 = vector.broadcast %broadcast_in_dim3A_641 : i32 to vector<16xi32>
      %add3A_643 = arith.constant 45 : i32
      %add3A_644 = vector.broadcast %add3A_643 : i32 to vector<16xi32>
      %add3A_645 = arith.addi %mul3A_21, %add3A_644 : vector<16xi32>
      %gather3A_646 = tpu.vector_load_idx %arg5[%add3A_645] : memref<32768xf32, #tpu.memory_space<vmem>>[vector<16xi32>], vector<16xf32>,
      %gt3A_647 = arith.cmpf ogt, %gather3A_646, %select_n3A_640 : vector<16xf32>
      %gt3A_648 = arith.cmpf ogt, %gather3A_646, %select_n3A_638 : vector<16xf32>
      %select_n3A_649 = arith.select %gt3A_648, %broadcast_in_dim3A_642, %select_n3A_636 : vector<16xi1>, vector<16xi32>
      %select_n3A_650 = arith.select %gt3A_647, %select_n3A_639, %select_n3A_649 : vector<16xi1>, vector<16xi32>
      %select_n3A_651 = arith.select %gt3A_648, %gather3A_646, %select_n3A_638 : vector<16xi1>, vector<16xf32>
      %select_n3A_652 = arith.select %gt3A_647, %select_n3A_640, %select_n3A_651 : vector<16xi1>, vector<16xf32>
      %select_n3A_653 = arith.select %gt3A_647, %broadcast_in_dim3A_642, %select_n3A_639 : vector<16xi1>, vector<16xi32>
      %select_n3A_654 = arith.select %gt3A_647, %gather3A_646, %select_n3A_640 : vector<16xi1>, vector<16xf32>
      %broadcast_in_dim3A_655 = arith.constant 46 : i32
      %broadcast_in_dim3A_656 = vector.broadcast %broadcast_in_dim3A_655 : i32 to vector<16xi32>
      %add3A_657 = arith.constant 46 : i32
      %add3A_658 = vector.broadcast %add3A_657 : i32 to vector<16xi32>
      %add3A_659 = arith.addi %mul3A_21, %add3A_658 : vector<16xi32>
      %gather3A_660 = tpu.vector_load_idx %arg5[%add3A_659] : memref<32768xf32, #tpu.memory_space<vmem>>[vector<16xi32>], vector<16xf32>,
      %gt3A_661 = arith.cmpf ogt, %gather3A_660, %select_n3A_654 : vector<16xf32>
      %gt3A_662 = arith.cmpf ogt, %gather3A_660, %select_n3A_652 : vector<16xf32>
      %select_n3A_663 = arith.select %gt3A_662, %broadcast_in_dim3A_656, %select_n3A_650 : vector<16xi1>, vector<16xi32>
      %select_n3A_664 = arith.select %gt3A_661, %select_n3A_653, %select_n3A_663 : vector<16xi1>, vector<16xi32>
      %select_n3A_665 = arith.select %gt3A_662, %gather3A_660, %select_n3A_652 : vector<16xi1>, vector<16xf32>
      %select_n3A_666 = arith.select %gt3A_661, %select_n3A_654, %select_n3A_665 : vector<16xi1>, vector<16xf32>
      %select_n3A_667 = arith.select %gt3A_661, %broadcast_in_dim3A_656, %select_n3A_653 : vector<16xi1>, vector<16xi32>
      %select_n3A_668 = arith.select %gt3A_661, %gather3A_660, %select_n3A_654 : vector<16xi1>, vector<16xf32>
      %broadcast_in_dim3A_669 = arith.constant 47 : i32
      %broadcast_in_dim3A_670 = vector.broadcast %broadcast_in_dim3A_669 : i32 to vector<16xi32>
      %add3A_671 = arith.constant 47 : i32
      %add3A_672 = vector.broadcast %add3A_671 : i32 to vector<16xi32>
      %add3A_673 = arith.addi %mul3A_21, %add3A_672 : vector<16xi32>
      %gather3A_674 = tpu.vector_load_idx %arg5[%add3A_673] : memref<32768xf32, #tpu.memory_space<vmem>>[vector<16xi32>], vector<16xf32>,
      %gt3A_675 = arith.cmpf ogt, %gather3A_674, %select_n3A_668 : vector<16xf32>
      %gt3A_676 = arith.cmpf ogt, %gather3A_674, %select_n3A_666 : vector<16xf32>
      %select_n3A_677 = arith.select %gt3A_676, %broadcast_in_dim3A_670, %select_n3A_664 : vector<16xi1>, vector<16xi32>
      %select_n3A_678 = arith.select %gt3A_675, %select_n3A_667, %select_n3A_677 : vector<16xi1>, vector<16xi32>
      %select_n3A_679 = arith.select %gt3A_676, %gather3A_674, %select_n3A_666 : vector<16xi1>, vector<16xf32>
      %select_n3A_680 = arith.select %gt3A_675, %select_n3A_668, %select_n3A_679 : vector<16xi1>, vector<16xf32>
      %select_n3A_681 = arith.select %gt3A_675, %broadcast_in_dim3A_670, %select_n3A_667 : vector<16xi1>, vector<16xi32>
      %select_n3A_682 = arith.select %gt3A_675, %gather3A_674, %select_n3A_668 : vector<16xi1>, vector<16xf32>
      %broadcast_in_dim3A_683 = arith.constant 48 : i32
      %broadcast_in_dim3A_684 = vector.broadcast %broadcast_in_dim3A_683 : i32 to vector<16xi32>
      %add3A_685 = arith.constant 48 : i32
      %add3A_686 = vector.broadcast %add3A_685 : i32 to vector<16xi32>
      %add3A_687 = arith.addi %mul3A_21, %add3A_686 : vector<16xi32>
      %gather3A_688 = tpu.vector_load_idx %arg5[%add3A_687] : memref<32768xf32, #tpu.memory_space<vmem>>[vector<16xi32>], vector<16xf32>,
      %gt3A_689 = arith.cmpf ogt, %gather3A_688, %select_n3A_682 : vector<16xf32>
      %gt3A_690 = arith.cmpf ogt, %gather3A_688, %select_n3A_680 : vector<16xf32>
      %select_n3A_691 = arith.select %gt3A_690, %broadcast_in_dim3A_684, %select_n3A_678 : vector<16xi1>, vector<16xi32>
      %select_n3A_692 = arith.select %gt3A_689, %select_n3A_681, %select_n3A_691 : vector<16xi1>, vector<16xi32>
      %select_n3A_693 = arith.select %gt3A_690, %gather3A_688, %select_n3A_680 : vector<16xi1>, vector<16xf32>
      %select_n3A_694 = arith.select %gt3A_689, %select_n3A_682, %select_n3A_693 : vector<16xi1>, vector<16xf32>
      %select_n3A_695 = arith.select %gt3A_689, %broadcast_in_dim3A_684, %select_n3A_681 : vector<16xi1>, vector<16xi32>
      %select_n3A_696 = arith.select %gt3A_689, %gather3A_688, %select_n3A_682 : vector<16xi1>, vector<16xf32>
      %broadcast_in_dim3A_697 = arith.constant 49 : i32
      %broadcast_in_dim3A_698 = vector.broadcast %broadcast_in_dim3A_697 : i32 to vector<16xi32>
      %add3A_699 = arith.constant 49 : i32
      %add3A_700 = vector.broadcast %add3A_699 : i32 to vector<16xi32>
      %add3A_701 = arith.addi %mul3A_21, %add3A_700 : vector<16xi32>
      %gather3A_702 = tpu.vector_load_idx %arg5[%add3A_701] : memref<32768xf32, #tpu.memory_space<vmem>>[vector<16xi32>], vector<16xf32>,
      %gt3A_703 = arith.cmpf ogt, %gather3A_702, %select_n3A_696 : vector<16xf32>
      %gt3A_704 = arith.cmpf ogt, %gather3A_702, %select_n3A_694 : vector<16xf32>
      %select_n3A_705 = arith.select %gt3A_704, %broadcast_in_dim3A_698, %select_n3A_692 : vector<16xi1>, vector<16xi32>
      %select_n3A_706 = arith.select %gt3A_703, %select_n3A_695, %select_n3A_705 : vector<16xi1>, vector<16xi32>
      %select_n3A_707 = arith.select %gt3A_704, %gather3A_702, %select_n3A_694 : vector<16xi1>, vector<16xf32>
      %select_n3A_708 = arith.select %gt3A_703, %select_n3A_696, %select_n3A_707 : vector<16xi1>, vector<16xf32>
      %select_n3A_709 = arith.select %gt3A_703, %broadcast_in_dim3A_698, %select_n3A_695 : vector<16xi1>, vector<16xi32>
      %select_n3A_710 = arith.select %gt3A_703, %gather3A_702, %select_n3A_696 : vector<16xi1>, vector<16xf32>
      %broadcast_in_dim3A_711 = arith.constant 50 : i32
      %broadcast_in_dim3A_712 = vector.broadcast %broadcast_in_dim3A_711 : i32 to vector<16xi32>
      %add3A_713 = arith.constant 50 : i32
      %add3A_714 = vector.broadcast %add3A_713 : i32 to vector<16xi32>
      %add3A_715 = arith.addi %mul3A_21, %add3A_714 : vector<16xi32>
      %gather3A_716 = tpu.vector_load_idx %arg5[%add3A_715] : memref<32768xf32, #tpu.memory_space<vmem>>[vector<16xi32>], vector<16xf32>,
      %gt3A_717 = arith.cmpf ogt, %gather3A_716, %select_n3A_710 : vector<16xf32>
      %gt3A_718 = arith.cmpf ogt, %gather3A_716, %select_n3A_708 : vector<16xf32>
      %select_n3A_719 = arith.select %gt3A_718, %broadcast_in_dim3A_712, %select_n3A_706 : vector<16xi1>, vector<16xi32>
      %select_n3A_720 = arith.select %gt3A_717, %select_n3A_709, %select_n3A_719 : vector<16xi1>, vector<16xi32>
      %select_n3A_721 = arith.select %gt3A_718, %gather3A_716, %select_n3A_708 : vector<16xi1>, vector<16xf32>
      %select_n3A_722 = arith.select %gt3A_717, %select_n3A_710, %select_n3A_721 : vector<16xi1>, vector<16xf32>
      %select_n3A_723 = arith.select %gt3A_717, %broadcast_in_dim3A_712, %select_n3A_709 : vector<16xi1>, vector<16xi32>
      %select_n3A_724 = arith.select %gt3A_717, %gather3A_716, %select_n3A_710 : vector<16xi1>, vector<16xf32>
      %broadcast_in_dim3A_725 = arith.constant 51 : i32
      %broadcast_in_dim3A_726 = vector.broadcast %broadcast_in_dim3A_725 : i32 to vector<16xi32>
      %add3A_727 = arith.constant 51 : i32
      %add3A_728 = vector.broadcast %add3A_727 : i32 to vector<16xi32>
      %add3A_729 = arith.addi %mul3A_21, %add3A_728 : vector<16xi32>
      %gather3A_730 = tpu.vector_load_idx %arg5[%add3A_729] : memref<32768xf32, #tpu.memory_space<vmem>>[vector<16xi32>], vector<16xf32>,
      %gt3A_731 = arith.cmpf ogt, %gather3A_730, %select_n3A_724 : vector<16xf32>
      %gt3A_732 = arith.cmpf ogt, %gather3A_730, %select_n3A_722 : vector<16xf32>
      %select_n3A_733 = arith.select %gt3A_732, %broadcast_in_dim3A_726, %select_n3A_720 : vector<16xi1>, vector<16xi32>
      %select_n3A_734 = arith.select %gt3A_731, %select_n3A_723, %select_n3A_733 : vector<16xi1>, vector<16xi32>
      %select_n3A_735 = arith.select %gt3A_732, %gather3A_730, %select_n3A_722 : vector<16xi1>, vector<16xf32>
      %select_n3A_736 = arith.select %gt3A_731, %select_n3A_724, %select_n3A_735 : vector<16xi1>, vector<16xf32>
      %select_n3A_737 = arith.select %gt3A_731, %broadcast_in_dim3A_726, %select_n3A_723 : vector<16xi1>, vector<16xi32>
      %select_n3A_738 = arith.select %gt3A_731, %gather3A_730, %select_n3A_724 : vector<16xi1>, vector<16xf32>
      %broadcast_in_dim3A_739 = arith.constant 52 : i32
      %broadcast_in_dim3A_740 = vector.broadcast %broadcast_in_dim3A_739 : i32 to vector<16xi32>
      %add3A_741 = arith.constant 52 : i32
      %add3A_742 = vector.broadcast %add3A_741 : i32 to vector<16xi32>
      %add3A_743 = arith.addi %mul3A_21, %add3A_742 : vector<16xi32>
      %gather3A_744 = tpu.vector_load_idx %arg5[%add3A_743] : memref<32768xf32, #tpu.memory_space<vmem>>[vector<16xi32>], vector<16xf32>,
      %gt3A_745 = arith.cmpf ogt, %gather3A_744, %select_n3A_738 : vector<16xf32>
      %gt3A_746 = arith.cmpf ogt, %gather3A_744, %select_n3A_736 : vector<16xf32>
      %select_n3A_747 = arith.select %gt3A_746, %broadcast_in_dim3A_740, %select_n3A_734 : vector<16xi1>, vector<16xi32>
      %select_n3A_748 = arith.select %gt3A_745, %select_n3A_737, %select_n3A_747 : vector<16xi1>, vector<16xi32>
      %select_n3A_749 = arith.select %gt3A_746, %gather3A_744, %select_n3A_736 : vector<16xi1>, vector<16xf32>
      %select_n3A_750 = arith.select %gt3A_745, %select_n3A_738, %select_n3A_749 : vector<16xi1>, vector<16xf32>
      %select_n3A_751 = arith.select %gt3A_745, %broadcast_in_dim3A_740, %select_n3A_737 : vector<16xi1>, vector<16xi32>
      %select_n3A_752 = arith.select %gt3A_745, %gather3A_744, %select_n3A_738 : vector<16xi1>, vector<16xf32>
      %broadcast_in_dim3A_753 = arith.constant 53 : i32
      %broadcast_in_dim3A_754 = vector.broadcast %broadcast_in_dim3A_753 : i32 to vector<16xi32>
      %add3A_755 = arith.constant 53 : i32
      %add3A_756 = vector.broadcast %add3A_755 : i32 to vector<16xi32>
      %add3A_757 = arith.addi %mul3A_21, %add3A_756 : vector<16xi32>
      %gather3A_758 = tpu.vector_load_idx %arg5[%add3A_757] : memref<32768xf32, #tpu.memory_space<vmem>>[vector<16xi32>], vector<16xf32>,
      %gt3A_759 = arith.cmpf ogt, %gather3A_758, %select_n3A_752 : vector<16xf32>
      %gt3A_760 = arith.cmpf ogt, %gather3A_758, %select_n3A_750 : vector<16xf32>
      %select_n3A_761 = arith.select %gt3A_760, %broadcast_in_dim3A_754, %select_n3A_748 : vector<16xi1>, vector<16xi32>
      %select_n3A_762 = arith.select %gt3A_759, %select_n3A_751, %select_n3A_761 : vector<16xi1>, vector<16xi32>
      %select_n3A_763 = arith.select %gt3A_760, %gather3A_758, %select_n3A_750 : vector<16xi1>, vector<16xf32>
      %select_n3A_764 = arith.select %gt3A_759, %select_n3A_752, %select_n3A_763 : vector<16xi1>, vector<16xf32>
      %select_n3A_765 = arith.select %gt3A_759, %broadcast_in_dim3A_754, %select_n3A_751 : vector<16xi1>, vector<16xi32>
      %select_n3A_766 = arith.select %gt3A_759, %gather3A_758, %select_n3A_752 : vector<16xi1>, vector<16xf32>
      %broadcast_in_dim3A_767 = arith.constant 54 : i32
      %broadcast_in_dim3A_768 = vector.broadcast %broadcast_in_dim3A_767 : i32 to vector<16xi32>
      %add3A_769 = arith.constant 54 : i32
      %add3A_770 = vector.broadcast %add3A_769 : i32 to vector<16xi32>
      %add3A_771 = arith.addi %mul3A_21, %add3A_770 : vector<16xi32>
      %gather3A_772 = tpu.vector_load_idx %arg5[%add3A_771] : memref<32768xf32, #tpu.memory_space<vmem>>[vector<16xi32>], vector<16xf32>,
      %gt3A_773 = arith.cmpf ogt, %gather3A_772, %select_n3A_766 : vector<16xf32>
      %gt3A_774 = arith.cmpf ogt, %gather3A_772, %select_n3A_764 : vector<16xf32>
      %select_n3A_775 = arith.select %gt3A_774, %broadcast_in_dim3A_768, %select_n3A_762 : vector<16xi1>, vector<16xi32>
      %select_n3A_776 = arith.select %gt3A_773, %select_n3A_765, %select_n3A_775 : vector<16xi1>, vector<16xi32>
      %select_n3A_777 = arith.select %gt3A_774, %gather3A_772, %select_n3A_764 : vector<16xi1>, vector<16xf32>
      %select_n3A_778 = arith.select %gt3A_773, %select_n3A_766, %select_n3A_777 : vector<16xi1>, vector<16xf32>
      %select_n3A_779 = arith.select %gt3A_773, %broadcast_in_dim3A_768, %select_n3A_765 : vector<16xi1>, vector<16xi32>
      %select_n3A_780 = arith.select %gt3A_773, %gather3A_772, %select_n3A_766 : vector<16xi1>, vector<16xf32>
      %broadcast_in_dim3A_781 = arith.constant 55 : i32
      %broadcast_in_dim3A_782 = vector.broadcast %broadcast_in_dim3A_781 : i32 to vector<16xi32>
      %add3A_783 = arith.constant 55 : i32
      %add3A_784 = vector.broadcast %add3A_783 : i32 to vector<16xi32>
      %add3A_785 = arith.addi %mul3A_21, %add3A_784 : vector<16xi32>
      %gather3A_786 = tpu.vector_load_idx %arg5[%add3A_785] : memref<32768xf32, #tpu.memory_space<vmem>>[vector<16xi32>], vector<16xf32>,
      %gt3A_787 = arith.cmpf ogt, %gather3A_786, %select_n3A_780 : vector<16xf32>
      %gt3A_788 = arith.cmpf ogt, %gather3A_786, %select_n3A_778 : vector<16xf32>
      %select_n3A_789 = arith.select %gt3A_788, %broadcast_in_dim3A_782, %select_n3A_776 : vector<16xi1>, vector<16xi32>
      %select_n3A_790 = arith.select %gt3A_787, %select_n3A_779, %select_n3A_789 : vector<16xi1>, vector<16xi32>
      %select_n3A_791 = arith.select %gt3A_788, %gather3A_786, %select_n3A_778 : vector<16xi1>, vector<16xf32>
      %select_n3A_792 = arith.select %gt3A_787, %select_n3A_780, %select_n3A_791 : vector<16xi1>, vector<16xf32>
      %select_n3A_793 = arith.select %gt3A_787, %broadcast_in_dim3A_782, %select_n3A_779 : vector<16xi1>, vector<16xi32>
      %select_n3A_794 = arith.select %gt3A_787, %gather3A_786, %select_n3A_780 : vector<16xi1>, vector<16xf32>
      %broadcast_in_dim3A_795 = arith.constant 56 : i32
      %broadcast_in_dim3A_796 = vector.broadcast %broadcast_in_dim3A_795 : i32 to vector<16xi32>
      %add3A_797 = arith.constant 56 : i32
      %add3A_798 = vector.broadcast %add3A_797 : i32 to vector<16xi32>
      %add3A_799 = arith.addi %mul3A_21, %add3A_798 : vector<16xi32>
      %gather3A_800 = tpu.vector_load_idx %arg5[%add3A_799] : memref<32768xf32, #tpu.memory_space<vmem>>[vector<16xi32>], vector<16xf32>,
      %gt3A_801 = arith.cmpf ogt, %gather3A_800, %select_n3A_794 : vector<16xf32>
      %gt3A_802 = arith.cmpf ogt, %gather3A_800, %select_n3A_792 : vector<16xf32>
      %select_n3A_803 = arith.select %gt3A_802, %broadcast_in_dim3A_796, %select_n3A_790 : vector<16xi1>, vector<16xi32>
      %select_n3A_804 = arith.select %gt3A_801, %select_n3A_793, %select_n3A_803 : vector<16xi1>, vector<16xi32>
      %select_n3A_805 = arith.select %gt3A_802, %gather3A_800, %select_n3A_792 : vector<16xi1>, vector<16xf32>
      %select_n3A_806 = arith.select %gt3A_801, %select_n3A_794, %select_n3A_805 : vector<16xi1>, vector<16xf32>
      %select_n3A_807 = arith.select %gt3A_801, %broadcast_in_dim3A_796, %select_n3A_793 : vector<16xi1>, vector<16xi32>
      %select_n3A_808 = arith.select %gt3A_801, %gather3A_800, %select_n3A_794 : vector<16xi1>, vector<16xf32>
      %broadcast_in_dim3A_809 = arith.constant 57 : i32
      %broadcast_in_dim3A_810 = vector.broadcast %broadcast_in_dim3A_809 : i32 to vector<16xi32>
      %add3A_811 = arith.constant 57 : i32
      %add3A_812 = vector.broadcast %add3A_811 : i32 to vector<16xi32>
      %add3A_813 = arith.addi %mul3A_21, %add3A_812 : vector<16xi32>
      %gather3A_814 = tpu.vector_load_idx %arg5[%add3A_813] : memref<32768xf32, #tpu.memory_space<vmem>>[vector<16xi32>], vector<16xf32>,
      %gt3A_815 = arith.cmpf ogt, %gather3A_814, %select_n3A_808 : vector<16xf32>
      %gt3A_816 = arith.cmpf ogt, %gather3A_814, %select_n3A_806 : vector<16xf32>
      %select_n3A_817 = arith.select %gt3A_816, %broadcast_in_dim3A_810, %select_n3A_804 : vector<16xi1>, vector<16xi32>
      %select_n3A_818 = arith.select %gt3A_815, %select_n3A_807, %select_n3A_817 : vector<16xi1>, vector<16xi32>
      %select_n3A_819 = arith.select %gt3A_816, %gather3A_814, %select_n3A_806 : vector<16xi1>, vector<16xf32>
      %select_n3A_820 = arith.select %gt3A_815, %select_n3A_808, %select_n3A_819 : vector<16xi1>, vector<16xf32>
      %select_n3A_821 = arith.select %gt3A_815, %broadcast_in_dim3A_810, %select_n3A_807 : vector<16xi1>, vector<16xi32>
      %select_n3A_822 = arith.select %gt3A_815, %gather3A_814, %select_n3A_808 : vector<16xi1>, vector<16xf32>
      %broadcast_in_dim3A_823 = arith.constant 58 : i32
      %broadcast_in_dim3A_824 = vector.broadcast %broadcast_in_dim3A_823 : i32 to vector<16xi32>
      %add3A_825 = arith.constant 58 : i32
      %add3A_826 = vector.broadcast %add3A_825 : i32 to vector<16xi32>
      %add3A_827 = arith.addi %mul3A_21, %add3A_826 : vector<16xi32>
      %gather3A_828 = tpu.vector_load_idx %arg5[%add3A_827] : memref<32768xf32, #tpu.memory_space<vmem>>[vector<16xi32>], vector<16xf32>,
      %gt3A_829 = arith.cmpf ogt, %gather3A_828, %select_n3A_822 : vector<16xf32>
      %gt3A_830 = arith.cmpf ogt, %gather3A_828, %select_n3A_820 : vector<16xf32>
      %select_n3A_831 = arith.select %gt3A_830, %broadcast_in_dim3A_824, %select_n3A_818 : vector<16xi1>, vector<16xi32>
      %select_n3A_832 = arith.select %gt3A_829, %select_n3A_821, %select_n3A_831 : vector<16xi1>, vector<16xi32>
      %select_n3A_833 = arith.select %gt3A_830, %gather3A_828, %select_n3A_820 : vector<16xi1>, vector<16xf32>
      %select_n3A_834 = arith.select %gt3A_829, %select_n3A_822, %select_n3A_833 : vector<16xi1>, vector<16xf32>
      %select_n3A_835 = arith.select %gt3A_829, %broadcast_in_dim3A_824, %select_n3A_821 : vector<16xi1>, vector<16xi32>
      %select_n3A_836 = arith.select %gt3A_829, %gather3A_828, %select_n3A_822 : vector<16xi1>, vector<16xf32>
      %broadcast_in_dim3A_837 = arith.constant 59 : i32
      %broadcast_in_dim3A_838 = vector.broadcast %broadcast_in_dim3A_837 : i32 to vector<16xi32>
      %add3A_839 = arith.constant 59 : i32
      %add3A_840 = vector.broadcast %add3A_839 : i32 to vector<16xi32>
      %add3A_841 = arith.addi %mul3A_21, %add3A_840 : vector<16xi32>
      %gather3A_842 = tpu.vector_load_idx %arg5[%add3A_841] : memref<32768xf32, #tpu.memory_space<vmem>>[vector<16xi32>], vector<16xf32>,
      %gt3A_843 = arith.cmpf ogt, %gather3A_842, %select_n3A_836 : vector<16xf32>
      %gt3A_844 = arith.cmpf ogt, %gather3A_842, %select_n3A_834 : vector<16xf32>
      %select_n3A_845 = arith.select %gt3A_844, %broadcast_in_dim3A_838, %select_n3A_832 : vector<16xi1>, vector<16xi32>
      %select_n3A_846 = arith.select %gt3A_843, %select_n3A_835, %select_n3A_845 : vector<16xi1>, vector<16xi32>
      %select_n3A_847 = arith.select %gt3A_844, %gather3A_842, %select_n3A_834 : vector<16xi1>, vector<16xf32>
      %select_n3A_848 = arith.select %gt3A_843, %select_n3A_836, %select_n3A_847 : vector<16xi1>, vector<16xf32>
      %select_n3A_849 = arith.select %gt3A_843, %broadcast_in_dim3A_838, %select_n3A_835 : vector<16xi1>, vector<16xi32>
      %select_n3A_850 = arith.select %gt3A_843, %gather3A_842, %select_n3A_836 : vector<16xi1>, vector<16xf32>
      %broadcast_in_dim3A_851 = arith.constant 60 : i32
      %broadcast_in_dim3A_852 = vector.broadcast %broadcast_in_dim3A_851 : i32 to vector<16xi32>
      %add3A_853 = arith.constant 60 : i32
      %add3A_854 = vector.broadcast %add3A_853 : i32 to vector<16xi32>
      %add3A_855 = arith.addi %mul3A_21, %add3A_854 : vector<16xi32>
      %gather3A_856 = tpu.vector_load_idx %arg5[%add3A_855] : memref<32768xf32, #tpu.memory_space<vmem>>[vector<16xi32>], vector<16xf32>,
      %gt3A_857 = arith.cmpf ogt, %gather3A_856, %select_n3A_850 : vector<16xf32>
      %gt3A_858 = arith.cmpf ogt, %gather3A_856, %select_n3A_848 : vector<16xf32>
      %select_n3A_859 = arith.select %gt3A_858, %broadcast_in_dim3A_852, %select_n3A_846 : vector<16xi1>, vector<16xi32>
      %select_n3A_860 = arith.select %gt3A_857, %select_n3A_849, %select_n3A_859 : vector<16xi1>, vector<16xi32>
      %select_n3A_861 = arith.select %gt3A_858, %gather3A_856, %select_n3A_848 : vector<16xi1>, vector<16xf32>
      %select_n3A_862 = arith.select %gt3A_857, %select_n3A_850, %select_n3A_861 : vector<16xi1>, vector<16xf32>
      %select_n3A_863 = arith.select %gt3A_857, %broadcast_in_dim3A_852, %select_n3A_849 : vector<16xi1>, vector<16xi32>
      %select_n3A_864 = arith.select %gt3A_857, %gather3A_856, %select_n3A_850 : vector<16xi1>, vector<16xf32>
      %broadcast_in_dim3A_865 = arith.constant 61 : i32
      %broadcast_in_dim3A_866 = vector.broadcast %broadcast_in_dim3A_865 : i32 to vector<16xi32>
      %add3A_867 = arith.constant 61 : i32
      %add3A_868 = vector.broadcast %add3A_867 : i32 to vector<16xi32>
      %add3A_869 = arith.addi %mul3A_21, %add3A_868 : vector<16xi32>
      %gather3A_870 = tpu.vector_load_idx %arg5[%add3A_869] : memref<32768xf32, #tpu.memory_space<vmem>>[vector<16xi32>], vector<16xf32>,
      %gt3A_871 = arith.cmpf ogt, %gather3A_870, %select_n3A_864 : vector<16xf32>
      %gt3A_872 = arith.cmpf ogt, %gather3A_870, %select_n3A_862 : vector<16xf32>
      %select_n3A_873 = arith.select %gt3A_872, %broadcast_in_dim3A_866, %select_n3A_860 : vector<16xi1>, vector<16xi32>
      %select_n3A_874 = arith.select %gt3A_871, %select_n3A_863, %select_n3A_873 : vector<16xi1>, vector<16xi32>
      %select_n3A_875 = arith.select %gt3A_872, %gather3A_870, %select_n3A_862 : vector<16xi1>, vector<16xf32>
      %select_n3A_876 = arith.select %gt3A_871, %select_n3A_864, %select_n3A_875 : vector<16xi1>, vector<16xf32>
      %select_n3A_877 = arith.select %gt3A_871, %broadcast_in_dim3A_866, %select_n3A_863 : vector<16xi1>, vector<16xi32>
      %select_n3A_878 = arith.select %gt3A_871, %gather3A_870, %select_n3A_864 : vector<16xi1>, vector<16xf32>
      %broadcast_in_dim3A_879 = arith.constant 62 : i32
      %broadcast_in_dim3A_880 = vector.broadcast %broadcast_in_dim3A_879 : i32 to vector<16xi32>
      %add3A_881 = arith.constant 62 : i32
      %add3A_882 = vector.broadcast %add3A_881 : i32 to vector<16xi32>
      %add3A_883 = arith.addi %mul3A_21, %add3A_882 : vector<16xi32>
      %gather3A_884 = tpu.vector_load_idx %arg5[%add3A_883] : memref<32768xf32, #tpu.memory_space<vmem>>[vector<16xi32>], vector<16xf32>,
      %gt3A_885 = arith.cmpf ogt, %gather3A_884, %select_n3A_878 : vector<16xf32>
      %gt3A_886 = arith.cmpf ogt, %gather3A_884, %select_n3A_876 : vector<16xf32>
      %select_n3A_887 = arith.select %gt3A_886, %broadcast_in_dim3A_880, %select_n3A_874 : vector<16xi1>, vector<16xi32>
      %select_n3A_888 = arith.select %gt3A_885, %select_n3A_877, %select_n3A_887 : vector<16xi1>, vector<16xi32>
      %select_n3A_889 = arith.select %gt3A_886, %gather3A_884, %select_n3A_876 : vector<16xi1>, vector<16xf32>
      %select_n3A_890 = arith.select %gt3A_885, %select_n3A_878, %select_n3A_889 : vector<16xi1>, vector<16xf32>
      %select_n3A_891 = arith.select %gt3A_885, %broadcast_in_dim3A_880, %select_n3A_877 : vector<16xi1>, vector<16xi32>
      %select_n3A_892 = arith.select %gt3A_885, %gather3A_884, %select_n3A_878 : vector<16xi1>, vector<16xf32>
      %broadcast_in_dim3A_893 = arith.constant 63 : i32
      %broadcast_in_dim3A_894 = vector.broadcast %broadcast_in_dim3A_893 : i32 to vector<16xi32>
      %add3A_895 = arith.constant 63 : i32
      %add3A_896 = vector.broadcast %add3A_895 : i32 to vector<16xi32>
      %add3A_897 = arith.addi %mul3A_21, %add3A_896 : vector<16xi32>
      %gather3A_898 = tpu.vector_load_idx %arg5[%add3A_897] : memref<32768xf32, #tpu.memory_space<vmem>>[vector<16xi32>], vector<16xf32>,
      %gt3A_899 = arith.cmpf ogt, %gather3A_898, %select_n3A_892 : vector<16xf32>
      %gt3A_900 = arith.cmpf ogt, %gather3A_898, %select_n3A_890 : vector<16xf32>
      %select_n3A_901 = arith.select %gt3A_900, %broadcast_in_dim3A_894, %select_n3A_888 : vector<16xi1>, vector<16xi32>
      %select_n3A_902 = arith.select %gt3A_899, %select_n3A_891, %select_n3A_901 : vector<16xi1>, vector<16xi32>
      %select_n3A_903 = arith.select %gt3A_900, %gather3A_898, %select_n3A_890 : vector<16xi1>, vector<16xf32>
      %select_n3A_904 = arith.select %gt3A_899, %select_n3A_892, %select_n3A_903 : vector<16xi1>, vector<16xf32>
      %select_n3A_905 = arith.select %gt3A_899, %broadcast_in_dim3A_894, %select_n3A_891 : vector<16xi1>, vector<16xi32>
      %select_n3A_906 = arith.select %gt3A_899, %gather3A_898, %select_n3A_892 : vector<16xi1>, vector<16xf32>
      %sub3A = arith.subf %select_n3A_904, %select_n3A_906 : vector<16xf32>
      %exp3A = math.exp %sub3A : vector<16xf32>
      %add3A_907 = arith.constant 1.000000e+00 : f32
      %add3A_908 = vector.broadcast %add3A_907 : f32 to vector<16xf32>
      %add3A_909 = arith.addf %add3A_908, %exp3A : vector<16xf32>
      %mul3A_910 = arith.constant 2 : i32
      %mul3A_911 = vector.broadcast %mul3A_910 : i32 to vector<16xi32>
      %mul3A_912 = arith.muli %mul3A_911, %add3A_18 : vector<16xi32>
      tpu.vector_store_idx %arg6[%mul3A_912], %select_n3A_905 : memref<1024xi32, #tpu.memory_space<vmem>>[vector<16xi32>], vector<16xi32>,
      %add3A_913 = arith.constant 1 : i32
      %add3A_914 = vector.broadcast %add3A_913 : i32 to vector<16xi32>
      %add3A_915 = arith.addi %mul3A_912, %add3A_914 : vector<16xi32>
      tpu.vector_store_idx %arg6[%add3A_915], %select_n3A_902 : memref<1024xi32, #tpu.memory_space<vmem>>[vector<16xi32>], vector<16xi32>,
      %div3A = arith.constant 1.000000e+00 : f32
      %div3A_916 = vector.broadcast %div3A : f32 to vector<16xf32>
      %div3A_917 = arith.divf %div3A_916, %add3A_909 : vector<16xf32>
      tpu.vector_store_idx %arg7[%mul3A_912], %div3A_917 : memref<1024xf32, #tpu.memory_space<vmem>>[vector<16xi32>], vector<16xf32>,
      %add3A_918 = arith.constant 1 : i32
      %add3A_919 = vector.broadcast %add3A_918 : i32 to vector<16xi32>
      %add3A_920 = arith.addi %mul3A_912, %add3A_919 : vector<16xi32>
      %div3A_921 = arith.divf %exp3A, %add3A_909 : vector<16xf32>
      tpu.vector_store_idx %arg7[%add3A_920], %div3A_921 : memref<1024xf32, #tpu.memory_space<vmem>>[vector<16xi32>], vector<16xf32>,
    }
    %scan3A_9 = arith.constant 32 : i32
    %mul3A_10 = arith.constant 2 : i32
    %mul3A_11 = arith.muli %mul3A_10, %mul3A_2 : i32
    "tpu.region"() ({
      %run_scoped3A = tpu.sem_alloc : memref<!tpu.dma_semaphore, #tpu.memory_space<semaphore_mem>>
      %dma_start3A = tpu.memref_slice %arg3[%mul3A_11] : memref<32768xi32, #tpu.memory_space<hbm>> -> memref<1024xi32, #tpu.memory_space<hbm>>
      %dma_start3A_14 = tpu.memref_slice %arg3[%mul3A_11] : memref<32768xi32, #tpu.memory_space<hbm>> -> memref<1024xi32, #tpu.memory_space<hbm>>
      tpu.enqueue_dma source(%arg6 : memref<1024xi32, #tpu.memory_space<vmem>>) target(%dma_start3A_14 : memref<1024xi32, #tpu.memory_space<hbm>>) target_semaphore(%run_scoped3A : memref<!tpu.dma_semaphore, #tpu.memory_space<semaphore_mem>>)
      %dma_wait3A = tpu.memref_slice %arg3[%mul3A_11] : memref<32768xi32, #tpu.memory_space<hbm>> -> memref<1024xi32, #tpu.memory_space<hbm>>
      %dma_wait3A_15 = tpu.memref_slice %arg3[%mul3A_11] : memref<32768xi32, #tpu.memory_space<hbm>> -> memref<1024xi32, #tpu.memory_space<hbm>>
      tpu.wait_dma2 semaphore(%run_scoped3A : memref<!tpu.dma_semaphore, #tpu.memory_space<semaphore_mem>>) src(%arg6 : memref<1024xi32, #tpu.memory_space<vmem>>) dst(%dma_wait3A_15 : memref<1024xi32, #tpu.memory_space<hbm>>)
      tpu.yield
    }) : () -> ()
    %mul3A_12 = arith.constant 2 : i32
    %mul3A_13 = arith.muli %mul3A_12, %mul3A_2 : i32
    "tpu.region"() ({
      %run_scoped3A = tpu.sem_alloc : memref<!tpu.dma_semaphore, #tpu.memory_space<semaphore_mem>>
      %dma_start3A = tpu.memref_slice %arg4[%mul3A_13] : memref<32768xf32, #tpu.memory_space<hbm>> -> memref<1024xf32, #tpu.memory_space<hbm>>
      %dma_start3A_14 = tpu.memref_slice %arg4[%mul3A_13] : memref<32768xf32, #tpu.memory_space<hbm>> -> memref<1024xf32, #tpu.memory_space<hbm>>
      tpu.enqueue_dma source(%arg7 : memref<1024xf32, #tpu.memory_space<vmem>>) target(%dma_start3A_14 : memref<1024xf32, #tpu.memory_space<hbm>>) target_semaphore(%run_scoped3A : memref<!tpu.dma_semaphore, #tpu.memory_space<semaphore_mem>>)
      %dma_wait3A = tpu.memref_slice %arg4[%mul3A_13] : memref<32768xf32, #tpu.memory_space<hbm>> -> memref<1024xf32, #tpu.memory_space<hbm>>
      %dma_wait3A_15 = tpu.memref_slice %arg4[%mul3A_13] : memref<32768xf32, #tpu.memory_space<hbm>> -> memref<1024xf32, #tpu.memory_space<hbm>>
      tpu.wait_dma2 semaphore(%run_scoped3A : memref<!tpu.dma_semaphore, #tpu.memory_space<semaphore_mem>>) src(%arg7 : memref<1024xf32, #tpu.memory_space<vmem>>) dst(%dma_wait3A_15 : memref<1024xf32, #tpu.memory_space<hbm>>)
      tpu.yield
    }) : () -> ()
    return
  }
}

module attributes {stable_mosaic.version = 14 : i64} {
  func.func @_matmul_body(%arg0: i32, %arg1: memref<4096x768xf32, #tpu.memory_space<vmem>>, %arg2: memref<768x64xf32, #tpu.memory_space<vmem>>, %arg3: memref<1x64xf32, #tpu.memory_space<vmem>>, %arg4: memref<4096x64xf32, #tpu.memory_space<vmem>>) attributes {dimension_semantics = [#tpu.dimension_semantics<arbitrary>], iteration_bounds = array<i64: 4>, scalar_prefetch = 0 : i64, scratch_operands = 0 : i64, tpu.core_type = #tpu.core_type<tc>, window_params = [{transform_indices = @transform_0, window_bounds = array<i64: 4096, 768>}, {pipeline_mode = #tpu.pipeline_mode<synchronous>, transform_indices = @transform_1, window_bounds = array<i64: 768, 64>}, {pipeline_mode = #tpu.pipeline_mode<synchronous>, transform_indices = @transform_2, window_bounds = array<i64: 1, 64>}, {transform_indices = @transform_3, window_bounds = array<i64: 4096, 64>}]} {
    %get3A = arith.constant 0 : index
    %get3A_0 = arith.constant 0 : index
    %get3A_1 = vector.load %arg1[%get3A, %get3A_0] : memref<4096x768xf32, #tpu.memory_space<vmem>>, vector<4096x768xf32>
    %get3A_2 = arith.constant 0 : index
    %get3A_3 = arith.constant 0 : index
    %get3A_4 = vector.load %arg2[%get3A_2, %get3A_3] : memref<768x64xf32, #tpu.memory_space<vmem>>, vector<768x64xf32>
    %dot_general3A = arith.constant dense<0.000000e+00> : vector<4096x64xf32>
    %dot_general3A_5 = tpu.matmul %get3A_1, %get3A_4, %dot_general3A {dimension_numbers = #tpu.dot_dimension_numbers<[1], [0], [0], [1], [0, 0, 1, 1], [], []>, transpose_lhs_hint = false} : vector<4096x768xf32>, vector<768x64xf32>, vector<4096x64xf32> -> vector<4096x64xf32>
    %get3A_6 = arith.constant 0 : index
    %get3A_7 = arith.constant 0 : index
    %get3A_8 = vector.load %arg3[%get3A_6, %get3A_7] : memref<1x64xf32, #tpu.memory_space<vmem>>, vector<1x64xf32>
    %add3A = vector.broadcast %get3A_8 : vector<1x64xf32> to vector<4096x64xf32>
    %add3A_9 = arith.addf %dot_general3A_5, %add3A : vector<4096x64xf32>
    %swap3A = arith.constant 0 : index
    %swap3A_10 = arith.constant 0 : index
    %swap3A_11 = vector.load %arg4[%swap3A, %swap3A_10] : memref<4096x64xf32, #tpu.memory_space<vmem>>, vector<4096x64xf32>
    tpu.vector_store %arg4[%swap3A, %swap3A_10], %add3A_9 {strides = array<i32>} : memref<4096x64xf32, #tpu.memory_space<vmem>>, vector<4096x64xf32>,
    return
  }
  func.func @transform_0(%arg0: i32) -> (i32, i32) {
    %add3A = arith.constant 0 : i32
    %add3A_0 = arith.addi %add3A, %arg0 : i32
    %c0_i32 = arith.constant 0 : i32
    %c0_i32_1 = arith.constant 0 : i32
    return %add3A_0, %c0_i32 : i32, i32
  }
  func.func @transform_1(%arg0: i32) -> (i32, i32) {
    %c0_i32 = arith.constant 0 : i32
    %c0_i32_0 = arith.constant 0 : i32
    %c0_i32_1 = arith.constant 0 : i32
    return %c0_i32, %c0_i32_0 : i32, i32
  }
  func.func @transform_2(%arg0: i32) -> (i32, i32) {
    %c0_i32 = arith.constant 0 : i32
    %c0_i32_0 = arith.constant 0 : i32
    %c0_i32_1 = arith.constant 0 : i32
    return %c0_i32, %c0_i32_0 : i32, i32
  }
  func.func @transform_3(%arg0: i32) -> (i32, i32) {
    %c0_i32 = arith.constant 0 : i32
    %c0_i32_0 = arith.constant 0 : i32
    return %arg0, %c0_i32 : i32, i32
  }
}

module attributes {stable_mosaic.version = 14 : i64} {
  func.func @_matmul_body(%arg0: i32, %arg1: memref<4096x768xf32, #tpu.memory_space<vmem>>, %arg2: memref<768x64xf32, #tpu.memory_space<vmem>>, %arg3: memref<1x64xf32, #tpu.memory_space<vmem>>, %arg4: memref<4096x64xf32, #tpu.memory_space<vmem>>) attributes {dimension_semantics = [#tpu.dimension_semantics<arbitrary>], iteration_bounds = array<i64: 4>, scalar_prefetch = 0 : i64, scratch_operands = 0 : i64, tpu.core_type = #tpu.core_type<tc>, window_params = [{transform_indices = @transform_0, window_bounds = array<i64: 4096, 768>}, {pipeline_mode = #tpu.pipeline_mode<synchronous>, transform_indices = @transform_1, window_bounds = array<i64: 768, 64>}, {pipeline_mode = #tpu.pipeline_mode<synchronous>, transform_indices = @transform_2, window_bounds = array<i64: 1, 64>}, {transform_indices = @transform_3, window_bounds = array<i64: 4096, 64>}]} {
    %get3A = arith.constant 0 : index
    %get3A_0 = arith.constant 0 : index
    %get3A_1 = vector.load %arg1[%get3A, %get3A_0] : memref<4096x768xf32, #tpu.memory_space<vmem>>, vector<4096x768xf32>
    %get3A_2 = arith.constant 0 : index
    %get3A_3 = arith.constant 0 : index
    %get3A_4 = vector.load %arg2[%get3A_2, %get3A_3] : memref<768x64xf32, #tpu.memory_space<vmem>>, vector<768x64xf32>
    %dot_general3A = arith.constant dense<0.000000e+00> : vector<4096x64xf32>
    %dot_general3A_5 = tpu.matmul %get3A_1, %get3A_4, %dot_general3A {dimension_numbers = #tpu.dot_dimension_numbers<[1], [0], [0], [1], [0, 0, 1, 1], [], []>, transpose_lhs_hint = false} : vector<4096x768xf32>, vector<768x64xf32>, vector<4096x64xf32> -> vector<4096x64xf32>
    %get3A_6 = arith.constant 0 : index
    %get3A_7 = arith.constant 0 : index
    %get3A_8 = vector.load %arg3[%get3A_6, %get3A_7] : memref<1x64xf32, #tpu.memory_space<vmem>>, vector<1x64xf32>
    %add3A = vector.broadcast %get3A_8 : vector<1x64xf32> to vector<4096x64xf32>
    %add3A_9 = arith.addf %dot_general3A_5, %add3A : vector<4096x64xf32>
    %swap3A = arith.constant 0 : index
    %swap3A_10 = arith.constant 0 : index
    %swap3A_11 = vector.load %arg4[%swap3A, %swap3A_10] : memref<4096x64xf32, #tpu.memory_space<vmem>>, vector<4096x64xf32>
    tpu.vector_store %arg4[%swap3A, %swap3A_10], %add3A_9 {strides = array<i32>} : memref<4096x64xf32, #tpu.memory_space<vmem>>, vector<4096x64xf32>,
    return
  }
  func.func @transform_0(%arg0: i32) -> (i32, i32) {
    %add3A = arith.constant 4 : i32
    %add3A_0 = arith.addi %add3A, %arg0 : i32
    %c0_i32 = arith.constant 0 : i32
    %c0_i32_1 = arith.constant 0 : i32
    return %add3A_0, %c0_i32 : i32, i32
  }
  func.func @transform_1(%arg0: i32) -> (i32, i32) {
    %c0_i32 = arith.constant 0 : i32
    %c0_i32_0 = arith.constant 0 : i32
    %c0_i32_1 = arith.constant 0 : i32
    return %c0_i32, %c0_i32_0 : i32, i32
  }
  func.func @transform_2(%arg0: i32) -> (i32, i32) {
    %c0_i32 = arith.constant 0 : i32
    %c0_i32_0 = arith.constant 0 : i32
    %c0_i32_1 = arith.constant 0 : i32
    return %c0_i32, %c0_i32_0 : i32, i32
  }
  func.func @transform_3(%arg0: i32) -> (i32, i32) {
    %c0_i32 = arith.constant 0 : i32
    %c0_i32_0 = arith.constant 0 : i32
    return %arg0, %c0_i32 : i32, i32
  }
}

</mosaic_0001>

<sc_bundles>
// kernel: kernel.6.cloned.1.call-start
scs
__scs_entry_jumppad:
0x0: {  	(pc) =	sbr.rel $0x88, $3  }
0x1: {  	(tag) =	ssettag $0x0;
	lr =	simm.s32 $0x1  }
0x2: {  	[smem:$0x3F9E] =	sst lr;
	_ =	strace $0xD0000000  }
0x3: {  	_ = 	snop  }
0x4: {  	_ = 	snop  }
0x5: {  	_ = 	snop  }
0x6: {  	_ = 	snop  }
0x7: {  	_ = 	snop  }
__scs_overlays_trampoline_lowered:
0x8: {  	[smem:$0x3FAD] =	sst s0  }
0x9: {  	[smem:$0x3FAE] =	sst s1  }
0xa: {  	[smem:$0x3FAF] =	sst s2  }
0xb: {  	[smem:$0x3FB0] =	sst s3  }
0xc: {  	[smem:$0x3FB1] =	sst s4  }
0xd: {  	[smem:$0x3FB2] =	sst s5  }
0xe: {  	[smem:$0x3FB3] =	sst s6  }
0xf: {  	[smem:$0x3FB4] =	sst s7  }
0x10: {  	[smem:$0x3FB5] =	sst s8  }
0x11: {  	[smem:$0x3FB6] =	sst s9;
	s0 =	simm.s32 @!p0 $0x0  }
0x12: {  	s1 =	sld [smem:$0x3F9C];
	s0 =	simm.s32 @p0 $0x1  }
0x13: {  	[smem:$0x3FB7] =	sst s0;
	s0 =	simm.s32 @!p1 $0x0  }
0x14: {  	s2 =	sld [smem:$0x3F9B];
	s0 =	simm.s32 @p1 $0x1  }
0x15: {  	[smem:$0x3FB8] =	sst s0;
	s0 =	simm.s32 @!p2 $0x0  }
0x16: {  	s3 =	sld [smem:$0x3FDB];
	s0 =	simm.s32 @p2 $0x1  }
0x17: {  	s4 =	simm.s32 $0x1BF5;
	[smem:$0x3FBA] =	sst s0  }
0x18: {  	s0 =	sld [smem:$0x3F9D];
	_ =	swait.ge [sflag:s4], $0x0  }
0x19: {  	s7 =	sld [smem:$0x3F9E]  }
0x1a: {  	s8 =	sadd.s32 $0xFFFFE003, lr  }
0x1b: {  	s9 =	sadd.s32 $0xFFFFFEF7, lr;
	s5 =	simm.s32 $0xFFFFFFFF;
	p2 =	slt.u32 s8, $0xFFFFF086  }
0x1c: {  	p1 =	slt.u32 s9, $0xF7A;
	s5 =	simm.s32 @!p2 $0x0  }
0x1d: {  	s5 =	simm.s32 @p1 $0x1;
	p0 =	seq.s32 s7, s2  }
0x1e: {  	s7 =	smul.u32 @!p0 $0xF7A, s2;
	p2 =	seq.s32 @!p0 s5, $0x0  }
0x1f: {  	s9 =	smul.u32 $0xF7A, s1;
	s8 =	simm.s32 @!p0 $0x1BF5;
	p2 =	por !p2, p0  }
0x20: {  	[sflag:s8] =	ssyncset.s32 @!p0 $0xFFFFF086;
	s6 =	sadd.s32 @!p0 s3, s7;
	s7 =	simm.s32 @!p0 $0x108  }
0x21: {  	s3 =	sadd.s32 s3, s9;
	s6 =	sadd.s32 @!p0 $0x88, s6;
	s7 =	simm.s32 @p2 $0x1082  }
0x22: {  	[simem:s7], [sflag:s8] =	dma.local @!p0 [hbm:s6], $0xF7A  }
0x23: {  	s9 =	sor.u32 $0xD0000000, s2;
	s6 =	simm.s32 $0x108;
	_ =	swait.ge @!p0 [sflag:s8], $0x0  }
0x24: {  	s3 =	sadd.s32 $0x88, s3;
	s6 =	simm.s32 @!p1 $0x1082;
	[sflag:s4] =	ssyncset.s32 $0xFFFFF086  }
0x25: {  	[simem:s6], [sflag:s4] =	dma.local [hbm:s3], $0xF7A  }
0x26: {  	[smem:$0x3F9E] =	sst s1;
	(tag) =	ssettag s2;
	_ =	strace s9  }
0x27: {  	s1 =	sld [smem:$0x3FAE]  }
0x28: {  	s2 =	sld [smem:$0x3FAF]  }
0x29: {  	s4 =	sld [smem:$0x3FB1]  }
0x2a: {  	p0 =	seq.s32 s5, $0x0;
	s5 =	sld [smem:$0x3FB2]  }
0x2b: {  	s6 =	sld [smem:$0x3FB3]  }
0x2c: {  	s7 =	sld [smem:$0x3FB4]  }
0x2d: {  	s3 =	simm.s32 $0x108;
	s8 =	sld [smem:$0x3FB5]  }
0x2e: {  	s3 =	simm.s32 @!p0 $0x1082;
	s9 =	sld [smem:$0x3FB6]  }
0x2f: {  	lr =	sadd.s32 s0, s3;
	s0 =	sld [smem:$0x3FAD]  }
0x30: {  	s3 =	sld [smem:$0x3FB0]  }
0x31: {  	[smem:$0x3FB9] =	sst s10  }
0x32: {  	s10 =	sld [smem:$0x3FB7];
	_ =	sdelay $0x3  }
0x33: {  	p0 =	seq.s32 s10, $0x1;
	s10 =	sld [smem:$0x3FB9];
	_ =	sdelay $0x3  }
0x34: {  	[smem:$0x3FB9] =	sst s10  }
0x35: {  	s10 =	sld [smem:$0x3FB8];
	_ =	sdelay $0x3  }
0x36: {  	p1 =	seq.s32 s10, $0x1;
	s10 =	sld [smem:$0x3FB9];
	_ =	sdelay $0x3  }
0x37: {  	[smem:$0x3FB9] =	sst s10  }
0x38: {  	s10 =	sld [smem:$0x3FBA]  }
0x39: {  	_ = 	snop;
	(pc) =	sbr.ind lr, $3  }
0x3a: {  	_ = 	snop  }
0x3b: {  	_ = 	snop  }
0x3c: {  	p2 =	seq.s32 s10, $0x1;
	s10 =	sld [smem:$0x3FB9]  }
0x3d: {  	_ =	shalt  }
0x3e: {  	_ =	shalt  }
0x3f: {  	_ =	shalt  }
0x40: {  	_ =	shalt  }
0x41: {  	_ =	shalt  }
0x42: {  	_ =	shalt  }
0x43: {  	_ =	shalt  }
0x44: {  	_ =	shalt  }
0x45: {  	_ =	shalt  }
0x46: {  	_ =	shalt  }
0x47: {  	_ =	shalt  }
0x48: {  	_ =	shalt  }
0x49: {  	_ =	shalt  }
0x4a: {  	_ =	shalt  }
0x4b: {  	_ =	shalt  }
0x4c: {  	_ =	shalt  }
0x4d: {  	_ =	shalt  }
0x4e: {  	_ =	shalt  }
0x4f: {  	_ =	shalt  }
0x50: {  	_ =	shalt  }
0x51: {  	_ =	shalt  }
0x52: {  	_ =	shalt  }
0x53: {  	_ =	shalt  }
0x54: {  	_ =	shalt  }
0x55: {  	_ =	shalt  }
0x56: {  	_ =	shalt  }
0x57: {  	_ =	shalt  }
0x58: {  	_ =	shalt  }
0x59: {  	_ =	shalt  }
0x5a: {  	_ =	shalt  }
0x5b: {  	_ =	shalt  }
0x5c: {  	_ =	shalt  }
0x5d: {  	_ =	shalt  }
0x5e: {  	_ =	shalt  }
0x5f: {  	_ =	shalt  }
0x60: {  	_ =	shalt  }
0x61: {  	_ =	shalt  }
0x62: {  	_ =	shalt  }
0x63: {  	_ =	shalt  }
0x64: {  	_ =	shalt  }
0x65: {  	_ =	shalt  }
0x66: {  	_ =	shalt  }
0x67: {  	_ =	shalt  }
0x68: {  	_ =	shalt  }
0x69: {  	_ =	shalt  }
0x6a: {  	_ =	shalt  }
0x6b: {  	_ =	shalt  }
0x6c: {  	_ =	shalt  }
0x6d: {  	_ =	shalt  }
0x6e: {  	_ =	shalt  }
0x6f: {  	_ =	shalt  }
0x70: {  	_ =	shalt  }
0x71: {  	_ =	shalt  }
0x72: {  	_ =	shalt  }
0x73: {  	_ =	shalt  }
0x74: {  	_ =	shalt  }
0x75: {  	_ =	shalt  }
0x76: {  	_ =	shalt  }
0x77: {  	_ =	shalt  }
0x78: {  	_ =	shalt  }
0x79: {  	_ =	shalt  }
0x7a: {  	_ =	shalt  }
0x7b: {  	_ =	shalt  }
0x7c: {  	_ =	shalt  }
0x7d: {  	_ =	shalt  }
0x7e: {  	_ =	shalt  }
0x7f: {  	_ =	shalt  }
0x80: {  	_ =	shalt  }
0x81: {  	_ =	shalt  }
0x82: {  	_ =	shalt  }
0x83: {  	_ =	shalt  }
0x84: {  	_ =	shalt  }
0x85: {  	_ =	shalt  }
0x86: {  	_ =	shalt  }
0x87: {  	_ =	shalt  }
.Lfunc_end0:
.L_simem_size_0:
called_computation_lowered:
.L_overlay_start_0:
0x88: {  	s2 =	sld [smem:$0x3FD9]  }
0x89: {  	s3 =	sld [smem:$0x3FFE];
	_ =	sdelay $0x1  }
0x8a: {  	s1 =	srdreg.scid  }
0x8b: {  	s0 =	sand.u32 $0x1, s1  }
0x8c: {  	s16 =	sshll.u32 s0, $0xA;
	s2 =	sadd.s32 s3, s2  }
0x8d: {  	s2 =	sadd.s32 s2, s16  }
0x8e: {  	[smem:$0x3FC5] =	sst s2  }
0x8f: {  	_ = 	snop  }
0x90: {  	(tm) =	ssettm $0x1  }
0x91: {  	s17 =	sld [smem:$0x3FFB];
	_ =	sdelay $0x3  }
0x92: {  	_ =	strace s17  }
0x93: {  	s2 =	sld [smem:$0x3FFC];
	_ =	sdelay $0x3  }
0x94: {  	_ =	strace s2  }
0x95: {  	s2 =	sld [smem:$0x3FFD];
	_ =	sdelay $0x3  }
0x96: {  	_ =	strace s2  }
0x97: {  	_ =	strace $0x8FFFFFFF  }
0x98: {  	s18 =	sld [smem:$0x3FDB];
	_ =	sdelay $0x1  }
0x99: {  	s19 =	simm.s32 $_scs_section_size  }
0x9a: {  	s4 =	simm.s32 $_size__tile_overlayer_lowered;
	s5 =	simm.s32 $_tile_overlayer_lowered  }
0x9b: {  	s22 =	simm.s32 $0x1BFF;
	s21 =	sshll.u32 s5, $0x1;
	s2 =	sadd.s32 s19, s18  }
0x9c: {  	s6 =	simm.s32 $0x0;
	s20 =	sshll.u32 s4, $0x1;
	s4 =	sadd.s32 s21, s2  }
0x9d: {  	[timem:s6], [sflag:s22] =	dma.local [hbm:s4], s20  }
0x9e: {  	_ =	swait.ge [sflag:s22], s20  }
0x9f: {  	s3 =	ssub.s32 $0x0, s20;
	[sflag:s22] =	ssyncset.done $0x0  }
0xa0: {  	[sflag:s22] =	ssyncadd.s32 s3;
	_ =	sdelay $0x1  }
0xa1: {  	s23 =	simm.s32 $0x1B8B  }
0xa2: {  	_ =	swait.ge [sflag:s23], $0x1  }
0xa3: {  	[sflag:s23] =	ssyncset.done $0x0  }
0xa4: {  	s25 =	simm.s32 $0x1B8E;
	s24 =	sld [smem:$0x3FFE];
	[sflag:s23] =	ssyncadd.s32 $0xFFFFFFFF  }
0xa5: {  	s26 =	simm.s32 $execute0_lowered;
	[smem:$0x3FD2] =	sst s25  }
0xa6: {  	s4 =	sshll.u32 s26, $0x1;
	_ =	strace $0x80000046;
	[dreg:$0x1] =	wrdreg $0xFFFFFFFF  }
0xa7: {  	s28 =	simm.s32 $_size_execute0_lowered;
	s2 =	sadd.s32 s2, s4;
	[dreg:$0x0] =	wrdreg $0x0  }
0xa8: {  	s4 =	sshll.u32 s28, $0x1;
	[dreg:$0x2] =	wrdreg s2  }
0xa9: {  	[dreg:$0x3] =	wrdreg s4  }
0xaa: {  	[dreg:$0x4] =	wrdreg $0xC0  }
0xab: {  	_ =	task [dreg:s6], $0x5FFFF  }
0xac: {  	[dreg:$0x1] =	wrdreg $0xFFFFFFFF  }
0xad: {  	[dreg:$0x0] =	wrdreg $0x60  }
0xae: {  	[dreg:$0x2] =	wrdreg s24  }
0xaf: {  	[dreg:$0x3] =	wrdreg $0x9  }
0xb0: {  	_ =	task.clear_ibuf [dreg:s6], $0x4FFFF;
	_ =	strace $0x90000046  }
0xb1: {  	s29 =	simm.s32 $0x9;
	_ =	strace $0x80000048  }
0xb2: {  	_ =	swait.ge [sflag:s29], $0x1  }
0xb3: {  	[sflag:s29] =	ssyncadd.s32 $0xFFFFFFFF  }
0xb4: {  	_ =	strace $0x90000048  }
0xb5: {  	_ =	sfence  }
0xb6: {  	s30 =	sld [smem:$0x0];
	_ =	sdelay $0x2  }
0xb7: {  	s31 =	sshll.u32 s1, $0xD;
	s1 =	sshrl.u32 s1, $0x2  }
0xb8: {  	s3 =	sand.u32 $0x4000, s31;
	s1 =	sadd.s32 s1, s30  }
0xb9: {  	s0 =	sor.u32 s3, s0;
	s1 =	sshll.u32 s1, $0x11  }
0xba: {  	s0 =	sor.u32 s1, s0  }
0xbb: {  	s0 =	sadd.s32 $0x8F2B, s0  }
0xbc: {  	[sflag:s0] =	ssyncadd.remote.s32 $0x1  }
0xbd: {  	_ =	sfence.sel $0xFFFF  }
0xbe: {  	[dreg:$0x0] =	wrdreg $0xFFFFFFFF;
	(pc) =	sbr.abs _section_cstart, $3  }
0xbf: {  	[dreg:$0x1] =	wrdreg $0xFFFFFFFF  }
0xc0: {  	_ =	task.clear_ibuf [dreg:s6], $0x2FFFF;
	_ =	strace $0x9FFFFFFF  }
0xc1: {  	(tm) =	ssettm $0x7FFFFFFF  }
tec
execute0_lowered:
.L_overlay_start_1:
0x0: {  	(tag) =	ssettag $0x1  }
0x1: {  	s3 =	rddreg [dreg:$0x0]  }
0x2: {  	s0 =	rddreg [dreg:$0x1];
	s2 =	simm.s32 $0x0;
	s4 =	srdreg.scid  }
0x3: {  	s1 =	stileid.u32;
	s8 =	simm.s32 $0x8000;
	s9 =	simm.s32 $0x8400  }
0x4: {  	[smem:$0x7FF] =	sst s2;
	s4 =	sand.u32 $0x1, s4;
	s5 =	sshll.u32 s1, $0x1  }
0x5: {  	s10 =	simm.s32 $0x0;
	_ =	strace $0x80000047;
	s5 =	sor.u32 s4, s5  }
0x6: {  	s4 =	ssub.s32 $0x2, s4;
	s6 =	sshll.u32 s5, $0xC;
	s5 =	sshll.u32 s5, $0x7  }
0x7: {  	s31 =	sshrl.u32 s4, $0x1;
	s6 =	sadd.s32 s6, s3;
	s5 =	sadd.s32 s5, s3  }
0x8: {  	s7 =	ssub.s32 s4, s31;
	s3 =	sadd.s32 $0x1600, s6;
	s4 =	sadd.s32 $0x22600, s5  }
0x9: {  	v0 =	vlaneseq.u32;
	v1 =	vimm.s32 $0x0;
	s5 =	sadd.s32 $0x21600, s5;
	s6 =	smax.u32 s7, $0x1;
	s7 =	simm.s32 $0x1  }
.LBB2_1:
0xa: {  	v2 =	vor.u32 s2, v0  }
0xb: {  	v3 =	vshll.u32 v2, $0x6  }
0xc: {  	[tilespmem:s2], [sflag:$0x1] =	stream.linear.gather [hbm4b:s3+s2], $0x8000, $0x38;
	v4 =	vor.u32 $0x1, v3;
	[tilespmem:$0x8800] =	vst v63  }
0xd: {  	_ =	swait.ge [sflag:s7], $0x8000  }
0xe: {  	[sflag:s7] =	ssyncset.done $0x0  }
0xf: {  	[sflag:s7] =	ssyncadd.s32 $0xFFFF8000  }
0x10: {  	v5 =	vor.u32 $0x2, v3;
	v6 =	vld.idx.msk [tilespmem:v3+s2+$0x0], $0xffff  }
0x11: {  	v4 =	vld.idx.msk [tilespmem:v4+s2+$0x0], $0xffff;
	_ =	sdelay $0x1  }
0x12: {  	v7 =	vor.u32 $0x3, v3;
	_ =	sdelay $0x1  }
0x13: {  	v9 =	vimm.s32 $0x0;
	v8 =	vor.u32 $0x4, v3;
	v5 =	vld.idx.msk [tilespmem:v5+s2+$0x0], $0xffff  }
0x14: {  	vm0 =	vlt.f32 v4, $-Inf;
	vm1 =	vgt.f32 v4, $-Inf;
	vm2 =	vgt.f32 v4, v6  }
0x15: {  	v9 =	vsel vm2, $0xFFFFFFFF, v9;
	vm13 =	vmor vm1, vm0  }
0x16: {  	v7 =	vld.idx.msk [tilespmem:v7+s2+$0x0], $0xffff;
	vm2 =	vmneg vm2;
	[tilespmem:$0x1FC80] =	vst v9;
	v9 =	vnsel vm13, $0xFF800000, v4  }
0x17: {  	v10 =	vor.u32 $0x5, v3;
	v9 =	vsel vm2, v9, v6  }
0x18: {  	v4 =	vsel vm2, v6, v4;
	vm14 =	vgt.f32 v5, v9  }
0x19: {  	v6 =	vld.idx.msk [tilespmem:v8+s2+$0x0], $0xffff;
	vm3 =	vgt.f32 v5, v4;
	v8 =	vsel vm14, v5, v9  }
0x1a: {  	v8 =	vsel vm3, v4, v8  }
0x1b: {  	v9 =	vor.u32 $0x6, v3;
	v4 =	vsel vm3, v5, v4;
	vm15 =	vgt.f32 v7, v8  }
0x1c: {  	v5 =	vld.idx.msk [tilespmem:v10+s2+$0x0], $0xffff;
	vm4 =	vgt.f32 v7, v4;
	v8 =	vsel vm15, v7, v8  }
0x1d: {  	v10 =	vor.u32 $0x7, v3;
	v8 =	vsel vm4, v4, v8  }
0x1e: {  	v4 =	vsel vm4, v7, v4;
	v7 =	vimm.s32 $0x0;
	vm9 =	vgt.f32 v6, v8  }
0x1f: {  	vm5 =	vgt.f32 v6, v4;
	v7 =	vsel vm9, $0xFFFFFFFF, v7;
	v8 =	vsel vm9, v6, v8  }
0x20: {  	[tilespmem:$0x1FC90] =	vst v7;
	v7 =	vld.idx.msk [tilespmem:v9+s2+$0x0], $0xffff;
	v8 =	vsel vm5, v4, v8  }
0x21: {  	v4 =	vsel vm5, v6, v4;
	v6 =	vimm.s32 $0x0;
	vm10 =	vgt.f32 v5, v8  }
0x22: {  	v9 =	vor.u32 $0x8, v3;
	v6 =	vsel vm10, $0xFFFFFFFF, v6  }
0x23: {  	vm6 =	vgt.f32 v5, v4;
	v8 =	vsel vm10, v5, v8;
	[tilespmem:$0x1FCA0] =	vst v6;
	v6 =	vld.idx.msk [tilespmem:v10+s2+$0x0], $0xffff  }
0x24: {  	v10 =	vor.u32 $0x9, v3;
	v8 =	vsel vm6, v4, v8  }
0x25: {  	v4 =	vsel vm6, v5, v4;
	v5 =	vimm.s32 $0x0;
	vm11 =	vgt.f32 v7, v8  }
0x26: {  	vm7 =	vgt.f32 v7, v4;
	v5 =	vsel vm11, $0xFFFFFFFF, v5;
	v8 =	vsel vm11, v7, v8  }
0x27: {  	[tilespmem:$0x1FCB0] =	vst v5;
	v5 =	vld.idx.msk [tilespmem:v9+s2+$0x0], $0xffff;
	v8 =	vsel vm7, v4, v8  }
0x28: {  	v4 =	vsel vm7, v7, v4;
	v7 =	vimm.s32 $0x0;
	vm12 =	vgt.f32 v6, v8  }
0x29: {  	v9 =	vor.u32 $0xA, v3;
	v7 =	vsel vm12, $0xFFFFFFFF, v7  }
0x2a: {  	vm1 =	vgt.f32 v6, v4;
	v8 =	vsel vm12, v6, v8;
	[tilespmem:$0x1FCC0] =	vst v7;
	v7 =	vld.idx.msk [tilespmem:v10+s2+$0x0], $0xffff  }
0x2b: {  	v10 =	vor.u32 $0xB, v3;
	v8 =	vsel vm1, v4, v8  }
0x2c: {  	v4 =	vsel vm1, v6, v4;
	v6 =	vimm.s32 $0x0;
	vm8 =	vgt.f32 v5, v8  }
0x2d: {  	v6 =	vsel vm8, $0xFFFFFFFF, v6;
	v8 =	vsel vm8, v5, v8;
	vm8 =	vgt.f32 v5, v4  }
0x2e: {  	[tilespmem:$0x1FCD0] =	vst v6;
	v6 =	vld.idx.msk [tilespmem:v9+s2+$0x0], $0xffff;
	v8 =	vsel vm8, v4, v8  }
0x2f: {  	v4 =	vsel vm8, v5, v4;
	v5 =	vimm.s32 $0x0;
	vm9 =	vgt.f32 v7, v8  }
0x30: {  	v9 =	vor.u32 $0xC, v3;
	v5 =	vsel vm9, $0xFFFFFFFF, v5  }
0x31: {  	v8 =	vsel vm9, v7, v8;
	vm9 =	vgt.f32 v7, v4;
	[tilespmem:$0x1FCE0] =	vst v5;
	v5 =	vld.idx.msk [tilespmem:v10+s2+$0x0], $0xffff  }
0x32: {  	v10 =	vor.u32 $0xD, v3;
	v8 =	vsel vm9, v4, v8  }
0x33: {  	v4 =	vsel vm9, v7, v4;
	v7 =	vimm.s32 $0x0;
	vm10 =	vgt.f32 v6, v8  }
0x34: {  	v7 =	vsel vm10, $0xFFFFFFFF, v7;
	v8 =	vsel vm10, v6, v8;
	vm10 =	vgt.f32 v6, v4  }
0x35: {  	[tilespmem:$0x1FCF0] =	vst v7;
	v7 =	vld.idx.msk [tilespmem:v9+s2+$0x0], $0xffff;
	v8 =	vsel vm10, v4, v8  }
0x36: {  	v4 =	vsel vm10, v6, v4;
	v6 =	vimm.s32 $0x0;
	vm11 =	vgt.f32 v5, v8  }
0x37: {  	v9 =	vor.u32 $0xE, v3;
	v6 =	vsel vm11, $0xFFFFFFFF, v6  }
0x38: {  	v8 =	vsel vm11, v5, v8;
	vm11 =	vgt.f32 v5, v4;
	[tilespmem:$0x1FD00] =	vst v6;
	v6 =	vld.idx.msk [tilespmem:v10+s2+$0x0], $0xffff  }
0x39: {  	v10 =	vor.u32 $0xF, v3;
	v8 =	vsel vm11, v4, v8  }
0x3a: {  	v12 =	vld [tilespmem:$0x1FC80];
	v4 =	vsel vm11, v5, v4;
	v5 =	vimm.s32 $0x0;
	vm12 =	vgt.f32 v7, v8  }
0x3b: {  	v5 =	vsel vm12, $0xFFFFFFFF, v5;
	v8 =	vsel vm12, v7, v8;
	vm12 =	vgt.f32 v7, v4  }
0x3c: {  	[tilespmem:$0x1FD10] =	vst v5;
	v5 =	vld.idx.msk [tilespmem:v9+s2+$0x0], $0xffff;
	v8 =	vsel vm12, v4, v8  }
0x3d: {  	v4 =	vsel vm12, v7, v4;
	v7 =	vimm.s32 $0x0;
	vm0 =	vgt.f32 v6, v8  }
0x3e: {  	vm2 =	vmand vm2, vm13;
	v9 =	vor.u32 $0x10, v3;
	v7 =	vsel vm0, $0xFFFFFFFF, v7  }
0x3f: {  	vm13 =	vgt.f32 v6, v4;
	v8 =	vsel vm0, v6, v8;
	vm0 =	vnez.u8 v12;
	[tilespmem:$0x1FD20] =	vst v7;
	v7 =	vld.idx.msk [tilespmem:v10+s2+$0x0], $0xffff  }
0x40: {  	v10 =	vsel vm2, $0x1, v1;
	v8 =	vsel vm13, v4, v8;
	v12 =	vsel vm0, $0x1, v1  }
0x41: {  	v4 =	vsel vm13, v6, v4;
	v6 =	vimm.s32 $0x0;
	vm0 =	vgt.f32 v5, v8  }
0x42: {  	vm2 =	vgt.f32 v5, v4;
	v6 =	vsel vm0, $0xFFFFFFFF, v6;
	v8 =	vsel vm0, v5, v8  }
0x43: {  	[tilespmem:$0x1FD30] =	vst v6;
	v6 =	vsel vm14, $0x2, v10;
	v8 =	vsel vm2, v4, v8  }
0x44: {  	v4 =	vsel vm2, v5, v4;
	v6 =	vsel vm3, v12, v6;
	vm14 =	vgt.f32 v7, v8  }
0x45: {  	v9 =	vld.idx.msk [tilespmem:v9+s2+$0x0], $0xffff;
	v12 =	vsel vm3, $0x2, v12;
	vm3 =	vgt.f32 v7, v4;
	v8 =	vsel vm14, v7, v8  }
0x46: {  	v8 =	vsel vm3, v4, v8;
	v4 =	vsel vm3, v7, v4;
	v7 =	vld [tilespmem:$0x1FC90]  }
0x47: {  	v11 =	vor.u32 $0x11, v3;
	v5 =	vimm.s32 $0x0  }
0x48: {  	v5 =	vsel vm14, $0xFFFFFFFF, v5  }
0x49: {  	[tilespmem:$0x1FD40] =	vst v5;
	v5 =	vsel vm15, $0x3, v6  }
0x4a: {  	v10 =	vor.u32 $0x12, v3;
	v5 =	vsel vm4, v12, v5  }
0x4b: {  	v12 =	vsel vm4, $0x3, v12;
	vm14 =	vgt.f32 v9, v8;
	vm4 =	vnez.u8 v7  }
0x4c: {  	v6 =	vld.idx.msk [tilespmem:v11+s2+$0x0], $0xffff;
	v8 =	vsel vm14, v9, v8;
	v5 =	vsel vm4, $0x4, v5;
	vm4 =	vgt.f32 v9, v4  }
0x4d: {  	v8 =	vsel vm4, v4, v8;
	v4 =	vsel vm4, v9, v4;
	v9 =	vld [tilespmem:$0x1FCA0];
	_ =	sdelay $0x2  }
0x4e: {  	v7 =	vld.idx.msk [tilespmem:v10+s2+$0x0], $0xffff  }
0x4f: {  	v5 =	vsel vm5, v12, v5  }
0x50: {  	v12 =	vsel vm5, $0x4, v12;
	vm15 =	vgt.f32 v6, v8;
	vm5 =	vnez.u8 v9  }
0x51: {  	v8 =	vsel vm15, v6, v8;
	v5 =	vsel vm5, $0x5, v5;
	vm5 =	vgt.f32 v6, v4  }
0x52: {  	v11 =	vor.u32 $0x13, v3;
	v8 =	vsel vm5, v4, v8  }
0x53: {  	v4 =	vsel vm5, v6, v4;
	v6 =	vimm.s32 $0x0;
	vm0 =	vgt.f32 v7, v8  }
0x54: {  	v6 =	vsel vm0, $0xFFFFFFFF, v6  }
0x55: {  	[tilespmem:$0x1FD50] =	vst v6;
	v6 =	vld [tilespmem:$0x1FCB0];
	_ =	sdelay $0x2  }
0x56: {  	v9 =	vld.idx.msk [tilespmem:v11+s2+$0x0], $0xffff;
	_ =	sdelay $0x1  }
0x57: {  	v5 =	vsel vm6, v12, v5;
	v12 =	vsel vm6, $0x5, v12;
	vm6 =	vnez.u8 v6  }
0x58: {  	v8 =	vsel vm0, v7, v8;
	v5 =	vsel vm6, $0x6, v5;
	vm6 =	vgt.f32 v7, v4  }
0x59: {  	v10 =	vor.u32 $0x14, v3;
	v8 =	vsel vm6, v4, v8  }
0x5a: {  	v4 =	vsel vm6, v7, v4;
	v7 =	vimm.s32 $0x0;
	vm0 =	vgt.f32 v9, v8  }
0x5b: {  	v7 =	vsel vm0, $0xFFFFFFFF, v7  }
0x5c: {  	[tilespmem:$0x1FD60] =	vst v7;
	v7 =	vld [tilespmem:$0x1FCC0];
	_ =	sdelay $0x2  }
0x5d: {  	v6 =	vld.idx.msk [tilespmem:v10+s2+$0x0], $0xffff;
	_ =	sdelay $0x1  }
0x5e: {  	v5 =	vsel vm7, v12, v5;
	v12 =	vsel vm7, $0x6, v12;
	vm7 =	vnez.u8 v7  }
0x5f: {  	v8 =	vsel vm0, v9, v8;
	v5 =	vsel vm7, $0x7, v5;
	vm7 =	vgt.f32 v9, v4  }
0x60: {  	v11 =	vor.u32 $0x15, v3;
	v8 =	vsel vm7, v4, v8  }
0x61: {  	v4 =	vsel vm7, v9, v4;
	v9 =	vimm.s32 $0x0;
	vm0 =	vgt.f32 v6, v8  }
0x62: {  	v9 =	vsel vm0, $0xFFFFFFFF, v9  }
0x63: {  	[tilespmem:$0x1FD70] =	vst v9;
	v9 =	vld [tilespmem:$0x1FCD0];
	_ =	sdelay $0x2  }
0x64: {  	v7 =	vld.idx.msk [tilespmem:v11+s2+$0x0], $0xffff;
	_ =	sdelay $0x1  }
0x65: {  	v13 =	vsel vm1, $0x7, v12;
	v5 =	vsel vm1, v12, v5;
	vm1 =	vnez.u8 v9  }
0x66: {  	v8 =	vsel vm0, v6, v8;
	v5 =	vsel vm1, $0x8, v5;
	vm1 =	vgt.f32 v6, v4  }
0x67: {  	v10 =	vor.u32 $0x16, v3;
	v8 =	vsel vm1, v4, v8  }
0x68: {  	v4 =	vsel vm1, v6, v4;
	v6 =	vimm.s32 $0x0;
	vm0 =	vgt.f32 v7, v8  }
0x69: {  	v6 =	vsel vm0, $0xFFFFFFFF, v6  }
0x6a: {  	[tilespmem:$0x1FD80] =	vst v6;
	v6 =	vld [tilespmem:$0x1FCE0]  }
0x6b: {  	v12 =	vsel vm8, $0x8, v13;
	v5 =	vsel vm8, v13, v5;
	v13 =	vld [tilespmem:$0x1FCF0]  }
0x6c: {  	v11 =	vor.u32 $0x17, v3  }
0x6d: {  	v9 =	vld.idx.msk [tilespmem:v10+s2+$0x0], $0xffff;
	_ =	sdelay $0x1  }
0x6e: {  	v8 =	vsel vm0, v7, v8;
	vm8 =	vnez.u8 v6  }
0x6f: {  	vm0 =	vnez.u8 v13;
	v5 =	vsel vm8, $0x9, v5;
	vm8 =	vgt.f32 v7, v4  }
0x70: {  	v6 =	vld.idx.msk [tilespmem:v11+s2+$0x0], $0xffff;
	v5 =	vsel vm9, v12, v5;
	v8 =	vsel vm8, v4, v8;
	v4 =	vsel vm8, v7, v4  }
0x71: {  	v7 =	vimm.s32 $0x0;
	v5 =	vsel vm0, $0xA, v5;
	vm0 =	vgt.f32 v9, v8  }
0x72: {  	v7 =	vsel vm0, $0xFFFFFFFF, v7  }
0x73: {  	v8 =	vsel vm0, v9, v8;
	[tilespmem:$0x1FD90] =	vst v7;
	v7 =	vsel vm9, $0x9, v12;
	vm9 =	vgt.f32 v9, v4  }
0x74: {  	v10 =	vor.u32 $0x18, v3;
	v13 =	vsel vm10, $0xA, v7;
	v8 =	vsel vm9, v4, v8  }
0x75: {  	v5 =	vsel vm10, v7, v5;
	v7 =	vimm.s32 $0x0;
	vm0 =	vgt.f32 v6, v8  }
0x76: {  	v7 =	vsel vm0, $0xFFFFFFFF, v7  }
0x77: {  	[tilespmem:$0x1FDA0] =	vst v7;
	v7 =	vld [tilespmem:$0x1FD00];
	_ =	sdelay $0x2  }
0x78: {  	v10 =	vld.idx.msk [tilespmem:v10+s2+$0x0], $0xffff;
	_ =	sdelay $0x1  }
0x79: {  	v4 =	vsel vm9, v9, v4;
	vm10 =	vnez.u8 v7  }
0x7a: {  	v8 =	vsel vm0, v6, v8;
	v5 =	vsel vm10, $0xB, v5;
	vm10 =	vgt.f32 v6, v4  }
0x7b: {  	v11 =	vor.u32 $0x19, v3;
	v8 =	vsel vm10, v4, v8  }
0x7c: {  	v4 =	vsel vm10, v6, v4;
	v6 =	vimm.s32 $0x0;
	vm0 =	vgt.f32 v10, v8  }
0x7d: {  	v6 =	vsel vm0, $0xFFFFFFFF, v6  }
0x7e: {  	[tilespmem:$0x1FDB0] =	vst v6;
	v6 =	vld [tilespmem:$0x1FD10];
	_ =	sdelay $0x2  }
0x7f: {  	v7 =	vld.idx.msk [tilespmem:v11+s2+$0x0], $0xffff;
	_ =	sdelay $0x1  }
0x80: {  	v11 =	vsel vm11, $0xB, v13;
	v5 =	vsel vm11, v13, v5;
	vm11 =	vnez.u8 v6  }
0x81: {  	v8 =	vsel vm0, v10, v8;
	v5 =	vsel vm11, $0xC, v5;
	vm11 =	vgt.f32 v10, v4  }
0x82: {  	v12 =	vor.u32 $0x1A, v3;
	v8 =	vsel vm11, v4, v8  }
0x83: {  	v4 =	vsel vm11, v10, v4;
	v10 =	vimm.s32 $0x0;
	vm0 =	vgt.f32 v7, v8  }
0x84: {  	v10 =	vsel vm0, $0xFFFFFFFF, v10  }
0x85: {  	[tilespmem:$0x1FDC0] =	vst v10;
	v10 =	vld [tilespmem:$0x1FD20]  }
0x86: {  	v13 =	vsel vm12, $0xC, v11;
	v5 =	vsel vm12, v11, v5;
	v11 =	vld [tilespmem:$0x1FD30]  }
0x87: {  	v9 =	vor.u32 $0x1B, v3  }
0x88: {  	v6 =	vld.idx.msk [tilespmem:v12+s2+$0x0], $0xffff;
	_ =	sdelay $0x1  }
0x89: {  	v8 =	vsel vm0, v7, v8;
	vm12 =	vnez.u8 v10  }
0x8a: {  	vm0 =	vnez.u8 v11;
	v5 =	vsel vm12, $0xD, v5;
	vm12 =	vgt.f32 v7, v4  }
0x8b: {  	v9 =	vld.idx.msk [tilespmem:v9+s2+$0x0], $0xffff;
	v5 =	vsel vm13, v13, v5;
	v8 =	vsel vm12, v4, v8;
	v4 =	vsel vm12, v7, v4  }
0x8c: {  	v7 =	vimm.s32 $0x0;
	v5 =	vsel vm0, $0xE, v5;
	vm0 =	vgt.f32 v6, v8  }
0x8d: {  	v12 =	vor.u32 $0x1C, v3;
	v7 =	vsel vm0, $0xFFFFFFFF, v7  }
0x8e: {  	v8 =	vsel vm0, v6, v8;
	vm0 =	vgt.f32 v6, v4;
	[tilespmem:$0x1FDD0] =	vst v7;
	v7 =	vsel vm13, $0xD, v13  }
0x8f: {  	v8 =	vsel vm0, v4, v8;
	v4 =	vsel vm0, v6, v4;
	v6 =	vimm.s32 $0x0  }
0x90: {  	v13 =	vsel vm2, $0xE, v7;
	v5 =	vsel vm2, v7, v5;
	vm2 =	vgt.f32 v9, v8  }
0x91: {  	v6 =	vsel vm2, $0xFFFFFFFF, v6  }
0x92: {  	v10 =	vor.u32 $0x1D, v3;
	[tilespmem:$0x1FDE0] =	vst v6;
	v6 =	vld [tilespmem:$0x1FD40];
	_ =	sdelay $0x1  }
0x93: {  	v11 =	vld.idx.msk [tilespmem:v12+s2+$0x0], $0xffff  }
0x94: {  	v12 =	vor.u32 $0x1E, v3  }
0x95: {  	v7 =	vsel vm2, v9, v8  }
0x96: {  	vm2 =	vgt.f32 v9, v4;
	v8 =	vor.u32 $0x1F, v3;
	vm13 =	vnez.u8 v6;
	v6 =	vld.idx.msk [tilespmem:v10+s2+$0x0], $0xffff  }
0x97: {  	v7 =	vsel vm2, v4, v7;
	v4 =	vsel vm2, v9, v4;
	v5 =	vsel vm13, $0xF, v5  }
0x98: {  	v10 =	vsel vm3, $0xF, v13;
	vm13 =	vgt.f32 v11, v7;
	v5 =	vsel vm3, v13, v5  }
0x99: {  	v9 =	vld.idx.msk [tilespmem:v12+s2+$0x0], $0xffff;
	v7 =	vsel vm13, v11, v7;
	vm3 =	vgt.f32 v11, v4;
	v13 =	vsel vm4, $0x10, v10  }
0x9a: {  	v5 =	vsel vm14, $0x10, v5;
	vm14 =	vmmov vm13;
	v7 =	vsel vm3, v4, v7  }
0x9b: {  	v4 =	vsel vm3, v11, v4;
	v5 =	vsel vm4, v10, v5;
	vm13 =	vgt.f32 v6, v7  }
0x9c: {  	v5 =	vsel vm15, $0x11, v5;
	vm4 =	vgt.f32 v6, v4;
	v7 =	vsel vm13, v6, v7  }
0x9d: {  	v11 =	vsel vm5, $0x11, v13;
	v5 =	vsel vm5, v13, v5;
	v7 =	vsel vm4, v4, v7  }
0x9e: {  	v4 =	vsel vm4, v6, v4;
	v6 =	vimm.s32 $0x0;
	vm5 =	vgt.f32 v9, v7  }
0x9f: {  	v6 =	vsel vm5, $0xFFFFFFFF, v6  }
0xa0: {  	[tilespmem:$0x1FDF0] =	vst v6;
	v6 =	vld [tilespmem:$0x1FD50];
	_ =	sdelay $0x1  }
0xa1: {  	v8 =	vld.idx.msk [tilespmem:v8+s2+$0x0], $0xffff;
	_ =	sdelay $0x1  }
0xa2: {  	v12 =	vor.u32 $0x20, v3;
	vm15 =	vmmov vm13;
	v13 =	vsel vm6, $0x12, v11  }
0xa3: {  	v7 =	vsel vm5, v9, v7;
	vm5 =	vgt.f32 v9, v4;
	vm13 =	vnez.u8 v6  }
0xa4: {  	v7 =	vsel vm5, v4, v7;
	v4 =	vsel vm5, v9, v4;
	v5 =	vsel vm13, $0x12, v5  }
0xa5: {  	v9 =	vimm.s32 $0x0;
	v5 =	vsel vm6, v11, v5;
	vm6 =	vgt.f32 v8, v7  }
0xa6: {  	v9 =	vsel vm6, $0xFFFFFFFF, v9  }
0xa7: {  	[tilespmem:$0x1FE00] =	vst v9;
	v9 =	vld [tilespmem:$0x1FD60];
	_ =	sdelay $0x1  }
0xa8: {  	v6 =	vld.idx.msk [tilespmem:v12+s2+$0x0], $0xffff;
	_ =	sdelay $0x1  }
0xa9: {  	v10 =	vor.u32 $0x21, v3;
	v11 =	vsel vm7, $0x13, v13  }
0xaa: {  	v7 =	vsel vm6, v8, v7;
	vm6 =	vgt.f32 v8, v4;
	vm13 =	vnez.u8 v9  }
0xab: {  	v7 =	vsel vm6, v4, v7;
	v4 =	vsel vm6, v8, v4;
	v5 =	vsel vm13, $0x13, v5  }
0xac: {  	v8 =	vimm.s32 $0x0;
	v5 =	vsel vm7, v13, v5;
	vm7 =	vgt.f32 v6, v7  }
0xad: {  	v8 =	vsel vm7, $0xFFFFFFFF, v8  }
0xae: {  	[tilespmem:$0x1FE10] =	vst v8;
	v8 =	vld [tilespmem:$0x1FD70];
	_ =	sdelay $0x1  }
0xaf: {  	v12 =	vor.u32 $0x22, v3;
	v13 =	vld [tilespmem:$0x1FD80]  }
0xb0: {  	v9 =	vld.idx.msk [tilespmem:v10+s2+$0x0], $0xffff;
	_ =	sdelay $0x1  }
0xb1: {  	v7 =	vsel vm7, v6, v7;
	vm7 =	vgt.f32 v6, v4;
	vm13 =	vnez.u8 v8  }
0xb2: {  	v7 =	vsel vm7, v4, v7;
	v5 =	vsel vm13, $0x14, v5  }
0xb3: {  	v4 =	vsel vm7, v6, v4;
	v8 =	vld.idx.msk [tilespmem:v12+s2+$0x0], $0xffff;
	vm13 =	vnez.u8 v13;
	v5 =	vsel vm1, v11, v5  }
0xb4: {  	v6 =	vimm.s32 $0x0;
	v5 =	vsel vm13, $0x15, v5;
	vm13 =	vgt.f32 v9, v7  }
0xb5: {  	v10 =	vor.u32 $0x23, v3;
	v6 =	vsel vm13, $0xFFFFFFFF, v6  }
0xb6: {  	v7 =	vsel vm13, v9, v7;
	vm13 =	vgt.f32 v9, v4;
	[tilespmem:$0x1FE20] =	vst v6;
	v6 =	vsel vm1, $0x14, v11  }
0xb7: {  	v7 =	vsel vm13, v4, v7;
	v4 =	vsel vm13, v9, v4;
	v9 =	vimm.s32 $0x0  }
0xb8: {  	v5 =	vsel vm8, v6, v5;
	v6 =	vsel vm8, $0x15, v6;
	vm8 =	vgt.f32 v8, v7  }
0xb9: {  	v9 =	vsel vm8, $0xFFFFFFFF, v9  }
0xba: {  	[tilespmem:$0x1FE30] =	vst v9;
	v9 =	vld [tilespmem:$0x1FD90];
	_ =	sdelay $0x1  }
0xbb: {  	v10 =	vld.idx.msk [tilespmem:v10+s2+$0x0], $0xffff;
	_ =	sdelay $0x1  }
0xbc: {  	v7 =	vsel vm8, v8, v7;
	vm8 =	vgt.f32 v8, v4  }
0xbd: {  	v12 =	vor.u32 $0x24, v3;
	v7 =	vsel vm8, v4, v7;
	vm1 =	vnez.u8 v9  }
0xbe: {  	v4 =	vsel vm8, v8, v4;
	v8 =	vimm.s32 $0x0;
	v5 =	vsel vm1, $0x16, v5  }
0xbf: {  	v5 =	vsel vm9, v6, v5;
	v6 =	vsel vm9, $0x16, v6;
	vm9 =	vgt.f32 v10, v7  }
0xc0: {  	v8 =	vsel vm9, $0xFFFFFFFF, v8  }
0xc1: {  	[tilespmem:$0x1FE40] =	vst v8;
	v8 =	vld [tilespmem:$0x1FDA0];
	_ =	sdelay $0x1  }
0xc2: {  	v9 =	vld.idx.msk [tilespmem:v12+s2+$0x0], $0xffff;
	_ =	sdelay $0x1  }
0xc3: {  	v7 =	vsel vm9, v10, v7;
	vm9 =	vgt.f32 v10, v4  }
0xc4: {  	v11 =	vor.u32 $0x25, v3;
	v7 =	vsel vm9, v4, v7;
	vm1 =	vnez.u8 v8  }
0xc5: {  	v4 =	vsel vm9, v10, v4;
	v10 =	vimm.s32 $0x0;
	v5 =	vsel vm1, $0x17, v5  }
0xc6: {  	v5 =	vsel vm10, v6, v5;
	v6 =	vsel vm10, $0x17, v6;
	vm10 =	vgt.f32 v9, v7  }
0xc7: {  	v10 =	vsel vm10, $0xFFFFFFFF, v10  }
0xc8: {  	[tilespmem:$0x1FE50] =	vst v10;
	v10 =	vld [tilespmem:$0x1FDB0];
	_ =	sdelay $0x1  }
0xc9: {  	v8 =	vld.idx.msk [tilespmem:v11+s2+$0x0], $0xffff;
	_ =	sdelay $0x1  }
0xca: {  	v7 =	vsel vm10, v9, v7;
	vm10 =	vgt.f32 v9, v4  }
0xcb: {  	v12 =	vor.u32 $0x26, v3;
	v7 =	vsel vm10, v4, v7;
	vm1 =	vnez.u8 v10  }
0xcc: {  	v4 =	vsel vm10, v9, v4;
	v9 =	vimm.s32 $0x0;
	v5 =	vsel vm1, $0x18, v5  }
0xcd: {  	v5 =	vsel vm11, v6, v5;
	v6 =	vsel vm11, $0x18, v6;
	vm11 =	vgt.f32 v8, v7  }
0xce: {  	v9 =	vsel vm11, $0xFFFFFFFF, v9  }
0xcf: {  	[tilespmem:$0x1FE60] =	vst v9;
	v9 =	vld [tilespmem:$0x1FDC0];
	_ =	sdelay $0x1  }
0xd0: {  	v10 =	vld.idx.msk [tilespmem:v12+s2+$0x0], $0xffff;
	_ =	sdelay $0x1  }
0xd1: {  	v7 =	vsel vm11, v8, v7;
	vm11 =	vgt.f32 v8, v4  }
0xd2: {  	v11 =	vor.u32 $0x27, v3;
	v7 =	vsel vm11, v4, v7;
	vm1 =	vnez.u8 v9  }
0xd3: {  	v4 =	vsel vm11, v8, v4;
	v8 =	vimm.s32 $0x0;
	v5 =	vsel vm1, $0x19, v5  }
0xd4: {  	v5 =	vsel vm12, v6, v5;
	v6 =	vsel vm12, $0x19, v6;
	vm12 =	vgt.f32 v10, v7  }
0xd5: {  	v8 =	vsel vm12, $0xFFFFFFFF, v8  }
0xd6: {  	[tilespmem:$0x1FE70] =	vst v8;
	v8 =	vld [tilespmem:$0x1FDD0];
	_ =	sdelay $0x1  }
0xd7: {  	v9 =	vld.idx.msk [tilespmem:v11+s2+$0x0], $0xffff;
	_ =	sdelay $0x1  }
0xd8: {  	v7 =	vsel vm12, v10, v7;
	vm12 =	vgt.f32 v10, v4  }
0xd9: {  	v12 =	vor.u32 $0x28, v3;
	v7 =	vsel vm12, v4, v7;
	vm1 =	vnez.u8 v8  }
0xda: {  	v4 =	vsel vm12, v10, v4;
	v10 =	vimm.s32 $0x0;
	v5 =	vsel vm1, $0x1A, v5  }
0xdb: {  	v5 =	vsel vm0, v6, v5;
	v6 =	vsel vm0, $0x1A, v6;
	vm0 =	vgt.f32 v9, v7  }
0xdc: {  	v10 =	vsel vm0, $0xFFFFFFFF, v10  }
0xdd: {  	v11 =	vor.u32 $0x29, v3;
	[tilespmem:$0x1FE80] =	vst v10;
	v10 =	vld [tilespmem:$0x1FDE0]  }
0xde: {  	v8 =	vld.idx.msk [tilespmem:v12+s2+$0x0], $0xffff;
	_ =	sdelay $0x1  }
0xdf: {  	v7 =	vsel vm0, v9, v7;
	vm0 =	vgt.f32 v9, v4  }
0xe0: {  	v12 =	vor.u32 $0x2A, v3;
	v7 =	vsel vm0, v4, v7;
	v4 =	vsel vm0, v9, v4  }
0xe1: {  	v9 =	vimm.s32 $0x0;
	vm1 =	vnez.u8 v10;
	v10 =	vld.idx.msk [tilespmem:v11+s2+$0x0], $0xffff;
	v11 =	vimm.s32 $0x0  }
0xe2: {  	v5 =	vsel vm1, $0x1B, v5;
	v11 =	vsel vm0, $0xFFFFFFFF, v11;
	vm0 =	vgt.f32 v8, v7  }
0xe3: {  	[tilespmem:$0x1FE90] =	vst v11;
	v11 =	vor.u32 $0x2B, v3;
	v5 =	vsel vm2, v6, v5;
	v6 =	vsel vm2, $0x1B, v6  }
0xe4: {  	v9 =	vsel vm0, $0xFFFFFFFF, v9;
	v7 =	vsel vm0, v8, v7;
	vm2 =	vgt.f32 v8, v4  }
0xe5: {  	[tilespmem:$0x1FEA0] =	vst v9;
	v5 =	vsel vm14, $0x1C, v5;
	v9 =	vld.idx.msk [tilespmem:v12+s2+$0x0], $0xffff;
	v7 =	vsel vm2, v4, v7  }
0xe6: {  	v4 =	vsel vm2, v8, v4;
	v8 =	vimm.s32 $0x0;
	vm14 =	vgt.f32 v10, v7  }
0xe7: {  	v5 =	vsel vm3, v6, v5;
	v8 =	vsel vm14, $0xFFFFFFFF, v8  }
0xe8: {  	vm0 =	vgt.f32 v10, v4;
	v7 =	vsel vm14, v10, v7;
	[tilespmem:$0x1FEB0] =	vst v8;
	v8 =	vld.idx.msk [tilespmem:v11+s2+$0x0], $0xffff  }
0xe9: {  	v6 =	vsel vm3, $0x1C, v6;
	v5 =	vsel vm15, $0x1D, v5;
	v7 =	vsel vm0, v4, v7  }
0xea: {  	v4 =	vsel vm0, v10, v4;
	v10 =	vimm.s32 $0x0;
	vm15 =	vgt.f32 v9, v7  }
0xeb: {  	vm3 =	vgt.f32 v9, v4;
	v10 =	vsel vm15, $0xFFFFFFFF, v10;
	v7 =	vsel vm15, v9, v7  }
0xec: {  	v12 =	vor.u32 $0x2C, v3;
	[tilespmem:$0x1FEC0] =	vst v10;
	v10 =	vld [tilespmem:$0x1FDF0];
	v7 =	vsel vm3, v4, v7  }
0xed: {  	v4 =	vsel vm3, v9, v4;
	v9 =	vimm.s32 $0x0;
	vm15 =	vgt.f32 v8, v7  }
0xee: {  	v9 =	vsel vm15, $0xFFFFFFFF, v9  }
0xef: {  	v11 =	vor.u32 $0x2D, v3;
	[tilespmem:$0x1FED0] =	vst v9;
	v9 =	vld [tilespmem:$0x1FE00];
	_ =	sdelay $0x1  }
0xf0: {  	vm14 =	vnez.u8 v10;
	v10 =	vld.idx.msk [tilespmem:v12+s2+$0x0], $0xffff;
	_ =	sdelay $0x1  }
0xf1: {  	v5 =	vsel vm4, v6, v5;
	v6 =	vsel vm4, $0x1D, v6;
	vm4 =	vgt.f32 v8, v4  }
0xf2: {  	v7 =	vsel vm15, v8, v7;
	v5 =	vsel vm14, $0x1E, v5;
	vm14 =	vnez.u8 v9;
	v9 =	vld.idx.msk [tilespmem:v11+s2+$0x0], $0xffff  }
0xf3: {  	v7 =	vsel vm4, v4, v7;
	v4 =	vsel vm4, v8, v4;
	v8 =	vimm.s32 $0x0  }
0xf4: {  	v5 =	vsel vm5, v6, v5;
	v6 =	vsel vm5, $0x1E, v6;
	vm15 =	vgt.f32 v10, v7  }
0xf5: {  	vm5 =	vgt.f32 v10, v4;
	v8 =	vsel vm15, $0xFFFFFFFF, v8;
	v7 =	vsel vm15, v10, v7  }
0xf6: {  	v12 =	vor.u32 $0x2E, v3;
	v5 =	vsel vm14, $0x1F, v5;
	[tilespmem:$0x1FEE0] =	vst v8;
	v8 =	vld [tilespmem:$0x1FE10];
	v7 =	vsel vm5, v4, v7  }
0xf7: {  	v4 =	vsel vm5, v10, v4;
	v10 =	vimm.s32 $0x0;
	vm14 =	vgt.f32 v9, v7  }
0xf8: {  	v10 =	vsel vm14, $0xFFFFFFFF, v10  }
0xf9: {  	[tilespmem:$0x1FEF0] =	vst v10;
	v10 =	vld [tilespmem:$0x1FE20];
	_ =	sdelay $0x1  }
0xfa: {  	v5 =	vsel vm6, v6, v5;
	v6 =	vsel vm6, $0x1F, v6;
	vm6 =	vnez.u8 v8;
	v8 =	vld.idx.msk [tilespmem:v12+s2+$0x0], $0xffff  }
0xfb: {  	v7 =	vsel vm14, v9, v7;
	v5 =	vsel vm6, $0x20, v5  }
0xfc: {  	v5 =	vsel vm7, v6, v5;
	v6 =	vsel vm7, $0x20, v6;
	vm7 =	vgt.f32 v9, v4  }
0xfd: {  	v11 =	vor.u32 $0x2F, v3;
	v7 =	vsel vm7, v4, v7;
	vm15 =	vnez.u8 v10  }
0xfe: {  	v4 =	vsel vm7, v9, v4;
	v9 =	vimm.s32 $0x0;
	v5 =	vsel vm15, $0x21, v5  }
0xff: {  	v5 =	vsel vm13, v6, v5;
	v6 =	vsel vm13, $0x21, v6;
	vm13 =	vgt.f32 v8, v7  }
0x100: {  	v9 =	vsel vm13, $0xFFFFFFFF, v9  }
0x101: {  	v12 =	vor.u32 $0x30, v3;
	[tilespmem:$0x1FF10] =	vst v9;
	v9 =	vld [tilespmem:$0x1FE30];
	_ =	sdelay $0x1  }
0x102: {  	v10 =	vld.idx.msk [tilespmem:v11+s2+$0x0], $0xffff;
	_ =	sdelay $0x1  }
0x103: {  	v11 =	vimm.s32 $0x0  }
0x104: {  	vm1 =	vgt.f32 v8, v4;
	v7 =	vsel vm13, v8, v7;
	vm14 =	vnez.u8 v9;
	v9 =	vld.idx.msk [tilespmem:v12+s2+$0x0], $0xffff  }
0x105: {  	v11 =	vsel vm7, $0xFFFFFFFF, v11;
	v7 =	vsel vm1, v4, v7  }
0x106: {  	v4 =	vsel vm1, v8, v4;
	v8 =	vimm.s32 $0x0;
	vm15 =	vgt.f32 v10, v7  }
0x107: {  	v7 =	vsel vm15, v10, v7;
	v5 =	vsel vm14, $0x22, v5;
	vm14 =	vgt.f32 v10, v4  }
0x108: {  	[tilespmem:$0x1FF00] =	vst v11;
	v11 =	vor.u32 $0x31, v3;
	v8 =	vsel vm15, $0xFFFFFFFF, v8;
	v7 =	vsel vm14, v4, v7  }
0x109: {  	[tilespmem:$0x1FF20] =	vst v8;
	v8 =	vld [tilespmem:$0x1FE40];
	v4 =	vsel vm14, v10, v4;
	v10 =	vimm.s32 $0x0;
	vm15 =	vgt.f32 v9, v7  }
0x10a: {  	v10 =	vsel vm15, $0xFFFFFFFF, v10  }
0x10b: {  	[tilespmem:$0x1FF30] =	vst v10;
	v10 =	vld [tilespmem:$0x1FE50]  }
0x10c: {  	v12 =	vor.u32 $0x32, v3;
	_ =	sdelay $0x1  }
0x10d: {  	v5 =	vsel vm8, v6, v5;
	vm13 =	vnez.u8 v8;
	v8 =	vld.idx.msk [tilespmem:v11+s2+$0x0], $0xffff  }
0x10e: {  	v6 =	vsel vm8, $0x22, v6;
	v5 =	vsel vm13, $0x23, v5  }
0x10f: {  	v11 =	vor.u32 $0x33, v3;
	v5 =	vsel vm9, v6, v5;
	vm13 =	vnez.u8 v10  }
0x110: {  	v7 =	vsel vm15, v9, v7;
	v10 =	vld.idx.msk [tilespmem:v12+s2+$0x0], $0xffff;
	v5 =	vsel vm13, $0x24, v5;
	vm13 =	vgt.f32 v9, v4  }
0x111: {  	v6 =	vsel vm9, $0x23, v6;
	vm9 =	vmmov vm14;
	v7 =	vsel vm13, v4, v7  }
0x112: {  	v4 =	vsel vm13, v9, v4;
	v9 =	vimm.s32 $0x0;
	vm14 =	vgt.f32 v8, v7  }
0x113: {  	v9 =	vsel vm14, $0xFFFFFFFF, v9;
	v7 =	vsel vm14, v8, v7;
	vm14 =	vgt.f32 v8, v4  }
0x114: {  	v5 =	vsel vm10, v6, v5;
	v6 =	vsel vm10, $0x24, v6;
	v7 =	vsel vm14, v4, v7  }
0x115: {  	[tilespmem:$0x1FF40] =	vst v9;
	v9 =	vld [tilespmem:$0x1FE60];
	v4 =	vsel vm14, v8, v4;
	v8 =	vimm.s32 $0x0;
	vm10 =	vgt.f32 v10, v7  }
0x116: {  	v8 =	vsel vm10, $0xFFFFFFFF, v8  }
0x117: {  	[tilespmem:$0x1FF50] =	vst v8;
	v8 =	vld [tilespmem:$0x1FE70];
	_ =	sdelay $0x2  }
0x118: {  	vm15 =	vnez.u8 v9;
	v9 =	vld.idx.msk [tilespmem:v11+s2+$0x0], $0xffff  }
0x119: {  	v13 =	vld [tilespmem:$0x1FE90];
	v12 =	vor.u32 $0x34, v3;
	v5 =	vsel vm15, $0x25, v5  }
0x11a: {  	v5 =	vsel vm11, v6, v5;
	v6 =	vsel vm11, $0x25, v6;
	vm11 =	vnez.u8 v8  }
0x11b: {  	v7 =	vsel vm10, v10, v7;
	v5 =	vsel vm11, $0x26, v5;
	vm11 =	vgt.f32 v10, v4  }
0x11c: {  	v5 =	vsel vm12, v6, v5;
	v7 =	vsel vm11, v4, v7;
	v6 =	vsel vm12, $0x26, v6  }
0x11d: {  	v4 =	vsel vm11, v10, v4;
	v10 =	vimm.s32 $0x0;
	vm12 =	vgt.f32 v9, v7  }
0x11e: {  	vm6 =	vnez.u8 v13;
	v13 =	vld [tilespmem:$0x1FEA0];
	v10 =	vsel vm12, $0xFFFFFFFF, v10  }
0x11f: {  	[tilespmem:$0x1FF60] =	vst v10;
	v10 =	vld [tilespmem:$0x1FE80];
	_ =	sdelay $0x1  }
0x120: {  	v11 =	vor.u32 $0x35, v3  }
0x121: {  	v8 =	vld.idx.msk [tilespmem:v12+s2+$0x0], $0xffff;
	_ =	sdelay $0x1  }
0x122: {  	vm10 =	vnez.u8 v13;
	v13 =	vld [tilespmem:$0x1FEB0];
	v12 =	vor.u32 $0x36, v3;
	vm15 =	vnez.u8 v10  }
0x123: {  	v7 =	vsel vm12, v9, v7;
	v5 =	vsel vm15, $0x27, v5;
	vm15 =	vgt.f32 v9, v4  }
0x124: {  	v10 =	vld.idx.msk [tilespmem:v11+s2+$0x0], $0xffff;
	v5 =	vsel vm6, v6, v5;
	v7 =	vsel vm15, v4, v7;
	v4 =	vsel vm15, v9, v4  }
0x125: {  	v9 =	vimm.s32 $0x0;
	v6 =	vsel vm6, $0x27, v6;
	vm12 =	vgt.f32 v8, v7  }
0x126: {  	v5 =	vsel vm10, $0x28, v5;
	v9 =	vsel vm12, $0xFFFFFFFF, v9;
	v7 =	vsel vm12, v8, v7  }
0x127: {  	vm10 =	vnez.u8 v13;
	vm12 =	vgt.f32 v8, v4;
	v5 =	vsel vm2, v6, v5;
	[tilespmem:$0x1FF70] =	vst v9;
	v9 =	vld.idx.msk [tilespmem:v12+s2+$0x0], $0xffff  }
0x128: {  	v7 =	vsel vm12, v4, v7;
	v5 =	vsel vm10, $0x29, v5  }
0x129: {  	v4 =	vsel vm12, v8, v4;
	v8 =	vimm.s32 $0x0;
	vm10 =	vgt.f32 v10, v7  }
0x12a: {  	v8 =	vsel vm10, $0xFFFFFFFF, v8;
	v7 =	vsel vm10, v10, v7;
	vm10 =	vgt.f32 v10, v4  }
0x12b: {  	v11 =	vor.u32 $0x37, v3;
	v7 =	vsel vm10, v4, v7  }
0x12c: {  	v4 =	vsel vm10, v10, v4;
	v10 =	vimm.s32 $0x0;
	vm7 =	vgt.f32 v9, v7  }
0x12d: {  	v10 =	vsel vm7, $0xFFFFFFFF, v10  }
0x12e: {  	[tilespmem:$0x1FF90] =	vst v10;
	v10 =	vld [tilespmem:$0x1FEC0];
	_ =	sdelay $0x2  }
0x12f: {  	[tilespmem:$0x1FF80] =	vst v8;
	v8 =	vld.idx.msk [tilespmem:v11+s2+$0x0], $0xffff  }
0x130: {  	v6 =	vsel vm2, $0x28, v6  }
0x131: {  	v5 =	vsel vm0, v6, v5;
	vm8 =	vnez.u8 v10  }
0x132: {  	v7 =	vsel vm7, v9, v7;
	v5 =	vsel vm8, $0x2A, v5;
	vm8 =	vgt.f32 v9, v4  }
0x133: {  	v12 =	vor.u32 $0x38, v3;
	v7 =	vsel vm8, v4, v7  }
0x134: {  	v4 =	vsel vm8, v9, v4;
	v9 =	vimm.s32 $0x0;
	vm6 =	vgt.f32 v8, v7  }
0x135: {  	v9 =	vsel vm6, $0xFFFFFFFF, v9  }
0x136: {  	[tilespmem:$0x1FFA0] =	vst v9;
	v9 =	vld [tilespmem:$0x1FED0];
	_ =	sdelay $0x2  }
0x137: {  	v10 =	vld.idx.msk [tilespmem:v12+s2+$0x0], $0xffff  }
0x138: {  	v6 =	vsel vm0, $0x29, v6;
	v11 =	vor.u32 $0x39, v3  }
0x139: {  	v5 =	vsel vm3, v6, v5;
	v6 =	vsel vm3, $0x2A, v6;
	vm7 =	vnez.u8 v9  }
0x13a: {  	v7 =	vsel vm6, v8, v7;
	v5 =	vsel vm7, $0x2B, v5;
	vm7 =	vgt.f32 v8, v4  }
0x13b: {  	v5 =	vsel vm4, v6, v5;
	v7 =	vsel vm7, v4, v7;
	v6 =	vsel vm4, $0x2B, v6  }
0x13c: {  	v4 =	vsel vm7, v8, v4;
	v8 =	vimm.s32 $0x0;
	vm4 =	vgt.f32 v10, v7  }
0x13d: {  	v8 =	vsel vm4, $0xFFFFFFFF, v8  }
0x13e: {  	[tilespmem:$0x1FFB0] =	vst v8;
	v8 =	vld [tilespmem:$0x1FEE0];
	_ =	sdelay $0x2  }
0x13f: {  	v9 =	vld.idx.msk [tilespmem:v11+s2+$0x0], $0xffff;
	_ =	sdelay $0x1  }
0x140: {  	vm6 =	vnez.u8 v8  }
0x141: {  	v7 =	vsel vm4, v10, v7;
	v5 =	vsel vm6, $0x2C, v5;
	vm6 =	vgt.f32 v10, v4  }
0x142: {  	v12 =	vor.u32 $0x3A, v3;
	v7 =	vsel vm6, v4, v7  }
0x143: {  	v4 =	vsel vm6, v10, v4;
	v10 =	vimm.s32 $0x0;
	vm4 =	vgt.f32 v9, v7  }
0x144: {  	v10 =	vsel vm4, $0xFFFFFFFF, v10  }
0x145: {  	[tilespmem:$0x1FFC0] =	vst v10;
	v10 =	vld [tilespmem:$0x1FEF0];
	_ =	sdelay $0x2  }
0x146: {  	v8 =	vld.idx.msk [tilespmem:v12+s2+$0x0], $0xffff;
	_ =	sdelay $0x1  }
0x147: {  	v5 =	vsel vm5, v6, v5;
	v6 =	vsel vm5, $0x2C, v6;
	vm5 =	vnez.u8 v10  }
0x148: {  	v7 =	vsel vm4, v9, v7;
	v5 =	vsel vm5, $0x2D, v5;
	vm5 =	vgt.f32 v9, v4  }
0x149: {  	v11 =	vor.u32 $0x3B, v3;
	v7 =	vsel vm5, v4, v7  }
0x14a: {  	v4 =	vsel vm5, v9, v4;
	v9 =	vimm.s32 $0x0;
	vm2 =	vgt.f32 v8, v7  }
0x14b: {  	v13 =	vld [tilespmem:$0x1FF00];
	v9 =	vsel vm2, $0xFFFFFFFF, v9  }
0x14c: {  	[tilespmem:$0x1FFD0] =	vst v9;
	v9 =	vld [tilespmem:$0x1FF10]  }
0x14d: {  	v12 =	vor.u32 $0x3C, v3;
	_ =	sdelay $0x1  }
0x14e: {  	v10 =	vld.idx.msk [tilespmem:v11+s2+$0x0], $0xffff  }
0x14f: {  	vm4 =	vnez.u8 v13  }
0x150: {  	v5 =	vsel vm4, v6, v5;
	v6 =	vsel vm4, $0x2D, v6;
	vm4 =	vnez.u8 v9  }
0x151: {  	v7 =	vsel vm2, v8, v7;
	v9 =	vld.idx.msk [tilespmem:v12+s2+$0x0], $0xffff;
	v5 =	vsel vm4, $0x2E, v5;
	vm4 =	vgt.f32 v8, v4  }
0x152: {  	v5 =	vsel vm1, v6, v5;
	v7 =	vsel vm4, v4, v7;
	v6 =	vsel vm1, $0x2E, v6  }
0x153: {  	v4 =	vsel vm4, v8, v4;
	v8 =	vimm.s32 $0x0;
	vm1 =	vgt.f32 v10, v7  }
0x154: {  	vm3 =	vgt.f32 v10, v4;
	v8 =	vsel vm1, $0xFFFFFFFF, v8;
	v7 =	vsel vm1, v10, v7  }
0x155: {  	v11 =	vor.u32 $0x3D, v3;
	[tilespmem:$0x1FFE0] =	vst v8;
	v8 =	vld [tilespmem:$0x1FF20];
	v7 =	vsel vm3, v4, v7  }
0x156: {  	v4 =	vsel vm3, v10, v4;
	v10 =	vimm.s32 $0x0;
	vm1 =	vgt.f32 v9, v7  }
0x157: {  	v10 =	vsel vm1, $0xFFFFFFFF, v10  }
0x158: {  	[tilespmem:$0x1FFF0] =	vst v10;
	v10 =	vld [tilespmem:$0x1FF30];
	_ =	sdelay $0x1  }
0x159: {  	vm0 =	vnez.u8 v8;
	v8 =	vld.idx.msk [tilespmem:v11+s2+$0x0], $0xffff  }
0x15a: {  	v12 =	vor.u32 $0x3E, v3  }
0x15b: {  	vm2 =	vgt.f32 v9, v4;
	v7 =	vsel vm1, v9, v7;
	v5 =	vsel vm0, $0x2F, v5  }
0x15c: {  	v5 =	vsel vm9, v6, v5;
	v6 =	vsel vm9, $0x2F, v6;
	vm9 =	vnez.u8 v10  }
0x15d: {  	v7 =	vsel vm2, v4, v7;
	v4 =	vsel vm2, v9, v4;
	v5 =	vsel vm9, $0x30, v5  }
0x15e: {  	v9 =	vld [tilespmem:$0x1FF40];
	v5 =	vsel vm13, v6, v5;
	v6 =	vsel vm13, $0x30, v6;
	vm13 =	vgt.f32 v8, v7  }
0x15f: {  	vm1 =	vgt.f32 v8, v4;
	v7 =	vsel vm13, v8, v7  }
0x160: {  	v7 =	vsel vm1, v4, v7;
	v4 =	vsel vm1, v8, v4;
	v8 =	vld [tilespmem:$0x1FF50]  }
0x161: {  	v3 =	vor.u32 $0x3F, v3;
	_ =	sdelay $0x1  }
0x162: {  	v10 =	vld.idx.msk [tilespmem:v12+s2+$0x0], $0xffff;
	vm9 =	vnez.u8 v9  }
0x163: {  	v5 =	vsel vm9, $0x31, v5  }
0x164: {  	v5 =	vsel vm14, v6, v5;
	v6 =	vsel vm14, $0x31, v6;
	vm14 =	vnez.u8 v8;
	v8 =	vld [tilespmem:$0x1FF60]  }
0x165: {  	v3 =	vld.idx.msk [tilespmem:v3+s2+$0x0], $0xffff;
	_ =	sdelay $0x1  }
0x166: {  	vm9 =	vgt.f32 v10, v7;
	v5 =	vsel vm14, $0x32, v5  }
0x167: {  	v7 =	vsel vm9, v10, v7;
	vm14 =	vgt.f32 v10, v4;
	v5 =	vsel vm11, v6, v5  }
0x168: {  	v7 =	vsel vm14, v4, v7;
	v6 =	vsel vm11, $0x32, v6;
	vm0 =	vnez.u8 v8  }
0x169: {  	v4 =	vsel vm14, v10, v4;
	vm11 =	vgt.f32 v3, v7;
	v5 =	vsel vm0, $0x33, v5  }
0x16a: {  	v7 =	vsel vm11, v3, v7;
	vm0 =	vgt.f32 v3, v4;
	v5 =	vsel vm15, v6, v5  }
0x16b: {  	v7 =	vsel vm0, v4, v7;
	v3 =	vsel vm0, v3, v4;
	v4 =	vsel vm15, $0x33, v6;
	v6 =	vld [tilespmem:$0x1FF70];
	_ =	sdelay $0x4  }
0x16c: {  	vm15 =	vnez.u8 v6;
	v6 =	vld [tilespmem:$0x1FF80];
	_ =	sdelay $0x3  }
0x16d: {  	v5 =	vsel vm15, $0x34, v5  }
0x16e: {  	v5 =	vsel vm12, v4, v5;
	v4 =	vsel vm12, $0x34, v4;
	vm12 =	vnez.u8 v6;
	v6 =	vld [tilespmem:$0x1FF90];
	_ =	sdelay $0x2  }
0x16f: {  	v3 =	vsub.f32 v7, v3  }
0x170: {  	v5 =	vsel vm12, $0x35, v5  }
0x171: {  	v3 =	vmul.f32 $1.442695020e+00, v3;
	v5 =	vsel vm10, v4, v5;
	vm12 =	vnez.u8 v6  }
0x172: {  	v4 =	vsel vm10, $0x35, v4;
	v5 =	vsel vm12, $0x36, v5  }
0x173: {  	(erf) = vpow2.f32 v3;
	v3 =	vsel vm8, v4, v5;
	v5 =	vld [tilespmem:$0x1FFA0];
	_ =	sdelay $0x4  }
0x174: {  	vm15 =	vnez.u8 v5;
	v5 =	vld [tilespmem:$0x1FFB0];
	_ =	sdelay $0x4  }
0x175: {  	vm12 =	vnez.u8 v5;
	v5 =	vld [tilespmem:$0x1FFC0];
	_ =	sdelay $0x4  }
0x176: {  	v4 =	vsel vm8, $0x36, v4;
	v3 =	vsel vm15, $0x37, v3;
	vm15 =	vnez.u8 v5;
	v5 =	vld [tilespmem:$0x1FFD0]  }
0x177: {  	v3 =	vsel vm7, v4, v3  }
0x178: {  	v6 =	vld [tilespmem:$0x1FFE0];
	v4 =	vsel vm7, $0x37, v4;
	v3 =	vsel vm12, $0x38, v3  }
0x179: {  	v3 =	vsel vm6, v4, v3  }
0x17a: {  	v7 =	vld [tilespmem:$0x1FFF0];
	v4 =	vsel vm6, $0x38, v4;
	v3 =	vsel vm15, $0x39, v3  }
0x17b: {  	v3 =	vsel vm5, v4, v3;
	vm10 =	vnez.u8 v5  }
0x17c: {  	v4 =	vsel vm5, $0x39, v4;
	v3 =	vsel vm10, $0x3A, v3  }
0x17d: {  	vm12 =	vnez.u8 v6;
	v5 =	vpop (erf);
	v3 =	vsel vm4, v4, v3  }
0x17e: {  	v6 =	vadd.f32 $1.000000000e+00, v5;
	v4 =	vsel vm4, $0x3A, v4;
	v3 =	vsel vm12, $0x3B, v3  }
0x17f: {  	vm15 =	vnez.u8 v7;
	v3 =	vsel vm3, v4, v3  }
0x180: {  	(erf) = vrcp.f32 v6;
	v4 =	vsel vm3, $0x3B, v4;
	v3 =	vsel vm15, $0x3C, v3  }
0x181: {  	v3 =	vsel vm2, v4, v3  }
0x182: {  	v4 =	vsel vm2, $0x3C, v4;
	v3 =	vsel vm13, $0x3D, v3  }
0x183: {  	v3 =	vsel vm1, v4, v3  }
0x184: {  	v8 =	vshll.u32 v2, $0x1;
	v6 =	vsel vm1, $0x3D, v4;
	v2 =	vsel vm9, $0x3E, v3  }
0x185: {  	s11 =	simm.s32 $0x10;
	v4 =	vor.u32 $0x1, v8;
	v2 =	vsel vm14, v6, v2  }
0x186: {  	v3 =	vsel vm14, $0x3E, v6;
	v6 =	vsel vm11, $0x3F, v2;
	v2 =	vor.u32 s11, v0  }
0x187: {  	v9 =	vsel vm0, $0x3F, v3;
	v6 =	vsel vm0, v3, v6;
	v3 =	vshll.u32 v2, $0x6  }
0x188: {  	v7 =	vor.u32 $0x1, v3;
	v18 =	vor.u32 $0x2, v3;
	v12 =	vor.u32 $0x3, v3  }
0x189: {  	[tilespmem:v8+s8+$0x0] =	vst.idx.msk $0xffff, v9;
	v10 =	vpop (erf);
	v19 =	vor.u32 $0x4, v3;
	v17 =	vor.u32 $0x5, v3;
	v15 =	vor.u32 $0x6, v3  }
0x18a: {  	[tilespmem:v4+s8+$0x0] =	vst.idx.msk $0xffff, v6;
	v13 =	vor.u32 $0x7, v3;
	v9 =	vor.u32 $0x8, v3;
	v11 =	vmul.f32 v10, v5  }
0x18b: {  	s11 =	simm.s32 $0x20;
	v6 =	vor.u32 $0xA, v3;
	v5 =	vor.u32 $0xB, v3;
	[tilespmem:v8+s9+$0x0] =	vst.idx.msk $0xffff, v10;
	v8 =	vor.u32 $0x9, v3  }
.LBB2_2:
0x18c: {  	p0 =	sne.s32 s11, $0x1F0;
	v10 =	vor.u32 $0xC, v3;
	v16 =	vor.u32 $0xD, v3;
	v14 =	vor.u32 $0xE, v3;
	[tilespmem:v4+s9+$0x0] =	vst.idx.msk $0xffff, v11;
	s12 =	smov.u32 s11;
	s11 =	sadd.s32 $0x10, s11  }
0x18d: {  	v11 =	vor.u32 $0xF, v3;
	v4 =	vor.u32 $0x11, v3;
	v20 =	vld.idx.msk [tilespmem:v7+s2+$0x0], $0xffff;
	v7 =	vor.u32 $0x10, v3  }
0x18e: {  	v39 =	vor.u32 $0x12, v3;
	v38 =	vor.u32 $0x13, v3;
	v37 =	vor.u32 $0x14, v3;
	v21 =	vld.idx.msk [tilespmem:v3+s2+$0x0], $0xffff  }
0x18f: {  	v36 =	vor.u32 $0x15, v3;
	v27 =	vor.u32 $0x16, v3;
	v24 =	vor.u32 $0x17, v3  }
0x190: {  	v28 =	vor.u32 $0x18, v3;
	v29 =	vor.u32 $0x19, v3;
	v35 =	vor.u32 $0x1A, v3  }
0x191: {  	v31 =	vor.u32 $0x1B, v3;
	v32 =	vor.u32 $0x1C, v3;
	v33 =	vor.u32 $0x1D, v3;
	v22 =	vld.idx.msk [tilespmem:v18+s2+$0x0], $0xffff  }
0x192: {  	v30 =	vor.u32 $0x1E, v3;
	v34 =	vor.u32 $0x1F, v3;
	v26 =	vor.u32 $0x20, v3  }
0x193: {  	v23 =	vor.u32 $0x21, v3;
	vm0 =	vlt.f32 v20, $-Inf;
	vm1 =	vgt.f32 v20, $-Inf  }
0x194: {  	v18 =	vor.u32 $0x22, v3;
	vm2 =	vgt.f32 v20, v21;
	vm0 =	vmor vm1, vm0;
	v25 =	vld.idx.msk [tilespmem:v12+s2+$0x0], $0xffff  }
0x195: {  	vm1 =	vmneg vm2;
	v40 =	vnsel vm0, $0xFF800000, v20;
	v12 =	vor.u32 $0x23, v3  }
0x196: {  	vm0 =	vmand vm1, vm0;
	v40 =	vsel vm1, v40, v21;
	v20 =	vsel vm1, v21, v20  }
0x197: {  	v41 =	vsel vm2, $0x1, v1;
	v21 =	vsel vm0, $0x1, v1;
	vm0 =	vgt.f32 v22, v40;
	v42 =	vld.idx.msk [tilespmem:v19+s2+$0x0], $0xffff  }
0x198: {  	vm1 =	vgt.f32 v22, v20;
	v19 =	vsel vm0, $0x2, v21;
	v21 =	vsel vm0, v22, v40  }
0x199: {  	v40 =	vsel vm1, v41, v19;
	v21 =	vsel vm1, v20, v21;
	v20 =	vsel vm1, v22, v20  }
0x19a: {  	v22 =	vsel vm1, $0x2, v41;
	v19 =	vor.u32 $0x24, v3;
	vm0 =	vgt.f32 v25, v21;
	v41 =	vld.idx.msk [tilespmem:v17+s2+$0x0], $0xffff  }
0x19b: {  	vm1 =	vgt.f32 v25, v20;
	v17 =	vsel vm0, $0x3, v40;
	v21 =	vsel vm0, v25, v21  }
0x19c: {  	v17 =	vsel vm1, v22, v17;
	v21 =	vsel vm1, v20, v21;
	v22 =	vsel vm1, $0x3, v22  }
0x19d: {  	v25 =	vsel vm1, v25, v20;
	v20 =	vor.u32 $0x25, v3;
	vm0 =	vgt.f32 v42, v21;
	v15 =	vld.idx.msk [tilespmem:v15+s2+$0x0], $0xffff  }
0x19e: {  	vm1 =	vgt.f32 v42, v25;
	v17 =	vsel vm0, $0x4, v17;
	v21 =	vsel vm0, v42, v21  }
0x19f: {  	v40 =	vsel vm1, v22, v17;
	v21 =	vsel vm1, v25, v21;
	v17 =	vor.u32 $0x26, v3  }
0x1a0: {  	v22 =	vsel vm1, $0x4, v22;
	v25 =	vsel vm1, v42, v25;
	vm0 =	vgt.f32 v41, v21;
	v42 =	vld.idx.msk [tilespmem:v13+s2+$0x0], $0xffff  }
0x1a1: {  	vm1 =	vgt.f32 v41, v25;
	v13 =	vsel vm0, $0x5, v40;
	v21 =	vsel vm0, v41, v21  }
0x1a2: {  	v13 =	vsel vm1, v22, v13;
	v40 =	vsel vm1, v25, v21;
	v25 =	vsel vm1, v41, v25  }
0x1a3: {  	v41 =	vsel vm1, $0x5, v22;
	v21 =	vor.u32 $0x27, v3;
	vm0 =	vgt.f32 v15, v40;
	v43 =	vld.idx.msk [tilespmem:v9+s2+$0x0], $0xffff  }
0x1a4: {  	vm1 =	vgt.f32 v15, v25;
	v9 =	vsel vm0, $0x6, v13;
	v13 =	vsel vm0, v15, v40  }
0x1a5: {  	v15 =	vsel vm1, v15, v25;
	v40 =	vsel vm1, v41, v9;
	v9 =	vsel vm1, v25, v13  }
0x1a6: {  	v22 =	vor.u32 $0x28, v3;
	v13 =	vor.u32 $0x29, v3;
	vm0 =	vgt.f32 v42, v9;
	v8 =	vld.idx.msk [tilespmem:v8+s2+$0x0], $0xffff  }
0x1a7: {  	vm2 =	vgt.f32 v42, v15;
	v25 =	vsel vm0, v42, v9;
	v9 =	vor.u32 $0x2A, v3  }
0x1a8: {  	v41 =	vsel vm1, $0x6, v41;
	v40 =	vsel vm0, $0x7, v40;
	v25 =	vsel vm2, v15, v25  }
0x1a9: {  	v44 =	vsel vm2, $0x7, v41;
	v15 =	vsel vm2, v42, v15;
	vm0 =	vgt.f32 v43, v25;
	v6 =	vld.idx.msk [tilespmem:v6+s2+$0x0], $0xffff  }
0x1aa: {  	v40 =	vsel vm2, v41, v40;
	vm1 =	vgt.f32 v43, v15;
	v25 =	vsel vm0, v43, v25  }
0x1ab: {  	v40 =	vsel vm0, $0x8, v40;
	v41 =	vsel vm1, $0x8, v44;
	v25 =	vsel vm1, v15, v25  }
0x1ac: {  	v40 =	vsel vm1, v44, v40;
	v15 =	vsel vm1, v43, v15;
	vm0 =	vgt.f32 v8, v25;
	v5 =	vld.idx.msk [tilespmem:v5+s2+$0x0], $0xffff  }
0x1ad: {  	vm1 =	vgt.f32 v8, v15;
	v40 =	vsel vm0, $0x9, v40;
	v25 =	vsel vm0, v8, v25  }
0x1ae: {  	v8 =	vsel vm1, v8, v15;
	v40 =	vsel vm1, v41, v40;
	v42 =	vsel vm1, v15, v25  }
0x1af: {  	v25 =	vor.u32 $0x2B, v3;
	v15 =	vor.u32 $0x2C, v3;
	vm0 =	vgt.f32 v6, v42;
	v43 =	vld.idx.msk [tilespmem:v10+s2+$0x0], $0xffff  }
0x1b0: {  	vm2 =	vgt.f32 v6, v8;
	v42 =	vsel vm0, v6, v42;
	v10 =	vor.u32 $0x2D, v3  }
0x1b1: {  	v44 =	vsel vm2, v6, v8;
	v42 =	vsel vm2, v8, v42;
	v8 =	vor.u32 $0x2E, v3  }
0x1b2: {  	v40 =	vsel vm0, $0xA, v40;
	v6 =	vor.u32 $0x2F, v3;
	vm0 =	vgt.f32 v5, v42;
	v16 =	vld.idx.msk [tilespmem:v16+s2+$0x0], $0xffff  }
0x1b3: {  	v41 =	vsel vm1, $0x9, v41;
	vm1 =	vgt.f32 v5, v44;
	v42 =	vsel vm0, v5, v42  }
0x1b4: {  	v45 =	vsel vm2, $0xA, v41;
	v5 =	vsel vm1, v5, v44;
	v42 =	vsel vm1, v44, v42  }
0x1b5: {  	v40 =	vsel vm2, v41, v40;
	v41 =	vsel vm1, $0xB, v45;
	vm2 =	vgt.f32 v43, v42;
	v44 =	vld.idx.msk [tilespmem:v14+s2+$0x0], $0xffff  }
0x1b6: {  	v14 =	vsel vm0, $0xB, v40;
	vm0 =	vgt.f32 v43, v5;
	v40 =	vsel vm2, v43, v42  }
0x1b7: {  	v14 =	vsel vm1, v45, v14;
	v40 =	vsel vm0, v5, v40;
	v42 =	vsel vm0, $0xC, v41  }
0x1b8: {  	v5 =	vsel vm0, v43, v5;
	v14 =	vsel vm2, $0xC, v14;
	vm1 =	vgt.f32 v16, v40;
	v43 =	vld.idx.msk [tilespmem:v11+s2+$0x0], $0xffff  }
0x1b9: {  	v11 =	vsel vm0, v41, v14;
	vm0 =	vgt.f32 v16, v5;
	v14 =	vsel vm1, v16, v40  }
0x1ba: {  	v11 =	vsel vm1, $0xD, v11;
	v40 =	vsel vm0, v5, v14;
	v14 =	vor.u32 $0x30, v3  }
0x1bb: {  	v5 =	vsel vm0, v16, v5;
	v11 =	vsel vm0, v42, v11;
	vm1 =	vgt.f32 v44, v40;
	v41 =	vld.idx.msk [tilespmem:v7+s2+$0x0], $0xffff  }
0x1bc: {  	vm2 =	vgt.f32 v44, v5;
	v45 =	vsel vm1, $0xE, v11;
	v7 =	vsel vm1, v44, v40  }
0x1bd: {  	v16 =	vor.u32 $0x31, v3;
	v44 =	vsel vm2, v44, v5;
	v40 =	vsel vm2, v5, v7  }
0x1be: {  	v11 =	vor.u32 $0x32, v3;
	v7 =	vor.u32 $0x33, v3;
	vm1 =	vgt.f32 v43, v40;
	v46 =	vld.idx.msk [tilespmem:v4+s2+$0x0], $0xffff  }
0x1bf: {  	v5 =	vor.u32 $0x34, v3;
	vm3 =	vgt.f32 v43, v44;
	v4 =	vsel vm1, v43, v40  }
0x1c0: {  	v40 =	vsel vm0, $0xD, v42;
	v42 =	vsel vm3, v44, v4;
	v4 =	vor.u32 $0x35, v3  }
0x1c1: {  	v43 =	vsel vm3, v43, v44;
	v47 =	vsel vm2, $0xE, v40;
	vm0 =	vgt.f32 v41, v42;
	v39 =	vld.idx.msk [tilespmem:v39+s2+$0x0], $0xffff  }
0x1c2: {  	v40 =	vsel vm2, v40, v45;
	vm2 =	vgt.f32 v41, v43;
	v42 =	vsel vm0, v41, v42  }
0x1c3: {  	v44 =	vsel vm3, $0xF, v47;
	v41 =	vsel vm2, v41, v43;
	v42 =	vsel vm2, v43, v42  }
0x1c4: {  	v40 =	vsel vm1, $0xF, v40;
	v43 =	vsel vm2, $0x10, v44;
	vm1 =	vgt.f32 v46, v42;
	v38 =	vld.idx.msk [tilespmem:v38+s2+$0x0], $0xffff  }
0x1c5: {  	v40 =	vsel vm3, v47, v40;
	vm3 =	vgt.f32 v46, v41;
	v42 =	vsel vm1, v46, v42  }
0x1c6: {  	v40 =	vsel vm0, $0x10, v40;
	v42 =	vsel vm3, v41, v42;
	v41 =	vsel vm3, v46, v41  }
0x1c7: {  	v40 =	vsel vm2, v44, v40;
	v44 =	vsel vm3, $0x11, v43;
	vm0 =	vgt.f32 v39, v42;
	v37 =	vld.idx.msk [tilespmem:v37+s2+$0x0], $0xffff  }
0x1c8: {  	v40 =	vsel vm1, $0x11, v40;
	vm1 =	vgt.f32 v39, v41;
	v42 =	vsel vm0, v39, v42  }
0x1c9: {  	v40 =	vsel vm3, v43, v40;
	v39 =	vsel vm1, v39, v41;
	v42 =	vsel vm1, v41, v42  }
0x1ca: {  	v40 =	vsel vm0, $0x12, v40;
	v41 =	vsel vm1, $0x12, v44;
	vm0 =	vgt.f32 v38, v42;
	v36 =	vld.idx.msk [tilespmem:v36+s2+$0x0], $0xffff  }
0x1cb: {  	v40 =	vsel vm1, v44, v40;
	vm1 =	vgt.f32 v38, v39;
	v42 =	vsel vm0, v38, v42  }
0x1cc: {  	v40 =	vsel vm0, $0x13, v40;
	v43 =	vsel vm1, $0x13, v41;
	v42 =	vsel vm1, v39, v42  }
0x1cd: {  	v38 =	vsel vm1, v38, v39;
	v40 =	vsel vm1, v41, v40;
	vm0 =	vgt.f32 v37, v42;
	v39 =	vld.idx.msk [tilespmem:v27+s2+$0x0], $0xffff  }
0x1ce: {  	vm1 =	vgt.f32 v37, v38;
	v27 =	vsel vm0, $0x14, v40;
	v40 =	vsel vm0, v37, v42  }
0x1cf: {  	v41 =	vsel vm1, v43, v27;
	v40 =	vsel vm1, v38, v40;
	v27 =	vor.u32 $0x36, v3  }
0x1d0: {  	v37 =	vsel vm1, v37, v38;
	vm0 =	vgt.f32 v36, v40;
	v38 =	vld.idx.msk [tilespmem:v24+s2+$0x0], $0xffff;
	v24 =	vor.u32 $0x37, v3  }
0x1d1: {  	vm2 =	vgt.f32 v36, v37;
	v41 =	vsel vm0, $0x15, v41;
	v40 =	vsel vm0, v36, v40  }
0x1d2: {  	v42 =	vsel vm1, $0x14, v43;
	v36 =	vsel vm2, v36, v37;
	v40 =	vsel vm2, v37, v40  }
0x1d3: {  	v37 =	vsel vm2, v42, v41;
	v41 =	vsel vm2, $0x15, v42;
	vm0 =	vgt.f32 v39, v40;
	v42 =	vld.idx.msk [tilespmem:v28+s2+$0x0], $0xffff  }
0x1d4: {  	vm1 =	vgt.f32 v39, v36;
	v28 =	vsel vm0, $0x16, v37;
	v37 =	vsel vm0, v39, v40  }
0x1d5: {  	v40 =	vsel vm1, v41, v28;
	v37 =	vsel vm1, v36, v37;
	v28 =	vor.u32 $0x38, v3  }
0x1d6: {  	v41 =	vsel vm1, $0x16, v41;
	v36 =	vsel vm1, v39, v36;
	vm0 =	vgt.f32 v38, v37;
	v39 =	vld.idx.msk [tilespmem:v29+s2+$0x0], $0xffff  }
0x1d7: {  	vm1 =	vgt.f32 v38, v36;
	v29 =	vsel vm0, $0x17, v40;
	v37 =	vsel vm0, v38, v37  }
0x1d8: {  	v40 =	vsel vm1, v41, v29;
	v37 =	vsel vm1, v36, v37;
	v29 =	vor.u32 $0x39, v3  }
0x1d9: {  	v41 =	vsel vm1, $0x17, v41;
	v36 =	vsel vm1, v38, v36;
	vm0 =	vgt.f32 v42, v37;
	v35 =	vld.idx.msk [tilespmem:v35+s2+$0x0], $0xffff  }
0x1da: {  	vm1 =	vgt.f32 v42, v36;
	v38 =	vsel vm0, $0x18, v40;
	v37 =	vsel vm0, v42, v37  }
0x1db: {  	v38 =	vsel vm1, v41, v38;
	v37 =	vsel vm1, v36, v37;
	v36 =	vsel vm1, v42, v36  }
0x1dc: {  	v40 =	vsel vm1, $0x18, v41;
	vm0 =	vgt.f32 v39, v37;
	v41 =	vld.idx.msk [tilespmem:v31+s2+$0x0], $0xffff;
	v31 =	vor.u32 $0x3A, v3  }
0x1dd: {  	vm1 =	vgt.f32 v39, v36;
	v38 =	vsel vm0, $0x19, v38;
	v37 =	vsel vm0, v39, v37  }
0x1de: {  	v38 =	vsel vm1, v40, v38;
	v37 =	vsel vm1, v36, v37;
	v36 =	vsel vm1, v39, v36  }
0x1df: {  	v39 =	vsel vm1, $0x19, v40;
	vm0 =	vgt.f32 v35, v37;
	v40 =	vld.idx.msk [tilespmem:v32+s2+$0x0], $0xffff;
	v32 =	vor.u32 $0x3B, v3  }
0x1e0: {  	vm1 =	vgt.f32 v35, v36;
	v38 =	vsel vm0, $0x1A, v38;
	v37 =	vsel vm0, v35, v37  }
0x1e1: {  	v35 =	vsel vm1, v35, v36;
	v38 =	vsel vm1, v39, v38;
	v37 =	vsel vm1, v36, v37  }
0x1e2: {  	v36 =	vsel vm1, $0x1A, v39;
	vm0 =	vgt.f32 v41, v37;
	v39 =	vld.idx.msk [tilespmem:v33+s2+$0x0], $0xffff;
	v33 =	vor.u32 $0x3C, v3  }
0x1e3: {  	vm1 =	vgt.f32 v41, v35;
	v38 =	vsel vm0, $0x1B, v38;
	v37 =	vsel vm0, v41, v37  }
0x1e4: {  	v41 =	vsel vm1, v41, v35;
	v38 =	vsel vm1, v36, v38;
	v37 =	vsel vm1, v35, v37  }
0x1e5: {  	v36 =	vsel vm1, $0x1B, v36;
	v35 =	vor.u32 $0x3D, v3;
	vm0 =	vgt.f32 v40, v37;
	v42 =	vld.idx.msk [tilespmem:v30+s2+$0x0], $0xffff  }
0x1e6: {  	vm1 =	vgt.f32 v40, v41;
	v30 =	vsel vm0, $0x1C, v38;
	v37 =	vsel vm0, v40, v37  }
0x1e7: {  	v38 =	vsel vm1, v36, v30;
	v37 =	vsel vm1, v41, v37;
	v30 =	vor.u32 $0x3E, v3  }
0x1e8: {  	v40 =	vsel vm1, v40, v41;
	v36 =	vsel vm1, $0x1C, v36;
	vm0 =	vgt.f32 v39, v37;
	v34 =	vld.idx.msk [tilespmem:v34+s2+$0x0], $0xffff  }
0x1e9: {  	vm1 =	vgt.f32 v39, v40;
	v38 =	vsel vm0, $0x1D, v38;
	v37 =	vsel vm0, v39, v37  }
0x1ea: {  	v3 =	vor.u32 $0x3F, v3;
	v38 =	vsel vm1, v36, v38;
	v37 =	vsel vm1, v40, v37  }
0x1eb: {  	v39 =	vsel vm1, v39, v40;
	v36 =	vsel vm1, $0x1D, v36;
	vm0 =	vgt.f32 v42, v37;
	v26 =	vld.idx.msk [tilespmem:v26+s2+$0x0], $0xffff  }
0x1ec: {  	vm1 =	vgt.f32 v42, v39;
	v38 =	vsel vm0, $0x1E, v38;
	v37 =	vsel vm0, v42, v37  }
0x1ed: {  	v38 =	vsel vm1, v36, v38;
	v37 =	vsel vm1, v39, v37;
	v36 =	vsel vm1, $0x1E, v36  }
0x1ee: {  	v39 =	vsel vm1, v42, v39;
	vm0 =	vgt.f32 v34, v37;
	v23 =	vld.idx.msk [tilespmem:v23+s2+$0x0], $0xffff  }
0x1ef: {  	vm1 =	vgt.f32 v34, v39;
	v38 =	vsel vm0, $0x1F, v38;
	v37 =	vsel vm0, v34, v37  }
0x1f0: {  	v38 =	vsel vm1, v36, v38;
	v37 =	vsel vm1, v39, v37  }
0x1f1: {  	v34 =	vsel vm1, v34, v39;
	v36 =	vsel vm1, $0x1F, v36;
	vm0 =	vgt.f32 v26, v37;
	v18 =	vld.idx.msk [tilespmem:v18+s2+$0x0], $0xffff  }
0x1f2: {  	vm1 =	vgt.f32 v26, v34;
	v38 =	vsel vm0, $0x20, v38;
	v37 =	vsel vm0, v26, v37  }
0x1f3: {  	v38 =	vsel vm1, v36, v38;
	v37 =	vsel vm1, v34, v37  }
0x1f4: {  	v26 =	vsel vm1, v26, v34;
	vm0 =	vgt.f32 v23, v37;
	v12 =	vld.idx.msk [tilespmem:v12+s2+$0x0], $0xffff  }
0x1f5: {  	v34 =	vsel vm1, $0x20, v36;
	vm1 =	vgt.f32 v23, v26;
	v36 =	vsel vm0, v23, v37  }
0x1f6: {  	v37 =	vsel vm0, $0x21, v38;
	v23 =	vsel vm1, v23, v26;
	v36 =	vsel vm1, v26, v36  }
0x1f7: {  	v26 =	vsel vm1, v34, v37;
	v34 =	vsel vm1, $0x21, v34;
	vm0 =	vgt.f32 v18, v36;
	v19 =	vld.idx.msk [tilespmem:v19+s2+$0x0], $0xffff  }
0x1f8: {  	vm1 =	vgt.f32 v18, v23;
	v26 =	vsel vm0, $0x22, v26;
	v36 =	vsel vm0, v18, v36  }
0x1f9: {  	v18 =	vsel vm1, v18, v23;
	v26 =	vsel vm1, v34, v26;
	v36 =	vsel vm1, v23, v36  }
0x1fa: {  	v23 =	vsel vm1, $0x22, v34;
	vm0 =	vgt.f32 v12, v36;
	v20 =	vld.idx.msk [tilespmem:v20+s2+$0x0], $0xffff  }
0x1fb: {  	vm1 =	vgt.f32 v12, v18;
	v26 =	vsel vm0, $0x23, v26;
	v34 =	vsel vm0, v12, v36  }
0x1fc: {  	v12 =	vsel vm1, v12, v18;
	v26 =	vsel vm1, v23, v26;
	v34 =	vsel vm1, v18, v34  }
0x1fd: {  	v18 =	vsel vm1, $0x23, v23;
	vm0 =	vgt.f32 v19, v34;
	v17 =	vld.idx.msk [tilespmem:v17+s2+$0x0], $0xffff  }
0x1fe: {  	vm1 =	vgt.f32 v19, v12;
	v23 =	vsel vm0, $0x24, v26;
	v26 =	vsel vm0, v19, v34  }
0x1ff: {  	v23 =	vsel vm1, v18, v23;
	v26 =	vsel vm1, v12, v26  }
0x200: {  	v18 =	vsel vm1, $0x24, v18;
	v12 =	vsel vm1, v19, v12;
	vm0 =	vgt.f32 v20, v26;
	v19 =	vld.idx.msk [tilespmem:v21+s2+$0x0], $0xffff  }
0x201: {  	vm1 =	vgt.f32 v20, v12;
	v21 =	vsel vm0, $0x25, v23;
	v23 =	vsel vm0, v20, v26  }
0x202: {  	v21 =	vsel vm1, v18, v21;
	v23 =	vsel vm1, v12, v23;
	v18 =	vsel vm1, $0x25, v18  }
0x203: {  	v12 =	vsel vm1, v20, v12;
	vm0 =	vgt.f32 v17, v23;
	v20 =	vld.idx.msk [tilespmem:v22+s2+$0x0], $0xffff  }
0x204: {  	vm1 =	vgt.f32 v17, v12;
	v21 =	vsel vm0, $0x26, v21;
	v22 =	vsel vm0, v17, v23  }
0x205: {  	v21 =	vsel vm1, v18, v21;
	v22 =	vsel vm1, v12, v22  }
0x206: {  	v18 =	vsel vm1, $0x26, v18;
	v12 =	vsel vm1, v17, v12;
	vm0 =	vgt.f32 v19, v22;
	v13 =	vld.idx.msk [tilespmem:v13+s2+$0x0], $0xffff  }
0x207: {  	vm1 =	vgt.f32 v19, v12;
	v17 =	vsel vm0, $0x27, v21;
	v21 =	vsel vm0, v19, v22  }
0x208: {  	v17 =	vsel vm1, v18, v17;
	v21 =	vsel vm1, v12, v21  }
0x209: {  	v12 =	vsel vm1, v19, v12;
	vm0 =	vgt.f32 v20, v21;
	v9 =	vld.idx.msk [tilespmem:v9+s2+$0x0], $0xffff  }
0x20a: {  	vm2 =	vgt.f32 v20, v12;
	v17 =	vsel vm0, $0x28, v17;
	v19 =	vsel vm0, v20, v21  }
0x20b: {  	v18 =	vsel vm1, $0x27, v18;
	v19 =	vsel vm2, v12, v19;
	v12 =	vsel vm2, v20, v12  }
0x20c: {  	v17 =	vsel vm2, v18, v17;
	vm0 =	vgt.f32 v13, v19;
	v20 =	vld.idx.msk [tilespmem:v25+s2+$0x0], $0xffff  }
0x20d: {  	vm1 =	vgt.f32 v13, v12;
	v17 =	vsel vm0, $0x29, v17;
	v19 =	vsel vm0, v13, v19  }
0x20e: {  	v18 =	vsel vm2, $0x28, v18;
	v19 =	vsel vm1, v12, v19;
	v12 =	vsel vm1, v13, v12  }
0x20f: {  	v13 =	vsel vm1, v18, v17;
	v17 =	vsel vm1, $0x29, v18;
	vm0 =	vgt.f32 v9, v19;
	v15 =	vld.idx.msk [tilespmem:v15+s2+$0x0], $0xffff  }
0x210: {  	vm1 =	vgt.f32 v9, v12;
	v13 =	vsel vm0, $0x2A, v13;
	v18 =	vsel vm0, v9, v19  }
0x211: {  	v13 =	vsel vm1, v17, v13;
	v18 =	vsel vm1, v12, v18;
	v17 =	vsel vm1, $0x2A, v17  }
0x212: {  	v9 =	vsel vm1, v9, v12;
	vm0 =	vgt.f32 v20, v18;
	v10 =	vld.idx.msk [tilespmem:v10+s2+$0x0], $0xffff  }
0x213: {  	vm1 =	vgt.f32 v20, v9;
	v12 =	vsel vm0, $0x2B, v13;
	v13 =	vsel vm0, v20, v18  }
0x214: {  	v12 =	vsel vm1, v17, v12;
	v13 =	vsel vm1, v9, v13;
	v17 =	vsel vm1, $0x2B, v17  }
0x215: {  	v9 =	vsel vm1, v20, v9;
	vm0 =	vgt.f32 v15, v13;
	v8 =	vld.idx.msk [tilespmem:v8+s2+$0x0], $0xffff  }
0x216: {  	vm1 =	vgt.f32 v15, v9;
	v12 =	vsel vm0, $0x2C, v12;
	v13 =	vsel vm0, v15, v13  }
0x217: {  	v12 =	vsel vm1, v17, v12;
	v13 =	vsel vm1, v9, v13;
	v9 =	vsel vm1, v15, v9  }
0x218: {  	v15 =	vsel vm1, $0x2C, v17;
	vm0 =	vgt.f32 v10, v13;
	v6 =	vld.idx.msk [tilespmem:v6+s2+$0x0], $0xffff  }
0x219: {  	vm1 =	vgt.f32 v10, v9;
	v12 =	vsel vm0, $0x2D, v12;
	v13 =	vsel vm0, v10, v13  }
0x21a: {  	v12 =	vsel vm1, v15, v12;
	v13 =	vsel vm1, v9, v13  }
0x21b: {  	v15 =	vsel vm1, $0x2D, v15;
	v9 =	vsel vm1, v10, v9;
	vm0 =	vgt.f32 v8, v13;
	v10 =	vld.idx.msk [tilespmem:v14+s2+$0x0], $0xffff  }
0x21c: {  	vm1 =	vgt.f32 v8, v9;
	v12 =	vsel vm0, $0x2E, v12;
	v13 =	vsel vm0, v8, v13  }
0x21d: {  	v14 =	vsel vm1, $0x2E, v15;
	v12 =	vsel vm1, v15, v12;
	v13 =	vsel vm1, v9, v13  }
0x21e: {  	v8 =	vsel vm1, v8, v9;
	vm0 =	vgt.f32 v6, v13;
	v9 =	vld.idx.msk [tilespmem:v16+s2+$0x0], $0xffff  }
0x21f: {  	vm1 =	vgt.f32 v6, v8;
	v12 =	vsel vm0, $0x2F, v12;
	v13 =	vsel vm0, v6, v13  }
0x220: {  	v12 =	vsel vm1, v14, v12;
	v13 =	vsel vm1, v8, v13  }
0x221: {  	v6 =	vsel vm1, v6, v8;
	v14 =	vsel vm1, $0x2F, v14;
	vm0 =	vgt.f32 v10, v13;
	v8 =	vld.idx.msk [tilespmem:v11+s2+$0x0], $0xffff  }
0x222: {  	vm1 =	vgt.f32 v10, v6;
	v11 =	vsel vm0, $0x30, v12;
	v12 =	vsel vm0, v10, v13  }
0x223: {  	v11 =	vsel vm1, v14, v11;
	v12 =	vsel vm1, v6, v12  }
0x224: {  	v13 =	vsel vm1, $0x30, v14;
	v6 =	vsel vm1, v10, v6;
	vm0 =	vgt.f32 v9, v12;
	v7 =	vld.idx.msk [tilespmem:v7+s2+$0x0], $0xffff  }
0x225: {  	vm1 =	vgt.f32 v9, v6;
	v10 =	vsel vm0, $0x31, v11;
	v11 =	vsel vm0, v9, v12  }
0x226: {  	v12 =	vsel vm1, $0x31, v13;
	v10 =	vsel vm1, v13, v10;
	v11 =	vsel vm1, v6, v11  }
0x227: {  	v6 =	vsel vm1, v9, v6;
	vm0 =	vgt.f32 v8, v11;
	v5 =	vld.idx.msk [tilespmem:v5+s2+$0x0], $0xffff  }
0x228: {  	vm1 =	vgt.f32 v8, v6;
	v9 =	vsel vm0, $0x32, v10;
	v10 =	vsel vm0, v8, v11  }
0x229: {  	v9 =	vsel vm1, v12, v9;
	v10 =	vsel vm1, v6, v10  }
0x22a: {  	v11 =	vsel vm1, $0x32, v12;
	v6 =	vsel vm1, v8, v6;
	vm0 =	vgt.f32 v7, v10;
	v4 =	vld.idx.msk [tilespmem:v4+s2+$0x0], $0xffff  }
0x22b: {  	vm1 =	vgt.f32 v7, v6;
	v8 =	vsel vm0, $0x33, v9;
	v9 =	vsel vm0, v7, v10  }
0x22c: {  	v8 =	vsel vm1, v11, v8;
	v9 =	vsel vm1, v6, v9;
	v6 =	vsel vm1, v7, v6  }
0x22d: {  	v7 =	vsel vm1, $0x33, v11;
	vm0 =	vgt.f32 v5, v9;
	v10 =	vld.idx.msk [tilespmem:v27+s2+$0x0], $0xffff  }
0x22e: {  	vm1 =	vgt.f32 v5, v6;
	v8 =	vsel vm0, $0x34, v8;
	v9 =	vsel vm0, v5, v9  }
0x22f: {  	v5 =	vsel vm1, v5, v6;
	v8 =	vsel vm1, v7, v8;
	v9 =	vsel vm1, v6, v9  }
0x230: {  	v6 =	vsel vm1, $0x34, v7;
	vm0 =	vgt.f32 v4, v9;
	v7 =	vld.idx.msk [tilespmem:v24+s2+$0x0], $0xffff  }
0x231: {  	vm1 =	vgt.f32 v4, v5;
	v8 =	vsel vm0, $0x35, v8;
	v9 =	vsel vm0, v4, v9  }
0x232: {  	v4 =	vsel vm1, v4, v5;
	v8 =	vsel vm1, v6, v8;
	v9 =	vsel vm1, v5, v9  }
0x233: {  	v5 =	vsel vm1, $0x35, v6;
	vm0 =	vgt.f32 v10, v9;
	v6 =	vld.idx.msk [tilespmem:v28+s2+$0x0], $0xffff  }
0x234: {  	vm1 =	vgt.f32 v10, v4;
	v8 =	vsel vm0, $0x36, v8;
	v9 =	vsel vm0, v10, v9  }
0x235: {  	v8 =	vsel vm1, v5, v8;
	v9 =	vsel vm1, v4, v9;
	v4 =	vsel vm1, v10, v4  }
0x236: {  	vm0 =	vgt.f32 v7, v9;
	v10 =	vld.idx.msk [tilespmem:v29+s2+$0x0], $0xffff  }
0x237: {  	vm2 =	vgt.f32 v7, v4;
	v8 =	vsel vm0, $0x37, v8;
	v9 =	vsel vm0, v7, v9  }
0x238: {  	v5 =	vsel vm1, $0x36, v5;
	v9 =	vsel vm2, v4, v9;
	v4 =	vsel vm2, v7, v4  }
0x239: {  	v7 =	vsel vm2, v5, v8;
	v5 =	vsel vm2, $0x37, v5;
	vm0 =	vgt.f32 v6, v9;
	v8 =	vld.idx.msk [tilespmem:v31+s2+$0x0], $0xffff  }
0x23a: {  	vm1 =	vgt.f32 v6, v4;
	v7 =	vsel vm0, $0x38, v7;
	v9 =	vsel vm0, v6, v9  }
0x23b: {  	v7 =	vsel vm1, v5, v7;
	v9 =	vsel vm1, v4, v9;
	v4 =	vsel vm1, v6, v4  }
0x23c: {  	v5 =	vsel vm1, $0x38, v5;
	vm0 =	vgt.f32 v10, v9;
	v6 =	vld.idx.msk [tilespmem:v32+s2+$0x0], $0xffff  }
0x23d: {  	vm1 =	vgt.f32 v10, v4;
	v7 =	vsel vm0, $0x39, v7;
	v9 =	vsel vm0, v10, v9  }
0x23e: {  	v7 =	vsel vm1, v5, v7;
	v9 =	vsel vm1, v4, v9;
	v4 =	vsel vm1, v10, v4  }
0x23f: {  	v5 =	vsel vm1, $0x39, v5;
	vm0 =	vgt.f32 v8, v9;
	v10 =	vld.idx.msk [tilespmem:v33+s2+$0x0], $0xffff  }
0x240: {  	vm1 =	vgt.f32 v8, v4;
	v7 =	vsel vm0, $0x3A, v7;
	v9 =	vsel vm0, v8, v9  }
0x241: {  	v7 =	vsel vm1, v5, v7;
	v9 =	vsel vm1, v4, v9;
	v4 =	vsel vm1, v8, v4  }
0x242: {  	v5 =	vsel vm1, $0x3A, v5;
	vm0 =	vgt.f32 v6, v9;
	v8 =	vld.idx.msk [tilespmem:v35+s2+$0x0], $0xffff  }
0x243: {  	vm1 =	vgt.f32 v6, v4;
	v7 =	vsel vm0, $0x3B, v7;
	v9 =	vsel vm0, v6, v9  }
0x244: {  	v7 =	vsel vm1, v5, v7;
	v9 =	vsel vm1, v4, v9;
	v4 =	vsel vm1, v6, v4  }
0x245: {  	v5 =	vsel vm1, $0x3B, v5;
	vm0 =	vgt.f32 v10, v9;
	v6 =	vld.idx.msk [tilespmem:v30+s2+$0x0], $0xffff  }
0x246: {  	vm1 =	vgt.f32 v10, v4;
	v7 =	vsel vm0, $0x3C, v7;
	v9 =	vsel vm0, v10, v9  }
0x247: {  	v7 =	vsel vm1, v5, v7;
	v9 =	vsel vm1, v4, v9;
	v4 =	vsel vm1, v10, v4  }
0x248: {  	v5 =	vsel vm1, $0x3C, v5;
	vm0 =	vgt.f32 v8, v9;
	v3 =	vld.idx.msk [tilespmem:v3+s2+$0x0], $0xffff  }
0x249: {  	vm1 =	vgt.f32 v8, v4;
	v7 =	vsel vm0, $0x3D, v7;
	v9 =	vsel vm0, v8, v9  }
0x24a: {  	v7 =	vsel vm1, v5, v7;
	v9 =	vsel vm1, v4, v9;
	v4 =	vsel vm1, v8, v4  }
0x24b: {  	v5 =	vsel vm1, $0x3D, v5;
	v8 =	vshll.u32 v2, $0x1;
	vm0 =	vgt.f32 v6, v9  }
0x24c: {  	vm1 =	vgt.f32 v6, v4;
	v2 =	vsel vm0, $0x3E, v7;
	v7 =	vsel vm0, v6, v9  }
0x24d: {  	v6 =	vsel vm1, v6, v4;
	v7 =	vsel vm1, v4, v7;
	v4 =	vor.u32 $0x1, v8  }
0x24e: {  	v2 =	vsel vm1, v5, v2;
	v5 =	vsel vm1, $0x3E, v5;
	vm0 =	vgt.f32 v3, v7  }
0x24f: {  	vm1 =	vgt.f32 v3, v6;
	v2 =	vsel vm0, $0x3F, v2;
	v7 =	vsel vm0, v3, v7  }
0x250: {  	v9 =	vsel vm1, $0x3F, v5;
	v3 =	vsel vm1, v3, v6;
	v7 =	vsel vm1, v6, v7  }
0x251: {  	v2 =	vsel vm1, v5, v2;
	v3 =	vsub.f32 v7, v3;
	[tilespmem:v8+s8+$0x0] =	vst.idx.msk $0xffff, v9  }
0x252: {  	[tilespmem:v4+s8+$0x0] =	vst.idx.msk $0xffff, v2  }
0x253: {  	v2 =	vmul.f32 $1.442695020e+00, v3;
	_ =	sdelay $0x1  }
0x254: {  	(erf) = vpow2.f32 v2;
	_ =	sdelay $0x8  }
0x255: {  	v5 =	vpop (erf)  }
0x256: {  	v2 =	vadd.f32 $1.000000000e+00, v5;
	_ =	sdelay $0x1  }
0x257: {  	(erf) = vrcp.f32 v2;
	_ =	sdelay $0x5  }
0x258: {  	v2 =	vor.u32 s12, v0  }
.Ltmp0:
0x259: {  	v3 =	vshll.u32 v2, $0x6;
	(pc) =	sbr.rel @p0 .LBB2_2-.Ltmp0, $4  }
0x25a: {  	v7 =	vor.u32 $0x1, v3;
	v18 =	vor.u32 $0x2, v3;
	v12 =	vor.u32 $0x3, v3  }
0x25b: {  	v19 =	vor.u32 $0x4, v3;
	v17 =	vor.u32 $0x5, v3;
	v15 =	vor.u32 $0x6, v3;
	v6 =	vpop (erf)  }
0x25c: {  	v13 =	vor.u32 $0x7, v3;
	v9 =	vor.u32 $0x8, v3;
	[tilespmem:v8+s9+$0x0] =	vst.idx.msk $0xffff, v6;
	v11 =	vmul.f32 v6, v5  }
0x25d: {  	v8 =	vor.u32 $0x9, v3;
	v6 =	vor.u32 $0xA, v3;
	v5 =	vor.u32 $0xB, v3  }
0x25e: {  	_ =	sdelay $0x3  }
0x25f: {  	[tilespmem:v4+s9+$0x0] =	vst.idx.msk $0xffff, v11  }
0x260: {  	v4 =	vld.idx.msk [tilespmem:v7+s2+$0x0], $0xffff  }
0x261: {  	v52 =	vld.idx.msk [tilespmem:v3+s2+$0x0], $0xffff  }
0x262: {  	v53 =	vimm.s32 $0x0;
	v57 =	vimm.s32 $0x0;
	v59 =	vimm.s32 $0x0  }
0x263: {  	v61 =	vimm.s32 $0x0;
	v63 =	vimm.s32 $0x0;
	v14 =	vimm.s32 $0x0  }
0x264: {  	v20 =	vimm.s32 $0x0;
	v22 =	vor.u32 $0xE, v3;
	v23 =	vimm.s32 $0x0;
	v10 =	vld.idx.msk [tilespmem:v18+s2+$0x0], $0xffff  }
0x265: {  	v25 =	vor.u32 $0xF, v3;
	vm0 =	vlt.f32 v4, $-Inf;
	vm1 =	vgt.f32 v4, $-Inf  }
0x266: {  	v26 =	vimm.s32 $0x0;
	vm2 =	vgt.f32 v4, v52;
	vm15 =	vmor vm1, vm0  }
0x267: {  	v28 =	vor.u32 $0x10, v3;
	v54 =	vld.idx.msk [tilespmem:v12+s2+$0x0], $0xffff;
	vm1 =	vmneg vm2;
	v55 =	vnsel vm15, $0xFF800000, v4  }
0x268: {  	v29 =	vimm.s32 $0x0;
	v31 =	vor.u32 $0x11, v3;
	v12 =	vsel vm1, v55, v52  }
0x269: {  	v32 =	vimm.s32 $0x0;
	v4 =	vsel vm1, v52, v4;
	vm3 =	vgt.f32 v10, v12  }
0x26a: {  	v35 =	vor.u32 $0x12, v3;
	v56 =	vld.idx.msk [tilespmem:v19+s2+$0x0], $0xffff;
	vm4 =	vgt.f32 v10, v4;
	v12 =	vsel vm3, v10, v12  }
0x26b: {  	v37 =	vimm.s32 $0x0;
	v39 =	vor.u32 $0x13, v3;
	v12 =	vsel vm4, v4, v12  }
0x26c: {  	v40 =	vimm.s32 $0x0;
	v4 =	vsel vm4, v10, v4;
	vm10 =	vgt.f32 v54, v12  }
0x26d: {  	v43 =	vor.u32 $0x14, v3;
	v58 =	vld.idx.msk [tilespmem:v17+s2+$0x0], $0xffff;
	vm5 =	vgt.f32 v54, v4;
	v12 =	vsel vm10, v54, v12  }
0x26e: {  	v44 =	vimm.s32 $0x0;
	v47 =	vor.u32 $0x15, v3;
	v12 =	vsel vm5, v4, v12  }
0x26f: {  	v48 =	vimm.s32 $0x0;
	v4 =	vsel vm5, v54, v4;
	vm11 =	vgt.f32 v56, v12  }
0x270: {  	v51 =	vor.u32 $0x16, v3;
	v60 =	vld.idx.msk [tilespmem:v15+s2+$0x0], $0xffff;
	vm6 =	vgt.f32 v56, v4;
	v12 =	vsel vm11, v56, v12  }
0x271: {  	v15 =	vimm.s32 $0x0;
	v17 =	vor.u32 $0xC, v3;
	v12 =	vsel vm6, v4, v12  }
0x272: {  	v18 =	vimm.s32 $0x0;
	v4 =	vsel vm6, v56, v4;
	vm12 =	vgt.f32 v58, v12  }
0x273: {  	v62 =	vld.idx.msk [tilespmem:v13+s2+$0x0], $0xffff;
	v19 =	vor.u32 $0xD, v3;
	vm7 =	vgt.f32 v58, v4;
	v12 =	vsel vm12, v58, v12  }
0x274: {  	v30 =	vld.idx.msk [tilespmem:v25+s2+$0x0], $0xffff;
	v25 =	vor.u32 $0x1B, v3;
	v11 =	vsel vm2, $0xFFFFFFFF, v53;
	v12 =	vsel vm7, v4, v12  }
0x275: {  	v9 =	vld.idx.msk [tilespmem:v9+s2+$0x0], $0xffff;
	v10 =	vsel vm10, $0xFFFFFFFF, v57;
	v4 =	vsel vm7, v58, v4;
	vm13 =	vgt.f32 v60, v12  }
0x276: {  	v42 =	vld.idx.msk [tilespmem:v35+s2+$0x0], $0xffff;
	[tilespmem:$0x1F880] =	vst v10;
	vm2 =	vgt.f32 v60, v4;
	v10 =	vsel vm13, $0xFFFFFFFF, v63;
	v13 =	vsel vm13, v60, v12  }
0x277: {  	v46 =	vld.idx.msk [tilespmem:v39+s2+$0x0], $0xffff;
	v35 =	vor.u32 $0x1D, v3;
	v39 =	vor.u32 $0x1E, v3;
	[tilespmem:$0x1F8B0] =	vst v10;
	v10 =	vsel vm2, v4, v13  }
0x278: {  	vm1 =	vmand vm1, vm15;
	v4 =	vsel vm2, v60, v4;
	vm14 =	vgt.f32 v62, v10  }
0x279: {  	v8 =	vld.idx.msk [tilespmem:v8+s2+$0x0], $0xffff;
	v52 =	vimm.s32 $0x0;
	vm8 =	vgt.f32 v62, v4;
	v10 =	vsel vm14, v62, v10  }
0x27a: {  	v6 =	vld.idx.msk [tilespmem:v6+s2+$0x0], $0xffff;
	v55 =	vor.u32 $0x17, v3;
	v34 =	vsel vm1, $0x1, v1;
	v10 =	vsel vm8, v4, v10  }
0x27b: {  	v50 =	vld.idx.msk [tilespmem:v43+s2+$0x0], $0xffff;
	v7 =	vsel vm12, $0xFFFFFFFF, v61;
	v4 =	vsel vm8, v62, v4;
	vm9 =	vgt.f32 v9, v10  }
0x27c: {  	v43 =	vld.idx.msk [tilespmem:v35+s2+$0x0], $0xffff;
	[tilespmem:$0x1F8A0] =	vst v7;
	v7 =	vsel vm9, $0xFFFFFFFF, v15;
	v16 =	vsel vm9, v9, v10;
	vm9 =	vgt.f32 v9, v4  }
0x27d: {  	v35 =	vimm.s32 $0x0;
	v38 =	vsel vm3, $0x2, v34;
	v54 =	vld.idx.msk [tilespmem:v47+s2+$0x0], $0xffff;
	[tilespmem:$0x1F8D0] =	vst v7;
	v7 =	vsel vm9, v4, v16  }
0x27e: {  	v47 =	vld.idx.msk [tilespmem:v39+s2+$0x0], $0xffff;
	v39 =	vimm.s32 $0x0;
	v4 =	vsel vm9, v9, v4;
	vm10 =	vgt.f32 v8, v7  }
0x27f: {  	v5 =	vld.idx.msk [tilespmem:v5+s2+$0x0], $0xffff;
	v9 =	vsel vm10, $0xFFFFFFFF, v18;
	v7 =	vsel vm10, v8, v7;
	vm10 =	vgt.f32 v8, v4  }
0x280: {  	[tilespmem:$0x1F870] =	vst v11;
	v11 =	vsel vm11, $0xFFFFFFFF, v59;
	v59 =	vor.u32 $0x18, v3;
	v7 =	vsel vm10, v4, v7  }
0x281: {  	[tilespmem:$0x1F890] =	vst v11;
	v11 =	vsel vm14, $0xFFFFFFFF, v14;
	v4 =	vsel vm10, v8, v4;
	vm11 =	vgt.f32 v6, v7  }
0x282: {  	v21 =	vld.idx.msk [tilespmem:v17+s2+$0x0], $0xffff;
	v8 =	vsel vm11, $0xFFFFFFFF, v20;
	v7 =	vsel vm11, v6, v7;
	vm11 =	vgt.f32 v6, v4  }
0x283: {  	v56 =	vimm.s32 $0x0;
	v61 =	vimm.s32 $0x0;
	v63 =	vld.idx.msk [tilespmem:v55+s2+$0x0], $0xffff;
	[tilespmem:$0x1F8C0] =	vst v11;
	v7 =	vsel vm11, v4, v7  }
0x284: {  	v55 =	vimm.s32 $0x0;
	v57 =	vld [tilespmem:$0x1F8C0];
	v4 =	vsel vm11, v6, v4;
	vm12 =	vgt.f32 v5, v7  }
0x285: {  	v24 =	vld.idx.msk [tilespmem:v19+s2+$0x0], $0xffff;
	v6 =	vsel vm12, $0xFFFFFFFF, v23;
	v7 =	vsel vm12, v5, v7;
	vm12 =	vgt.f32 v5, v4  }
0x286: {  	v14 =	vimm.s32 $0x0;
	v16 =	vor.u32 $0x19, v3;
	v7 =	vsel vm12, v4, v7  }
0x287: {  	v18 =	vimm.s32 $0x0;
	v4 =	vsel vm12, v5, v4;
	vm13 =	vgt.f32 v21, v7  }
0x288: {  	v27 =	vld.idx.msk [tilespmem:v22+s2+$0x0], $0xffff;
	v5 =	vsel vm13, $0xFFFFFFFF, v26;
	v7 =	vsel vm13, v21, v7;
	vm13 =	vgt.f32 v21, v4  }
0x289: {  	v36 =	vld [tilespmem:$0x1F870];
	vm1 =	vnez.u8 v57;
	v57 =	vor.u32 $0x22, v3;
	v7 =	vsel vm13, v4, v7  }
0x28a: {  	v20 =	vld.idx.msk [tilespmem:v59+s2+$0x0], $0xffff;
	v59 =	vimm.s32 $0x0;
	v4 =	vsel vm13, v21, v4;
	vm14 =	vgt.f32 v24, v7  }
0x28b: {  	[tilespmem:$0x1F8F0] =	vst v8;
	v8 =	vsel vm14, $0xFFFFFFFF, v29;
	v7 =	vsel vm14, v24, v7;
	vm14 =	vgt.f32 v24, v4  }
0x28c: {  	v23 =	vimm.s32 $0x0;
	v7 =	vsel vm14, v4, v7;
	v4 =	vsel vm14, v24, v4  }
0x28d: {  	v21 =	vor.u32 $0x1A, v3;
	vm0 =	vgt.f32 v27, v7;
	vm15 =	vgt.f32 v27, v4  }
0x28e: {  	v41 =	vld [tilespmem:$0x1F880];
	[tilespmem:$0x1F900] =	vst v6;
	v6 =	vsel vm0, $0xFFFFFFFF, v32;
	v7 =	vsel vm0, v27, v7;
	vm0 =	vnez.u8 v36  }
0x28f: {  	v33 =	vld.idx.msk [tilespmem:v28+s2+$0x0], $0xffff;
	v32 =	vimm.s32 $0x0;
	v7 =	vsel vm15, v4, v7;
	v12 =	vsel vm0, $0x1, v1  }
0x290: {  	v4 =	vsel vm15, v27, v4;
	v27 =	vimm.s32 $0x0;
	vm0 =	vgt.f32 v30, v7  }
0x291: {  	[tilespmem:$0x1F910] =	vst v5;
	vm3 =	vgt.f32 v30, v4;
	v5 =	vsel vm0, $0xFFFFFFFF, v37;
	v7 =	vsel vm0, v30, v7  }
0x292: {  	v45 =	vld [tilespmem:$0x1F890];
	v37 =	vimm.s32 $0x0;
	[tilespmem:$0x1F940] =	vst v5;
	v5 =	vsel vm4, v12, v38;
	v7 =	vsel vm3, v4, v7  }
0x293: {  	[tilespmem:$0x1F8E0] =	vst v9;
	v9 =	vld.idx.msk [tilespmem:v31+s2+$0x0], $0xffff;
	v12 =	vsel vm4, $0x2, v12;
	v4 =	vsel vm3, v30, v4;
	vm4 =	vnez.u8 v41  }
0x294: {  	v30 =	vor.u32 $0x1C, v3;
	v41 =	vimm.s32 $0x0;
	vm0 =	vgt.f32 v33, v7  }
0x295: {  	v49 =	vld [tilespmem:$0x1F8A0];
	[tilespmem:$0x1F920] =	vst v8;
	v5 =	vsel vm4, $0x3, v5;
	vm4 =	vgt.f32 v33, v4;
	v8 =	vsel vm0, $0xFFFFFFFF, v40  }
0x296: {  	v7 =	vsel vm0, v33, v7;
	v5 =	vsel vm5, v12, v5;
	v12 =	vsel vm5, $0x3, v12  }
0x297: {  	vm5 =	vnez.u8 v45;
	v45 =	vimm.s32 $0x0;
	v7 =	vsel vm4, v4, v7  }
0x298: {  	v53 =	vld [tilespmem:$0x1F8B0];
	v4 =	vsel vm4, v33, v4;
	v5 =	vsel vm5, $0x4, v5;
	vm0 =	vgt.f32 v9, v7  }
0x299: {  	vm5 =	vgt.f32 v9, v4;
	v5 =	vsel vm6, v12, v5;
	v12 =	vsel vm6, $0x4, v12  }
0x29a: {  	[tilespmem:$0x1F930] =	vst v6;
	vm6 =	vnez.u8 v49;
	v6 =	vsel vm0, $0xFFFFFFFF, v44;
	v7 =	vsel vm0, v9, v7  }
0x29b: {  	v5 =	vsel vm6, $0x5, v5;
	v44 =	vor.u32 $0x1F, v3;
	v7 =	vsel vm5, v4, v7  }
0x29c: {  	v4 =	vsel vm5, v9, v4;
	v5 =	vsel vm7, v12, v5;
	v12 =	vsel vm7, $0x5, v12  }
0x29d: {  	v62 =	vld [tilespmem:$0x1F8D0];
	vm7 =	vnez.u8 v53;
	v53 =	vor.u32 $0x21, v3;
	vm0 =	vgt.f32 v42, v7  }
0x29e: {  	vm6 =	vgt.f32 v42, v4;
	v5 =	vsel vm7, $0x6, v5;
	v9 =	vsel vm0, $0xFFFFFFFF, v48  }
0x29f: {  	v7 =	vsel vm0, v42, v7;
	v5 =	vsel vm2, v12, v5;
	v12 =	vsel vm2, $0x6, v12  }
0x2a0: {  	v48 =	vor.u32 $0x20, v3;
	v7 =	vsel vm6, v4, v7;
	v4 =	vsel vm6, v42, v4  }
0x2a1: {  	v19 =	vld [tilespmem:$0x1F8E0];
	v5 =	vsel vm1, $0x7, v5;
	v60 =	vsel vm8, $0x7, v12;
	vm0 =	vgt.f32 v46, v7  }
0x2a2: {  	vm7 =	vgt.f32 v46, v4;
	v5 =	vsel vm8, v12, v5;
	vm8 =	vnez.u8 v62  }
0x2a3: {  	[tilespmem:$0x1F950] =	vst v8;
	v17 =	vsel vm9, $0x8, v60;
	v62 =	vor.u32 $0x23, v3;
	v8 =	vsel vm0, $0xFFFFFFFF, v52  }
0x2a4: {  	v7 =	vsel vm0, v46, v7;
	v5 =	vsel vm8, $0x8, v5;
	v24 =	vsel vm10, $0x9, v17  }
0x2a5: {  	v7 =	vsel vm7, v4, v7;
	v4 =	vsel vm7, v46, v4;
	v5 =	vsel vm9, v60, v5  }
0x2a6: {  	vm9 =	vnez.u8 v19;
	v26 =	vsel vm11, $0xA, v24;
	v19 =	vimm.s32 $0x0  }
0x2a7: {  	vm0 =	vgt.f32 v50, v7;
	vm1 =	vgt.f32 v50, v4;
	v5 =	vsel vm9, $0x9, v5  }
0x2a8: {  	[tilespmem:$0x1F960] =	vst v6;
	v31 =	vsel vm12, $0xB, v26;
	v6 =	vsel vm0, $0xFFFFFFFF, v56;
	v7 =	vsel vm0, v50, v7  }
0x2a9: {  	v58 =	vld.idx.msk [tilespmem:v51+s2+$0x0], $0xffff;
	v5 =	vsel vm10, v17, v5;
	v36 =	vsel vm13, $0xC, v31;
	v17 =	vor.u32 $0x24, v3  }
0x2aa: {  	v7 =	vsel vm1, v4, v7;
	v4 =	vsel vm1, v50, v4;
	v42 =	vsel vm14, $0xD, v36  }
0x2ab: {  	v22 =	vld [tilespmem:$0x1F8F0];
	v50 =	vimm.s32 $0x0;
	vm0 =	vgt.f32 v54, v7;
	vm8 =	vgt.f32 v54, v4  }
0x2ac: {  	[tilespmem:$0x1F970] =	vst v9;
	v13 =	vsel vm15, $0xE, v42;
	v9 =	vsel vm0, $0xFFFFFFFF, v61;
	v7 =	vsel vm0, v54, v7  }
0x2ad: {  	v28 =	vld [tilespmem:$0x1F900];
	v49 =	vsel vm3, $0xF, v13;
	v7 =	vsel vm8, v4, v7;
	v4 =	vsel vm8, v54, v4  }
0x2ae: {  	[tilespmem:$0x1F9A0] =	vst v9;
	v9 =	vld.idx.msk [tilespmem:v30+s2+$0x0], $0xffff;
	v54 =	vsel vm4, $0x10, v49;
	v30 =	vor.u32 $0x27, v3;
	vm0 =	vgt.f32 v58, v7  }
0x2af: {  	[tilespmem:$0x1F980] =	vst v8;
	vm9 =	vgt.f32 v58, v4;
	v8 =	vsel vm0, $0xFFFFFFFF, v18;
	v7 =	vsel vm0, v58, v7  }
0x2b0: {  	v33 =	vld [tilespmem:$0x1F910];
	vm0 =	vnez.u8 v22;
	v22 =	vor.u32 $0x25, v3;
	v7 =	vsel vm9, v4, v7  }
0x2b1: {  	v5 =	vsel vm0, $0xA, v5;
	v4 =	vsel vm9, v58, v4;
	v58 =	vsel vm5, $0x11, v54  }
0x2b2: {  	vm0 =	vgt.f32 v63, v7;
	vm10 =	vgt.f32 v63, v4;
	v5 =	vsel vm11, v24, v5  }
0x2b3: {  	vm11 =	vnez.u8 v28;
	v24 =	vimm.s32 $0x0;
	v7 =	vsel vm0, v63, v7  }
0x2b4: {  	v38 =	vld [tilespmem:$0x1F920];
	[tilespmem:$0x1F990] =	vst v6;
	v6 =	vsel vm0, $0xFFFFFFFF, v23;
	v5 =	vsel vm11, $0xB, v5;
	v7 =	vsel vm10, v4, v7  }
0x2b5: {  	v4 =	vsel vm10, v63, v4;
	v5 =	vsel vm12, v26, v5;
	vm12 =	vnez.u8 v33  }
0x2b6: {  	v10 =	vld.idx.msk [tilespmem:v16+s2+$0x0], $0xffff;
	v63 =	vsel vm6, $0x12, v58;
	v26 =	vor.u32 $0x26, v3;
	vm0 =	vgt.f32 v20, v7  }
0x2b7: {  	vm11 =	vgt.f32 v20, v4;
	v5 =	vsel vm12, $0xC, v5;
	v18 =	vsel vm7, $0x13, v63  }
0x2b8: {  	v34 =	vld.idx.msk [tilespmem:v25+s2+$0x0], $0xffff;
	[tilespmem:$0x1F9C0] =	vst v6;
	v6 =	vsel vm0, $0xFFFFFFFF, v27;
	v7 =	vsel vm0, v20, v7;
	v5 =	vsel vm13, v31, v5  }
0x2b9: {  	v29 =	vld.idx.msk [tilespmem:v21+s2+$0x0], $0xffff;
	vm13 =	vnez.u8 v38;
	v25 =	vsel vm1, $0x14, v18;
	v38 =	vor.u32 $0x29, v3  }
0x2ba: {  	v40 =	vld [tilespmem:$0x1F930];
	v27 =	vimm.s32 $0x0;
	v31 =	vimm.s32 $0x0;
	v7 =	vsel vm11, v4, v7  }
0x2bb: {  	v4 =	vsel vm11, v20, v4;
	v5 =	vsel vm13, $0xD, v5;
	vm0 =	vgt.f32 v10, v7  }
0x2bc: {  	v52 =	vld.idx.msk [tilespmem:v44+s2+$0x0], $0xffff;
	vm12 =	vgt.f32 v10, v4;
	v5 =	vsel vm14, v36, v5;
	v7 =	vsel vm0, v10, v7  }
0x2bd: {  	v46 =	vld [tilespmem:$0x1F940];
	[tilespmem:$0x1F9B0] =	vst v8;
	v8 =	vsel vm0, $0xFFFFFFFF, v32;
	v7 =	vsel vm12, v4, v7;
	v4 =	vsel vm12, v10, v4  }
0x2be: {  	vm0 =	vgt.f32 v29, v7;
	vm13 =	vgt.f32 v29, v4;
	v44 =	vld.idx.msk [tilespmem:v38+s2+$0x0], $0xffff;
	v38 =	vimm.s32 $0x0  }
0x2bf: {  	v51 =	vld [tilespmem:$0x1F950];
	v10 =	vsel vm0, $0xFFFFFFFF, v37;
	v7 =	vsel vm0, v29, v7;
	vm0 =	vnez.u8 v40  }
0x2c0: {  	v37 =	vld.idx.msk [tilespmem:v30+s2+$0x0], $0xffff;
	v30 =	vimm.s32 $0x0;
	v7 =	vsel vm13, v4, v7;
	v4 =	vsel vm13, v29, v4  }
0x2c1: {  	v5 =	vsel vm0, $0xE, v5;
	vm0 =	vgt.f32 v34, v7;
	vm14 =	vgt.f32 v34, v4  }
0x2c2: {  	v56 =	vld [tilespmem:$0x1F960];
	v5 =	vsel vm15, v42, v5;
	vm15 =	vnez.u8 v46;
	v42 =	vor.u32 $0x2A, v3  }
0x2c3: {  	[tilespmem:$0x1F9D0] =	vst v6;
	v46 =	vimm.s32 $0x0;
	v6 =	vsel vm0, $0xFFFFFFFF, v41;
	v7 =	vsel vm0, v34, v7  }
0x2c4: {  	v5 =	vsel vm15, $0xF, v5;
	vm15 =	vnez.u8 v51;
	v51 =	vimm.s32 $0x0  }
0x2c5: {  	v60 =	vld [tilespmem:$0x1F970];
	v7 =	vsel vm14, v4, v7;
	v4 =	vsel vm14, v34, v4;
	v5 =	vsel vm3, v13, v5  }
0x2c6: {  	v34 =	vor.u32 $0x28, v3;
	vm0 =	vgt.f32 v9, v7;
	vm2 =	vgt.f32 v9, v4  }
0x2c7: {  	v5 =	vsel vm15, $0x10, v5;
	vm15 =	vnez.u8 v56;
	v56 =	vimm.s32 $0x0  }
0x2c8: {  	[tilespmem:$0x1FA00] =	vst v6;
	v6 =	vsel vm0, $0xFFFFFFFF, v45;
	v7 =	vsel vm0, v9, v7;
	v5 =	vsel vm4, v49, v5  }
0x2c9: {  	v15 =	vld [tilespmem:$0x1F980];
	v45 =	vor.u32 $0x2B, v3;
	v49 =	vimm.s32 $0x0;
	v7 =	vsel vm2, v4, v7  }
0x2ca: {  	[tilespmem:$0x1F9E0] =	vst v8;
	v8 =	vld.idx.msk [tilespmem:v48+s2+$0x0], $0xffff;
	v4 =	vsel vm2, v9, v4;
	v5 =	vsel vm15, $0x11, v5;
	vm15 =	vnez.u8 v60  }
0x2cb: {  	v48 =	vld.idx.msk [tilespmem:v42+s2+$0x0], $0xffff;
	v60 =	vimm.s32 $0x0;
	v42 =	vor.u32 $0x35, v3;
	vm0 =	vgt.f32 v43, v7  }
0x2cc: {  	v20 =	vld [tilespmem:$0x1F990];
	vm3 =	vgt.f32 v43, v4;
	v5 =	vsel vm5, v54, v5;
	v54 =	vimm.s32 $0x0  }
0x2cd: {  	v9 =	vsel vm0, $0xFFFFFFFF, v50;
	v7 =	vsel vm0, v43, v7;
	v5 =	vsel vm15, $0x12, v5  }
0x2ce: {  	vm15 =	vnez.u8 v15;
	v41 =	vld.idx.msk [tilespmem:v34+s2+$0x0], $0xffff;
	v50 =	vor.u32 $0x2C, v3;
	v34 =	vimm.s32 $0x0  }
0x2cf: {  	v7 =	vsel vm3, v4, v7;
	v4 =	vsel vm3, v43, v4;
	v5 =	vsel vm6, v58, v5  }
0x2d0: {  	v23 =	vld [tilespmem:$0x1F9A0];
	vm0 =	vgt.f32 v47, v7;
	vm4 =	vgt.f32 v47, v4;
	v5 =	vsel vm15, $0x13, v5  }
0x2d1: {  	vm15 =	vnez.u8 v20;
	v20 =	vimm.s32 $0x0;
	v7 =	vsel vm0, v47, v7  }
0x2d2: {  	[tilespmem:$0x1F9F0] =	vst v10;
	v10 =	vsel vm0, $0xFFFFFFFF, v55;
	v5 =	vsel vm7, v63, v5;
	v7 =	vsel vm4, v4, v7  }
0x2d3: {  	v55 =	vor.u32 $0x2D, v3;
	v4 =	vsel vm4, v47, v4;
	vm0 =	vgt.f32 v52, v7  }
0x2d4: {  	v61 =	vld.idx.msk [tilespmem:v53+s2+$0x0], $0xffff;
	v63 =	vor.u32 $0x2F, v3;
	vm5 =	vgt.f32 v52, v4;
	v7 =	vsel vm0, v52, v7  }
0x2d5: {  	v5 =	vsel vm15, $0x14, v5;
	vm15 =	vnez.u8 v23;
	v7 =	vsel vm5, v4, v7  }
0x2d6: {  	[tilespmem:$0x1FA10] =	vst v6;
	v6 =	vsel vm0, $0xFFFFFFFF, v59;
	v4 =	vsel vm5, v52, v4;
	vm0 =	vgt.f32 v8, v7  }
0x2d7: {  	v16 =	vld.idx.msk [tilespmem:v57+s2+$0x0], $0xffff;
	v59 =	vor.u32 $0x2E, v3;
	vm6 =	vgt.f32 v8, v4;
	v7 =	vsel vm0, v8, v7  }
0x2d8: {  	v23 =	vimm.s32 $0x0;
	v5 =	vsel vm1, v18, v5;
	v7 =	vsel vm6, v4, v7  }
0x2d9: {  	v21 =	vld.idx.msk [tilespmem:v62+s2+$0x0], $0xffff;
	[tilespmem:$0x1FA20] =	vst v9;
	v9 =	vsel vm0, $0xFFFFFFFF, v14;
	v4 =	vsel vm6, v8, v4;
	vm0 =	vgt.f32 v61, v7  }
0x2da: {  	v28 =	vld [tilespmem:$0x1F9B0];
	v5 =	vsel vm15, $0x15, v5;
	vm7 =	vgt.f32 v61, v4;
	v7 =	vsel vm0, v61, v7  }
0x2db: {  	v5 =	vsel vm8, v25, v5;
	v62 =	vld.idx.msk [tilespmem:v55+s2+$0x0], $0xffff;
	v55 =	vor.u32 $0x38, v3;
	v7 =	vsel vm7, v4, v7  }
0x2dc: {  	v18 =	vld.idx.msk [tilespmem:v59+s2+$0x0], $0xffff;
	v59 =	vor.u32 $0x39, v3;
	v8 =	vsel vm0, $0xFFFFFFFF, v19;
	vm15 =	vgt.f32 v16, v7  }
0x2dd: {  	[tilespmem:$0x1FA40] =	vst v6;
	v19 =	vor.u32 $0x30, v3;
	v4 =	vsel vm7, v61, v4;
	v6 =	vsel vm15, $0xFFFFFFFF, v24  }
0x2de: {  	v32 =	vld [tilespmem:$0x1F9C0];
	v7 =	vsel vm15, v16, v7;
	vm15 =	vgt.f32 v16, v4;
	v24 =	vor.u32 $0x31, v3  }
0x2df: {  	[tilespmem:$0x1FA70] =	vst v6;
	v7 =	vsel vm15, v4, v7;
	v6 =	vsel vm8, $0x15, v25;
	v4 =	vsel vm15, v16, v4  }
0x2e0: {  	[tilespmem:$0x1FA30] =	vst v10;
	v10 =	vld.idx.msk [tilespmem:v17+s2+$0x0], $0xffff;
	vm8 =	vnez.u8 v28;
	v16 =	vimm.s32 $0x0;
	v25 =	vimm.s32 $0x0  }
0x2e1: {  	v36 =	vld [tilespmem:$0x1F9D0];
	v28 =	vimm.s32 $0x0;
	vm0 =	vgt.f32 v21, v7;
	v5 =	vsel vm8, $0x16, v5  }
0x2e2: {  	v40 =	vld [tilespmem:$0x1F9E0];
	[tilespmem:$0x1FA50] =	vst v9;
	vm8 =	vgt.f32 v21, v4;
	v9 =	vsel vm0, $0xFFFFFFFF, v27;
	v7 =	vsel vm0, v21, v7  }
0x2e3: {  	v5 =	vsel vm9, v6, v5;
	v6 =	vsel vm9, $0x16, v6;
	vm9 =	vnez.u8 v32  }
0x2e4: {  	v29 =	vld.idx.msk [tilespmem:v22+s2+$0x0], $0xffff;
	v7 =	vsel vm8, v4, v7;
	v4 =	vsel vm8, v21, v4;
	v5 =	vsel vm9, $0x17, v5  }
0x2e5: {  	v43 =	vld [tilespmem:$0x1F9F0];
	vm0 =	vgt.f32 v10, v7;
	vm9 =	vgt.f32 v10, v4;
	v5 =	vsel vm10, v6, v5  }
0x2e6: {  	[tilespmem:$0x1FA60] =	vst v8;
	v6 =	vsel vm10, $0x17, v6;
	vm10 =	vnez.u8 v36;
	v8 =	vsel vm0, $0xFFFFFFFF, v31  }
0x2e7: {  	v7 =	vsel vm0, v10, v7;
	v5 =	vsel vm10, $0x18, v5;
	vm10 =	vnez.u8 v40  }
0x2e8: {  	v33 =	vld.idx.msk [tilespmem:v26+s2+$0x0], $0xffff;
	v7 =	vsel vm9, v4, v7;
	v4 =	vsel vm9, v10, v4;
	v5 =	vsel vm11, v6, v5  }
0x2e9: {  	v47 =	vld [tilespmem:$0x1FA00];
	v6 =	vsel vm11, $0x18, v6;
	vm0 =	vgt.f32 v29, v7;
	v5 =	vsel vm10, $0x19, v5  }
0x2ea: {  	vm10 =	vnez.u8 v43;
	v43 =	vimm.s32 $0x0;
	v10 =	vsel vm0, $0xFFFFFFFF, v35  }
0x2eb: {  	v7 =	vsel vm0, v29, v7;
	vm0 =	vgt.f32 v29, v4;
	v5 =	vsel vm12, v6, v5  }
0x2ec: {  	v6 =	vsel vm12, $0x19, v6;
	v7 =	vsel vm0, v4, v7;
	v4 =	vsel vm0, v29, v4  }
0x2ed: {  	v5 =	vsel vm10, $0x1A, v5;
	v29 =	vor.u32 $0x32, v3;
	vm1 =	vgt.f32 v33, v7  }
0x2ee: {  	v5 =	vsel vm13, v6, v5;
	v6 =	vsel vm13, $0x1A, v6;
	vm13 =	vnez.u8 v47  }
0x2ef: {  	[tilespmem:$0x1FA80] =	vst v9;
	v9 =	vsel vm1, $0xFFFFFFFF, v39;
	v7 =	vsel vm1, v33, v7;
	vm1 =	vgt.f32 v33, v4  }
0x2f0: {  	v47 =	vor.u32 $0x36, v3;
	v5 =	vsel vm13, $0x1B, v5;
	v7 =	vsel vm1, v4, v7  }
0x2f1: {  	v4 =	vsel vm1, v33, v4;
	v33 =	vor.u32 $0x33, v3;
	vm12 =	vgt.f32 v37, v7  }
0x2f2: {  	v52 =	vld [tilespmem:$0x1FA10];
	v5 =	vsel vm14, v6, v5;
	vm10 =	vgt.f32 v37, v4;
	v7 =	vsel vm12, v37, v7  }
0x2f3: {  	v6 =	vsel vm14, $0x1B, v6;
	v36 =	vld.idx.msk [tilespmem:v29+s2+$0x0], $0xffff;
	v29 =	vor.u32 $0x3D, v3;
	v7 =	vsel vm10, v4, v7  }
0x2f4: {  	v4 =	vsel vm10, v37, v4;
	v37 =	vor.u32 $0x34, v3;
	vm11 =	vgt.f32 v41, v7  }
0x2f5: {  	v26 =	vld [tilespmem:$0x1FA60];
	[tilespmem:$0x1FAA0] =	vst v10;
	vm13 =	vgt.f32 v41, v4;
	v10 =	vsel vm11, $0xFFFFFFFF, v46;
	v7 =	vsel vm11, v41, v7  }
0x2f6: {  	v11 =	vsel vm13, $0xFFFFFFFF, v49;
	v40 =	vld.idx.msk [tilespmem:v33+s2+$0x0], $0xffff;
	v46 =	vimm.s32 $0x0;
	v33 =	vor.u32 $0x3E, v3  }
0x2f7: {  	v7 =	vsel vm13, v4, v7;
	v4 =	vsel vm13, v41, v4;
	vm13 =	vnez.u8 v52  }
0x2f8: {  	v57 =	vld [tilespmem:$0x1FA20];
	v41 =	vimm.s32 $0x0;
	v52 =	vor.u32 $0x37, v3;
	vm11 =	vgt.f32 v44, v7  }
0x2f9: {  	v61 =	vld [tilespmem:$0x1FA30];
	[tilespmem:$0x1FAB0] =	vst v9;
	v5 =	vsel vm13, $0x1C, v5;
	vm14 =	vgt.f32 v44, v4;
	v9 =	vsel vm11, $0xFFFFFFFF, v51  }
0x2fa: {  	v7 =	vsel vm11, v44, v7;
	v12 =	vsel vm14, $0xFFFFFFFF, v54;
	v5 =	vsel vm2, v6, v5  }
0x2fb: {  	v6 =	vsel vm2, $0x1C, v6;
	vm11 =	vnez.u8 v26;
	v51 =	vimm.s32 $0x0  }
0x2fc: {  	v17 =	vld [tilespmem:$0x1FA40];
	v26 =	vimm.s32 $0x0;
	v7 =	vsel vm14, v4, v7;
	v4 =	vsel vm14, v44, v4  }
0x2fd: {  	v53 =	vld.idx.msk [tilespmem:v45+s2+$0x0], $0xffff;
	vm14 =	vnez.u8 v57;
	v57 =	vimm.s32 $0x0;
	vm13 =	vgt.f32 v48, v7  }
0x2fe: {  	v5 =	vsel vm14, $0x1D, v5;
	vm2 =	vgt.f32 v48, v4;
	vm14 =	vnez.u8 v61  }
0x2ff: {  	v21 =	vld [tilespmem:$0x1FA50];
	[tilespmem:$0x1FA90] =	vst v8;
	v8 =	vsel vm13, $0xFFFFFFFF, v56;
	v7 =	vsel vm13, v48, v7;
	v5 =	vsel vm3, v6, v5  }
0x300: {  	v6 =	vsel vm3, $0x1D, v6;
	v7 =	vsel vm2, v4, v7;
	v4 =	vsel vm2, v48, v4  }
0x301: {  	v58 =	vld.idx.msk [tilespmem:v50+s2+$0x0], $0xffff;
	[tilespmem:$0x1FAC0] =	vst v10;
	v5 =	vsel vm14, $0x1E, v5;
	vm14 =	vnez.u8 v17;
	v48 =	vimm.s32 $0x0  }
0x302: {  	v56 =	vld [tilespmem:$0x1FAC0];
	vm13 =	vgt.f32 v53, v7;
	vm3 =	vgt.f32 v53, v4;
	v5 =	vsel vm4, v6, v5  }
0x303: {  	v6 =	vsel vm4, $0x1E, v6;
	v10 =	vsel vm13, $0xFFFFFFFF, v60;
	v7 =	vsel vm13, v53, v7  }
0x304: {  	v5 =	vsel vm14, $0x1F, v5;
	vm14 =	vnez.u8 v21;
	v21 =	vor.u32 $0x3B, v3  }
0x305: {  	v31 =	vld [tilespmem:$0x1FA70];
	v7 =	vsel vm3, v4, v7;
	v4 =	vsel vm3, v53, v4;
	v5 =	vsel vm5, v6, v5  }
0x306: {  	v6 =	vsel vm5, $0x1F, v6;
	v53 =	vimm.s32 $0x0;
	vm13 =	vgt.f32 v58, v7  }
0x307: {  	[tilespmem:$0x1FAD0] =	vst v11;
	vm4 =	vgt.f32 v58, v4;
	v5 =	vsel vm14, $0x20, v5;
	vm5 =	vnez.u8 v56  }
0x308: {  	[tilespmem:$0x1FAE0] =	vst v9;
	v60 =	vld [tilespmem:$0x1FAD0];
	v9 =	vsel vm13, $0xFFFFFFFF, v16;
	v7 =	vsel vm13, v58, v7;
	v5 =	vsel vm6, v6, v5  }
0x309: {  	v6 =	vsel vm6, $0x20, v6;
	v16 =	vor.u32 $0x3A, v3;
	v7 =	vsel vm4, v4, v7  }
0x30a: {  	v35 =	vld [tilespmem:$0x1FA80];
	v4 =	vsel vm4, v58, v4;
	v5 =	vsel vm11, $0x21, v5;
	vm11 =	vnez.u8 v31  }
0x30b: {  	vm13 =	vgt.f32 v62, v7;
	v5 =	vsel vm7, v6, v5;
	v6 =	vsel vm7, $0x21, v6  }
0x30c: {  	[tilespmem:$0x1FB00] =	vst v8;
	v8 =	vsel vm13, $0xFFFFFFFF, v20;
	v7 =	vsel vm13, v62, v7;
	vm13 =	vgt.f32 v62, v4  }
0x30d: {  	[tilespmem:$0x1FAF0] =	vst v12;
	vm7 =	vnez.u8 v60;
	v5 =	vsel vm11, $0x22, v5;
	v12 =	vsel vm13, $0xFFFFFFFF, v23  }
0x30e: {  	v7 =	vsel vm13, v4, v7;
	v4 =	vsel vm13, v62, v4;
	v5 =	vsel vm15, v6, v5  }
0x30f: {  	v22 =	vld.idx.msk [tilespmem:v63+s2+$0x0], $0xffff;
	v6 =	vsel vm15, $0x22, v6;
	vm15 =	vnez.u8 v35;
	v62 =	vimm.s32 $0x0  }
0x310: {  	v35 =	vimm.s32 $0x0;
	vm14 =	vgt.f32 v18, v7;
	vm13 =	vgt.f32 v18, v4  }
0x311: {  	[tilespmem:$0x1FB10] =	vst v10;
	v5 =	vsel vm15, $0x23, v5;
	v10 =	vsel vm14, $0xFFFFFFFF, v25;
	v7 =	vsel vm14, v18, v7  }
0x312: {  	v27 =	vld.idx.msk [tilespmem:v19+s2+$0x0], $0xffff;
	v11 =	vsel vm13, $0xFFFFFFFF, v28;
	v5 =	vsel vm8, v6, v5;
	v6 =	vsel vm8, $0x23, v6  }
0x313: {  	v39 =	vld [tilespmem:$0x1FA90];
	v25 =	vor.u32 $0x3C, v3;
	v3 =	vor.u32 $0x3F, v3;
	v7 =	vsel vm13, v4, v7  }
0x314: {  	v4 =	vsel vm13, v18, v4;
	v18 =	vimm.s32 $0x0;
	vm14 =	vgt.f32 v22, v7  }
0x315: {  	v32 =	vld.idx.msk [tilespmem:v24+s2+$0x0], $0xffff;
	[tilespmem:$0x1FB20] =	vst v9;
	v9 =	vsel vm14, $0xFFFFFFFF, v30;
	v7 =	vsel vm14, v22, v7;
	vm14 =	vgt.f32 v22, v4  }
0x316: {  	v30 =	vimm.s32 $0x0;
	v7 =	vsel vm14, v4, v7;
	v4 =	vsel vm14, v22, v4  }
0x317: {  	v44 =	vld [tilespmem:$0x1FAA0];
	v22 =	vimm.s32 $0x0;
	vm13 =	vgt.f32 v27, v7;
	vm15 =	vgt.f32 v27, v4  }
0x318: {  	[tilespmem:$0x1FB30] =	vst v8;
	v8 =	vsel vm13, $0xFFFFFFFF, v34;
	v7 =	vsel vm13, v27, v7;
	vm13 =	vnez.u8 v39  }
0x319: {  	v39 =	vimm.s32 $0x0;
	v7 =	vsel vm15, v4, v7;
	v4 =	vsel vm15, v27, v4  }
0x31a: {  	v5 =	vsel vm13, $0x24, v5;
	vm11 =	vgt.f32 v32, v7;
	vm8 =	vgt.f32 v32, v4  }
0x31b: {  	v49 =	vld [tilespmem:$0x1FAB0];
	[tilespmem:$0x1FB50] =	vst v10;
	v5 =	vsel vm9, v6, v5;
	v6 =	vsel vm9, $0x24, v6;
	v10 =	vsel vm11, $0xFFFFFFFF, v38  }
0x31c: {  	[tilespmem:$0x1FB40] =	vst v12;
	v7 =	vsel vm11, v32, v7;
	v12 =	vsel vm8, $0xFFFFFFFF, v41;
	vm11 =	vnez.u8 v44  }
0x31d: {  	v7 =	vsel vm8, v4, v7;
	v4 =	vsel vm8, v32, v4;
	v5 =	vsel vm11, $0x25, v5  }
0x31e: {  	vm9 =	vgt.f32 v36, v7;
	vm13 =	vgt.f32 v36, v4;
	v5 =	vsel vm0, v6, v5  }
0x31f: {  	v61 =	vld [tilespmem:$0x1FAE0];
	[tilespmem:$0x1FB70] =	vst v9;
	v6 =	vsel vm0, $0x25, v6;
	v9 =	vsel vm9, $0xFFFFFFFF, v43;
	v7 =	vsel vm9, v36, v7  }
0x320: {  	v45 =	vld.idx.msk [tilespmem:v37+s2+$0x0], $0xffff;
	[tilespmem:$0x1FB60] =	vst v11;
	v11 =	vsel vm13, $0xFFFFFFFF, v46;
	vm9 =	vnez.u8 v49;
	v7 =	vsel vm13, v4, v7  }
0x321: {  	v17 =	vld [tilespmem:$0x1FAF0];
	v4 =	vsel vm13, v36, v4;
	v5 =	vsel vm9, $0x26, v5;
	vm8 =	vgt.f32 v40, v7  }
0x322: {  	[tilespmem:$0x1FB80] =	vst v8;
	vm11 =	vgt.f32 v40, v4;
	v5 =	vsel vm1, v6, v5;
	v6 =	vsel vm1, $0x26, v6  }
0x323: {  	[tilespmem:$0x1FBA0] =	vst v12;
	v8 =	vsel vm8, $0xFFFFFFFF, v48;
	v7 =	vsel vm8, v40, v7;
	v12 =	vsel vm11, $0xFFFFFFFF, v51  }
0x324: {  	v23 =	vld [tilespmem:$0x1FB10];
	v5 =	vsel vm12, $0x27, v5;
	vm8 =	vnez.u8 v61;
	v7 =	vsel vm11, v4, v7  }
0x325: {  	v50 =	vld.idx.msk [tilespmem:v42+s2+$0x0], $0xffff;
	v4 =	vsel vm11, v40, v4;
	v5 =	vsel vm10, v6, v5;
	v6 =	vsel vm10, $0x27, v6  }
0x326: {  	vm10 =	vnez.u8 v17;
	vm13 =	vgt.f32 v45, v7;
	v5 =	vsel vm5, $0x28, v5  }
0x327: {  	v19 =	vld [tilespmem:$0x1FB00];
	[tilespmem:$0x1FB90] =	vst v10;
	v10 =	vsel vm13, $0xFFFFFFFF, v53;
	v7 =	vsel vm13, v45, v7;
	vm13 =	vgt.f32 v45, v4  }
0x328: {  	v54 =	vld.idx.msk [tilespmem:v47+s2+$0x0], $0xffff;
	v5 =	vsel vm7, v6, v5;
	v6 =	vsel vm7, $0x28, v6;
	v7 =	vsel vm13, v4, v7  }
0x329: {  	v58 =	vld.idx.msk [tilespmem:v52+s2+$0x0], $0xffff;
	v4 =	vsel vm13, v45, v4;
	v5 =	vsel vm8, $0x29, v5;
	vm8 =	vnez.u8 v23  }
0x32a: {  	[tilespmem:$0x1FBB0] =	vst v9;
	vm6 =	vgt.f32 v50, v7;
	vm12 =	vgt.f32 v50, v4;
	v5 =	vsel vm10, v6, v5  }
0x32b: {  	v45 =	vld [tilespmem:$0x1FBB0];
	v6 =	vsel vm10, $0x29, v6;
	v9 =	vsel vm6, $0xFFFFFFFF, v57;
	v7 =	vsel vm6, v50, v7  }
0x32c: {  	vm6 =	vnez.u8 v19;
	v7 =	vsel vm12, v4, v7;
	v4 =	vsel vm12, v50, v4  }
0x32d: {  	v63 =	vld.idx.msk [tilespmem:v55+s2+$0x0], $0xffff;
	v5 =	vsel vm6, $0x2A, v5;
	vm9 =	vgt.f32 v54, v7;
	vm11 =	vgt.f32 v54, v4  }
0x32e: {  	v27 =	vld [tilespmem:$0x1FB20];
	v5 =	vsel vm2, v6, v5;
	v6 =	vsel vm2, $0x2A, v6;
	v7 =	vsel vm9, v54, v7  }
0x32f: {  	[tilespmem:$0x1FBD0] =	vst v8;
	v8 =	vsel vm9, $0xFFFFFFFF, v62;
	v5 =	vsel vm8, $0x2B, v5;
	v7 =	vsel vm11, v4, v7  }
0x330: {  	v20 =	vld.idx.msk [tilespmem:v59+s2+$0x0], $0xffff;
	vm0 =	vnez.u8 v45;
	v4 =	vsel vm11, v54, v4;
	vm5 =	vgt.f32 v58, v7  }
0x331: {  	v34 =	vld [tilespmem:$0x1FB40];
	v5 =	vsel vm3, v6, v5;
	vm9 =	vgt.f32 v58, v4;
	v7 =	vsel vm5, v58, v7  }
0x332: {  	[tilespmem:$0x1FBF0] =	vst v10;
	v6 =	vsel vm3, $0x2B, v6;
	v10 =	vsel vm5, $0xFFFFFFFF, v18;
	v7 =	vsel vm9, v4, v7  }
0x333: {  	v31 =	vld [tilespmem:$0x1FB30];
	vm5 =	vnez.u8 v27;
	v4 =	vsel vm9, v58, v4;
	vm7 =	vgt.f32 v63, v7  }
0x334: {  	v36 =	vld [tilespmem:$0x1FB50];
	v5 =	vsel vm5, $0x2C, v5;
	vm8 =	vgt.f32 v63, v4;
	v7 =	vsel vm7, v63, v7  }
0x335: {  	v24 =	vld.idx.msk [tilespmem:v16+s2+$0x0], $0xffff;
	v5 =	vsel vm4, v6, v5;
	v6 =	vsel vm4, $0x2C, v6;
	v7 =	vsel vm8, v4, v7  }
0x336: {  	vm4 =	vnez.u8 v34;
	v4 =	vsel vm8, v63, v4;
	vm10 =	vgt.f32 v20, v7  }
0x337: {  	v38 =	vld [tilespmem:$0x1FB60];
	[tilespmem:$0x1FC00] =	vst v9;
	v9 =	vsel vm7, $0xFFFFFFFF, v22;
	vm7 =	vgt.f32 v20, v4;
	v7 =	vsel vm10, v20, v7  }
0x338: {  	v40 =	vld [tilespmem:$0x1FB70];
	[tilespmem:$0x1FC10] =	vst v8;
	v8 =	vsel vm10, $0xFFFFFFFF, v26;
	vm10 =	vnez.u8 v31;
	v7 =	vsel vm7, v4, v7  }
0x339: {  	v28 =	vld.idx.msk [tilespmem:v21+s2+$0x0], $0xffff;
	v4 =	vsel vm7, v20, v4;
	v5 =	vsel vm10, $0x2D, v5;
	vm10 =	vnez.u8 v36  }
0x33a: {  	vm6 =	vgt.f32 v24, v7;
	v5 =	vsel vm4, v6, v5;
	v6 =	vsel vm4, $0x2D, v6  }
0x33b: {  	[tilespmem:$0x1FC20] =	vst v10;
	v10 =	vsel vm6, $0xFFFFFFFF, v30;
	v7 =	vsel vm6, v24, v7;
	vm6 =	vgt.f32 v24, v4  }
0x33c: {  	v32 =	vld.idx.msk [tilespmem:v25+s2+$0x0], $0xffff;
	vm4 =	vnez.u8 v38;
	v5 =	vsel vm10, $0x2E, v5;
	v7 =	vsel vm6, v4, v7  }
0x33d: {  	v42 =	vld [tilespmem:$0x1FB80];
	v5 =	vsel vm4, v6, v5;
	v6 =	vsel vm4, $0x2E, v6;
	vm4 =	vnez.u8 v40  }
0x33e: {  	v37 =	vld.idx.msk [tilespmem:v29+s2+$0x0], $0xffff;
	v4 =	vsel vm6, v24, v4;
	vm5 =	vgt.f32 v28, v7;
	v5 =	vsel vm4, $0x2F, v5  }
0x33f: {  	v43 =	vld [tilespmem:$0x1FB90];
	[tilespmem:$0x1FC30] =	vst v9;
	v9 =	vsel vm5, $0xFFFFFFFF, v35;
	v7 =	vsel vm5, v28, v7;
	vm5 =	vgt.f32 v28, v4  }
0x340: {  	v5 =	vsel vm14, v6, v5;
	v7 =	vsel vm5, v4, v7;
	v4 =	vsel vm5, v28, v4  }
0x341: {  	v44 =	vld [tilespmem:$0x1FBA0];
	v6 =	vsel vm14, $0x2F, v6;
	vm10 =	vgt.f32 v32, v7;
	vm4 =	vgt.f32 v32, v4  }
0x342: {  	v41 =	vld.idx.msk [tilespmem:v33+s2+$0x0], $0xffff;
	[tilespmem:$0x1FC40] =	vst v8;
	v8 =	vsel vm10, $0xFFFFFFFF, v39;
	v7 =	vsel vm10, v32, v7;
	vm10 =	vnez.u8 v42  }
0x343: {  	[tilespmem:$0x1FBC0] =	vst v11;
	v7 =	vsel vm4, v4, v7;
	v4 =	vsel vm4, v32, v4;
	v5 =	vsel vm10, $0x30, v5  }
0x344: {  	v46 =	vld [tilespmem:$0x1FBC0];
	vm10 =	vnez.u8 v43;
	vm14 =	vgt.f32 v37, v7;
	vm3 =	vgt.f32 v37, v4  }
0x345: {  	v3 =	vld.idx.msk [tilespmem:v3+s2+$0x0], $0xffff;
	v5 =	vsel vm15, v6, v5;
	v6 =	vsel vm15, $0x30, v6;
	v7 =	vsel vm14, v37, v7  }
0x346: {  	v5 =	vsel vm10, $0x31, v5;
	vm10 =	vnez.u8 v44;
	v7 =	vsel vm3, v4, v7  }
0x347: {  	[tilespmem:$0x1FBE0] =	vst v12;
	v48 =	vld [tilespmem:$0x1FBD0];
	v4 =	vsel vm3, v37, v4;
	v5 =	vsel vm10, v6, v5;
	vm15 =	vgt.f32 v41, v7  }
0x348: {  	v49 =	vld [tilespmem:$0x1FBE0];
	v6 =	vsel vm10, $0x31, v6;
	vm2 =	vgt.f32 v41, v4;
	v7 =	vsel vm15, v41, v7  }
0x349: {  	v50 =	vld [tilespmem:$0x1FBF0];
	v5 =	vsel vm0, $0x32, v5;
	vm0 =	vnez.u8 v46;
	v7 =	vsel vm2, v4, v7  }
0x34a: {  	v5 =	vsel vm0, v6, v5;
	v4 =	vsel vm2, v41, v4;
	vm10 =	vgt.f32 v3, v7  }
0x34b: {  	v51 =	vld [tilespmem:$0x1FC00];
	v47 =	vsel vm0, $0x32, v6;
	vm1 =	vgt.f32 v3, v4;
	v7 =	vsel vm10, v3, v7  }
0x34c: {  	vm0 =	vnez.u8 v48;
	v3 =	vsel vm1, v3, v4;
	v7 =	vsel vm1, v4, v7  }
0x34d: {  	v52 =	vld [tilespmem:$0x1FC10];
	v5 =	vsel vm0, $0x33, v5;
	vm0 =	vnez.u8 v49;
	v3 =	vsub.f32 v7, v3  }
0x34e: {  	v5 =	vsel vm0, v47, v5;
	v4 =	vsel vm0, $0x33, v47;
	vm0 =	vnez.u8 v50  }
0x34f: {  	v53 =	vld [tilespmem:$0x1FC20];
	v5 =	vsel vm0, $0x34, v5;
	v3 =	vmul.f32 $1.442695020e+00, v3  }
0x350: {  	v5 =	vsel vm13, v4, v5;
	v4 =	vsel vm13, $0x34, v4;
	vm13 =	vnez.u8 v51  }
0x351: {  	v54 =	vld [tilespmem:$0x1FC30];
	v5 =	vsel vm13, $0x35, v5;
	(erf) = vpow2.f32 v3  }
0x352: {  	vm13 =	vnez.u8 v52;
	v3 =	vsel vm12, v4, v5  }
0x353: {  	v55 =	vld [tilespmem:$0x1FC40];
	v4 =	vsel vm12, $0x35, v4;
	v3 =	vsel vm13, $0x36, v3  }
0x354: {  	[tilespmem:$0x1FC50] =	vst v10;
	vm12 =	vnez.u8 v53;
	v3 =	vsel vm11, v4, v3  }
0x355: {  	v57 =	vld [tilespmem:$0x1FC50];
	v4 =	vsel vm11, $0x36, v4;
	v3 =	vsel vm12, $0x37, v3  }
0x356: {  	[tilespmem:$0x1FC60] =	vst v9;
	vm13 =	vnez.u8 v54;
	v3 =	vsel vm9, v4, v3  }
0x357: {  	v59 =	vld [tilespmem:$0x1FC60];
	v4 =	vsel vm9, $0x37, v4;
	v3 =	vsel vm13, $0x38, v3  }
0x358: {  	[tilespmem:$0x1FC70] =	vst v8;
	vm9 =	vnez.u8 v55;
	v3 =	vsel vm8, v4, v3  }
0x359: {  	v60 =	vld [tilespmem:$0x1FC70];
	v4 =	vsel vm8, $0x38, v4;
	v3 =	vsel vm9, $0x39, v3  }
0x35a: {  	vm11 =	vnez.u8 v57;
	v3 =	vsel vm7, v4, v3;
	v56 =	vpop (erf)  }
0x35b: {  	v4 =	vsel vm7, $0x39, v4;
	v3 =	vsel vm11, $0x3A, v3;
	v58 =	vadd.f32 $1.000000000e+00, v56  }
0x35c: {  	vm12 =	vnez.u8 v59;
	v3 =	vsel vm6, v4, v3  }
0x35d: {  	v4 =	vsel vm6, $0x3A, v4;
	v3 =	vsel vm12, $0x3B, v3;
	(erf) = vrcp.f32 v58  }
0x35e: {  	vm13 =	vnez.u8 v60;
	v3 =	vsel vm5, v4, v3  }
0x35f: {  	v4 =	vsel vm5, $0x3B, v4;
	v3 =	vsel vm13, $0x3C, v3  }
0x360: {  	v3 =	vsel vm4, v4, v3  }
0x361: {  	v2 =	vshll.u32 v2, $0x1;
	v4 =	vsel vm4, $0x3C, v4;
	v3 =	vsel vm14, $0x3D, v3  }
0x362: {  	v61 =	vor.u32 $0x1, v2;
	v3 =	vsel vm3, v4, v3  }
0x363: {  	v4 =	vsel vm3, $0x3D, v4;
	v3 =	vsel vm15, $0x3E, v3  }
0x364: {  	v3 =	vsel vm2, v4, v3;
	v4 =	vsel vm2, $0x3E, v4  }
0x365: {  	v3 =	vsel vm10, $0x3F, v3;
	v62 =	vsel vm1, $0x3F, v4  }
0x366: {  	v3 =	vsel vm1, v4, v3;
	[tilespmem:v2+s8+$0x0] =	vst.idx.msk $0xffff, v62;
	v63 =	vpop (erf)  }
0x367: {  	[tilespmem:v61+s8+$0x0] =	vst.idx.msk $0xffff, v3;
	v3 =	vmul.f32 v63, v56  }
0x368: {  	[tilespmem:v2+s9+$0x0] =	vst.idx.msk $0xffff, v63  }
0x369: {  	[tilespmem:v61+s9+$0x0] =	vst.idx.msk $0xffff, v3  }
0x36a: {  	[hbm4b:s4+s2] =	stream.linear.scatter [tilespmem:s8], [sflag:$0x1], $0x400, $0x38;
	[tilespmem:$0x8800] =	vst v63  }
0x36b: {  	s10 =	sadd.s32 $0x1, s10;
	_ =	swait.ge [sflag:s7], $0x400  }
0x36c: {  	p0 =	sne.s32 s10, s6;
	[sflag:s7] =	ssyncset.done $0x0  }
.Ltmp1:
0x36d: {  	[sflag:s7] =	ssyncadd.s32 $0xFFFFFC00;
	(pc) =	sbr.rel @p0 .LBB2_1-.Ltmp1, $4  }
0x36e: {  	[hbm4b:s5+s2] =	stream.linear.scatter [tilespmem:s9], [sflag:$0x1], $0x400, $0x38;
	[tilespmem:$0x8800] =	vst v63  }
0x36f: {  	_ =	swait.ge [sflag:s7], $0x400  }
0x370: {  	[sflag:s7] =	ssyncset.done $0x0  }
0x371: {  	[sflag:s7] =	ssyncadd.s32 $0xFFFFFC00  }
0x372: {  	_ =	sfence.sel $0x180000  }
0x373: {  	[bflag:$0x0] =	sbarrier.arrive $0xFFFF  }
0x374: {  	p0 =	sne.s32 s1, $0x0;
	_ =	strace $0x90000047  }
0x375: {  	s0 =	sadd.s32 @!p0 $0x100000, s0;
	[bflag:$0x2] =	sbarrier.arrive $0xFFFF  }
0x376: {  	[sflag:s0] =	ssyncadd.tile.s32 @!p0 $0x1;
	_ =	shalt  }
.Lfunc_end2:
_tile_overlayer_lowered:
.L_overlay_start_2:
0x377: {  	(tag) =	ssettag $0x2  }
0x378: {  	s0 =	rddreg [dreg:$0x0];
	s2 =	stileid.u32  }
0x379: {  	s1 =	rddreg [dreg:$0x1];
	p0 =	sne.s32 s2, $0x0  }
0x37a: {  	s3 =	rddreg [dreg:$0x2];
	[bflag:$0x3] =	sbarrier.arrive $0xFFFF;
	s2 =	simm.s32 @!p0 $0x1C01  }
0x37b: {  	[timem:s3], [sflag:s2] =	dma.local @!p0 [hbm:s0], s1  }
0x37c: {  	s0 =	simm.s32 @!p0 $0x1  }
0x37d: {  	_ =	swait.ge @!p0 [sflag:s0], s1  }
0x37e: {  	s1 =	ssub.s32 @!p0 $0x0, s1;
	[sflag:s0] =	ssyncset.done @!p0 $0x0  }
0x37f: {  	[sflag:s0] =	ssyncadd.s32 @!p0 s1  }
0x380: {  	[bflag:$0x3] =	sbarrier.arrive $0xFFFF  }
0x381: {  	_ =	shalt  }

// kernel: kernel.9.cloned.1.call-start
scs
__scs_entry_jumppad:
0x0: {  	(pc) =	sbr.rel $0x88, $3  }
0x1: {  	(tag) =	ssettag $0x0;
	lr =	simm.s32 $0x1  }
0x2: {  	[smem:$0x3F9E] =	sst lr;
	_ =	strace $0xD0000000  }
0x3: {  	_ = 	snop  }
0x4: {  	_ = 	snop  }
0x5: {  	_ = 	snop  }
0x6: {  	_ = 	snop  }
0x7: {  	_ = 	snop  }
__scs_overlays_trampoline_lowered:
0x8: {  	[smem:$0x3FAD] =	sst s0  }
0x9: {  	[smem:$0x3FAE] =	sst s1  }
0xa: {  	[smem:$0x3FAF] =	sst s2  }
0xb: {  	[smem:$0x3FB0] =	sst s3  }
0xc: {  	[smem:$0x3FB1] =	sst s4  }
0xd: {  	[smem:$0x3FB2] =	sst s5  }
0xe: {  	[smem:$0x3FB3] =	sst s6  }
0xf: {  	[smem:$0x3FB4] =	sst s7  }
0x10: {  	[smem:$0x3FB5] =	sst s8  }
0x11: {  	[smem:$0x3FB6] =	sst s9;
	s0 =	simm.s32 @!p0 $0x0  }
0x12: {  	s1 =	sld [smem:$0x3F9C];
	s0 =	simm.s32 @p0 $0x1  }
0x13: {  	[smem:$0x3FB7] =	sst s0;
	s0 =	simm.s32 @!p1 $0x0  }
0x14: {  	s2 =	sld [smem:$0x3F9B];
	s0 =	simm.s32 @p1 $0x1  }
0x15: {  	[smem:$0x3FB8] =	sst s0;
	s0 =	simm.s32 @!p2 $0x0  }
0x16: {  	s3 =	sld [smem:$0x3FDB];
	s0 =	simm.s32 @p2 $0x1  }
0x17: {  	s4 =	simm.s32 $0x1BF5;
	[smem:$0x3FBA] =	sst s0  }
0x18: {  	s0 =	sld [smem:$0x3F9D];
	_ =	swait.ge [sflag:s4], $0x0  }
0x19: {  	s7 =	sld [smem:$0x3F9E]  }
0x1a: {  	s8 =	sadd.s32 $0xFFFFE003, lr  }
0x1b: {  	s9 =	sadd.s32 $0xFFFFFEF7, lr;
	s5 =	simm.s32 $0xFFFFFFFF;
	p2 =	slt.u32 s8, $0xFFFFF086  }
0x1c: {  	p1 =	slt.u32 s9, $0xF7A;
	s5 =	simm.s32 @!p2 $0x0  }
0x1d: {  	s5 =	simm.s32 @p1 $0x1;
	p0 =	seq.s32 s7, s2  }
0x1e: {  	s7 =	smul.u32 @!p0 $0xF7A, s2;
	p2 =	seq.s32 @!p0 s5, $0x0  }
0x1f: {  	s9 =	smul.u32 $0xF7A, s1;
	s8 =	simm.s32 @!p0 $0x1BF5;
	p2 =	por !p2, p0  }
0x20: {  	[sflag:s8] =	ssyncset.s32 @!p0 $0xFFFFF086;
	s6 =	sadd.s32 @!p0 s3, s7;
	s7 =	simm.s32 @!p0 $0x108  }
0x21: {  	s3 =	sadd.s32 s3, s9;
	s6 =	sadd.s32 @!p0 $0x88, s6;
	s7 =	simm.s32 @p2 $0x1082  }
0x22: {  	[simem:s7], [sflag:s8] =	dma.local @!p0 [hbm:s6], $0xF7A  }
0x23: {  	s9 =	sor.u32 $0xD0000000, s2;
	s6 =	simm.s32 $0x108;
	_ =	swait.ge @!p0 [sflag:s8], $0x0  }
0x24: {  	s3 =	sadd.s32 $0x88, s3;
	s6 =	simm.s32 @!p1 $0x1082;
	[sflag:s4] =	ssyncset.s32 $0xFFFFF086  }
0x25: {  	[simem:s6], [sflag:s4] =	dma.local [hbm:s3], $0xF7A  }
0x26: {  	[smem:$0x3F9E] =	sst s1;
	(tag) =	ssettag s2;
	_ =	strace s9  }
0x27: {  	s1 =	sld [smem:$0x3FAE]  }
0x28: {  	s2 =	sld [smem:$0x3FAF]  }
0x29: {  	s4 =	sld [smem:$0x3FB1]  }
0x2a: {  	p0 =	seq.s32 s5, $0x0;
	s5 =	sld [smem:$0x3FB2]  }
0x2b: {  	s6 =	sld [smem:$0x3FB3]  }
0x2c: {  	s7 =	sld [smem:$0x3FB4]  }
0x2d: {  	s3 =	simm.s32 $0x108;
	s8 =	sld [smem:$0x3FB5]  }
0x2e: {  	s3 =	simm.s32 @!p0 $0x1082;
	s9 =	sld [smem:$0x3FB6]  }
0x2f: {  	lr =	sadd.s32 s0, s3;
	s0 =	sld [smem:$0x3FAD]  }
0x30: {  	s3 =	sld [smem:$0x3FB0]  }
0x31: {  	[smem:$0x3FB9] =	sst s10  }
0x32: {  	s10 =	sld [smem:$0x3FB7];
	_ =	sdelay $0x3  }
0x33: {  	p0 =	seq.s32 s10, $0x1;
	s10 =	sld [smem:$0x3FB9];
	_ =	sdelay $0x3  }
0x34: {  	[smem:$0x3FB9] =	sst s10  }
0x35: {  	s10 =	sld [smem:$0x3FB8];
	_ =	sdelay $0x3  }
0x36: {  	p1 =	seq.s32 s10, $0x1;
	s10 =	sld [smem:$0x3FB9];
	_ =	sdelay $0x3  }
0x37: {  	[smem:$0x3FB9] =	sst s10  }
0x38: {  	s10 =	sld [smem:$0x3FBA]  }
0x39: {  	_ = 	snop;
	(pc) =	sbr.ind lr, $3  }
0x3a: {  	_ = 	snop  }
0x3b: {  	_ = 	snop  }
0x3c: {  	p2 =	seq.s32 s10, $0x1;
	s10 =	sld [smem:$0x3FB9]  }
0x3d: {  	_ =	shalt  }
0x3e: {  	_ =	shalt  }
0x3f: {  	_ =	shalt  }
0x40: {  	_ =	shalt  }
0x41: {  	_ =	shalt  }
0x42: {  	_ =	shalt  }
0x43: {  	_ =	shalt  }
0x44: {  	_ =	shalt  }
0x45: {  	_ =	shalt  }
0x46: {  	_ =	shalt  }
0x47: {  	_ =	shalt  }
0x48: {  	_ =	shalt  }
0x49: {  	_ =	shalt  }
0x4a: {  	_ =	shalt  }
0x4b: {  	_ =	shalt  }
0x4c: {  	_ =	shalt  }
0x4d: {  	_ =	shalt  }
0x4e: {  	_ =	shalt  }
0x4f: {  	_ =	shalt  }
0x50: {  	_ =	shalt  }
0x51: {  	_ =	shalt  }
0x52: {  	_ =	shalt  }
0x53: {  	_ =	shalt  }
0x54: {  	_ =	shalt  }
0x55: {  	_ =	shalt  }
0x56: {  	_ =	shalt  }
0x57: {  	_ =	shalt  }
0x58: {  	_ =	shalt  }
0x59: {  	_ =	shalt  }
0x5a: {  	_ =	shalt  }
0x5b: {  	_ =	shalt  }
0x5c: {  	_ =	shalt  }
0x5d: {  	_ =	shalt  }
0x5e: {  	_ =	shalt  }
0x5f: {  	_ =	shalt  }
0x60: {  	_ =	shalt  }
0x61: {  	_ =	shalt  }
0x62: {  	_ =	shalt  }
0x63: {  	_ =	shalt  }
0x64: {  	_ =	shalt  }
0x65: {  	_ =	shalt  }
0x66: {  	_ =	shalt  }
0x67: {  	_ =	shalt  }
0x68: {  	_ =	shalt  }
0x69: {  	_ =	shalt  }
0x6a: {  	_ =	shalt  }
0x6b: {  	_ =	shalt  }
0x6c: {  	_ =	shalt  }
0x6d: {  	_ =	shalt  }
0x6e: {  	_ =	shalt  }
0x6f: {  	_ =	shalt  }
0x70: {  	_ =	shalt  }
0x71: {  	_ =	shalt  }
0x72: {  	_ =	shalt  }
0x73: {  	_ =	shalt  }
0x74: {  	_ =	shalt  }
0x75: {  	_ =	shalt  }
0x76: {  	_ =	shalt  }
0x77: {  	_ =	shalt  }
0x78: {  	_ =	shalt  }
0x79: {  	_ =	shalt  }
0x7a: {  	_ =	shalt  }
0x7b: {  	_ =	shalt  }
0x7c: {  	_ =	shalt  }
0x7d: {  	_ =	shalt  }
0x7e: {  	_ =	shalt  }
0x7f: {  	_ =	shalt  }
0x80: {  	_ =	shalt  }
0x81: {  	_ =	shalt  }
0x82: {  	_ =	shalt  }
0x83: {  	_ =	shalt  }
0x84: {  	_ =	shalt  }
0x85: {  	_ =	shalt  }
0x86: {  	_ =	shalt  }
0x87: {  	_ =	shalt  }
.Lfunc_end0:
.L_simem_size_0:
called_computation.1_lowered:
.L_overlay_start_0:
0x88: {  	s2 =	sld [smem:$0x3FD9]  }
0x89: {  	s3 =	sld [smem:$0x3FFE];
	_ =	sdelay $0x1  }
0x8a: {  	s1 =	srdreg.scid  }
0x8b: {  	s0 =	sand.u32 $0x1, s1  }
0x8c: {  	s15 =	sshll.u32 s0, $0xA;
	s2 =	sadd.s32 s3, s2  }
0x8d: {  	s2 =	sadd.s32 s2, s15  }
0x8e: {  	[smem:$0x3FC5] =	sst s2  }
0x8f: {  	_ = 	snop  }
0x90: {  	s2 =	sld [smem:$0x3FD0];
	_ =	sdelay $0x2  }
0x91: {  	s4 =	simm.s32 $0xB;
	s16 =	simm.s32 $0x10  }
0x92: {  	[smem:s16], [sflag:s4] =	dma.local [hbm:s2], $0x1  }
0x93: {  	_ =	swait.eq [sflag:s4], $0x1  }
0x94: {  	[sflag:s4] =	ssyncset.done $0x0  }
0x95: {  	s17 =	sld [smem:$0x10];
	[sflag:s4] =	ssyncadd.s32 $0xFFFFFFFF  }
0x96: {  	s18 =	sld [smem:$0x11];
	(tm) =	ssettm $0x1  }
0x97: {  	s19 =	sld [smem:$0x3FFB];
	_ =	sdelay $0x3  }
0x98: {  	_ =	strace s19  }
0x99: {  	s2 =	sld [smem:$0x3FFC];
	_ =	sdelay $0x3  }
0x9a: {  	_ =	strace s2  }
0x9b: {  	s2 =	sld [smem:$0x3FFD];
	_ =	sdelay $0x3  }
0x9c: {  	_ =	strace s2  }
0x9d: {  	_ =	strace $0x8FFFFFFF  }
0x9e: {  	s20 =	sld [smem:$0x3FDB];
	_ =	sdelay $0x1  }
0x9f: {  	s5 =	simm.s32 $_scs_section_size  }
0xa0: {  	s6 =	simm.s32 $_size__tile_overlayer_lowered;
	s7 =	simm.s32 $_tile_overlayer_lowered  }
0xa1: {  	s8 =	simm.s32 $0x1BFF;
	s21 =	sshll.u32 s7, $0x1;
	s5 =	sadd.s32 s5, s20  }
0xa2: {  	s22 =	simm.s32 $0x0;
	s6 =	sshll.u32 s6, $0x1;
	s7 =	sadd.s32 s21, s5  }
0xa3: {  	[timem:s22], [sflag:s8] =	dma.local [hbm:s7], s6  }
0xa4: {  	_ =	swait.ge [sflag:s8], s6  }
0xa5: {  	s6 =	ssub.s32 $0x0, s6;
	[sflag:s8] =	ssyncset.done $0x0  }
0xa6: {  	[sflag:s8] =	ssyncadd.s32 s6;
	_ =	sdelay $0x1  }
0xa7: {  	s23 =	simm.s32 $0x1B8B  }
0xa8: {  	_ =	swait.ge [sflag:s23], $0x1  }
0xa9: {  	[sflag:s23] =	ssyncset.done $0x0  }
0xaa: {  	[sflag:s23] =	ssyncadd.s32 $0xFFFFFFFF  }
0xab: {  	s6 =	sld [smem:$0x0]  }
0xac: {  	s7 =	sand.u32 $0xFFFFFFFE, s1  }
0xad: {  	p0 =	sne.s32 s1, s7  }
0xae: {  	s7 =	sshll.u32 @p0 s7, $0xE  }
0xaf: {  	s7 =	sadd.s32 @p0 $0x11B8D, s7;
	s8 =	sshll.u32 @p0 s6, $0x11  }
0xb0: {  	s7 =	sor.u32 @p0 s8, s7  }
0xb1: {  	[sflag:s7] =	ssyncadd.remote.s32 @p0 $0x1;
	_ =	sdelay $0x1  }
0xb2: {  	s7 =	simm.s32 @p0 $0x1B8D  }
0xb3: {  	_ =	swait.eq @p0 [sflag:s7], $0x1  }
0xb4: {  	[sflag:s7] =	ssyncadd.s32 @p0 $0xFFFFFFFF  }
0xb5: {  	s8 =	sshll.u32 @!p0 s1, $0xE  }
0xb6: {  	s8 =	sor.u32 @!p0 $0x4000, s8;
	s7 =	simm.s32 @!p0 $0x1B8D  }
0xb7: {  	s6 =	sshll.u32 @!p0 s6, $0x11;
	s8 =	sadd.s32 @!p0 $0x11B8D, s8;
	_ =	swait.eq @!p0 [sflag:s7], $0x1  }
0xb8: {  	s6 =	sor.u32 @!p0 s6, s8;
	[sflag:s7] =	ssyncadd.s32 @!p0 $0xFFFFFFFF  }
0xb9: {  	s25 =	simm.s32 $0x1B8E;
	s24 =	sld [smem:$0x3FFE];
	[sflag:s6] =	ssyncadd.remote.s32 @!p0 $0x1  }
0xba: {  	s26 =	simm.s32 $execute0_lowered;
	[smem:$0x3FD2] =	sst s25  }
0xbb: {  	s7 =	sshll.u32 s26, $0x1;
	_ =	strace $0x80000049;
	[dreg:$0x1] =	wrdreg $0xFFFFFFFF  }
0xbc: {  	s28 =	simm.s32 $_size_execute0_lowered;
	s5 =	sadd.s32 s5, s7;
	[dreg:$0x0] =	wrdreg $0x0  }
0xbd: {  	s7 =	sshll.u32 s28, $0x1;
	[dreg:$0x2] =	wrdreg s5  }
0xbe: {  	[dreg:$0x3] =	wrdreg s7  }
0xbf: {  	[dreg:$0x4] =	wrdreg $0xC0  }
0xc0: {  	_ =	task [dreg:s22], $0x5FFFF  }
0xc1: {  	[dreg:$0x1] =	wrdreg $0xFFFFFFFF  }
0xc2: {  	[dreg:$0x0] =	wrdreg $0x60  }
0xc3: {  	[dreg:$0x2] =	wrdreg s24  }
0xc4: {  	[dreg:$0x3] =	wrdreg s18  }
0xc5: {  	[dreg:$0x4] =	wrdreg s17  }
0xc6: {  	[dreg:$0x5] =	wrdreg $0xA  }
0xc7: {  	_ =	task.clear_ibuf [dreg:s22], $0x6FFFF;
	_ =	strace $0x90000049  }
0xc8: {  	s29 =	simm.s32 $0xA;
	_ =	strace $0x8000004B  }
0xc9: {  	_ =	swait.ge [sflag:s29], $0x1  }
0xca: {  	[sflag:s29] =	ssyncadd.s32 $0xFFFFFFFF  }
0xcb: {  	_ =	strace $0x9000004B  }
0xcc: {  	_ =	sfence  }
0xcd: {  	s30 =	sld [smem:$0x0];
	_ =	sdelay $0x2  }
0xce: {  	s31 =	sshll.u32 s1, $0xD;
	s1 =	sshrl.u32 s1, $0x2  }
0xcf: {  	s4 =	sand.u32 $0x4000, s31;
	s1 =	sadd.s32 s1, s30  }
0xd0: {  	s0 =	sor.u32 s4, s0;
	s1 =	sshll.u32 s1, $0x11  }
0xd1: {  	s0 =	sor.u32 s1, s0  }
0xd2: {  	s0 =	sadd.s32 $0x8F2B, s0  }
0xd3: {  	[sflag:s0] =	ssyncadd.remote.s32 $0x1  }
0xd4: {  	_ =	sfence.sel $0xFFFF  }
0xd5: {  	[dreg:$0x0] =	wrdreg $0xFFFFFFFF;
	(pc) =	sbr.abs _section_cstart, $3  }
0xd6: {  	[dreg:$0x1] =	wrdreg $0xFFFFFFFF  }
0xd7: {  	_ =	task.clear_ibuf [dreg:s22], $0x2FFFF;
	_ =	strace $0x9FFFFFFF  }
0xd8: {  	(tm) =	ssettm $0x7FFFFFFF  }
0xd9: {  	_ =	shalt  }
tec
execute0_lowered:
.L_overlay_start_1:
0x0: {  	(tag) =	ssettag $0x1  }
0x1: {  	s3 =	rddreg [dreg:$0x0]  }
0x2: {  	s4 =	rddreg [dreg:$0x1]  }
0x3: {  	s5 =	rddreg [dreg:$0x2]  }
0x4: {  	s0 =	rddreg [dreg:$0x3];
	s6 =	srdreg.scid  }
0x5: {  	s1 =	stileid.u32;
	s2 =	simm.s32 $0x0;
	s9 =	simm.s32 $0x8400  }
0x6: {  	s10 =	simm.s32 $0x0;
	s6 =	sand.u32 $0x1, s6;
	s7 =	sshll.u32 s1, $0x1  }
0x7: {  	[smem:$0x7FF] =	sst s2;
	s7 =	sor.u32 s6, s7;
	s6 =	ssub.s32 $0x2, s6  }
0x8: {  	_ =	strace $0x8000004A;
	s8 =	sshll.u32 s7, $0xC;
	s31 =	sshrl.u32 s6, $0x1  }
0x9: {  	s7 =	sshll.u32 s7, $0x7;
	s3 =	sadd.s32 s8, s3;
	s6 =	ssub.s32 s6, s31  }
0xa: {  	s4 =	sadd.s32 s4, s7;
	s5 =	sadd.s32 s5, s7;
	s7 =	simm.s32 $0x1  }
0xb: {  	v0 =	vlaneseq.u32;
	v1 =	vimm.s32 $0x0;
	s8 =	simm.s32 $0x8000;
	s3 =	sadd.s32 $0x23600, s3;
	s6 =	smax.u32 s6, $0x1  }
.LBB2_1:
0xc: {  	v2 =	vor.u32 s2, v0  }
0xd: {  	v3 =	vshll.u32 v2, $0x6  }
0xe: {  	[tilespmem:s2], [sflag:$0x1] =	stream.linear.gather [hbm4b:s3+s2], $0x8000, $0x38;
	v4 =	vor.u32 $0x1, v3;
	[tilespmem:$0x8800] =	vst v63  }
0xf: {  	_ =	swait.ge [sflag:s7], $0x8000  }
0x10: {  	[sflag:s7] =	ssyncset.done $0x0  }
0x11: {  	[sflag:s7] =	ssyncadd.s32 $0xFFFF8000  }
0x12: {  	v5 =	vor.u32 $0x2, v3;
	v6 =	vld.idx.msk [tilespmem:v3+s2+$0x0], $0xffff  }
0x13: {  	v4 =	vld.idx.msk [tilespmem:v4+s2+$0x0], $0xffff;
	_ =	sdelay $0x1  }
0x14: {  	v7 =	vor.u32 $0x3, v3;
	_ =	sdelay $0x1  }
0x15: {  	v9 =	vimm.s32 $0x0;
	v8 =	vor.u32 $0x4, v3;
	v5 =	vld.idx.msk [tilespmem:v5+s2+$0x0], $0xffff  }
0x16: {  	vm0 =	vlt.f32 v4, $-Inf;
	vm1 =	vgt.f32 v4, $-Inf;
	vm2 =	vgt.f32 v4, v6  }
0x17: {  	v9 =	vsel vm2, $0xFFFFFFFF, v9;
	vm13 =	vmor vm1, vm0  }
0x18: {  	v7 =	vld.idx.msk [tilespmem:v7+s2+$0x0], $0xffff;
	vm2 =	vmneg vm2;
	[tilespmem:$0x1FC80] =	vst v9;
	v9 =	vnsel vm13, $0xFF800000, v4  }
0x19: {  	v10 =	vor.u32 $0x5, v3;
	v9 =	vsel vm2, v9, v6  }
0x1a: {  	v4 =	vsel vm2, v6, v4;
	vm14 =	vgt.f32 v5, v9  }
0x1b: {  	v6 =	vld.idx.msk [tilespmem:v8+s2+$0x0], $0xffff;
	vm3 =	vgt.f32 v5, v4;
	v8 =	vsel vm14, v5, v9  }
0x1c: {  	v8 =	vsel vm3, v4, v8  }
0x1d: {  	v9 =	vor.u32 $0x6, v3;
	v4 =	vsel vm3, v5, v4;
	vm15 =	vgt.f32 v7, v8  }
0x1e: {  	v5 =	vld.idx.msk [tilespmem:v10+s2+$0x0], $0xffff;
	vm4 =	vgt.f32 v7, v4;
	v8 =	vsel vm15, v7, v8  }
0x1f: {  	v10 =	vor.u32 $0x7, v3;
	v8 =	vsel vm4, v4, v8  }
0x20: {  	v4 =	vsel vm4, v7, v4;
	v7 =	vimm.s32 $0x0;
	vm9 =	vgt.f32 v6, v8  }
0x21: {  	vm5 =	vgt.f32 v6, v4;
	v7 =	vsel vm9, $0xFFFFFFFF, v7;
	v8 =	vsel vm9, v6, v8  }
0x22: {  	[tilespmem:$0x1FC90] =	vst v7;
	v7 =	vld.idx.msk [tilespmem:v9+s2+$0x0], $0xffff;
	v8 =	vsel vm5, v4, v8  }
0x23: {  	v4 =	vsel vm5, v6, v4;
	v6 =	vimm.s32 $0x0;
	vm10 =	vgt.f32 v5, v8  }
0x24: {  	v9 =	vor.u32 $0x8, v3;
	v6 =	vsel vm10, $0xFFFFFFFF, v6  }
0x25: {  	vm6 =	vgt.f32 v5, v4;
	v8 =	vsel vm10, v5, v8;
	[tilespmem:$0x1FCA0] =	vst v6;
	v6 =	vld.idx.msk [tilespmem:v10+s2+$0x0], $0xffff  }
0x26: {  	v10 =	vor.u32 $0x9, v3;
	v8 =	vsel vm6, v4, v8  }
0x27: {  	v4 =	vsel vm6, v5, v4;
	v5 =	vimm.s32 $0x0;
	vm11 =	vgt.f32 v7, v8  }
0x28: {  	vm7 =	vgt.f32 v7, v4;
	v5 =	vsel vm11, $0xFFFFFFFF, v5;
	v8 =	vsel vm11, v7, v8  }
0x29: {  	[tilespmem:$0x1FCB0] =	vst v5;
	v5 =	vld.idx.msk [tilespmem:v9+s2+$0x0], $0xffff;
	v8 =	vsel vm7, v4, v8  }
0x2a: {  	v4 =	vsel vm7, v7, v4;
	v7 =	vimm.s32 $0x0;
	vm12 =	vgt.f32 v6, v8  }
0x2b: {  	v9 =	vor.u32 $0xA, v3;
	v7 =	vsel vm12, $0xFFFFFFFF, v7  }
0x2c: {  	vm1 =	vgt.f32 v6, v4;
	v8 =	vsel vm12, v6, v8;
	[tilespmem:$0x1FCC0] =	vst v7;
	v7 =	vld.idx.msk [tilespmem:v10+s2+$0x0], $0xffff  }
0x2d: {  	v10 =	vor.u32 $0xB, v3;
	v8 =	vsel vm1, v4, v8  }
0x2e: {  	v4 =	vsel vm1, v6, v4;
	v6 =	vimm.s32 $0x0;
	vm8 =	vgt.f32 v5, v8  }
0x2f: {  	v6 =	vsel vm8, $0xFFFFFFFF, v6;
	v8 =	vsel vm8, v5, v8;
	vm8 =	vgt.f32 v5, v4  }
0x30: {  	[tilespmem:$0x1FCD0] =	vst v6;
	v6 =	vld.idx.msk [tilespmem:v9+s2+$0x0], $0xffff;
	v8 =	vsel vm8, v4, v8  }
0x31: {  	v4 =	vsel vm8, v5, v4;
	v5 =	vimm.s32 $0x0;
	vm9 =	vgt.f32 v7, v8  }
0x32: {  	v9 =	vor.u32 $0xC, v3;
	v5 =	vsel vm9, $0xFFFFFFFF, v5  }
0x33: {  	v8 =	vsel vm9, v7, v8;
	vm9 =	vgt.f32 v7, v4;
	[tilespmem:$0x1FCE0] =	vst v5;
	v5 =	vld.idx.msk [tilespmem:v10+s2+$0x0], $0xffff  }
0x34: {  	v10 =	vor.u32 $0xD, v3;
	v8 =	vsel vm9, v4, v8  }
0x35: {  	v4 =	vsel vm9, v7, v4;
	v7 =	vimm.s32 $0x0;
	vm10 =	vgt.f32 v6, v8  }
0x36: {  	v7 =	vsel vm10, $0xFFFFFFFF, v7;
	v8 =	vsel vm10, v6, v8;
	vm10 =	vgt.f32 v6, v4  }
0x37: {  	[tilespmem:$0x1FCF0] =	vst v7;
	v7 =	vld.idx.msk [tilespmem:v9+s2+$0x0], $0xffff;
	v8 =	vsel vm10, v4, v8  }
0x38: {  	v4 =	vsel vm10, v6, v4;
	v6 =	vimm.s32 $0x0;
	vm11 =	vgt.f32 v5, v8  }
0x39: {  	v9 =	vor.u32 $0xE, v3;
	v6 =	vsel vm11, $0xFFFFFFFF, v6  }
0x3a: {  	v8 =	vsel vm11, v5, v8;
	vm11 =	vgt.f32 v5, v4;
	[tilespmem:$0x1FD00] =	vst v6;
	v6 =	vld.idx.msk [tilespmem:v10+s2+$0x0], $0xffff  }
0x3b: {  	v10 =	vor.u32 $0xF, v3;
	v8 =	vsel vm11, v4, v8  }
0x3c: {  	v12 =	vld [tilespmem:$0x1FC80];
	v4 =	vsel vm11, v5, v4;
	v5 =	vimm.s32 $0x0;
	vm12 =	vgt.f32 v7, v8  }
0x3d: {  	v5 =	vsel vm12, $0xFFFFFFFF, v5;
	v8 =	vsel vm12, v7, v8;
	vm12 =	vgt.f32 v7, v4  }
0x3e: {  	[tilespmem:$0x1FD10] =	vst v5;
	v5 =	vld.idx.msk [tilespmem:v9+s2+$0x0], $0xffff;
	v8 =	vsel vm12, v4, v8  }
0x3f: {  	v4 =	vsel vm12, v7, v4;
	v7 =	vimm.s32 $0x0;
	vm0 =	vgt.f32 v6, v8  }
0x40: {  	vm2 =	vmand vm2, vm13;
	v9 =	vor.u32 $0x10, v3;
	v7 =	vsel vm0, $0xFFFFFFFF, v7  }
0x41: {  	vm13 =	vgt.f32 v6, v4;
	v8 =	vsel vm0, v6, v8;
	vm0 =	vnez.u8 v12;
	[tilespmem:$0x1FD20] =	vst v7;
	v7 =	vld.idx.msk [tilespmem:v10+s2+$0x0], $0xffff  }
0x42: {  	v10 =	vsel vm2, $0x1, v1;
	v8 =	vsel vm13, v4, v8;
	v12 =	vsel vm0, $0x1, v1  }
0x43: {  	v4 =	vsel vm13, v6, v4;
	v6 =	vimm.s32 $0x0;
	vm0 =	vgt.f32 v5, v8  }
0x44: {  	vm2 =	vgt.f32 v5, v4;
	v6 =	vsel vm0, $0xFFFFFFFF, v6;
	v8 =	vsel vm0, v5, v8  }
0x45: {  	[tilespmem:$0x1FD30] =	vst v6;
	v6 =	vsel vm14, $0x2, v10;
	v8 =	vsel vm2, v4, v8  }
0x46: {  	v4 =	vsel vm2, v5, v4;
	v6 =	vsel vm3, v12, v6;
	vm14 =	vgt.f32 v7, v8  }
0x47: {  	v9 =	vld.idx.msk [tilespmem:v9+s2+$0x0], $0xffff;
	v12 =	vsel vm3, $0x2, v12;
	vm3 =	vgt.f32 v7, v4;
	v8 =	vsel vm14, v7, v8  }
0x48: {  	v8 =	vsel vm3, v4, v8;
	v4 =	vsel vm3, v7, v4;
	v7 =	vld [tilespmem:$0x1FC90]  }
0x49: {  	v11 =	vor.u32 $0x11, v3;
	v5 =	vimm.s32 $0x0  }
0x4a: {  	v5 =	vsel vm14, $0xFFFFFFFF, v5  }
0x4b: {  	[tilespmem:$0x1FD40] =	vst v5;
	v5 =	vsel vm15, $0x3, v6  }
0x4c: {  	v10 =	vor.u32 $0x12, v3;
	v5 =	vsel vm4, v12, v5  }
0x4d: {  	v12 =	vsel vm4, $0x3, v12;
	vm14 =	vgt.f32 v9, v8;
	vm4 =	vnez.u8 v7  }
0x4e: {  	v6 =	vld.idx.msk [tilespmem:v11+s2+$0x0], $0xffff;
	v8 =	vsel vm14, v9, v8;
	v5 =	vsel vm4, $0x4, v5;
	vm4 =	vgt.f32 v9, v4  }
0x4f: {  	v8 =	vsel vm4, v4, v8;
	v4 =	vsel vm4, v9, v4;
	v9 =	vld [tilespmem:$0x1FCA0];
	_ =	sdelay $0x2  }
0x50: {  	v7 =	vld.idx.msk [tilespmem:v10+s2+$0x0], $0xffff  }
0x51: {  	v5 =	vsel vm5, v12, v5  }
0x52: {  	v12 =	vsel vm5, $0x4, v12;
	vm15 =	vgt.f32 v6, v8;
	vm5 =	vnez.u8 v9  }
0x53: {  	v8 =	vsel vm15, v6, v8;
	v5 =	vsel vm5, $0x5, v5;
	vm5 =	vgt.f32 v6, v4  }
0x54: {  	v11 =	vor.u32 $0x13, v3;
	v8 =	vsel vm5, v4, v8  }
0x55: {  	v4 =	vsel vm5, v6, v4;
	v6 =	vimm.s32 $0x0;
	vm0 =	vgt.f32 v7, v8  }
0x56: {  	v6 =	vsel vm0, $0xFFFFFFFF, v6  }
0x57: {  	[tilespmem:$0x1FD50] =	vst v6;
	v6 =	vld [tilespmem:$0x1FCB0];
	_ =	sdelay $0x2  }
0x58: {  	v9 =	vld.idx.msk [tilespmem:v11+s2+$0x0], $0xffff;
	_ =	sdelay $0x1  }
0x59: {  	v5 =	vsel vm6, v12, v5;
	v12 =	vsel vm6, $0x5, v12;
	vm6 =	vnez.u8 v6  }
0x5a: {  	v8 =	vsel vm0, v7, v8;
	v5 =	vsel vm6, $0x6, v5;
	vm6 =	vgt.f32 v7, v4  }
0x5b: {  	v10 =	vor.u32 $0x14, v3;
	v8 =	vsel vm6, v4, v8  }
0x5c: {  	v4 =	vsel vm6, v7, v4;
	v7 =	vimm.s32 $0x0;
	vm0 =	vgt.f32 v9, v8  }
0x5d: {  	v7 =	vsel vm0, $0xFFFFFFFF, v7  }
0x5e: {  	[tilespmem:$0x1FD60] =	vst v7;
	v7 =	vld [tilespmem:$0x1FCC0];
	_ =	sdelay $0x2  }
0x5f: {  	v6 =	vld.idx.msk [tilespmem:v10+s2+$0x0], $0xffff;
	_ =	sdelay $0x1  }
0x60: {  	v5 =	vsel vm7, v12, v5;
	v12 =	vsel vm7, $0x6, v12;
	vm7 =	vnez.u8 v7  }
0x61: {  	v8 =	vsel vm0, v9, v8;
	v5 =	vsel vm7, $0x7, v5;
	vm7 =	vgt.f32 v9, v4  }
0x62: {  	v11 =	vor.u32 $0x15, v3;
	v8 =	vsel vm7, v4, v8  }
0x63: {  	v4 =	vsel vm7, v9, v4;
	v9 =	vimm.s32 $0x0;
	vm0 =	vgt.f32 v6, v8  }
0x64: {  	v9 =	vsel vm0, $0xFFFFFFFF, v9  }
0x65: {  	[tilespmem:$0x1FD70] =	vst v9;
	v9 =	vld [tilespmem:$0x1FCD0];
	_ =	sdelay $0x2  }
0x66: {  	v7 =	vld.idx.msk [tilespmem:v11+s2+$0x0], $0xffff;
	_ =	sdelay $0x1  }
0x67: {  	v13 =	vsel vm1, $0x7, v12;
	v5 =	vsel vm1, v12, v5;
	vm1 =	vnez.u8 v9  }
0x68: {  	v8 =	vsel vm0, v6, v8;
	v5 =	vsel vm1, $0x8, v5;
	vm1 =	vgt.f32 v6, v4  }
0x69: {  	v10 =	vor.u32 $0x16, v3;
	v8 =	vsel vm1, v4, v8  }
0x6a: {  	v4 =	vsel vm1, v6, v4;
	v6 =	vimm.s32 $0x0;
	vm0 =	vgt.f32 v7, v8  }
0x6b: {  	v6 =	vsel vm0, $0xFFFFFFFF, v6  }
0x6c: {  	[tilespmem:$0x1FD80] =	vst v6;
	v6 =	vld [tilespmem:$0x1FCE0]  }
0x6d: {  	v12 =	vsel vm8, $0x8, v13;
	v5 =	vsel vm8, v13, v5;
	v13 =	vld [tilespmem:$0x1FCF0]  }
0x6e: {  	v11 =	vor.u32 $0x17, v3  }
0x6f: {  	v9 =	vld.idx.msk [tilespmem:v10+s2+$0x0], $0xffff;
	_ =	sdelay $0x1  }
0x70: {  	v8 =	vsel vm0, v7, v8;
	vm8 =	vnez.u8 v6  }
0x71: {  	vm0 =	vnez.u8 v13;
	v5 =	vsel vm8, $0x9, v5;
	vm8 =	vgt.f32 v7, v4  }
0x72: {  	v6 =	vld.idx.msk [tilespmem:v11+s2+$0x0], $0xffff;
	v5 =	vsel vm9, v12, v5;
	v8 =	vsel vm8, v4, v8;
	v4 =	vsel vm8, v7, v4  }
0x73: {  	v7 =	vimm.s32 $0x0;
	v5 =	vsel vm0, $0xA, v5;
	vm0 =	vgt.f32 v9, v8  }
0x74: {  	v7 =	vsel vm0, $0xFFFFFFFF, v7  }
0x75: {  	v8 =	vsel vm0, v9, v8;
	[tilespmem:$0x1FD90] =	vst v7;
	v7 =	vsel vm9, $0x9, v12;
	vm9 =	vgt.f32 v9, v4  }
0x76: {  	v10 =	vor.u32 $0x18, v3;
	v13 =	vsel vm10, $0xA, v7;
	v8 =	vsel vm9, v4, v8  }
0x77: {  	v5 =	vsel vm10, v7, v5;
	v7 =	vimm.s32 $0x0;
	vm0 =	vgt.f32 v6, v8  }
0x78: {  	v7 =	vsel vm0, $0xFFFFFFFF, v7  }
0x79: {  	[tilespmem:$0x1FDA0] =	vst v7;
	v7 =	vld [tilespmem:$0x1FD00];
	_ =	sdelay $0x2  }
0x7a: {  	v10 =	vld.idx.msk [tilespmem:v10+s2+$0x0], $0xffff;
	_ =	sdelay $0x1  }
0x7b: {  	v4 =	vsel vm9, v9, v4;
	vm10 =	vnez.u8 v7  }
0x7c: {  	v8 =	vsel vm0, v6, v8;
	v5 =	vsel vm10, $0xB, v5;
	vm10 =	vgt.f32 v6, v4  }
0x7d: {  	v11 =	vor.u32 $0x19, v3;
	v8 =	vsel vm10, v4, v8  }
0x7e: {  	v4 =	vsel vm10, v6, v4;
	v6 =	vimm.s32 $0x0;
	vm0 =	vgt.f32 v10, v8  }
0x7f: {  	v6 =	vsel vm0, $0xFFFFFFFF, v6  }
0x80: {  	[tilespmem:$0x1FDB0] =	vst v6;
	v6 =	vld [tilespmem:$0x1FD10];
	_ =	sdelay $0x2  }
0x81: {  	v7 =	vld.idx.msk [tilespmem:v11+s2+$0x0], $0xffff;
	_ =	sdelay $0x1  }
0x82: {  	v11 =	vsel vm11, $0xB, v13;
	v5 =	vsel vm11, v13, v5;
	vm11 =	vnez.u8 v6  }
0x83: {  	v8 =	vsel vm0, v10, v8;
	v5 =	vsel vm11, $0xC, v5;
	vm11 =	vgt.f32 v10, v4  }
0x84: {  	v12 =	vor.u32 $0x1A, v3;
	v8 =	vsel vm11, v4, v8  }
0x85: {  	v4 =	vsel vm11, v10, v4;
	v10 =	vimm.s32 $0x0;
	vm0 =	vgt.f32 v7, v8  }
0x86: {  	v10 =	vsel vm0, $0xFFFFFFFF, v10  }
0x87: {  	[tilespmem:$0x1FDC0] =	vst v10;
	v10 =	vld [tilespmem:$0x1FD20]  }
0x88: {  	v13 =	vsel vm12, $0xC, v11;
	v5 =	vsel vm12, v11, v5;
	v11 =	vld [tilespmem:$0x1FD30]  }
0x89: {  	v9 =	vor.u32 $0x1B, v3  }
0x8a: {  	v6 =	vld.idx.msk [tilespmem:v12+s2+$0x0], $0xffff;
	_ =	sdelay $0x1  }
0x8b: {  	v8 =	vsel vm0, v7, v8;
	vm12 =	vnez.u8 v10  }
0x8c: {  	vm0 =	vnez.u8 v11;
	v5 =	vsel vm12, $0xD, v5;
	vm12 =	vgt.f32 v7, v4  }
0x8d: {  	v9 =	vld.idx.msk [tilespmem:v9+s2+$0x0], $0xffff;
	v5 =	vsel vm13, v13, v5;
	v8 =	vsel vm12, v4, v8;
	v4 =	vsel vm12, v7, v4  }
0x8e: {  	v7 =	vimm.s32 $0x0;
	v5 =	vsel vm0, $0xE, v5;
	vm0 =	vgt.f32 v6, v8  }
0x8f: {  	v12 =	vor.u32 $0x1C, v3;
	v7 =	vsel vm0, $0xFFFFFFFF, v7  }
0x90: {  	v8 =	vsel vm0, v6, v8;
	vm0 =	vgt.f32 v6, v4;
	[tilespmem:$0x1FDD0] =	vst v7;
	v7 =	vsel vm13, $0xD, v13  }
0x91: {  	v8 =	vsel vm0, v4, v8;
	v4 =	vsel vm0, v6, v4;
	v6 =	vimm.s32 $0x0  }
0x92: {  	v13 =	vsel vm2, $0xE, v7;
	v5 =	vsel vm2, v7, v5;
	vm2 =	vgt.f32 v9, v8  }
0x93: {  	v6 =	vsel vm2, $0xFFFFFFFF, v6  }
0x94: {  	v10 =	vor.u32 $0x1D, v3;
	[tilespmem:$0x1FDE0] =	vst v6;
	v6 =	vld [tilespmem:$0x1FD40];
	_ =	sdelay $0x1  }
0x95: {  	v11 =	vld.idx.msk [tilespmem:v12+s2+$0x0], $0xffff  }
0x96: {  	v12 =	vor.u32 $0x1E, v3  }
0x97: {  	v7 =	vsel vm2, v9, v8  }
0x98: {  	vm2 =	vgt.f32 v9, v4;
	v8 =	vor.u32 $0x1F, v3;
	vm13 =	vnez.u8 v6;
	v6 =	vld.idx.msk [tilespmem:v10+s2+$0x0], $0xffff  }
0x99: {  	v7 =	vsel vm2, v4, v7;
	v4 =	vsel vm2, v9, v4;
	v5 =	vsel vm13, $0xF, v5  }
0x9a: {  	v10 =	vsel vm3, $0xF, v13;
	vm13 =	vgt.f32 v11, v7;
	v5 =	vsel vm3, v13, v5  }
0x9b: {  	v9 =	vld.idx.msk [tilespmem:v12+s2+$0x0], $0xffff;
	v7 =	vsel vm13, v11, v7;
	vm3 =	vgt.f32 v11, v4;
	v13 =	vsel vm4, $0x10, v10  }
0x9c: {  	v5 =	vsel vm14, $0x10, v5;
	vm14 =	vmmov vm13;
	v7 =	vsel vm3, v4, v7  }
0x9d: {  	v4 =	vsel vm3, v11, v4;
	v5 =	vsel vm4, v10, v5;
	vm13 =	vgt.f32 v6, v7  }
0x9e: {  	v5 =	vsel vm15, $0x11, v5;
	vm4 =	vgt.f32 v6, v4;
	v7 =	vsel vm13, v6, v7  }
0x9f: {  	v11 =	vsel vm5, $0x11, v13;
	v5 =	vsel vm5, v13, v5;
	v7 =	vsel vm4, v4, v7  }
0xa0: {  	v4 =	vsel vm4, v6, v4;
	v6 =	vimm.s32 $0x0;
	vm5 =	vgt.f32 v9, v7  }
0xa1: {  	v6 =	vsel vm5, $0xFFFFFFFF, v6  }
0xa2: {  	[tilespmem:$0x1FDF0] =	vst v6;
	v6 =	vld [tilespmem:$0x1FD50];
	_ =	sdelay $0x1  }
0xa3: {  	v8 =	vld.idx.msk [tilespmem:v8+s2+$0x0], $0xffff;
	_ =	sdelay $0x1  }
0xa4: {  	v12 =	vor.u32 $0x20, v3;
	vm15 =	vmmov vm13;
	v13 =	vsel vm6, $0x12, v11  }
0xa5: {  	v7 =	vsel vm5, v9, v7;
	vm5 =	vgt.f32 v9, v4;
	vm13 =	vnez.u8 v6  }
0xa6: {  	v7 =	vsel vm5, v4, v7;
	v4 =	vsel vm5, v9, v4;
	v5 =	vsel vm13, $0x12, v5  }
0xa7: {  	v9 =	vimm.s32 $0x0;
	v5 =	vsel vm6, v11, v5;
	vm6 =	vgt.f32 v8, v7  }
0xa8: {  	v9 =	vsel vm6, $0xFFFFFFFF, v9  }
0xa9: {  	[tilespmem:$0x1FE00] =	vst v9;
	v9 =	vld [tilespmem:$0x1FD60];
	_ =	sdelay $0x1  }
0xaa: {  	v6 =	vld.idx.msk [tilespmem:v12+s2+$0x0], $0xffff;
	_ =	sdelay $0x1  }
0xab: {  	v10 =	vor.u32 $0x21, v3;
	v11 =	vsel vm7, $0x13, v13  }
0xac: {  	v7 =	vsel vm6, v8, v7;
	vm6 =	vgt.f32 v8, v4;
	vm13 =	vnez.u8 v9  }
0xad: {  	v7 =	vsel vm6, v4, v7;
	v4 =	vsel vm6, v8, v4;
	v5 =	vsel vm13, $0x13, v5  }
0xae: {  	v8 =	vimm.s32 $0x0;
	v5 =	vsel vm7, v13, v5;
	vm7 =	vgt.f32 v6, v7  }
0xaf: {  	v8 =	vsel vm7, $0xFFFFFFFF, v8  }
0xb0: {  	[tilespmem:$0x1FE10] =	vst v8;
	v8 =	vld [tilespmem:$0x1FD70];
	_ =	sdelay $0x1  }
0xb1: {  	v12 =	vor.u32 $0x22, v3;
	v13 =	vld [tilespmem:$0x1FD80]  }
0xb2: {  	v9 =	vld.idx.msk [tilespmem:v10+s2+$0x0], $0xffff;
	_ =	sdelay $0x1  }
0xb3: {  	v7 =	vsel vm7, v6, v7;
	vm7 =	vgt.f32 v6, v4;
	vm13 =	vnez.u8 v8  }
0xb4: {  	v7 =	vsel vm7, v4, v7;
	v5 =	vsel vm13, $0x14, v5  }
0xb5: {  	v4 =	vsel vm7, v6, v4;
	v8 =	vld.idx.msk [tilespmem:v12+s2+$0x0], $0xffff;
	vm13 =	vnez.u8 v13;
	v5 =	vsel vm1, v11, v5  }
0xb6: {  	v6 =	vimm.s32 $0x0;
	v5 =	vsel vm13, $0x15, v5;
	vm13 =	vgt.f32 v9, v7  }
0xb7: {  	v10 =	vor.u32 $0x23, v3;
	v6 =	vsel vm13, $0xFFFFFFFF, v6  }
0xb8: {  	v7 =	vsel vm13, v9, v7;
	vm13 =	vgt.f32 v9, v4;
	[tilespmem:$0x1FE20] =	vst v6;
	v6 =	vsel vm1, $0x14, v11  }
0xb9: {  	v7 =	vsel vm13, v4, v7;
	v4 =	vsel vm13, v9, v4;
	v9 =	vimm.s32 $0x0  }
0xba: {  	v5 =	vsel vm8, v6, v5;
	v6 =	vsel vm8, $0x15, v6;
	vm8 =	vgt.f32 v8, v7  }
0xbb: {  	v9 =	vsel vm8, $0xFFFFFFFF, v9  }
0xbc: {  	[tilespmem:$0x1FE30] =	vst v9;
	v9 =	vld [tilespmem:$0x1FD90];
	_ =	sdelay $0x1  }
0xbd: {  	v10 =	vld.idx.msk [tilespmem:v10+s2+$0x0], $0xffff;
	_ =	sdelay $0x1  }
0xbe: {  	v7 =	vsel vm8, v8, v7;
	vm8 =	vgt.f32 v8, v4  }
0xbf: {  	v12 =	vor.u32 $0x24, v3;
	v7 =	vsel vm8, v4, v7;
	vm1 =	vnez.u8 v9  }
0xc0: {  	v4 =	vsel vm8, v8, v4;
	v8 =	vimm.s32 $0x0;
	v5 =	vsel vm1, $0x16, v5  }
0xc1: {  	v5 =	vsel vm9, v6, v5;
	v6 =	vsel vm9, $0x16, v6;
	vm9 =	vgt.f32 v10, v7  }
0xc2: {  	v8 =	vsel vm9, $0xFFFFFFFF, v8  }
0xc3: {  	[tilespmem:$0x1FE40] =	vst v8;
	v8 =	vld [tilespmem:$0x1FDA0];
	_ =	sdelay $0x1  }
0xc4: {  	v9 =	vld.idx.msk [tilespmem:v12+s2+$0x0], $0xffff;
	_ =	sdelay $0x1  }
0xc5: {  	v7 =	vsel vm9, v10, v7;
	vm9 =	vgt.f32 v10, v4  }
0xc6: {  	v11 =	vor.u32 $0x25, v3;
	v7 =	vsel vm9, v4, v7;
	vm1 =	vnez.u8 v8  }
0xc7: {  	v4 =	vsel vm9, v10, v4;
	v10 =	vimm.s32 $0x0;
	v5 =	vsel vm1, $0x17, v5  }
0xc8: {  	v5 =	vsel vm10, v6, v5;
	v6 =	vsel vm10, $0x17, v6;
	vm10 =	vgt.f32 v9, v7  }
0xc9: {  	v10 =	vsel vm10, $0xFFFFFFFF, v10  }
0xca: {  	[tilespmem:$0x1FE50] =	vst v10;
	v10 =	vld [tilespmem:$0x1FDB0];
	_ =	sdelay $0x1  }
0xcb: {  	v8 =	vld.idx.msk [tilespmem:v11+s2+$0x0], $0xffff;
	_ =	sdelay $0x1  }
0xcc: {  	v7 =	vsel vm10, v9, v7;
	vm10 =	vgt.f32 v9, v4  }
0xcd: {  	v12 =	vor.u32 $0x26, v3;
	v7 =	vsel vm10, v4, v7;
	vm1 =	vnez.u8 v10  }
0xce: {  	v4 =	vsel vm10, v9, v4;
	v9 =	vimm.s32 $0x0;
	v5 =	vsel vm1, $0x18, v5  }
0xcf: {  	v5 =	vsel vm11, v6, v5;
	v6 =	vsel vm11, $0x18, v6;
	vm11 =	vgt.f32 v8, v7  }
0xd0: {  	v9 =	vsel vm11, $0xFFFFFFFF, v9  }
0xd1: {  	[tilespmem:$0x1FE60] =	vst v9;
	v9 =	vld [tilespmem:$0x1FDC0];
	_ =	sdelay $0x1  }
0xd2: {  	v10 =	vld.idx.msk [tilespmem:v12+s2+$0x0], $0xffff;
	_ =	sdelay $0x1  }
0xd3: {  	v7 =	vsel vm11, v8, v7;
	vm11 =	vgt.f32 v8, v4  }
0xd4: {  	v11 =	vor.u32 $0x27, v3;
	v7 =	vsel vm11, v4, v7;
	vm1 =	vnez.u8 v9  }
0xd5: {  	v4 =	vsel vm11, v8, v4;
	v8 =	vimm.s32 $0x0;
	v5 =	vsel vm1, $0x19, v5  }
0xd6: {  	v5 =	vsel vm12, v6, v5;
	v6 =	vsel vm12, $0x19, v6;
	vm12 =	vgt.f32 v10, v7  }
0xd7: {  	v8 =	vsel vm12, $0xFFFFFFFF, v8  }
0xd8: {  	[tilespmem:$0x1FE70] =	vst v8;
	v8 =	vld [tilespmem:$0x1FDD0];
	_ =	sdelay $0x1  }
0xd9: {  	v9 =	vld.idx.msk [tilespmem:v11+s2+$0x0], $0xffff;
	_ =	sdelay $0x1  }
0xda: {  	v7 =	vsel vm12, v10, v7;
	vm12 =	vgt.f32 v10, v4  }
0xdb: {  	v12 =	vor.u32 $0x28, v3;
	v7 =	vsel vm12, v4, v7;
	vm1 =	vnez.u8 v8  }
0xdc: {  	v4 =	vsel vm12, v10, v4;
	v10 =	vimm.s32 $0x0;
	v5 =	vsel vm1, $0x1A, v5  }
0xdd: {  	v5 =	vsel vm0, v6, v5;
	v6 =	vsel vm0, $0x1A, v6;
	vm0 =	vgt.f32 v9, v7  }
0xde: {  	v10 =	vsel vm0, $0xFFFFFFFF, v10  }
0xdf: {  	v11 =	vor.u32 $0x29, v3;
	[tilespmem:$0x1FE80] =	vst v10;
	v10 =	vld [tilespmem:$0x1FDE0]  }
0xe0: {  	v8 =	vld.idx.msk [tilespmem:v12+s2+$0x0], $0xffff;
	_ =	sdelay $0x1  }
0xe1: {  	v7 =	vsel vm0, v9, v7;
	vm0 =	vgt.f32 v9, v4  }
0xe2: {  	v12 =	vor.u32 $0x2A, v3;
	v7 =	vsel vm0, v4, v7;
	v4 =	vsel vm0, v9, v4  }
0xe3: {  	v9 =	vimm.s32 $0x0;
	vm1 =	vnez.u8 v10;
	v10 =	vld.idx.msk [tilespmem:v11+s2+$0x0], $0xffff;
	v11 =	vimm.s32 $0x0  }
0xe4: {  	v5 =	vsel vm1, $0x1B, v5;
	v11 =	vsel vm0, $0xFFFFFFFF, v11;
	vm0 =	vgt.f32 v8, v7  }
0xe5: {  	[tilespmem:$0x1FE90] =	vst v11;
	v11 =	vor.u32 $0x2B, v3;
	v5 =	vsel vm2, v6, v5;
	v6 =	vsel vm2, $0x1B, v6  }
0xe6: {  	v9 =	vsel vm0, $0xFFFFFFFF, v9;
	v7 =	vsel vm0, v8, v7;
	vm2 =	vgt.f32 v8, v4  }
0xe7: {  	[tilespmem:$0x1FEA0] =	vst v9;
	v5 =	vsel vm14, $0x1C, v5;
	v9 =	vld.idx.msk [tilespmem:v12+s2+$0x0], $0xffff;
	v7 =	vsel vm2, v4, v7  }
0xe8: {  	v4 =	vsel vm2, v8, v4;
	v8 =	vimm.s32 $0x0;
	vm14 =	vgt.f32 v10, v7  }
0xe9: {  	v5 =	vsel vm3, v6, v5;
	v8 =	vsel vm14, $0xFFFFFFFF, v8  }
0xea: {  	vm0 =	vgt.f32 v10, v4;
	v7 =	vsel vm14, v10, v7;
	[tilespmem:$0x1FEB0] =	vst v8;
	v8 =	vld.idx.msk [tilespmem:v11+s2+$0x0], $0xffff  }
0xeb: {  	v6 =	vsel vm3, $0x1C, v6;
	v5 =	vsel vm15, $0x1D, v5;
	v7 =	vsel vm0, v4, v7  }
0xec: {  	v4 =	vsel vm0, v10, v4;
	v10 =	vimm.s32 $0x0;
	vm15 =	vgt.f32 v9, v7  }
0xed: {  	vm3 =	vgt.f32 v9, v4;
	v10 =	vsel vm15, $0xFFFFFFFF, v10;
	v7 =	vsel vm15, v9, v7  }
0xee: {  	v12 =	vor.u32 $0x2C, v3;
	[tilespmem:$0x1FEC0] =	vst v10;
	v10 =	vld [tilespmem:$0x1FDF0];
	v7 =	vsel vm3, v4, v7  }
0xef: {  	v4 =	vsel vm3, v9, v4;
	v9 =	vimm.s32 $0x0;
	vm15 =	vgt.f32 v8, v7  }
0xf0: {  	v9 =	vsel vm15, $0xFFFFFFFF, v9  }
0xf1: {  	v11 =	vor.u32 $0x2D, v3;
	[tilespmem:$0x1FED0] =	vst v9;
	v9 =	vld [tilespmem:$0x1FE00];
	_ =	sdelay $0x1  }
0xf2: {  	vm14 =	vnez.u8 v10;
	v10 =	vld.idx.msk [tilespmem:v12+s2+$0x0], $0xffff;
	_ =	sdelay $0x1  }
0xf3: {  	v5 =	vsel vm4, v6, v5;
	v6 =	vsel vm4, $0x1D, v6;
	vm4 =	vgt.f32 v8, v4  }
0xf4: {  	v7 =	vsel vm15, v8, v7;
	v5 =	vsel vm14, $0x1E, v5;
	vm14 =	vnez.u8 v9;
	v9 =	vld.idx.msk [tilespmem:v11+s2+$0x0], $0xffff  }
0xf5: {  	v7 =	vsel vm4, v4, v7;
	v4 =	vsel vm4, v8, v4;
	v8 =	vimm.s32 $0x0  }
0xf6: {  	v5 =	vsel vm5, v6, v5;
	v6 =	vsel vm5, $0x1E, v6;
	vm15 =	vgt.f32 v10, v7  }
0xf7: {  	vm5 =	vgt.f32 v10, v4;
	v8 =	vsel vm15, $0xFFFFFFFF, v8;
	v7 =	vsel vm15, v10, v7  }
0xf8: {  	v12 =	vor.u32 $0x2E, v3;
	v5 =	vsel vm14, $0x1F, v5;
	[tilespmem:$0x1FEE0] =	vst v8;
	v8 =	vld [tilespmem:$0x1FE10];
	v7 =	vsel vm5, v4, v7  }
0xf9: {  	v4 =	vsel vm5, v10, v4;
	v10 =	vimm.s32 $0x0;
	vm14 =	vgt.f32 v9, v7  }
0xfa: {  	v10 =	vsel vm14, $0xFFFFFFFF, v10  }
0xfb: {  	[tilespmem:$0x1FEF0] =	vst v10;
	v10 =	vld [tilespmem:$0x1FE20];
	_ =	sdelay $0x1  }
0xfc: {  	v5 =	vsel vm6, v6, v5;
	v6 =	vsel vm6, $0x1F, v6;
	vm6 =	vnez.u8 v8;
	v8 =	vld.idx.msk [tilespmem:v12+s2+$0x0], $0xffff  }
0xfd: {  	v7 =	vsel vm14, v9, v7;
	v5 =	vsel vm6, $0x20, v5  }
0xfe: {  	v5 =	vsel vm7, v6, v5;
	v6 =	vsel vm7, $0x20, v6;
	vm7 =	vgt.f32 v9, v4  }
0xff: {  	v11 =	vor.u32 $0x2F, v3;
	v7 =	vsel vm7, v4, v7;
	vm15 =	vnez.u8 v10  }
0x100: {  	v4 =	vsel vm7, v9, v4;
	v9 =	vimm.s32 $0x0;
	v5 =	vsel vm15, $0x21, v5  }
0x101: {  	v5 =	vsel vm13, v6, v5;
	v6 =	vsel vm13, $0x21, v6;
	vm13 =	vgt.f32 v8, v7  }
0x102: {  	v9 =	vsel vm13, $0xFFFFFFFF, v9  }
0x103: {  	v12 =	vor.u32 $0x30, v3;
	[tilespmem:$0x1FF10] =	vst v9;
	v9 =	vld [tilespmem:$0x1FE30];
	_ =	sdelay $0x1  }
0x104: {  	v10 =	vld.idx.msk [tilespmem:v11+s2+$0x0], $0xffff;
	_ =	sdelay $0x1  }
0x105: {  	v11 =	vimm.s32 $0x0  }
0x106: {  	vm1 =	vgt.f32 v8, v4;
	v7 =	vsel vm13, v8, v7;
	vm14 =	vnez.u8 v9;
	v9 =	vld.idx.msk [tilespmem:v12+s2+$0x0], $0xffff  }
0x107: {  	v11 =	vsel vm7, $0xFFFFFFFF, v11;
	v7 =	vsel vm1, v4, v7  }
0x108: {  	v4 =	vsel vm1, v8, v4;
	v8 =	vimm.s32 $0x0;
	vm15 =	vgt.f32 v10, v7  }
0x109: {  	v7 =	vsel vm15, v10, v7;
	v5 =	vsel vm14, $0x22, v5;
	vm14 =	vgt.f32 v10, v4  }
0x10a: {  	[tilespmem:$0x1FF00] =	vst v11;
	v11 =	vor.u32 $0x31, v3;
	v8 =	vsel vm15, $0xFFFFFFFF, v8;
	v7 =	vsel vm14, v4, v7  }
0x10b: {  	[tilespmem:$0x1FF20] =	vst v8;
	v8 =	vld [tilespmem:$0x1FE40];
	v4 =	vsel vm14, v10, v4;
	v10 =	vimm.s32 $0x0;
	vm15 =	vgt.f32 v9, v7  }
0x10c: {  	v10 =	vsel vm15, $0xFFFFFFFF, v10  }
0x10d: {  	[tilespmem:$0x1FF30] =	vst v10;
	v10 =	vld [tilespmem:$0x1FE50]  }
0x10e: {  	v12 =	vor.u32 $0x32, v3;
	_ =	sdelay $0x1  }
0x10f: {  	v5 =	vsel vm8, v6, v5;
	vm13 =	vnez.u8 v8;
	v8 =	vld.idx.msk [tilespmem:v11+s2+$0x0], $0xffff  }
0x110: {  	v6 =	vsel vm8, $0x22, v6;
	v5 =	vsel vm13, $0x23, v5  }
0x111: {  	v11 =	vor.u32 $0x33, v3;
	v5 =	vsel vm9, v6, v5;
	vm13 =	vnez.u8 v10  }
0x112: {  	v7 =	vsel vm15, v9, v7;
	v10 =	vld.idx.msk [tilespmem:v12+s2+$0x0], $0xffff;
	v5 =	vsel vm13, $0x24, v5;
	vm13 =	vgt.f32 v9, v4  }
0x113: {  	v6 =	vsel vm9, $0x23, v6;
	vm9 =	vmmov vm14;
	v7 =	vsel vm13, v4, v7  }
0x114: {  	v4 =	vsel vm13, v9, v4;
	v9 =	vimm.s32 $0x0;
	vm14 =	vgt.f32 v8, v7  }
0x115: {  	v9 =	vsel vm14, $0xFFFFFFFF, v9;
	v7 =	vsel vm14, v8, v7;
	vm14 =	vgt.f32 v8, v4  }
0x116: {  	v5 =	vsel vm10, v6, v5;
	v6 =	vsel vm10, $0x24, v6;
	v7 =	vsel vm14, v4, v7  }
0x117: {  	[tilespmem:$0x1FF40] =	vst v9;
	v9 =	vld [tilespmem:$0x1FE60];
	v4 =	vsel vm14, v8, v4;
	v8 =	vimm.s32 $0x0;
	vm10 =	vgt.f32 v10, v7  }
0x118: {  	v8 =	vsel vm10, $0xFFFFFFFF, v8  }
0x119: {  	[tilespmem:$0x1FF50] =	vst v8;
	v8 =	vld [tilespmem:$0x1FE70];
	_ =	sdelay $0x2  }
0x11a: {  	vm15 =	vnez.u8 v9;
	v9 =	vld.idx.msk [tilespmem:v11+s2+$0x0], $0xffff  }
0x11b: {  	v13 =	vld [tilespmem:$0x1FE90];
	v12 =	vor.u32 $0x34, v3;
	v5 =	vsel vm15, $0x25, v5  }
0x11c: {  	v5 =	vsel vm11, v6, v5;
	v6 =	vsel vm11, $0x25, v6;
	vm11 =	vnez.u8 v8  }
0x11d: {  	v7 =	vsel vm10, v10, v7;
	v5 =	vsel vm11, $0x26, v5;
	vm11 =	vgt.f32 v10, v4  }
0x11e: {  	v5 =	vsel vm12, v6, v5;
	v7 =	vsel vm11, v4, v7;
	v6 =	vsel vm12, $0x26, v6  }
0x11f: {  	v4 =	vsel vm11, v10, v4;
	v10 =	vimm.s32 $0x0;
	vm12 =	vgt.f32 v9, v7  }
0x120: {  	vm6 =	vnez.u8 v13;
	v13 =	vld [tilespmem:$0x1FEA0];
	v10 =	vsel vm12, $0xFFFFFFFF, v10  }
0x121: {  	[tilespmem:$0x1FF60] =	vst v10;
	v10 =	vld [tilespmem:$0x1FE80];
	_ =	sdelay $0x1  }
0x122: {  	v11 =	vor.u32 $0x35, v3  }
0x123: {  	v8 =	vld.idx.msk [tilespmem:v12+s2+$0x0], $0xffff;
	_ =	sdelay $0x1  }
0x124: {  	vm10 =	vnez.u8 v13;
	v13 =	vld [tilespmem:$0x1FEB0];
	v12 =	vor.u32 $0x36, v3;
	vm15 =	vnez.u8 v10  }
0x125: {  	v7 =	vsel vm12, v9, v7;
	v5 =	vsel vm15, $0x27, v5;
	vm15 =	vgt.f32 v9, v4  }
0x126: {  	v10 =	vld.idx.msk [tilespmem:v11+s2+$0x0], $0xffff;
	v5 =	vsel vm6, v6, v5;
	v7 =	vsel vm15, v4, v7;
	v4 =	vsel vm15, v9, v4  }
0x127: {  	v9 =	vimm.s32 $0x0;
	v6 =	vsel vm6, $0x27, v6;
	vm12 =	vgt.f32 v8, v7  }
0x128: {  	v5 =	vsel vm10, $0x28, v5;
	v9 =	vsel vm12, $0xFFFFFFFF, v9;
	v7 =	vsel vm12, v8, v7  }
0x129: {  	vm10 =	vnez.u8 v13;
	vm12 =	vgt.f32 v8, v4;
	v5 =	vsel vm2, v6, v5;
	[tilespmem:$0x1FF70] =	vst v9;
	v9 =	vld.idx.msk [tilespmem:v12+s2+$0x0], $0xffff  }
0x12a: {  	v7 =	vsel vm12, v4, v7;
	v5 =	vsel vm10, $0x29, v5  }
0x12b: {  	v4 =	vsel vm12, v8, v4;
	v8 =	vimm.s32 $0x0;
	vm10 =	vgt.f32 v10, v7  }
0x12c: {  	v8 =	vsel vm10, $0xFFFFFFFF, v8;
	v7 =	vsel vm10, v10, v7;
	vm10 =	vgt.f32 v10, v4  }
0x12d: {  	v11 =	vor.u32 $0x37, v3;
	v7 =	vsel vm10, v4, v7  }
0x12e: {  	v4 =	vsel vm10, v10, v4;
	v10 =	vimm.s32 $0x0;
	vm7 =	vgt.f32 v9, v7  }
0x12f: {  	v10 =	vsel vm7, $0xFFFFFFFF, v10  }
0x130: {  	[tilespmem:$0x1FF90] =	vst v10;
	v10 =	vld [tilespmem:$0x1FEC0];
	_ =	sdelay $0x2  }
0x131: {  	[tilespmem:$0x1FF80] =	vst v8;
	v8 =	vld.idx.msk [tilespmem:v11+s2+$0x0], $0xffff  }
0x132: {  	v6 =	vsel vm2, $0x28, v6  }
0x133: {  	v5 =	vsel vm0, v6, v5;
	vm8 =	vnez.u8 v10  }
0x134: {  	v7 =	vsel vm7, v9, v7;
	v5 =	vsel vm8, $0x2A, v5;
	vm8 =	vgt.f32 v9, v4  }
0x135: {  	v12 =	vor.u32 $0x38, v3;
	v7 =	vsel vm8, v4, v7  }
0x136: {  	v4 =	vsel vm8, v9, v4;
	v9 =	vimm.s32 $0x0;
	vm6 =	vgt.f32 v8, v7  }
0x137: {  	v9 =	vsel vm6, $0xFFFFFFFF, v9  }
0x138: {  	[tilespmem:$0x1FFA0] =	vst v9;
	v9 =	vld [tilespmem:$0x1FED0];
	_ =	sdelay $0x2  }
0x139: {  	v10 =	vld.idx.msk [tilespmem:v12+s2+$0x0], $0xffff  }
0x13a: {  	v6 =	vsel vm0, $0x29, v6;
	v11 =	vor.u32 $0x39, v3  }
0x13b: {  	v5 =	vsel vm3, v6, v5;
	v6 =	vsel vm3, $0x2A, v6;
	vm7 =	vnez.u8 v9  }
0x13c: {  	v7 =	vsel vm6, v8, v7;
	v5 =	vsel vm7, $0x2B, v5;
	vm7 =	vgt.f32 v8, v4  }
0x13d: {  	v5 =	vsel vm4, v6, v5;
	v7 =	vsel vm7, v4, v7;
	v6 =	vsel vm4, $0x2B, v6  }
0x13e: {  	v4 =	vsel vm7, v8, v4;
	v8 =	vimm.s32 $0x0;
	vm4 =	vgt.f32 v10, v7  }
0x13f: {  	v8 =	vsel vm4, $0xFFFFFFFF, v8  }
0x140: {  	[tilespmem:$0x1FFB0] =	vst v8;
	v8 =	vld [tilespmem:$0x1FEE0];
	_ =	sdelay $0x2  }
0x141: {  	v9 =	vld.idx.msk [tilespmem:v11+s2+$0x0], $0xffff;
	_ =	sdelay $0x1  }
0x142: {  	vm6 =	vnez.u8 v8  }
0x143: {  	v7 =	vsel vm4, v10, v7;
	v5 =	vsel vm6, $0x2C, v5;
	vm6 =	vgt.f32 v10, v4  }
0x144: {  	v12 =	vor.u32 $0x3A, v3;
	v7 =	vsel vm6, v4, v7  }
0x145: {  	v4 =	vsel vm6, v10, v4;
	v10 =	vimm.s32 $0x0;
	vm4 =	vgt.f32 v9, v7  }
0x146: {  	v10 =	vsel vm4, $0xFFFFFFFF, v10  }
0x147: {  	[tilespmem:$0x1FFC0] =	vst v10;
	v10 =	vld [tilespmem:$0x1FEF0];
	_ =	sdelay $0x2  }
0x148: {  	v8 =	vld.idx.msk [tilespmem:v12+s2+$0x0], $0xffff;
	_ =	sdelay $0x1  }
0x149: {  	v5 =	vsel vm5, v6, v5;
	v6 =	vsel vm5, $0x2C, v6;
	vm5 =	vnez.u8 v10  }
0x14a: {  	v7 =	vsel vm4, v9, v7;
	v5 =	vsel vm5, $0x2D, v5;
	vm5 =	vgt.f32 v9, v4  }
0x14b: {  	v11 =	vor.u32 $0x3B, v3;
	v7 =	vsel vm5, v4, v7  }
0x14c: {  	v4 =	vsel vm5, v9, v4;
	v9 =	vimm.s32 $0x0;
	vm2 =	vgt.f32 v8, v7  }
0x14d: {  	v13 =	vld [tilespmem:$0x1FF00];
	v9 =	vsel vm2, $0xFFFFFFFF, v9  }
0x14e: {  	[tilespmem:$0x1FFD0] =	vst v9;
	v9 =	vld [tilespmem:$0x1FF10]  }
0x14f: {  	v12 =	vor.u32 $0x3C, v3;
	_ =	sdelay $0x1  }
0x150: {  	v10 =	vld.idx.msk [tilespmem:v11+s2+$0x0], $0xffff  }
0x151: {  	vm4 =	vnez.u8 v13  }
0x152: {  	v5 =	vsel vm4, v6, v5;
	v6 =	vsel vm4, $0x2D, v6;
	vm4 =	vnez.u8 v9  }
0x153: {  	v7 =	vsel vm2, v8, v7;
	v9 =	vld.idx.msk [tilespmem:v12+s2+$0x0], $0xffff;
	v5 =	vsel vm4, $0x2E, v5;
	vm4 =	vgt.f32 v8, v4  }
0x154: {  	v5 =	vsel vm1, v6, v5;
	v7 =	vsel vm4, v4, v7;
	v6 =	vsel vm1, $0x2E, v6  }
0x155: {  	v4 =	vsel vm4, v8, v4;
	v8 =	vimm.s32 $0x0;
	vm1 =	vgt.f32 v10, v7  }
0x156: {  	vm3 =	vgt.f32 v10, v4;
	v8 =	vsel vm1, $0xFFFFFFFF, v8;
	v7 =	vsel vm1, v10, v7  }
0x157: {  	v11 =	vor.u32 $0x3D, v3;
	[tilespmem:$0x1FFE0] =	vst v8;
	v8 =	vld [tilespmem:$0x1FF20];
	v7 =	vsel vm3, v4, v7  }
0x158: {  	v4 =	vsel vm3, v10, v4;
	v10 =	vimm.s32 $0x0;
	vm1 =	vgt.f32 v9, v7  }
0x159: {  	v10 =	vsel vm1, $0xFFFFFFFF, v10  }
0x15a: {  	[tilespmem:$0x1FFF0] =	vst v10;
	v10 =	vld [tilespmem:$0x1FF30];
	_ =	sdelay $0x1  }
0x15b: {  	vm0 =	vnez.u8 v8;
	v8 =	vld.idx.msk [tilespmem:v11+s2+$0x0], $0xffff  }
0x15c: {  	v12 =	vor.u32 $0x3E, v3  }
0x15d: {  	vm2 =	vgt.f32 v9, v4;
	v7 =	vsel vm1, v9, v7;
	v5 =	vsel vm0, $0x2F, v5  }
0x15e: {  	v5 =	vsel vm9, v6, v5;
	v6 =	vsel vm9, $0x2F, v6;
	vm9 =	vnez.u8 v10  }
0x15f: {  	v7 =	vsel vm2, v4, v7;
	v4 =	vsel vm2, v9, v4;
	v5 =	vsel vm9, $0x30, v5  }
0x160: {  	v9 =	vld [tilespmem:$0x1FF40];
	v5 =	vsel vm13, v6, v5;
	v6 =	vsel vm13, $0x30, v6;
	vm13 =	vgt.f32 v8, v7  }
0x161: {  	vm1 =	vgt.f32 v8, v4;
	v7 =	vsel vm13, v8, v7  }
0x162: {  	v7 =	vsel vm1, v4, v7;
	v4 =	vsel vm1, v8, v4;
	v8 =	vld [tilespmem:$0x1FF50]  }
0x163: {  	v3 =	vor.u32 $0x3F, v3;
	_ =	sdelay $0x1  }
0x164: {  	v10 =	vld.idx.msk [tilespmem:v12+s2+$0x0], $0xffff;
	vm9 =	vnez.u8 v9  }
0x165: {  	v5 =	vsel vm9, $0x31, v5  }
0x166: {  	v5 =	vsel vm14, v6, v5;
	v6 =	vsel vm14, $0x31, v6;
	vm14 =	vnez.u8 v8;
	v8 =	vld [tilespmem:$0x1FF60]  }
0x167: {  	v3 =	vld.idx.msk [tilespmem:v3+s2+$0x0], $0xffff;
	_ =	sdelay $0x1  }
0x168: {  	vm9 =	vgt.f32 v10, v7;
	v5 =	vsel vm14, $0x32, v5  }
0x169: {  	v7 =	vsel vm9, v10, v7;
	vm14 =	vgt.f32 v10, v4;
	v5 =	vsel vm11, v6, v5  }
0x16a: {  	v7 =	vsel vm14, v4, v7;
	v6 =	vsel vm11, $0x32, v6;
	vm0 =	vnez.u8 v8  }
0x16b: {  	v4 =	vsel vm14, v10, v4;
	vm11 =	vgt.f32 v3, v7;
	v5 =	vsel vm0, $0x33, v5  }
0x16c: {  	v7 =	vsel vm11, v3, v7;
	vm0 =	vgt.f32 v3, v4;
	v5 =	vsel vm15, v6, v5  }
0x16d: {  	v7 =	vsel vm0, v4, v7;
	v3 =	vsel vm0, v3, v4;
	v4 =	vsel vm15, $0x33, v6;
	v6 =	vld [tilespmem:$0x1FF70];
	_ =	sdelay $0x4  }
0x16e: {  	vm15 =	vnez.u8 v6;
	v6 =	vld [tilespmem:$0x1FF80];
	_ =	sdelay $0x3  }
0x16f: {  	v5 =	vsel vm15, $0x34, v5  }
0x170: {  	v5 =	vsel vm12, v4, v5;
	v4 =	vsel vm12, $0x34, v4;
	vm12 =	vnez.u8 v6;
	v6 =	vld [tilespmem:$0x1FF90];
	_ =	sdelay $0x2  }
0x171: {  	v3 =	vsub.f32 v7, v3  }
0x172: {  	v5 =	vsel vm12, $0x35, v5  }
0x173: {  	v3 =	vmul.f32 $1.442695020e+00, v3;
	v5 =	vsel vm10, v4, v5;
	vm12 =	vnez.u8 v6  }
0x174: {  	v4 =	vsel vm10, $0x35, v4;
	v5 =	vsel vm12, $0x36, v5  }
0x175: {  	(erf) = vpow2.f32 v3;
	v3 =	vsel vm8, v4, v5;
	v5 =	vld [tilespmem:$0x1FFA0];
	_ =	sdelay $0x4  }
0x176: {  	vm15 =	vnez.u8 v5;
	v5 =	vld [tilespmem:$0x1FFB0];
	_ =	sdelay $0x4  }
0x177: {  	vm12 =	vnez.u8 v5;
	v5 =	vld [tilespmem:$0x1FFC0];
	_ =	sdelay $0x4  }
0x178: {  	v4 =	vsel vm8, $0x36, v4;
	v3 =	vsel vm15, $0x37, v3;
	vm15 =	vnez.u8 v5;
	v5 =	vld [tilespmem:$0x1FFD0]  }
0x179: {  	v3 =	vsel vm7, v4, v3  }
0x17a: {  	v6 =	vld [tilespmem:$0x1FFE0];
	v4 =	vsel vm7, $0x37, v4;
	v3 =	vsel vm12, $0x38, v3  }
0x17b: {  	v3 =	vsel vm6, v4, v3  }
0x17c: {  	v7 =	vld [tilespmem:$0x1FFF0];
	v4 =	vsel vm6, $0x38, v4;
	v3 =	vsel vm15, $0x39, v3  }
0x17d: {  	v3 =	vsel vm5, v4, v3;
	vm10 =	vnez.u8 v5  }
0x17e: {  	v4 =	vsel vm5, $0x39, v4;
	v3 =	vsel vm10, $0x3A, v3  }
0x17f: {  	vm12 =	vnez.u8 v6;
	v5 =	vpop (erf);
	v3 =	vsel vm4, v4, v3  }
0x180: {  	v6 =	vadd.f32 $1.000000000e+00, v5;
	v4 =	vsel vm4, $0x3A, v4;
	v3 =	vsel vm12, $0x3B, v3  }
0x181: {  	vm15 =	vnez.u8 v7;
	v3 =	vsel vm3, v4, v3  }
0x182: {  	(erf) = vrcp.f32 v6;
	v4 =	vsel vm3, $0x3B, v4;
	v3 =	vsel vm15, $0x3C, v3  }
0x183: {  	v3 =	vsel vm2, v4, v3  }
0x184: {  	v4 =	vsel vm2, $0x3C, v4;
	v3 =	vsel vm13, $0x3D, v3  }
0x185: {  	v3 =	vsel vm1, v4, v3  }
0x186: {  	v8 =	vshll.u32 v2, $0x1;
	v6 =	vsel vm1, $0x3D, v4;
	v2 =	vsel vm9, $0x3E, v3  }
0x187: {  	s11 =	simm.s32 $0x10;
	v4 =	vor.u32 $0x1, v8;
	v2 =	vsel vm14, v6, v2  }
0x188: {  	v3 =	vsel vm14, $0x3E, v6;
	v6 =	vsel vm11, $0x3F, v2;
	v2 =	vor.u32 s11, v0  }
0x189: {  	v9 =	vsel vm0, $0x3F, v3;
	v6 =	vsel vm0, v3, v6;
	v3 =	vshll.u32 v2, $0x6  }
0x18a: {  	v7 =	vor.u32 $0x1, v3;
	v18 =	vor.u32 $0x2, v3;
	v12 =	vor.u32 $0x3, v3  }
0x18b: {  	[tilespmem:v8+s8+$0x0] =	vst.idx.msk $0xffff, v9;
	v10 =	vpop (erf);
	v19 =	vor.u32 $0x4, v3;
	v17 =	vor.u32 $0x5, v3;
	v15 =	vor.u32 $0x6, v3  }
0x18c: {  	[tilespmem:v4+s8+$0x0] =	vst.idx.msk $0xffff, v6;
	v13 =	vor.u32 $0x7, v3;
	v9 =	vor.u32 $0x8, v3;
	v11 =	vmul.f32 v10, v5  }
0x18d: {  	s11 =	simm.s32 $0x20;
	v6 =	vor.u32 $0xA, v3;
	v5 =	vor.u32 $0xB, v3;
	[tilespmem:v8+s9+$0x0] =	vst.idx.msk $0xffff, v10;
	v8 =	vor.u32 $0x9, v3  }
.LBB2_2:
0x18e: {  	p0 =	sne.s32 s11, $0x1F0;
	v10 =	vor.u32 $0xC, v3;
	v16 =	vor.u32 $0xD, v3;
	v14 =	vor.u32 $0xE, v3;
	[tilespmem:v4+s9+$0x0] =	vst.idx.msk $0xffff, v11;
	s12 =	smov.u32 s11;
	s11 =	sadd.s32 $0x10, s11  }
0x18f: {  	v11 =	vor.u32 $0xF, v3;
	v4 =	vor.u32 $0x11, v3;
	v20 =	vld.idx.msk [tilespmem:v7+s2+$0x0], $0xffff;
	v7 =	vor.u32 $0x10, v3  }
0x190: {  	v39 =	vor.u32 $0x12, v3;
	v38 =	vor.u32 $0x13, v3;
	v37 =	vor.u32 $0x14, v3;
	v21 =	vld.idx.msk [tilespmem:v3+s2+$0x0], $0xffff  }
0x191: {  	v36 =	vor.u32 $0x15, v3;
	v27 =	vor.u32 $0x16, v3;
	v24 =	vor.u32 $0x17, v3  }
0x192: {  	v28 =	vor.u32 $0x18, v3;
	v29 =	vor.u32 $0x19, v3;
	v35 =	vor.u32 $0x1A, v3  }
0x193: {  	v31 =	vor.u32 $0x1B, v3;
	v32 =	vor.u32 $0x1C, v3;
	v33 =	vor.u32 $0x1D, v3;
	v22 =	vld.idx.msk [tilespmem:v18+s2+$0x0], $0xffff  }
0x194: {  	v30 =	vor.u32 $0x1E, v3;
	v34 =	vor.u32 $0x1F, v3;
	v26 =	vor.u32 $0x20, v3  }
0x195: {  	v23 =	vor.u32 $0x21, v3;
	vm0 =	vlt.f32 v20, $-Inf;
	vm1 =	vgt.f32 v20, $-Inf  }
0x196: {  	v18 =	vor.u32 $0x22, v3;
	vm2 =	vgt.f32 v20, v21;
	vm0 =	vmor vm1, vm0;
	v25 =	vld.idx.msk [tilespmem:v12+s2+$0x0], $0xffff  }
0x197: {  	vm1 =	vmneg vm2;
	v40 =	vnsel vm0, $0xFF800000, v20;
	v12 =	vor.u32 $0x23, v3  }
0x198: {  	vm0 =	vmand vm1, vm0;
	v40 =	vsel vm1, v40, v21;
	v20 =	vsel vm1, v21, v20  }
0x199: {  	v41 =	vsel vm2, $0x1, v1;
	v21 =	vsel vm0, $0x1, v1;
	vm0 =	vgt.f32 v22, v40;
	v42 =	vld.idx.msk [tilespmem:v19+s2+$0x0], $0xffff  }
0x19a: {  	vm1 =	vgt.f32 v22, v20;
	v19 =	vsel vm0, $0x2, v21;
	v21 =	vsel vm0, v22, v40  }
0x19b: {  	v40 =	vsel vm1, v41, v19;
	v21 =	vsel vm1, v20, v21;
	v20 =	vsel vm1, v22, v20  }
0x19c: {  	v22 =	vsel vm1, $0x2, v41;
	v19 =	vor.u32 $0x24, v3;
	vm0 =	vgt.f32 v25, v21;
	v41 =	vld.idx.msk [tilespmem:v17+s2+$0x0], $0xffff  }
0x19d: {  	vm1 =	vgt.f32 v25, v20;
	v17 =	vsel vm0, $0x3, v40;
	v21 =	vsel vm0, v25, v21  }
0x19e: {  	v17 =	vsel vm1, v22, v17;
	v21 =	vsel vm1, v20, v21;
	v22 =	vsel vm1, $0x3, v22  }
0x19f: {  	v25 =	vsel vm1, v25, v20;
	v20 =	vor.u32 $0x25, v3;
	vm0 =	vgt.f32 v42, v21;
	v15 =	vld.idx.msk [tilespmem:v15+s2+$0x0], $0xffff  }
0x1a0: {  	vm1 =	vgt.f32 v42, v25;
	v17 =	vsel vm0, $0x4, v17;
	v21 =	vsel vm0, v42, v21  }
0x1a1: {  	v40 =	vsel vm1, v22, v17;
	v21 =	vsel vm1, v25, v21;
	v17 =	vor.u32 $0x26, v3  }
0x1a2: {  	v22 =	vsel vm1, $0x4, v22;
	v25 =	vsel vm1, v42, v25;
	vm0 =	vgt.f32 v41, v21;
	v42 =	vld.idx.msk [tilespmem:v13+s2+$0x0], $0xffff  }
0x1a3: {  	vm1 =	vgt.f32 v41, v25;
	v13 =	vsel vm0, $0x5, v40;
	v21 =	vsel vm0, v41, v21  }
0x1a4: {  	v13 =	vsel vm1, v22, v13;
	v40 =	vsel vm1, v25, v21;
	v25 =	vsel vm1, v41, v25  }
0x1a5: {  	v41 =	vsel vm1, $0x5, v22;
	v21 =	vor.u32 $0x27, v3;
	vm0 =	vgt.f32 v15, v40;
	v43 =	vld.idx.msk [tilespmem:v9+s2+$0x0], $0xffff  }
0x1a6: {  	vm1 =	vgt.f32 v15, v25;
	v9 =	vsel vm0, $0x6, v13;
	v13 =	vsel vm0, v15, v40  }
0x1a7: {  	v15 =	vsel vm1, v15, v25;
	v40 =	vsel vm1, v41, v9;
	v9 =	vsel vm1, v25, v13  }
0x1a8: {  	v22 =	vor.u32 $0x28, v3;
	v13 =	vor.u32 $0x29, v3;
	vm0 =	vgt.f32 v42, v9;
	v8 =	vld.idx.msk [tilespmem:v8+s2+$0x0], $0xffff  }
0x1a9: {  	vm2 =	vgt.f32 v42, v15;
	v25 =	vsel vm0, v42, v9;
	v9 =	vor.u32 $0x2A, v3  }
0x1aa: {  	v41 =	vsel vm1, $0x6, v41;
	v40 =	vsel vm0, $0x7, v40;
	v25 =	vsel vm2, v15, v25  }
0x1ab: {  	v44 =	vsel vm2, $0x7, v41;
	v15 =	vsel vm2, v42, v15;
	vm0 =	vgt.f32 v43, v25;
	v6 =	vld.idx.msk [tilespmem:v6+s2+$0x0], $0xffff  }
0x1ac: {  	v40 =	vsel vm2, v41, v40;
	vm1 =	vgt.f32 v43, v15;
	v25 =	vsel vm0, v43, v25  }
0x1ad: {  	v40 =	vsel vm0, $0x8, v40;
	v41 =	vsel vm1, $0x8, v44;
	v25 =	vsel vm1, v15, v25  }
0x1ae: {  	v40 =	vsel vm1, v44, v40;
	v15 =	vsel vm1, v43, v15;
	vm0 =	vgt.f32 v8, v25;
	v5 =	vld.idx.msk [tilespmem:v5+s2+$0x0], $0xffff  }
0x1af: {  	vm1 =	vgt.f32 v8, v15;
	v40 =	vsel vm0, $0x9, v40;
	v25 =	vsel vm0, v8, v25  }
0x1b0: {  	v8 =	vsel vm1, v8, v15;
	v40 =	vsel vm1, v41, v40;
	v42 =	vsel vm1, v15, v25  }
0x1b1: {  	v25 =	vor.u32 $0x2B, v3;
	v15 =	vor.u32 $0x2C, v3;
	vm0 =	vgt.f32 v6, v42;
	v43 =	vld.idx.msk [tilespmem:v10+s2+$0x0], $0xffff  }
0x1b2: {  	vm2 =	vgt.f32 v6, v8;
	v42 =	vsel vm0, v6, v42;
	v10 =	vor.u32 $0x2D, v3  }
0x1b3: {  	v44 =	vsel vm2, v6, v8;
	v42 =	vsel vm2, v8, v42;
	v8 =	vor.u32 $0x2E, v3  }
0x1b4: {  	v40 =	vsel vm0, $0xA, v40;
	v6 =	vor.u32 $0x2F, v3;
	vm0 =	vgt.f32 v5, v42;
	v16 =	vld.idx.msk [tilespmem:v16+s2+$0x0], $0xffff  }
0x1b5: {  	v41 =	vsel vm1, $0x9, v41;
	vm1 =	vgt.f32 v5, v44;
	v42 =	vsel vm0, v5, v42  }
0x1b6: {  	v45 =	vsel vm2, $0xA, v41;
	v5 =	vsel vm1, v5, v44;
	v42 =	vsel vm1, v44, v42  }
0x1b7: {  	v40 =	vsel vm2, v41, v40;
	v41 =	vsel vm1, $0xB, v45;
	vm2 =	vgt.f32 v43, v42;
	v44 =	vld.idx.msk [tilespmem:v14+s2+$0x0], $0xffff  }
0x1b8: {  	v14 =	vsel vm0, $0xB, v40;
	vm0 =	vgt.f32 v43, v5;
	v40 =	vsel vm2, v43, v42  }
0x1b9: {  	v14 =	vsel vm1, v45, v14;
	v40 =	vsel vm0, v5, v40;
	v42 =	vsel vm0, $0xC, v41  }
0x1ba: {  	v5 =	vsel vm0, v43, v5;
	v14 =	vsel vm2, $0xC, v14;
	vm1 =	vgt.f32 v16, v40;
	v43 =	vld.idx.msk [tilespmem:v11+s2+$0x0], $0xffff  }
0x1bb: {  	v11 =	vsel vm0, v41, v14;
	vm0 =	vgt.f32 v16, v5;
	v14 =	vsel vm1, v16, v40  }
0x1bc: {  	v11 =	vsel vm1, $0xD, v11;
	v40 =	vsel vm0, v5, v14;
	v14 =	vor.u32 $0x30, v3  }
0x1bd: {  	v5 =	vsel vm0, v16, v5;
	v11 =	vsel vm0, v42, v11;
	vm1 =	vgt.f32 v44, v40;
	v41 =	vld.idx.msk [tilespmem:v7+s2+$0x0], $0xffff  }
0x1be: {  	vm2 =	vgt.f32 v44, v5;
	v45 =	vsel vm1, $0xE, v11;
	v7 =	vsel vm1, v44, v40  }
0x1bf: {  	v16 =	vor.u32 $0x31, v3;
	v44 =	vsel vm2, v44, v5;
	v40 =	vsel vm2, v5, v7  }
0x1c0: {  	v11 =	vor.u32 $0x32, v3;
	v7 =	vor.u32 $0x33, v3;
	vm1 =	vgt.f32 v43, v40;
	v46 =	vld.idx.msk [tilespmem:v4+s2+$0x0], $0xffff  }
0x1c1: {  	v5 =	vor.u32 $0x34, v3;
	vm3 =	vgt.f32 v43, v44;
	v4 =	vsel vm1, v43, v40  }
0x1c2: {  	v40 =	vsel vm0, $0xD, v42;
	v42 =	vsel vm3, v44, v4;
	v4 =	vor.u32 $0x35, v3  }
0x1c3: {  	v43 =	vsel vm3, v43, v44;
	v47 =	vsel vm2, $0xE, v40;
	vm0 =	vgt.f32 v41, v42;
	v39 =	vld.idx.msk [tilespmem:v39+s2+$0x0], $0xffff  }
0x1c4: {  	v40 =	vsel vm2, v40, v45;
	vm2 =	vgt.f32 v41, v43;
	v42 =	vsel vm0, v41, v42  }
0x1c5: {  	v44 =	vsel vm3, $0xF, v47;
	v41 =	vsel vm2, v41, v43;
	v42 =	vsel vm2, v43, v42  }
0x1c6: {  	v40 =	vsel vm1, $0xF, v40;
	v43 =	vsel vm2, $0x10, v44;
	vm1 =	vgt.f32 v46, v42;
	v38 =	vld.idx.msk [tilespmem:v38+s2+$0x0], $0xffff  }
0x1c7: {  	v40 =	vsel vm3, v47, v40;
	vm3 =	vgt.f32 v46, v41;
	v42 =	vsel vm1, v46, v42  }
0x1c8: {  	v40 =	vsel vm0, $0x10, v40;
	v42 =	vsel vm3, v41, v42;
	v41 =	vsel vm3, v46, v41  }
0x1c9: {  	v40 =	vsel vm2, v44, v40;
	v44 =	vsel vm3, $0x11, v43;
	vm0 =	vgt.f32 v39, v42;
	v37 =	vld.idx.msk [tilespmem:v37+s2+$0x0], $0xffff  }
0x1ca: {  	v40 =	vsel vm1, $0x11, v40;
	vm1 =	vgt.f32 v39, v41;
	v42 =	vsel vm0, v39, v42  }
0x1cb: {  	v40 =	vsel vm3, v43, v40;
	v39 =	vsel vm1, v39, v41;
	v42 =	vsel vm1, v41, v42  }
0x1cc: {  	v40 =	vsel vm0, $0x12, v40;
	v41 =	vsel vm1, $0x12, v44;
	vm0 =	vgt.f32 v38, v42;
	v36 =	vld.idx.msk [tilespmem:v36+s2+$0x0], $0xffff  }
0x1cd: {  	v40 =	vsel vm1, v44, v40;
	vm1 =	vgt.f32 v38, v39;
	v42 =	vsel vm0, v38, v42  }
0x1ce: {  	v40 =	vsel vm0, $0x13, v40;
	v43 =	vsel vm1, $0x13, v41;
	v42 =	vsel vm1, v39, v42  }
0x1cf: {  	v38 =	vsel vm1, v38, v39;
	v40 =	vsel vm1, v41, v40;
	vm0 =	vgt.f32 v37, v42;
	v39 =	vld.idx.msk [tilespmem:v27+s2+$0x0], $0xffff  }
0x1d0: {  	vm1 =	vgt.f32 v37, v38;
	v27 =	vsel vm0, $0x14, v40;
	v40 =	vsel vm0, v37, v42  }
0x1d1: {  	v41 =	vsel vm1, v43, v27;
	v40 =	vsel vm1, v38, v40;
	v27 =	vor.u32 $0x36, v3  }
0x1d2: {  	v37 =	vsel vm1, v37, v38;
	vm0 =	vgt.f32 v36, v40;
	v38 =	vld.idx.msk [tilespmem:v24+s2+$0x0], $0xffff;
	v24 =	vor.u32 $0x37, v3  }
0x1d3: {  	vm2 =	vgt.f32 v36, v37;
	v41 =	vsel vm0, $0x15, v41;
	v40 =	vsel vm0, v36, v40  }
0x1d4: {  	v42 =	vsel vm1, $0x14, v43;
	v36 =	vsel vm2, v36, v37;
	v40 =	vsel vm2, v37, v40  }
0x1d5: {  	v37 =	vsel vm2, v42, v41;
	v41 =	vsel vm2, $0x15, v42;
	vm0 =	vgt.f32 v39, v40;
	v42 =	vld.idx.msk [tilespmem:v28+s2+$0x0], $0xffff  }
0x1d6: {  	vm1 =	vgt.f32 v39, v36;
	v28 =	vsel vm0, $0x16, v37;
	v37 =	vsel vm0, v39, v40  }
0x1d7: {  	v40 =	vsel vm1, v41, v28;
	v37 =	vsel vm1, v36, v37;
	v28 =	vor.u32 $0x38, v3  }
0x1d8: {  	v41 =	vsel vm1, $0x16, v41;
	v36 =	vsel vm1, v39, v36;
	vm0 =	vgt.f32 v38, v37;
	v39 =	vld.idx.msk [tilespmem:v29+s2+$0x0], $0xffff  }
0x1d9: {  	vm1 =	vgt.f32 v38, v36;
	v29 =	vsel vm0, $0x17, v40;
	v37 =	vsel vm0, v38, v37  }
0x1da: {  	v40 =	vsel vm1, v41, v29;
	v37 =	vsel vm1, v36, v37;
	v29 =	vor.u32 $0x39, v3  }
0x1db: {  	v41 =	vsel vm1, $0x17, v41;
	v36 =	vsel vm1, v38, v36;
	vm0 =	vgt.f32 v42, v37;
	v35 =	vld.idx.msk [tilespmem:v35+s2+$0x0], $0xffff  }
0x1dc: {  	vm1 =	vgt.f32 v42, v36;
	v38 =	vsel vm0, $0x18, v40;
	v37 =	vsel vm0, v42, v37  }
0x1dd: {  	v38 =	vsel vm1, v41, v38;
	v37 =	vsel vm1, v36, v37;
	v36 =	vsel vm1, v42, v36  }
0x1de: {  	v40 =	vsel vm1, $0x18, v41;
	vm0 =	vgt.f32 v39, v37;
	v41 =	vld.idx.msk [tilespmem:v31+s2+$0x0], $0xffff;
	v31 =	vor.u32 $0x3A, v3  }
0x1df: {  	vm1 =	vgt.f32 v39, v36;
	v38 =	vsel vm0, $0x19, v38;
	v37 =	vsel vm0, v39, v37  }
0x1e0: {  	v38 =	vsel vm1, v40, v38;
	v37 =	vsel vm1, v36, v37;
	v36 =	vsel vm1, v39, v36  }
0x1e1: {  	v39 =	vsel vm1, $0x19, v40;
	vm0 =	vgt.f32 v35, v37;
	v40 =	vld.idx.msk [tilespmem:v32+s2+$0x0], $0xffff;
	v32 =	vor.u32 $0x3B, v3  }
0x1e2: {  	vm1 =	vgt.f32 v35, v36;
	v38 =	vsel vm0, $0x1A, v38;
	v37 =	vsel vm0, v35, v37  }
0x1e3: {  	v35 =	vsel vm1, v35, v36;
	v38 =	vsel vm1, v39, v38;
	v37 =	vsel vm1, v36, v37  }
0x1e4: {  	v36 =	vsel vm1, $0x1A, v39;
	vm0 =	vgt.f32 v41, v37;
	v39 =	vld.idx.msk [tilespmem:v33+s2+$0x0], $0xffff;
	v33 =	vor.u32 $0x3C, v3  }
0x1e5: {  	vm1 =	vgt.f32 v41, v35;
	v38 =	vsel vm0, $0x1B, v38;
	v37 =	vsel vm0, v41, v37  }
0x1e6: {  	v41 =	vsel vm1, v41, v35;
	v38 =	vsel vm1, v36, v38;
	v37 =	vsel vm1, v35, v37  }
0x1e7: {  	v36 =	vsel vm1, $0x1B, v36;
	v35 =	vor.u32 $0x3D, v3;
	vm0 =	vgt.f32 v40, v37;
	v42 =	vld.idx.msk [tilespmem:v30+s2+$0x0], $0xffff  }
0x1e8: {  	vm1 =	vgt.f32 v40, v41;
	v30 =	vsel vm0, $0x1C, v38;
	v37 =	vsel vm0, v40, v37  }
0x1e9: {  	v38 =	vsel vm1, v36, v30;
	v37 =	vsel vm1, v41, v37;
	v30 =	vor.u32 $0x3E, v3  }
0x1ea: {  	v40 =	vsel vm1, v40, v41;
	v36 =	vsel vm1, $0x1C, v36;
	vm0 =	vgt.f32 v39, v37;
	v34 =	vld.idx.msk [tilespmem:v34+s2+$0x0], $0xffff  }
0x1eb: {  	vm1 =	vgt.f32 v39, v40;
	v38 =	vsel vm0, $0x1D, v38;
	v37 =	vsel vm0, v39, v37  }
0x1ec: {  	v3 =	vor.u32 $0x3F, v3;
	v38 =	vsel vm1, v36, v38;
	v37 =	vsel vm1, v40, v37  }
0x1ed: {  	v39 =	vsel vm1, v39, v40;
	v36 =	vsel vm1, $0x1D, v36;
	vm0 =	vgt.f32 v42, v37;
	v26 =	vld.idx.msk [tilespmem:v26+s2+$0x0], $0xffff  }
0x1ee: {  	vm1 =	vgt.f32 v42, v39;
	v38 =	vsel vm0, $0x1E, v38;
	v37 =	vsel vm0, v42, v37  }
0x1ef: {  	v38 =	vsel vm1, v36, v38;
	v37 =	vsel vm1, v39, v37;
	v36 =	vsel vm1, $0x1E, v36  }
0x1f0: {  	v39 =	vsel vm1, v42, v39;
	vm0 =	vgt.f32 v34, v37;
	v23 =	vld.idx.msk [tilespmem:v23+s2+$0x0], $0xffff  }
0x1f1: {  	vm1 =	vgt.f32 v34, v39;
	v38 =	vsel vm0, $0x1F, v38;
	v37 =	vsel vm0, v34, v37  }
0x1f2: {  	v38 =	vsel vm1, v36, v38;
	v37 =	vsel vm1, v39, v37  }
0x1f3: {  	v34 =	vsel vm1, v34, v39;
	v36 =	vsel vm1, $0x1F, v36;
	vm0 =	vgt.f32 v26, v37;
	v18 =	vld.idx.msk [tilespmem:v18+s2+$0x0], $0xffff  }
0x1f4: {  	vm1 =	vgt.f32 v26, v34;
	v38 =	vsel vm0, $0x20, v38;
	v37 =	vsel vm0, v26, v37  }
0x1f5: {  	v38 =	vsel vm1, v36, v38;
	v37 =	vsel vm1, v34, v37  }
0x1f6: {  	v26 =	vsel vm1, v26, v34;
	vm0 =	vgt.f32 v23, v37;
	v12 =	vld.idx.msk [tilespmem:v12+s2+$0x0], $0xffff  }
0x1f7: {  	v34 =	vsel vm1, $0x20, v36;
	vm1 =	vgt.f32 v23, v26;
	v36 =	vsel vm0, v23, v37  }
0x1f8: {  	v37 =	vsel vm0, $0x21, v38;
	v23 =	vsel vm1, v23, v26;
	v36 =	vsel vm1, v26, v36  }
0x1f9: {  	v26 =	vsel vm1, v34, v37;
	v34 =	vsel vm1, $0x21, v34;
	vm0 =	vgt.f32 v18, v36;
	v19 =	vld.idx.msk [tilespmem:v19+s2+$0x0], $0xffff  }
0x1fa: {  	vm1 =	vgt.f32 v18, v23;
	v26 =	vsel vm0, $0x22, v26;
	v36 =	vsel vm0, v18, v36  }
0x1fb: {  	v18 =	vsel vm1, v18, v23;
	v26 =	vsel vm1, v34, v26;
	v36 =	vsel vm1, v23, v36  }
0x1fc: {  	v23 =	vsel vm1, $0x22, v34;
	vm0 =	vgt.f32 v12, v36;
	v20 =	vld.idx.msk [tilespmem:v20+s2+$0x0], $0xffff  }
0x1fd: {  	vm1 =	vgt.f32 v12, v18;
	v26 =	vsel vm0, $0x23, v26;
	v34 =	vsel vm0, v12, v36  }
0x1fe: {  	v12 =	vsel vm1, v12, v18;
	v26 =	vsel vm1, v23, v26;
	v34 =	vsel vm1, v18, v34  }
0x1ff: {  	v18 =	vsel vm1, $0x23, v23;
	vm0 =	vgt.f32 v19, v34;
	v17 =	vld.idx.msk [tilespmem:v17+s2+$0x0], $0xffff  }
0x200: {  	vm1 =	vgt.f32 v19, v12;
	v23 =	vsel vm0, $0x24, v26;
	v26 =	vsel vm0, v19, v34  }
0x201: {  	v23 =	vsel vm1, v18, v23;
	v26 =	vsel vm1, v12, v26  }
0x202: {  	v18 =	vsel vm1, $0x24, v18;
	v12 =	vsel vm1, v19, v12;
	vm0 =	vgt.f32 v20, v26;
	v19 =	vld.idx.msk [tilespmem:v21+s2+$0x0], $0xffff  }
0x203: {  	vm1 =	vgt.f32 v20, v12;
	v21 =	vsel vm0, $0x25, v23;
	v23 =	vsel vm0, v20, v26  }
0x204: {  	v21 =	vsel vm1, v18, v21;
	v23 =	vsel vm1, v12, v23;
	v18 =	vsel vm1, $0x25, v18  }
0x205: {  	v12 =	vsel vm1, v20, v12;
	vm0 =	vgt.f32 v17, v23;
	v20 =	vld.idx.msk [tilespmem:v22+s2+$0x0], $0xffff  }
0x206: {  	vm1 =	vgt.f32 v17, v12;
	v21 =	vsel vm0, $0x26, v21;
	v22 =	vsel vm0, v17, v23  }
0x207: {  	v21 =	vsel vm1, v18, v21;
	v22 =	vsel vm1, v12, v22  }
0x208: {  	v18 =	vsel vm1, $0x26, v18;
	v12 =	vsel vm1, v17, v12;
	vm0 =	vgt.f32 v19, v22;
	v13 =	vld.idx.msk [tilespmem:v13+s2+$0x0], $0xffff  }
0x209: {  	vm1 =	vgt.f32 v19, v12;
	v17 =	vsel vm0, $0x27, v21;
	v21 =	vsel vm0, v19, v22  }
0x20a: {  	v17 =	vsel vm1, v18, v17;
	v21 =	vsel vm1, v12, v21  }
0x20b: {  	v12 =	vsel vm1, v19, v12;
	vm0 =	vgt.f32 v20, v21;
	v9 =	vld.idx.msk [tilespmem:v9+s2+$0x0], $0xffff  }
0x20c: {  	vm2 =	vgt.f32 v20, v12;
	v17 =	vsel vm0, $0x28, v17;
	v19 =	vsel vm0, v20, v21  }
0x20d: {  	v18 =	vsel vm1, $0x27, v18;
	v19 =	vsel vm2, v12, v19;
	v12 =	vsel vm2, v20, v12  }
0x20e: {  	v17 =	vsel vm2, v18, v17;
	vm0 =	vgt.f32 v13, v19;
	v20 =	vld.idx.msk [tilespmem:v25+s2+$0x0], $0xffff  }
0x20f: {  	vm1 =	vgt.f32 v13, v12;
	v17 =	vsel vm0, $0x29, v17;
	v19 =	vsel vm0, v13, v19  }
0x210: {  	v18 =	vsel vm2, $0x28, v18;
	v19 =	vsel vm1, v12, v19;
	v12 =	vsel vm1, v13, v12  }
0x211: {  	v13 =	vsel vm1, v18, v17;
	v17 =	vsel vm1, $0x29, v18;
	vm0 =	vgt.f32 v9, v19;
	v15 =	vld.idx.msk [tilespmem:v15+s2+$0x0], $0xffff  }
0x212: {  	vm1 =	vgt.f32 v9, v12;
	v13 =	vsel vm0, $0x2A, v13;
	v18 =	vsel vm0, v9, v19  }
0x213: {  	v13 =	vsel vm1, v17, v13;
	v18 =	vsel vm1, v12, v18;
	v17 =	vsel vm1, $0x2A, v17  }
0x214: {  	v9 =	vsel vm1, v9, v12;
	vm0 =	vgt.f32 v20, v18;
	v10 =	vld.idx.msk [tilespmem:v10+s2+$0x0], $0xffff  }
0x215: {  	vm1 =	vgt.f32 v20, v9;
	v12 =	vsel vm0, $0x2B, v13;
	v13 =	vsel vm0, v20, v18  }
0x216: {  	v12 =	vsel vm1, v17, v12;
	v13 =	vsel vm1, v9, v13;
	v17 =	vsel vm1, $0x2B, v17  }
0x217: {  	v9 =	vsel vm1, v20, v9;
	vm0 =	vgt.f32 v15, v13;
	v8 =	vld.idx.msk [tilespmem:v8+s2+$0x0], $0xffff  }
0x218: {  	vm1 =	vgt.f32 v15, v9;
	v12 =	vsel vm0, $0x2C, v12;
	v13 =	vsel vm0, v15, v13  }
0x219: {  	v12 =	vsel vm1, v17, v12;
	v13 =	vsel vm1, v9, v13;
	v9 =	vsel vm1, v15, v9  }
0x21a: {  	v15 =	vsel vm1, $0x2C, v17;
	vm0 =	vgt.f32 v10, v13;
	v6 =	vld.idx.msk [tilespmem:v6+s2+$0x0], $0xffff  }
0x21b: {  	vm1 =	vgt.f32 v10, v9;
	v12 =	vsel vm0, $0x2D, v12;
	v13 =	vsel vm0, v10, v13  }
0x21c: {  	v12 =	vsel vm1, v15, v12;
	v13 =	vsel vm1, v9, v13  }
0x21d: {  	v15 =	vsel vm1, $0x2D, v15;
	v9 =	vsel vm1, v10, v9;
	vm0 =	vgt.f32 v8, v13;
	v10 =	vld.idx.msk [tilespmem:v14+s2+$0x0], $0xffff  }
0x21e: {  	vm1 =	vgt.f32 v8, v9;
	v12 =	vsel vm0, $0x2E, v12;
	v13 =	vsel vm0, v8, v13  }
0x21f: {  	v14 =	vsel vm1, $0x2E, v15;
	v12 =	vsel vm1, v15, v12;
	v13 =	vsel vm1, v9, v13  }
0x220: {  	v8 =	vsel vm1, v8, v9;
	vm0 =	vgt.f32 v6, v13;
	v9 =	vld.idx.msk [tilespmem:v16+s2+$0x0], $0xffff  }
0x221: {  	vm1 =	vgt.f32 v6, v8;
	v12 =	vsel vm0, $0x2F, v12;
	v13 =	vsel vm0, v6, v13  }
0x222: {  	v12 =	vsel vm1, v14, v12;
	v13 =	vsel vm1, v8, v13  }
0x223: {  	v6 =	vsel vm1, v6, v8;
	v14 =	vsel vm1, $0x2F, v14;
	vm0 =	vgt.f32 v10, v13;
	v8 =	vld.idx.msk [tilespmem:v11+s2+$0x0], $0xffff  }
0x224: {  	vm1 =	vgt.f32 v10, v6;
	v11 =	vsel vm0, $0x30, v12;
	v12 =	vsel vm0, v10, v13  }
0x225: {  	v11 =	vsel vm1, v14, v11;
	v12 =	vsel vm1, v6, v12  }
0x226: {  	v13 =	vsel vm1, $0x30, v14;
	v6 =	vsel vm1, v10, v6;
	vm0 =	vgt.f32 v9, v12;
	v7 =	vld.idx.msk [tilespmem:v7+s2+$0x0], $0xffff  }
0x227: {  	vm1 =	vgt.f32 v9, v6;
	v10 =	vsel vm0, $0x31, v11;
	v11 =	vsel vm0, v9, v12  }
0x228: {  	v12 =	vsel vm1, $0x31, v13;
	v10 =	vsel vm1, v13, v10;
	v11 =	vsel vm1, v6, v11  }
0x229: {  	v6 =	vsel vm1, v9, v6;
	vm0 =	vgt.f32 v8, v11;
	v5 =	vld.idx.msk [tilespmem:v5+s2+$0x0], $0xffff  }
0x22a: {  	vm1 =	vgt.f32 v8, v6;
	v9 =	vsel vm0, $0x32, v10;
	v10 =	vsel vm0, v8, v11  }
0x22b: {  	v9 =	vsel vm1, v12, v9;
	v10 =	vsel vm1, v6, v10  }
0x22c: {  	v11 =	vsel vm1, $0x32, v12;
	v6 =	vsel vm1, v8, v6;
	vm0 =	vgt.f32 v7, v10;
	v4 =	vld.idx.msk [tilespmem:v4+s2+$0x0], $0xffff  }
0x22d: {  	vm1 =	vgt.f32 v7, v6;
	v8 =	vsel vm0, $0x33, v9;
	v9 =	vsel vm0, v7, v10  }
0x22e: {  	v8 =	vsel vm1, v11, v8;
	v9 =	vsel vm1, v6, v9;
	v6 =	vsel vm1, v7, v6  }
0x22f: {  	v7 =	vsel vm1, $0x33, v11;
	vm0 =	vgt.f32 v5, v9;
	v10 =	vld.idx.msk [tilespmem:v27+s2+$0x0], $0xffff  }
0x230: {  	vm1 =	vgt.f32 v5, v6;
	v8 =	vsel vm0, $0x34, v8;
	v9 =	vsel vm0, v5, v9  }
0x231: {  	v5 =	vsel vm1, v5, v6;
	v8 =	vsel vm1, v7, v8;
	v9 =	vsel vm1, v6, v9  }
0x232: {  	v6 =	vsel vm1, $0x34, v7;
	vm0 =	vgt.f32 v4, v9;
	v7 =	vld.idx.msk [tilespmem:v24+s2+$0x0], $0xffff  }
0x233: {  	vm1 =	vgt.f32 v4, v5;
	v8 =	vsel vm0, $0x35, v8;
	v9 =	vsel vm0, v4, v9  }
0x234: {  	v4 =	vsel vm1, v4, v5;
	v8 =	vsel vm1, v6, v8;
	v9 =	vsel vm1, v5, v9  }
0x235: {  	v5 =	vsel vm1, $0x35, v6;
	vm0 =	vgt.f32 v10, v9;
	v6 =	vld.idx.msk [tilespmem:v28+s2+$0x0], $0xffff  }
0x236: {  	vm1 =	vgt.f32 v10, v4;
	v8 =	vsel vm0, $0x36, v8;
	v9 =	vsel vm0, v10, v9  }
0x237: {  	v8 =	vsel vm1, v5, v8;
	v9 =	vsel vm1, v4, v9;
	v4 =	vsel vm1, v10, v4  }
0x238: {  	vm0 =	vgt.f32 v7, v9;
	v10 =	vld.idx.msk [tilespmem:v29+s2+$0x0], $0xffff  }
0x239: {  	vm2 =	vgt.f32 v7, v4;
	v8 =	vsel vm0, $0x37, v8;
	v9 =	vsel vm0, v7, v9  }
0x23a: {  	v5 =	vsel vm1, $0x36, v5;
	v9 =	vsel vm2, v4, v9;
	v4 =	vsel vm2, v7, v4  }
0x23b: {  	v7 =	vsel vm2, v5, v8;
	v5 =	vsel vm2, $0x37, v5;
	vm0 =	vgt.f32 v6, v9;
	v8 =	vld.idx.msk [tilespmem:v31+s2+$0x0], $0xffff  }
0x23c: {  	vm1 =	vgt.f32 v6, v4;
	v7 =	vsel vm0, $0x38, v7;
	v9 =	vsel vm0, v6, v9  }
0x23d: {  	v7 =	vsel vm1, v5, v7;
	v9 =	vsel vm1, v4, v9;
	v4 =	vsel vm1, v6, v4  }
0x23e: {  	v5 =	vsel vm1, $0x38, v5;
	vm0 =	vgt.f32 v10, v9;
	v6 =	vld.idx.msk [tilespmem:v32+s2+$0x0], $0xffff  }
0x23f: {  	vm1 =	vgt.f32 v10, v4;
	v7 =	vsel vm0, $0x39, v7;
	v9 =	vsel vm0, v10, v9  }
0x240: {  	v7 =	vsel vm1, v5, v7;
	v9 =	vsel vm1, v4, v9;
	v4 =	vsel vm1, v10, v4  }
0x241: {  	v5 =	vsel vm1, $0x39, v5;
	vm0 =	vgt.f32 v8, v9;
	v10 =	vld.idx.msk [tilespmem:v33+s2+$0x0], $0xffff  }
0x242: {  	vm1 =	vgt.f32 v8, v4;
	v7 =	vsel vm0, $0x3A, v7;
	v9 =	vsel vm0, v8, v9  }
0x243: {  	v7 =	vsel vm1, v5, v7;
	v9 =	vsel vm1, v4, v9;
	v4 =	vsel vm1, v8, v4  }
0x244: {  	v5 =	vsel vm1, $0x3A, v5;
	vm0 =	vgt.f32 v6, v9;
	v8 =	vld.idx.msk [tilespmem:v35+s2+$0x0], $0xffff  }
0x245: {  	vm1 =	vgt.f32 v6, v4;
	v7 =	vsel vm0, $0x3B, v7;
	v9 =	vsel vm0, v6, v9  }
0x246: {  	v7 =	vsel vm1, v5, v7;
	v9 =	vsel vm1, v4, v9;
	v4 =	vsel vm1, v6, v4  }
0x247: {  	v5 =	vsel vm1, $0x3B, v5;
	vm0 =	vgt.f32 v10, v9;
	v6 =	vld.idx.msk [tilespmem:v30+s2+$0x0], $0xffff  }
0x248: {  	vm1 =	vgt.f32 v10, v4;
	v7 =	vsel vm0, $0x3C, v7;
	v9 =	vsel vm0, v10, v9  }
0x249: {  	v7 =	vsel vm1, v5, v7;
	v9 =	vsel vm1, v4, v9;
	v4 =	vsel vm1, v10, v4  }
0x24a: {  	v5 =	vsel vm1, $0x3C, v5;
	vm0 =	vgt.f32 v8, v9;
	v3 =	vld.idx.msk [tilespmem:v3+s2+$0x0], $0xffff  }
0x24b: {  	vm1 =	vgt.f32 v8, v4;
	v7 =	vsel vm0, $0x3D, v7;
	v9 =	vsel vm0, v8, v9  }
0x24c: {  	v7 =	vsel vm1, v5, v7;
	v9 =	vsel vm1, v4, v9;
	v4 =	vsel vm1, v8, v4  }
0x24d: {  	v5 =	vsel vm1, $0x3D, v5;
	v8 =	vshll.u32 v2, $0x1;
	vm0 =	vgt.f32 v6, v9  }
0x24e: {  	vm1 =	vgt.f32 v6, v4;
	v2 =	vsel vm0, $0x3E, v7;
	v7 =	vsel vm0, v6, v9  }
0x24f: {  	v6 =	vsel vm1, v6, v4;
	v7 =	vsel vm1, v4, v7;
	v4 =	vor.u32 $0x1, v8  }
0x250: {  	v2 =	vsel vm1, v5, v2;
	v5 =	vsel vm1, $0x3E, v5;
	vm0 =	vgt.f32 v3, v7  }
0x251: {  	vm1 =	vgt.f32 v3, v6;
	v2 =	vsel vm0, $0x3F, v2;
	v7 =	vsel vm0, v3, v7  }
0x252: {  	v9 =	vsel vm1, $0x3F, v5;
	v3 =	vsel vm1, v3, v6;
	v7 =	vsel vm1, v6, v7  }
0x253: {  	v2 =	vsel vm1, v5, v2;
	v3 =	vsub.f32 v7, v3;
	[tilespmem:v8+s8+$0x0] =	vst.idx.msk $0xffff, v9  }
0x254: {  	[tilespmem:v4+s8+$0x0] =	vst.idx.msk $0xffff, v2  }
0x255: {  	v2 =	vmul.f32 $1.442695020e+00, v3;
	_ =	sdelay $0x1  }
0x256: {  	(erf) = vpow2.f32 v2;
	_ =	sdelay $0x8  }
0x257: {  	v5 =	vpop (erf)  }
0x258: {  	v2 =	vadd.f32 $1.000000000e+00, v5;
	_ =	sdelay $0x1  }
0x259: {  	(erf) = vrcp.f32 v2;
	_ =	sdelay $0x5  }
0x25a: {  	v2 =	vor.u32 s12, v0  }
.Ltmp0:
0x25b: {  	v3 =	vshll.u32 v2, $0x6;
	(pc) =	sbr.rel @p0 .LBB2_2-.Ltmp0, $4  }
0x25c: {  	v7 =	vor.u32 $0x1, v3;
	v18 =	vor.u32 $0x2, v3;
	v12 =	vor.u32 $0x3, v3  }
0x25d: {  	v19 =	vor.u32 $0x4, v3;
	v17 =	vor.u32 $0x5, v3;
	v15 =	vor.u32 $0x6, v3;
	v6 =	vpop (erf)  }
0x25e: {  	v13 =	vor.u32 $0x7, v3;
	v9 =	vor.u32 $0x8, v3;
	[tilespmem:v8+s9+$0x0] =	vst.idx.msk $0xffff, v6;
	v11 =	vmul.f32 v6, v5  }
0x25f: {  	v8 =	vor.u32 $0x9, v3;
	v6 =	vor.u32 $0xA, v3;
	v5 =	vor.u32 $0xB, v3  }
0x260: {  	_ =	sdelay $0x3  }
0x261: {  	[tilespmem:v4+s9+$0x0] =	vst.idx.msk $0xffff, v11  }
0x262: {  	v4 =	vld.idx.msk [tilespmem:v7+s2+$0x0], $0xffff  }
0x263: {  	v52 =	vld.idx.msk [tilespmem:v3+s2+$0x0], $0xffff  }
0x264: {  	v53 =	vimm.s32 $0x0;
	v57 =	vimm.s32 $0x0;
	v59 =	vimm.s32 $0x0  }
0x265: {  	v61 =	vimm.s32 $0x0;
	v63 =	vimm.s32 $0x0;
	v14 =	vimm.s32 $0x0  }
0x266: {  	v20 =	vimm.s32 $0x0;
	v22 =	vor.u32 $0xE, v3;
	v23 =	vimm.s32 $0x0;
	v10 =	vld.idx.msk [tilespmem:v18+s2+$0x0], $0xffff  }
0x267: {  	v25 =	vor.u32 $0xF, v3;
	vm0 =	vlt.f32 v4, $-Inf;
	vm1 =	vgt.f32 v4, $-Inf  }
0x268: {  	v26 =	vimm.s32 $0x0;
	vm2 =	vgt.f32 v4, v52;
	vm15 =	vmor vm1, vm0  }
0x269: {  	v28 =	vor.u32 $0x10, v3;
	v54 =	vld.idx.msk [tilespmem:v12+s2+$0x0], $0xffff;
	vm1 =	vmneg vm2;
	v55 =	vnsel vm15, $0xFF800000, v4  }
0x26a: {  	v29 =	vimm.s32 $0x0;
	v31 =	vor.u32 $0x11, v3;
	v12 =	vsel vm1, v55, v52  }
0x26b: {  	v32 =	vimm.s32 $0x0;
	v4 =	vsel vm1, v52, v4;
	vm3 =	vgt.f32 v10, v12  }
0x26c: {  	v35 =	vor.u32 $0x12, v3;
	v56 =	vld.idx.msk [tilespmem:v19+s2+$0x0], $0xffff;
	vm4 =	vgt.f32 v10, v4;
	v12 =	vsel vm3, v10, v12  }
0x26d: {  	v37 =	vimm.s32 $0x0;
	v39 =	vor.u32 $0x13, v3;
	v12 =	vsel vm4, v4, v12  }
0x26e: {  	v40 =	vimm.s32 $0x0;
	v4 =	vsel vm4, v10, v4;
	vm10 =	vgt.f32 v54, v12  }
0x26f: {  	v43 =	vor.u32 $0x14, v3;
	v58 =	vld.idx.msk [tilespmem:v17+s2+$0x0], $0xffff;
	vm5 =	vgt.f32 v54, v4;
	v12 =	vsel vm10, v54, v12  }
0x270: {  	v44 =	vimm.s32 $0x0;
	v47 =	vor.u32 $0x15, v3;
	v12 =	vsel vm5, v4, v12  }
0x271: {  	v48 =	vimm.s32 $0x0;
	v4 =	vsel vm5, v54, v4;
	vm11 =	vgt.f32 v56, v12  }
0x272: {  	v51 =	vor.u32 $0x16, v3;
	v60 =	vld.idx.msk [tilespmem:v15+s2+$0x0], $0xffff;
	vm6 =	vgt.f32 v56, v4;
	v12 =	vsel vm11, v56, v12  }
0x273: {  	v15 =	vimm.s32 $0x0;
	v17 =	vor.u32 $0xC, v3;
	v12 =	vsel vm6, v4, v12  }
0x274: {  	v18 =	vimm.s32 $0x0;
	v4 =	vsel vm6, v56, v4;
	vm12 =	vgt.f32 v58, v12  }
0x275: {  	v62 =	vld.idx.msk [tilespmem:v13+s2+$0x0], $0xffff;
	v19 =	vor.u32 $0xD, v3;
	vm7 =	vgt.f32 v58, v4;
	v12 =	vsel vm12, v58, v12  }
0x276: {  	v30 =	vld.idx.msk [tilespmem:v25+s2+$0x0], $0xffff;
	v25 =	vor.u32 $0x1B, v3;
	v11 =	vsel vm2, $0xFFFFFFFF, v53;
	v12 =	vsel vm7, v4, v12  }
0x277: {  	v9 =	vld.idx.msk [tilespmem:v9+s2+$0x0], $0xffff;
	v10 =	vsel vm10, $0xFFFFFFFF, v57;
	v4 =	vsel vm7, v58, v4;
	vm13 =	vgt.f32 v60, v12  }
0x278: {  	v42 =	vld.idx.msk [tilespmem:v35+s2+$0x0], $0xffff;
	[tilespmem:$0x1F880] =	vst v10;
	vm2 =	vgt.f32 v60, v4;
	v10 =	vsel vm13, $0xFFFFFFFF, v63;
	v13 =	vsel vm13, v60, v12  }
0x279: {  	v46 =	vld.idx.msk [tilespmem:v39+s2+$0x0], $0xffff;
	v35 =	vor.u32 $0x1D, v3;
	v39 =	vor.u32 $0x1E, v3;
	[tilespmem:$0x1F8B0] =	vst v10;
	v10 =	vsel vm2, v4, v13  }
0x27a: {  	vm1 =	vmand vm1, vm15;
	v4 =	vsel vm2, v60, v4;
	vm14 =	vgt.f32 v62, v10  }
0x27b: {  	v8 =	vld.idx.msk [tilespmem:v8+s2+$0x0], $0xffff;
	v52 =	vimm.s32 $0x0;
	vm8 =	vgt.f32 v62, v4;
	v10 =	vsel vm14, v62, v10  }
0x27c: {  	v6 =	vld.idx.msk [tilespmem:v6+s2+$0x0], $0xffff;
	v55 =	vor.u32 $0x17, v3;
	v34 =	vsel vm1, $0x1, v1;
	v10 =	vsel vm8, v4, v10  }
0x27d: {  	v50 =	vld.idx.msk [tilespmem:v43+s2+$0x0], $0xffff;
	v7 =	vsel vm12, $0xFFFFFFFF, v61;
	v4 =	vsel vm8, v62, v4;
	vm9 =	vgt.f32 v9, v10  }
0x27e: {  	v43 =	vld.idx.msk [tilespmem:v35+s2+$0x0], $0xffff;
	[tilespmem:$0x1F8A0] =	vst v7;
	v7 =	vsel vm9, $0xFFFFFFFF, v15;
	v16 =	vsel vm9, v9, v10;
	vm9 =	vgt.f32 v9, v4  }
0x27f: {  	v35 =	vimm.s32 $0x0;
	v38 =	vsel vm3, $0x2, v34;
	v54 =	vld.idx.msk [tilespmem:v47+s2+$0x0], $0xffff;
	[tilespmem:$0x1F8D0] =	vst v7;
	v7 =	vsel vm9, v4, v16  }
0x280: {  	v47 =	vld.idx.msk [tilespmem:v39+s2+$0x0], $0xffff;
	v39 =	vimm.s32 $0x0;
	v4 =	vsel vm9, v9, v4;
	vm10 =	vgt.f32 v8, v7  }
0x281: {  	v5 =	vld.idx.msk [tilespmem:v5+s2+$0x0], $0xffff;
	v9 =	vsel vm10, $0xFFFFFFFF, v18;
	v7 =	vsel vm10, v8, v7;
	vm10 =	vgt.f32 v8, v4  }
0x282: {  	[tilespmem:$0x1F870] =	vst v11;
	v11 =	vsel vm11, $0xFFFFFFFF, v59;
	v59 =	vor.u32 $0x18, v3;
	v7 =	vsel vm10, v4, v7  }
0x283: {  	[tilespmem:$0x1F890] =	vst v11;
	v11 =	vsel vm14, $0xFFFFFFFF, v14;
	v4 =	vsel vm10, v8, v4;
	vm11 =	vgt.f32 v6, v7  }
0x284: {  	v21 =	vld.idx.msk [tilespmem:v17+s2+$0x0], $0xffff;
	v8 =	vsel vm11, $0xFFFFFFFF, v20;
	v7 =	vsel vm11, v6, v7;
	vm11 =	vgt.f32 v6, v4  }
0x285: {  	v56 =	vimm.s32 $0x0;
	v61 =	vimm.s32 $0x0;
	v63 =	vld.idx.msk [tilespmem:v55+s2+$0x0], $0xffff;
	[tilespmem:$0x1F8C0] =	vst v11;
	v7 =	vsel vm11, v4, v7  }
0x286: {  	v55 =	vimm.s32 $0x0;
	v57 =	vld [tilespmem:$0x1F8C0];
	v4 =	vsel vm11, v6, v4;
	vm12 =	vgt.f32 v5, v7  }
0x287: {  	v24 =	vld.idx.msk [tilespmem:v19+s2+$0x0], $0xffff;
	v6 =	vsel vm12, $0xFFFFFFFF, v23;
	v7 =	vsel vm12, v5, v7;
	vm12 =	vgt.f32 v5, v4  }
0x288: {  	v14 =	vimm.s32 $0x0;
	v16 =	vor.u32 $0x19, v3;
	v7 =	vsel vm12, v4, v7  }
0x289: {  	v18 =	vimm.s32 $0x0;
	v4 =	vsel vm12, v5, v4;
	vm13 =	vgt.f32 v21, v7  }
0x28a: {  	v27 =	vld.idx.msk [tilespmem:v22+s2+$0x0], $0xffff;
	v5 =	vsel vm13, $0xFFFFFFFF, v26;
	v7 =	vsel vm13, v21, v7;
	vm13 =	vgt.f32 v21, v4  }
0x28b: {  	v36 =	vld [tilespmem:$0x1F870];
	vm1 =	vnez.u8 v57;
	v57 =	vor.u32 $0x22, v3;
	v7 =	vsel vm13, v4, v7  }
0x28c: {  	v20 =	vld.idx.msk [tilespmem:v59+s2+$0x0], $0xffff;
	v59 =	vimm.s32 $0x0;
	v4 =	vsel vm13, v21, v4;
	vm14 =	vgt.f32 v24, v7  }
0x28d: {  	[tilespmem:$0x1F8F0] =	vst v8;
	v8 =	vsel vm14, $0xFFFFFFFF, v29;
	v7 =	vsel vm14, v24, v7;
	vm14 =	vgt.f32 v24, v4  }
0x28e: {  	v23 =	vimm.s32 $0x0;
	v7 =	vsel vm14, v4, v7;
	v4 =	vsel vm14, v24, v4  }
0x28f: {  	v21 =	vor.u32 $0x1A, v3;
	vm0 =	vgt.f32 v27, v7;
	vm15 =	vgt.f32 v27, v4  }
0x290: {  	v41 =	vld [tilespmem:$0x1F880];
	[tilespmem:$0x1F900] =	vst v6;
	v6 =	vsel vm0, $0xFFFFFFFF, v32;
	v7 =	vsel vm0, v27, v7;
	vm0 =	vnez.u8 v36  }
0x291: {  	v33 =	vld.idx.msk [tilespmem:v28+s2+$0x0], $0xffff;
	v32 =	vimm.s32 $0x0;
	v7 =	vsel vm15, v4, v7;
	v12 =	vsel vm0, $0x1, v1  }
0x292: {  	v4 =	vsel vm15, v27, v4;
	v27 =	vimm.s32 $0x0;
	vm0 =	vgt.f32 v30, v7  }
0x293: {  	[tilespmem:$0x1F910] =	vst v5;
	vm3 =	vgt.f32 v30, v4;
	v5 =	vsel vm0, $0xFFFFFFFF, v37;
	v7 =	vsel vm0, v30, v7  }
0x294: {  	v45 =	vld [tilespmem:$0x1F890];
	v37 =	vimm.s32 $0x0;
	[tilespmem:$0x1F940] =	vst v5;
	v5 =	vsel vm4, v12, v38;
	v7 =	vsel vm3, v4, v7  }
0x295: {  	[tilespmem:$0x1F8E0] =	vst v9;
	v9 =	vld.idx.msk [tilespmem:v31+s2+$0x0], $0xffff;
	v12 =	vsel vm4, $0x2, v12;
	v4 =	vsel vm3, v30, v4;
	vm4 =	vnez.u8 v41  }
0x296: {  	v30 =	vor.u32 $0x1C, v3;
	v41 =	vimm.s32 $0x0;
	vm0 =	vgt.f32 v33, v7  }
0x297: {  	v49 =	vld [tilespmem:$0x1F8A0];
	[tilespmem:$0x1F920] =	vst v8;
	v5 =	vsel vm4, $0x3, v5;
	vm4 =	vgt.f32 v33, v4;
	v8 =	vsel vm0, $0xFFFFFFFF, v40  }
0x298: {  	v7 =	vsel vm0, v33, v7;
	v5 =	vsel vm5, v12, v5;
	v12 =	vsel vm5, $0x3, v12  }
0x299: {  	vm5 =	vnez.u8 v45;
	v45 =	vimm.s32 $0x0;
	v7 =	vsel vm4, v4, v7  }
0x29a: {  	v53 =	vld [tilespmem:$0x1F8B0];
	v4 =	vsel vm4, v33, v4;
	v5 =	vsel vm5, $0x4, v5;
	vm0 =	vgt.f32 v9, v7  }
0x29b: {  	vm5 =	vgt.f32 v9, v4;
	v5 =	vsel vm6, v12, v5;
	v12 =	vsel vm6, $0x4, v12  }
0x29c: {  	[tilespmem:$0x1F930] =	vst v6;
	vm6 =	vnez.u8 v49;
	v6 =	vsel vm0, $0xFFFFFFFF, v44;
	v7 =	vsel vm0, v9, v7  }
0x29d: {  	v5 =	vsel vm6, $0x5, v5;
	v44 =	vor.u32 $0x1F, v3;
	v7 =	vsel vm5, v4, v7  }
0x29e: {  	v4 =	vsel vm5, v9, v4;
	v5 =	vsel vm7, v12, v5;
	v12 =	vsel vm7, $0x5, v12  }
0x29f: {  	v62 =	vld [tilespmem:$0x1F8D0];
	vm7 =	vnez.u8 v53;
	v53 =	vor.u32 $0x21, v3;
	vm0 =	vgt.f32 v42, v7  }
0x2a0: {  	vm6 =	vgt.f32 v42, v4;
	v5 =	vsel vm7, $0x6, v5;
	v9 =	vsel vm0, $0xFFFFFFFF, v48  }
0x2a1: {  	v7 =	vsel vm0, v42, v7;
	v5 =	vsel vm2, v12, v5;
	v12 =	vsel vm2, $0x6, v12  }
0x2a2: {  	v48 =	vor.u32 $0x20, v3;
	v7 =	vsel vm6, v4, v7;
	v4 =	vsel vm6, v42, v4  }
0x2a3: {  	v19 =	vld [tilespmem:$0x1F8E0];
	v5 =	vsel vm1, $0x7, v5;
	v60 =	vsel vm8, $0x7, v12;
	vm0 =	vgt.f32 v46, v7  }
0x2a4: {  	vm7 =	vgt.f32 v46, v4;
	v5 =	vsel vm8, v12, v5;
	vm8 =	vnez.u8 v62  }
0x2a5: {  	[tilespmem:$0x1F950] =	vst v8;
	v17 =	vsel vm9, $0x8, v60;
	v62 =	vor.u32 $0x23, v3;
	v8 =	vsel vm0, $0xFFFFFFFF, v52  }
0x2a6: {  	v7 =	vsel vm0, v46, v7;
	v5 =	vsel vm8, $0x8, v5;
	v24 =	vsel vm10, $0x9, v17  }
0x2a7: {  	v7 =	vsel vm7, v4, v7;
	v4 =	vsel vm7, v46, v4;
	v5 =	vsel vm9, v60, v5  }
0x2a8: {  	vm9 =	vnez.u8 v19;
	v26 =	vsel vm11, $0xA, v24;
	v19 =	vimm.s32 $0x0  }
0x2a9: {  	vm0 =	vgt.f32 v50, v7;
	vm1 =	vgt.f32 v50, v4;
	v5 =	vsel vm9, $0x9, v5  }
0x2aa: {  	[tilespmem:$0x1F960] =	vst v6;
	v31 =	vsel vm12, $0xB, v26;
	v6 =	vsel vm0, $0xFFFFFFFF, v56;
	v7 =	vsel vm0, v50, v7  }
0x2ab: {  	v58 =	vld.idx.msk [tilespmem:v51+s2+$0x0], $0xffff;
	v5 =	vsel vm10, v17, v5;
	v36 =	vsel vm13, $0xC, v31;
	v17 =	vor.u32 $0x24, v3  }
0x2ac: {  	v7 =	vsel vm1, v4, v7;
	v4 =	vsel vm1, v50, v4;
	v42 =	vsel vm14, $0xD, v36  }
0x2ad: {  	v22 =	vld [tilespmem:$0x1F8F0];
	v50 =	vimm.s32 $0x0;
	vm0 =	vgt.f32 v54, v7;
	vm8 =	vgt.f32 v54, v4  }
0x2ae: {  	[tilespmem:$0x1F970] =	vst v9;
	v13 =	vsel vm15, $0xE, v42;
	v9 =	vsel vm0, $0xFFFFFFFF, v61;
	v7 =	vsel vm0, v54, v7  }
0x2af: {  	v28 =	vld [tilespmem:$0x1F900];
	v49 =	vsel vm3, $0xF, v13;
	v7 =	vsel vm8, v4, v7;
	v4 =	vsel vm8, v54, v4  }
0x2b0: {  	[tilespmem:$0x1F9A0] =	vst v9;
	v9 =	vld.idx.msk [tilespmem:v30+s2+$0x0], $0xffff;
	v54 =	vsel vm4, $0x10, v49;
	v30 =	vor.u32 $0x27, v3;
	vm0 =	vgt.f32 v58, v7  }
0x2b1: {  	[tilespmem:$0x1F980] =	vst v8;
	vm9 =	vgt.f32 v58, v4;
	v8 =	vsel vm0, $0xFFFFFFFF, v18;
	v7 =	vsel vm0, v58, v7  }
0x2b2: {  	v33 =	vld [tilespmem:$0x1F910];
	vm0 =	vnez.u8 v22;
	v22 =	vor.u32 $0x25, v3;
	v7 =	vsel vm9, v4, v7  }
0x2b3: {  	v5 =	vsel vm0, $0xA, v5;
	v4 =	vsel vm9, v58, v4;
	v58 =	vsel vm5, $0x11, v54  }
0x2b4: {  	vm0 =	vgt.f32 v63, v7;
	vm10 =	vgt.f32 v63, v4;
	v5 =	vsel vm11, v24, v5  }
0x2b5: {  	vm11 =	vnez.u8 v28;
	v24 =	vimm.s32 $0x0;
	v7 =	vsel vm0, v63, v7  }
0x2b6: {  	v38 =	vld [tilespmem:$0x1F920];
	[tilespmem:$0x1F990] =	vst v6;
	v6 =	vsel vm0, $0xFFFFFFFF, v23;
	v5 =	vsel vm11, $0xB, v5;
	v7 =	vsel vm10, v4, v7  }
0x2b7: {  	v4 =	vsel vm10, v63, v4;
	v5 =	vsel vm12, v26, v5;
	vm12 =	vnez.u8 v33  }
0x2b8: {  	v10 =	vld.idx.msk [tilespmem:v16+s2+$0x0], $0xffff;
	v63 =	vsel vm6, $0x12, v58;
	v26 =	vor.u32 $0x26, v3;
	vm0 =	vgt.f32 v20, v7  }
0x2b9: {  	vm11 =	vgt.f32 v20, v4;
	v5 =	vsel vm12, $0xC, v5;
	v18 =	vsel vm7, $0x13, v63  }
0x2ba: {  	v34 =	vld.idx.msk [tilespmem:v25+s2+$0x0], $0xffff;
	[tilespmem:$0x1F9C0] =	vst v6;
	v6 =	vsel vm0, $0xFFFFFFFF, v27;
	v7 =	vsel vm0, v20, v7;
	v5 =	vsel vm13, v31, v5  }
0x2bb: {  	v29 =	vld.idx.msk [tilespmem:v21+s2+$0x0], $0xffff;
	vm13 =	vnez.u8 v38;
	v25 =	vsel vm1, $0x14, v18;
	v38 =	vor.u32 $0x29, v3  }
0x2bc: {  	v40 =	vld [tilespmem:$0x1F930];
	v27 =	vimm.s32 $0x0;
	v31 =	vimm.s32 $0x0;
	v7 =	vsel vm11, v4, v7  }
0x2bd: {  	v4 =	vsel vm11, v20, v4;
	v5 =	vsel vm13, $0xD, v5;
	vm0 =	vgt.f32 v10, v7  }
0x2be: {  	v52 =	vld.idx.msk [tilespmem:v44+s2+$0x0], $0xffff;
	vm12 =	vgt.f32 v10, v4;
	v5 =	vsel vm14, v36, v5;
	v7 =	vsel vm0, v10, v7  }
0x2bf: {  	v46 =	vld [tilespmem:$0x1F940];
	[tilespmem:$0x1F9B0] =	vst v8;
	v8 =	vsel vm0, $0xFFFFFFFF, v32;
	v7 =	vsel vm12, v4, v7;
	v4 =	vsel vm12, v10, v4  }
0x2c0: {  	vm0 =	vgt.f32 v29, v7;
	vm13 =	vgt.f32 v29, v4;
	v44 =	vld.idx.msk [tilespmem:v38+s2+$0x0], $0xffff;
	v38 =	vimm.s32 $0x0  }
0x2c1: {  	v51 =	vld [tilespmem:$0x1F950];
	v10 =	vsel vm0, $0xFFFFFFFF, v37;
	v7 =	vsel vm0, v29, v7;
	vm0 =	vnez.u8 v40  }
0x2c2: {  	v37 =	vld.idx.msk [tilespmem:v30+s2+$0x0], $0xffff;
	v30 =	vimm.s32 $0x0;
	v7 =	vsel vm13, v4, v7;
	v4 =	vsel vm13, v29, v4  }
0x2c3: {  	v5 =	vsel vm0, $0xE, v5;
	vm0 =	vgt.f32 v34, v7;
	vm14 =	vgt.f32 v34, v4  }
0x2c4: {  	v56 =	vld [tilespmem:$0x1F960];
	v5 =	vsel vm15, v42, v5;
	vm15 =	vnez.u8 v46;
	v42 =	vor.u32 $0x2A, v3  }
0x2c5: {  	[tilespmem:$0x1F9D0] =	vst v6;
	v46 =	vimm.s32 $0x0;
	v6 =	vsel vm0, $0xFFFFFFFF, v41;
	v7 =	vsel vm0, v34, v7  }
0x2c6: {  	v5 =	vsel vm15, $0xF, v5;
	vm15 =	vnez.u8 v51;
	v51 =	vimm.s32 $0x0  }
0x2c7: {  	v60 =	vld [tilespmem:$0x1F970];
	v7 =	vsel vm14, v4, v7;
	v4 =	vsel vm14, v34, v4;
	v5 =	vsel vm3, v13, v5  }
0x2c8: {  	v34 =	vor.u32 $0x28, v3;
	vm0 =	vgt.f32 v9, v7;
	vm2 =	vgt.f32 v9, v4  }
0x2c9: {  	v5 =	vsel vm15, $0x10, v5;
	vm15 =	vnez.u8 v56;
	v56 =	vimm.s32 $0x0  }
0x2ca: {  	[tilespmem:$0x1FA00] =	vst v6;
	v6 =	vsel vm0, $0xFFFFFFFF, v45;
	v7 =	vsel vm0, v9, v7;
	v5 =	vsel vm4, v49, v5  }
0x2cb: {  	v15 =	vld [tilespmem:$0x1F980];
	v45 =	vor.u32 $0x2B, v3;
	v49 =	vimm.s32 $0x0;
	v7 =	vsel vm2, v4, v7  }
0x2cc: {  	[tilespmem:$0x1F9E0] =	vst v8;
	v8 =	vld.idx.msk [tilespmem:v48+s2+$0x0], $0xffff;
	v4 =	vsel vm2, v9, v4;
	v5 =	vsel vm15, $0x11, v5;
	vm15 =	vnez.u8 v60  }
0x2cd: {  	v48 =	vld.idx.msk [tilespmem:v42+s2+$0x0], $0xffff;
	v60 =	vimm.s32 $0x0;
	v42 =	vor.u32 $0x35, v3;
	vm0 =	vgt.f32 v43, v7  }
0x2ce: {  	v20 =	vld [tilespmem:$0x1F990];
	vm3 =	vgt.f32 v43, v4;
	v5 =	vsel vm5, v54, v5;
	v54 =	vimm.s32 $0x0  }
0x2cf: {  	v9 =	vsel vm0, $0xFFFFFFFF, v50;
	v7 =	vsel vm0, v43, v7;
	v5 =	vsel vm15, $0x12, v5  }
0x2d0: {  	vm15 =	vnez.u8 v15;
	v41 =	vld.idx.msk [tilespmem:v34+s2+$0x0], $0xffff;
	v50 =	vor.u32 $0x2C, v3;
	v34 =	vimm.s32 $0x0  }
0x2d1: {  	v7 =	vsel vm3, v4, v7;
	v4 =	vsel vm3, v43, v4;
	v5 =	vsel vm6, v58, v5  }
0x2d2: {  	v23 =	vld [tilespmem:$0x1F9A0];
	vm0 =	vgt.f32 v47, v7;
	vm4 =	vgt.f32 v47, v4;
	v5 =	vsel vm15, $0x13, v5  }
0x2d3: {  	vm15 =	vnez.u8 v20;
	v20 =	vimm.s32 $0x0;
	v7 =	vsel vm0, v47, v7  }
0x2d4: {  	[tilespmem:$0x1F9F0] =	vst v10;
	v10 =	vsel vm0, $0xFFFFFFFF, v55;
	v5 =	vsel vm7, v63, v5;
	v7 =	vsel vm4, v4, v7  }
0x2d5: {  	v55 =	vor.u32 $0x2D, v3;
	v4 =	vsel vm4, v47, v4;
	vm0 =	vgt.f32 v52, v7  }
0x2d6: {  	v61 =	vld.idx.msk [tilespmem:v53+s2+$0x0], $0xffff;
	v63 =	vor.u32 $0x2F, v3;
	vm5 =	vgt.f32 v52, v4;
	v7 =	vsel vm0, v52, v7  }
0x2d7: {  	v5 =	vsel vm15, $0x14, v5;
	vm15 =	vnez.u8 v23;
	v7 =	vsel vm5, v4, v7  }
0x2d8: {  	[tilespmem:$0x1FA10] =	vst v6;
	v6 =	vsel vm0, $0xFFFFFFFF, v59;
	v4 =	vsel vm5, v52, v4;
	vm0 =	vgt.f32 v8, v7  }
0x2d9: {  	v16 =	vld.idx.msk [tilespmem:v57+s2+$0x0], $0xffff;
	v59 =	vor.u32 $0x2E, v3;
	vm6 =	vgt.f32 v8, v4;
	v7 =	vsel vm0, v8, v7  }
0x2da: {  	v23 =	vimm.s32 $0x0;
	v5 =	vsel vm1, v18, v5;
	v7 =	vsel vm6, v4, v7  }
0x2db: {  	v21 =	vld.idx.msk [tilespmem:v62+s2+$0x0], $0xffff;
	[tilespmem:$0x1FA20] =	vst v9;
	v9 =	vsel vm0, $0xFFFFFFFF, v14;
	v4 =	vsel vm6, v8, v4;
	vm0 =	vgt.f32 v61, v7  }
0x2dc: {  	v28 =	vld [tilespmem:$0x1F9B0];
	v5 =	vsel vm15, $0x15, v5;
	vm7 =	vgt.f32 v61, v4;
	v7 =	vsel vm0, v61, v7  }
0x2dd: {  	v5 =	vsel vm8, v25, v5;
	v62 =	vld.idx.msk [tilespmem:v55+s2+$0x0], $0xffff;
	v55 =	vor.u32 $0x38, v3;
	v7 =	vsel vm7, v4, v7  }
0x2de: {  	v18 =	vld.idx.msk [tilespmem:v59+s2+$0x0], $0xffff;
	v59 =	vor.u32 $0x39, v3;
	v8 =	vsel vm0, $0xFFFFFFFF, v19;
	vm15 =	vgt.f32 v16, v7  }
0x2df: {  	[tilespmem:$0x1FA40] =	vst v6;
	v19 =	vor.u32 $0x30, v3;
	v4 =	vsel vm7, v61, v4;
	v6 =	vsel vm15, $0xFFFFFFFF, v24  }
0x2e0: {  	v32 =	vld [tilespmem:$0x1F9C0];
	v7 =	vsel vm15, v16, v7;
	vm15 =	vgt.f32 v16, v4;
	v24 =	vor.u32 $0x31, v3  }
0x2e1: {  	[tilespmem:$0x1FA70] =	vst v6;
	v7 =	vsel vm15, v4, v7;
	v6 =	vsel vm8, $0x15, v25;
	v4 =	vsel vm15, v16, v4  }
0x2e2: {  	[tilespmem:$0x1FA30] =	vst v10;
	v10 =	vld.idx.msk [tilespmem:v17+s2+$0x0], $0xffff;
	vm8 =	vnez.u8 v28;
	v16 =	vimm.s32 $0x0;
	v25 =	vimm.s32 $0x0  }
0x2e3: {  	v36 =	vld [tilespmem:$0x1F9D0];
	v28 =	vimm.s32 $0x0;
	vm0 =	vgt.f32 v21, v7;
	v5 =	vsel vm8, $0x16, v5  }
0x2e4: {  	v40 =	vld [tilespmem:$0x1F9E0];
	[tilespmem:$0x1FA50] =	vst v9;
	vm8 =	vgt.f32 v21, v4;
	v9 =	vsel vm0, $0xFFFFFFFF, v27;
	v7 =	vsel vm0, v21, v7  }
0x2e5: {  	v5 =	vsel vm9, v6, v5;
	v6 =	vsel vm9, $0x16, v6;
	vm9 =	vnez.u8 v32  }
0x2e6: {  	v29 =	vld.idx.msk [tilespmem:v22+s2+$0x0], $0xffff;
	v7 =	vsel vm8, v4, v7;
	v4 =	vsel vm8, v21, v4;
	v5 =	vsel vm9, $0x17, v5  }
0x2e7: {  	v43 =	vld [tilespmem:$0x1F9F0];
	vm0 =	vgt.f32 v10, v7;
	vm9 =	vgt.f32 v10, v4;
	v5 =	vsel vm10, v6, v5  }
0x2e8: {  	[tilespmem:$0x1FA60] =	vst v8;
	v6 =	vsel vm10, $0x17, v6;
	vm10 =	vnez.u8 v36;
	v8 =	vsel vm0, $0xFFFFFFFF, v31  }
0x2e9: {  	v7 =	vsel vm0, v10, v7;
	v5 =	vsel vm10, $0x18, v5;
	vm10 =	vnez.u8 v40  }
0x2ea: {  	v33 =	vld.idx.msk [tilespmem:v26+s2+$0x0], $0xffff;
	v7 =	vsel vm9, v4, v7;
	v4 =	vsel vm9, v10, v4;
	v5 =	vsel vm11, v6, v5  }
0x2eb: {  	v47 =	vld [tilespmem:$0x1FA00];
	v6 =	vsel vm11, $0x18, v6;
	vm0 =	vgt.f32 v29, v7;
	v5 =	vsel vm10, $0x19, v5  }
0x2ec: {  	vm10 =	vnez.u8 v43;
	v43 =	vimm.s32 $0x0;
	v10 =	vsel vm0, $0xFFFFFFFF, v35  }
0x2ed: {  	v7 =	vsel vm0, v29, v7;
	vm0 =	vgt.f32 v29, v4;
	v5 =	vsel vm12, v6, v5  }
0x2ee: {  	v6 =	vsel vm12, $0x19, v6;
	v7 =	vsel vm0, v4, v7;
	v4 =	vsel vm0, v29, v4  }
0x2ef: {  	v5 =	vsel vm10, $0x1A, v5;
	v29 =	vor.u32 $0x32, v3;
	vm1 =	vgt.f32 v33, v7  }
0x2f0: {  	v5 =	vsel vm13, v6, v5;
	v6 =	vsel vm13, $0x1A, v6;
	vm13 =	vnez.u8 v47  }
0x2f1: {  	[tilespmem:$0x1FA80] =	vst v9;
	v9 =	vsel vm1, $0xFFFFFFFF, v39;
	v7 =	vsel vm1, v33, v7;
	vm1 =	vgt.f32 v33, v4  }
0x2f2: {  	v47 =	vor.u32 $0x36, v3;
	v5 =	vsel vm13, $0x1B, v5;
	v7 =	vsel vm1, v4, v7  }
0x2f3: {  	v4 =	vsel vm1, v33, v4;
	v33 =	vor.u32 $0x33, v3;
	vm12 =	vgt.f32 v37, v7  }
0x2f4: {  	v52 =	vld [tilespmem:$0x1FA10];
	v5 =	vsel vm14, v6, v5;
	vm10 =	vgt.f32 v37, v4;
	v7 =	vsel vm12, v37, v7  }
0x2f5: {  	v6 =	vsel vm14, $0x1B, v6;
	v36 =	vld.idx.msk [tilespmem:v29+s2+$0x0], $0xffff;
	v29 =	vor.u32 $0x3D, v3;
	v7 =	vsel vm10, v4, v7  }
0x2f6: {  	v4 =	vsel vm10, v37, v4;
	v37 =	vor.u32 $0x34, v3;
	vm11 =	vgt.f32 v41, v7  }
0x2f7: {  	v26 =	vld [tilespmem:$0x1FA60];
	[tilespmem:$0x1FAA0] =	vst v10;
	vm13 =	vgt.f32 v41, v4;
	v10 =	vsel vm11, $0xFFFFFFFF, v46;
	v7 =	vsel vm11, v41, v7  }
0x2f8: {  	v11 =	vsel vm13, $0xFFFFFFFF, v49;
	v40 =	vld.idx.msk [tilespmem:v33+s2+$0x0], $0xffff;
	v46 =	vimm.s32 $0x0;
	v33 =	vor.u32 $0x3E, v3  }
0x2f9: {  	v7 =	vsel vm13, v4, v7;
	v4 =	vsel vm13, v41, v4;
	vm13 =	vnez.u8 v52  }
0x2fa: {  	v57 =	vld [tilespmem:$0x1FA20];
	v41 =	vimm.s32 $0x0;
	v52 =	vor.u32 $0x37, v3;
	vm11 =	vgt.f32 v44, v7  }
0x2fb: {  	v61 =	vld [tilespmem:$0x1FA30];
	[tilespmem:$0x1FAB0] =	vst v9;
	v5 =	vsel vm13, $0x1C, v5;
	vm14 =	vgt.f32 v44, v4;
	v9 =	vsel vm11, $0xFFFFFFFF, v51  }
0x2fc: {  	v7 =	vsel vm11, v44, v7;
	v12 =	vsel vm14, $0xFFFFFFFF, v54;
	v5 =	vsel vm2, v6, v5  }
0x2fd: {  	v6 =	vsel vm2, $0x1C, v6;
	vm11 =	vnez.u8 v26;
	v51 =	vimm.s32 $0x0  }
0x2fe: {  	v17 =	vld [tilespmem:$0x1FA40];
	v26 =	vimm.s32 $0x0;
	v7 =	vsel vm14, v4, v7;
	v4 =	vsel vm14, v44, v4  }
0x2ff: {  	v53 =	vld.idx.msk [tilespmem:v45+s2+$0x0], $0xffff;
	vm14 =	vnez.u8 v57;
	v57 =	vimm.s32 $0x0;
	vm13 =	vgt.f32 v48, v7  }
0x300: {  	v5 =	vsel vm14, $0x1D, v5;
	vm2 =	vgt.f32 v48, v4;
	vm14 =	vnez.u8 v61  }
0x301: {  	v21 =	vld [tilespmem:$0x1FA50];
	[tilespmem:$0x1FA90] =	vst v8;
	v8 =	vsel vm13, $0xFFFFFFFF, v56;
	v7 =	vsel vm13, v48, v7;
	v5 =	vsel vm3, v6, v5  }
0x302: {  	v6 =	vsel vm3, $0x1D, v6;
	v7 =	vsel vm2, v4, v7;
	v4 =	vsel vm2, v48, v4  }
0x303: {  	v58 =	vld.idx.msk [tilespmem:v50+s2+$0x0], $0xffff;
	[tilespmem:$0x1FAC0] =	vst v10;
	v5 =	vsel vm14, $0x1E, v5;
	vm14 =	vnez.u8 v17;
	v48 =	vimm.s32 $0x0  }
0x304: {  	v56 =	vld [tilespmem:$0x1FAC0];
	vm13 =	vgt.f32 v53, v7;
	vm3 =	vgt.f32 v53, v4;
	v5 =	vsel vm4, v6, v5  }
0x305: {  	v6 =	vsel vm4, $0x1E, v6;
	v10 =	vsel vm13, $0xFFFFFFFF, v60;
	v7 =	vsel vm13, v53, v7  }
0x306: {  	v5 =	vsel vm14, $0x1F, v5;
	vm14 =	vnez.u8 v21;
	v21 =	vor.u32 $0x3B, v3  }
0x307: {  	v31 =	vld [tilespmem:$0x1FA70];
	v7 =	vsel vm3, v4, v7;
	v4 =	vsel vm3, v53, v4;
	v5 =	vsel vm5, v6, v5  }
0x308: {  	v6 =	vsel vm5, $0x1F, v6;
	v53 =	vimm.s32 $0x0;
	vm13 =	vgt.f32 v58, v7  }
0x309: {  	[tilespmem:$0x1FAD0] =	vst v11;
	vm4 =	vgt.f32 v58, v4;
	v5 =	vsel vm14, $0x20, v5;
	vm5 =	vnez.u8 v56  }
0x30a: {  	[tilespmem:$0x1FAE0] =	vst v9;
	v60 =	vld [tilespmem:$0x1FAD0];
	v9 =	vsel vm13, $0xFFFFFFFF, v16;
	v7 =	vsel vm13, v58, v7;
	v5 =	vsel vm6, v6, v5  }
0x30b: {  	v6 =	vsel vm6, $0x20, v6;
	v16 =	vor.u32 $0x3A, v3;
	v7 =	vsel vm4, v4, v7  }
0x30c: {  	v35 =	vld [tilespmem:$0x1FA80];
	v4 =	vsel vm4, v58, v4;
	v5 =	vsel vm11, $0x21, v5;
	vm11 =	vnez.u8 v31  }
0x30d: {  	vm13 =	vgt.f32 v62, v7;
	v5 =	vsel vm7, v6, v5;
	v6 =	vsel vm7, $0x21, v6  }
0x30e: {  	[tilespmem:$0x1FB00] =	vst v8;
	v8 =	vsel vm13, $0xFFFFFFFF, v20;
	v7 =	vsel vm13, v62, v7;
	vm13 =	vgt.f32 v62, v4  }
0x30f: {  	[tilespmem:$0x1FAF0] =	vst v12;
	vm7 =	vnez.u8 v60;
	v5 =	vsel vm11, $0x22, v5;
	v12 =	vsel vm13, $0xFFFFFFFF, v23  }
0x310: {  	v7 =	vsel vm13, v4, v7;
	v4 =	vsel vm13, v62, v4;
	v5 =	vsel vm15, v6, v5  }
0x311: {  	v22 =	vld.idx.msk [tilespmem:v63+s2+$0x0], $0xffff;
	v6 =	vsel vm15, $0x22, v6;
	vm15 =	vnez.u8 v35;
	v62 =	vimm.s32 $0x0  }
0x312: {  	v35 =	vimm.s32 $0x0;
	vm14 =	vgt.f32 v18, v7;
	vm13 =	vgt.f32 v18, v4  }
0x313: {  	[tilespmem:$0x1FB10] =	vst v10;
	v5 =	vsel vm15, $0x23, v5;
	v10 =	vsel vm14, $0xFFFFFFFF, v25;
	v7 =	vsel vm14, v18, v7  }
0x314: {  	v27 =	vld.idx.msk [tilespmem:v19+s2+$0x0], $0xffff;
	v11 =	vsel vm13, $0xFFFFFFFF, v28;
	v5 =	vsel vm8, v6, v5;
	v6 =	vsel vm8, $0x23, v6  }
0x315: {  	v39 =	vld [tilespmem:$0x1FA90];
	v25 =	vor.u32 $0x3C, v3;
	v3 =	vor.u32 $0x3F, v3;
	v7 =	vsel vm13, v4, v7  }
0x316: {  	v4 =	vsel vm13, v18, v4;
	v18 =	vimm.s32 $0x0;
	vm14 =	vgt.f32 v22, v7  }
0x317: {  	v32 =	vld.idx.msk [tilespmem:v24+s2+$0x0], $0xffff;
	[tilespmem:$0x1FB20] =	vst v9;
	v9 =	vsel vm14, $0xFFFFFFFF, v30;
	v7 =	vsel vm14, v22, v7;
	vm14 =	vgt.f32 v22, v4  }
0x318: {  	v30 =	vimm.s32 $0x0;
	v7 =	vsel vm14, v4, v7;
	v4 =	vsel vm14, v22, v4  }
0x319: {  	v44 =	vld [tilespmem:$0x1FAA0];
	v22 =	vimm.s32 $0x0;
	vm13 =	vgt.f32 v27, v7;
	vm15 =	vgt.f32 v27, v4  }
0x31a: {  	[tilespmem:$0x1FB30] =	vst v8;
	v8 =	vsel vm13, $0xFFFFFFFF, v34;
	v7 =	vsel vm13, v27, v7;
	vm13 =	vnez.u8 v39  }
0x31b: {  	v39 =	vimm.s32 $0x0;
	v7 =	vsel vm15, v4, v7;
	v4 =	vsel vm15, v27, v4  }
0x31c: {  	v5 =	vsel vm13, $0x24, v5;
	vm11 =	vgt.f32 v32, v7;
	vm8 =	vgt.f32 v32, v4  }
0x31d: {  	v49 =	vld [tilespmem:$0x1FAB0];
	[tilespmem:$0x1FB50] =	vst v10;
	v5 =	vsel vm9, v6, v5;
	v6 =	vsel vm9, $0x24, v6;
	v10 =	vsel vm11, $0xFFFFFFFF, v38  }
0x31e: {  	[tilespmem:$0x1FB40] =	vst v12;
	v7 =	vsel vm11, v32, v7;
	v12 =	vsel vm8, $0xFFFFFFFF, v41;
	vm11 =	vnez.u8 v44  }
0x31f: {  	v7 =	vsel vm8, v4, v7;
	v4 =	vsel vm8, v32, v4;
	v5 =	vsel vm11, $0x25, v5  }
0x320: {  	vm9 =	vgt.f32 v36, v7;
	vm13 =	vgt.f32 v36, v4;
	v5 =	vsel vm0, v6, v5  }
0x321: {  	v61 =	vld [tilespmem:$0x1FAE0];
	[tilespmem:$0x1FB70] =	vst v9;
	v6 =	vsel vm0, $0x25, v6;
	v9 =	vsel vm9, $0xFFFFFFFF, v43;
	v7 =	vsel vm9, v36, v7  }
0x322: {  	v45 =	vld.idx.msk [tilespmem:v37+s2+$0x0], $0xffff;
	[tilespmem:$0x1FB60] =	vst v11;
	v11 =	vsel vm13, $0xFFFFFFFF, v46;
	vm9 =	vnez.u8 v49;
	v7 =	vsel vm13, v4, v7  }
0x323: {  	v17 =	vld [tilespmem:$0x1FAF0];
	v4 =	vsel vm13, v36, v4;
	v5 =	vsel vm9, $0x26, v5;
	vm8 =	vgt.f32 v40, v7  }
0x324: {  	[tilespmem:$0x1FB80] =	vst v8;
	vm11 =	vgt.f32 v40, v4;
	v5 =	vsel vm1, v6, v5;
	v6 =	vsel vm1, $0x26, v6  }
0x325: {  	[tilespmem:$0x1FBA0] =	vst v12;
	v8 =	vsel vm8, $0xFFFFFFFF, v48;
	v7 =	vsel vm8, v40, v7;
	v12 =	vsel vm11, $0xFFFFFFFF, v51  }
0x326: {  	v23 =	vld [tilespmem:$0x1FB10];
	v5 =	vsel vm12, $0x27, v5;
	vm8 =	vnez.u8 v61;
	v7 =	vsel vm11, v4, v7  }
0x327: {  	v50 =	vld.idx.msk [tilespmem:v42+s2+$0x0], $0xffff;
	v4 =	vsel vm11, v40, v4;
	v5 =	vsel vm10, v6, v5;
	v6 =	vsel vm10, $0x27, v6  }
0x328: {  	vm10 =	vnez.u8 v17;
	vm13 =	vgt.f32 v45, v7;
	v5 =	vsel vm5, $0x28, v5  }
0x329: {  	v19 =	vld [tilespmem:$0x1FB00];
	[tilespmem:$0x1FB90] =	vst v10;
	v10 =	vsel vm13, $0xFFFFFFFF, v53;
	v7 =	vsel vm13, v45, v7;
	vm13 =	vgt.f32 v45, v4  }
0x32a: {  	v54 =	vld.idx.msk [tilespmem:v47+s2+$0x0], $0xffff;
	v5 =	vsel vm7, v6, v5;
	v6 =	vsel vm7, $0x28, v6;
	v7 =	vsel vm13, v4, v7  }
0x32b: {  	v58 =	vld.idx.msk [tilespmem:v52+s2+$0x0], $0xffff;
	v4 =	vsel vm13, v45, v4;
	v5 =	vsel vm8, $0x29, v5;
	vm8 =	vnez.u8 v23  }
0x32c: {  	[tilespmem:$0x1FBB0] =	vst v9;
	vm6 =	vgt.f32 v50, v7;
	vm12 =	vgt.f32 v50, v4;
	v5 =	vsel vm10, v6, v5  }
0x32d: {  	v45 =	vld [tilespmem:$0x1FBB0];
	v6 =	vsel vm10, $0x29, v6;
	v9 =	vsel vm6, $0xFFFFFFFF, v57;
	v7 =	vsel vm6, v50, v7  }
0x32e: {  	vm6 =	vnez.u8 v19;
	v7 =	vsel vm12, v4, v7;
	v4 =	vsel vm12, v50, v4  }
0x32f: {  	v63 =	vld.idx.msk [tilespmem:v55+s2+$0x0], $0xffff;
	v5 =	vsel vm6, $0x2A, v5;
	vm9 =	vgt.f32 v54, v7;
	vm11 =	vgt.f32 v54, v4  }
0x330: {  	v27 =	vld [tilespmem:$0x1FB20];
	v5 =	vsel vm2, v6, v5;
	v6 =	vsel vm2, $0x2A, v6;
	v7 =	vsel vm9, v54, v7  }
0x331: {  	[tilespmem:$0x1FBD0] =	vst v8;
	v8 =	vsel vm9, $0xFFFFFFFF, v62;
	v5 =	vsel vm8, $0x2B, v5;
	v7 =	vsel vm11, v4, v7  }
0x332: {  	v20 =	vld.idx.msk [tilespmem:v59+s2+$0x0], $0xffff;
	vm0 =	vnez.u8 v45;
	v4 =	vsel vm11, v54, v4;
	vm5 =	vgt.f32 v58, v7  }
0x333: {  	v34 =	vld [tilespmem:$0x1FB40];
	v5 =	vsel vm3, v6, v5;
	vm9 =	vgt.f32 v58, v4;
	v7 =	vsel vm5, v58, v7  }
0x334: {  	[tilespmem:$0x1FBF0] =	vst v10;
	v6 =	vsel vm3, $0x2B, v6;
	v10 =	vsel vm5, $0xFFFFFFFF, v18;
	v7 =	vsel vm9, v4, v7  }
0x335: {  	v31 =	vld [tilespmem:$0x1FB30];
	vm5 =	vnez.u8 v27;
	v4 =	vsel vm9, v58, v4;
	vm7 =	vgt.f32 v63, v7  }
0x336: {  	v36 =	vld [tilespmem:$0x1FB50];
	v5 =	vsel vm5, $0x2C, v5;
	vm8 =	vgt.f32 v63, v4;
	v7 =	vsel vm7, v63, v7  }
0x337: {  	v24 =	vld.idx.msk [tilespmem:v16+s2+$0x0], $0xffff;
	v5 =	vsel vm4, v6, v5;
	v6 =	vsel vm4, $0x2C, v6;
	v7 =	vsel vm8, v4, v7  }
0x338: {  	vm4 =	vnez.u8 v34;
	v4 =	vsel vm8, v63, v4;
	vm10 =	vgt.f32 v20, v7  }
0x339: {  	v38 =	vld [tilespmem:$0x1FB60];
	[tilespmem:$0x1FC00] =	vst v9;
	v9 =	vsel vm7, $0xFFFFFFFF, v22;
	vm7 =	vgt.f32 v20, v4;
	v7 =	vsel vm10, v20, v7  }
0x33a: {  	v40 =	vld [tilespmem:$0x1FB70];
	[tilespmem:$0x1FC10] =	vst v8;
	v8 =	vsel vm10, $0xFFFFFFFF, v26;
	vm10 =	vnez.u8 v31;
	v7 =	vsel vm7, v4, v7  }
0x33b: {  	v28 =	vld.idx.msk [tilespmem:v21+s2+$0x0], $0xffff;
	v4 =	vsel vm7, v20, v4;
	v5 =	vsel vm10, $0x2D, v5;
	vm10 =	vnez.u8 v36  }
0x33c: {  	vm6 =	vgt.f32 v24, v7;
	v5 =	vsel vm4, v6, v5;
	v6 =	vsel vm4, $0x2D, v6  }
0x33d: {  	[tilespmem:$0x1FC20] =	vst v10;
	v10 =	vsel vm6, $0xFFFFFFFF, v30;
	v7 =	vsel vm6, v24, v7;
	vm6 =	vgt.f32 v24, v4  }
0x33e: {  	v32 =	vld.idx.msk [tilespmem:v25+s2+$0x0], $0xffff;
	vm4 =	vnez.u8 v38;
	v5 =	vsel vm10, $0x2E, v5;
	v7 =	vsel vm6, v4, v7  }
0x33f: {  	v42 =	vld [tilespmem:$0x1FB80];
	v5 =	vsel vm4, v6, v5;
	v6 =	vsel vm4, $0x2E, v6;
	vm4 =	vnez.u8 v40  }
0x340: {  	v37 =	vld.idx.msk [tilespmem:v29+s2+$0x0], $0xffff;
	v4 =	vsel vm6, v24, v4;
	vm5 =	vgt.f32 v28, v7;
	v5 =	vsel vm4, $0x2F, v5  }
0x341: {  	v43 =	vld [tilespmem:$0x1FB90];
	[tilespmem:$0x1FC30] =	vst v9;
	v9 =	vsel vm5, $0xFFFFFFFF, v35;
	v7 =	vsel vm5, v28, v7;
	vm5 =	vgt.f32 v28, v4  }
0x342: {  	v5 =	vsel vm14, v6, v5;
	v7 =	vsel vm5, v4, v7;
	v4 =	vsel vm5, v28, v4  }
0x343: {  	v44 =	vld [tilespmem:$0x1FBA0];
	v6 =	vsel vm14, $0x2F, v6;
	vm10 =	vgt.f32 v32, v7;
	vm4 =	vgt.f32 v32, v4  }
0x344: {  	v41 =	vld.idx.msk [tilespmem:v33+s2+$0x0], $0xffff;
	[tilespmem:$0x1FC40] =	vst v8;
	v8 =	vsel vm10, $0xFFFFFFFF, v39;
	v7 =	vsel vm10, v32, v7;
	vm10 =	vnez.u8 v42  }
0x345: {  	[tilespmem:$0x1FBC0] =	vst v11;
	v7 =	vsel vm4, v4, v7;
	v4 =	vsel vm4, v32, v4;
	v5 =	vsel vm10, $0x30, v5  }
0x346: {  	v46 =	vld [tilespmem:$0x1FBC0];
	vm10 =	vnez.u8 v43;
	vm14 =	vgt.f32 v37, v7;
	vm3 =	vgt.f32 v37, v4  }
0x347: {  	v3 =	vld.idx.msk [tilespmem:v3+s2+$0x0], $0xffff;
	v5 =	vsel vm15, v6, v5;
	v6 =	vsel vm15, $0x30, v6;
	v7 =	vsel vm14, v37, v7  }
0x348: {  	v5 =	vsel vm10, $0x31, v5;
	vm10 =	vnez.u8 v44;
	v7 =	vsel vm3, v4, v7  }
0x349: {  	[tilespmem:$0x1FBE0] =	vst v12;
	v48 =	vld [tilespmem:$0x1FBD0];
	v4 =	vsel vm3, v37, v4;
	v5 =	vsel vm10, v6, v5;
	vm15 =	vgt.f32 v41, v7  }
0x34a: {  	v49 =	vld [tilespmem:$0x1FBE0];
	v6 =	vsel vm10, $0x31, v6;
	vm2 =	vgt.f32 v41, v4;
	v7 =	vsel vm15, v41, v7  }
0x34b: {  	v50 =	vld [tilespmem:$0x1FBF0];
	v5 =	vsel vm0, $0x32, v5;
	vm0 =	vnez.u8 v46;
	v7 =	vsel vm2, v4, v7  }
0x34c: {  	v5 =	vsel vm0, v6, v5;
	v4 =	vsel vm2, v41, v4;
	vm10 =	vgt.f32 v3, v7  }
0x34d: {  	v51 =	vld [tilespmem:$0x1FC00];
	v47 =	vsel vm0, $0x32, v6;
	vm1 =	vgt.f32 v3, v4;
	v7 =	vsel vm10, v3, v7  }
0x34e: {  	vm0 =	vnez.u8 v48;
	v3 =	vsel vm1, v3, v4;
	v7 =	vsel vm1, v4, v7  }
0x34f: {  	v52 =	vld [tilespmem:$0x1FC10];
	v5 =	vsel vm0, $0x33, v5;
	vm0 =	vnez.u8 v49;
	v3 =	vsub.f32 v7, v3  }
0x350: {  	v5 =	vsel vm0, v47, v5;
	v4 =	vsel vm0, $0x33, v47;
	vm0 =	vnez.u8 v50  }
0x351: {  	v53 =	vld [tilespmem:$0x1FC20];
	v5 =	vsel vm0, $0x34, v5;
	v3 =	vmul.f32 $1.442695020e+00, v3  }
0x352: {  	v5 =	vsel vm13, v4, v5;
	v4 =	vsel vm13, $0x34, v4;
	vm13 =	vnez.u8 v51  }
0x353: {  	v54 =	vld [tilespmem:$0x1FC30];
	v5 =	vsel vm13, $0x35, v5;
	(erf) = vpow2.f32 v3  }
0x354: {  	vm13 =	vnez.u8 v52;
	v3 =	vsel vm12, v4, v5  }
0x355: {  	v55 =	vld [tilespmem:$0x1FC40];
	v4 =	vsel vm12, $0x35, v4;
	v3 =	vsel vm13, $0x36, v3  }
0x356: {  	[tilespmem:$0x1FC50] =	vst v10;
	vm12 =	vnez.u8 v53;
	v3 =	vsel vm11, v4, v3  }
0x357: {  	v57 =	vld [tilespmem:$0x1FC50];
	v4 =	vsel vm11, $0x36, v4;
	v3 =	vsel vm12, $0x37, v3  }
0x358: {  	[tilespmem:$0x1FC60] =	vst v9;
	vm13 =	vnez.u8 v54;
	v3 =	vsel vm9, v4, v3  }
0x359: {  	v59 =	vld [tilespmem:$0x1FC60];
	v4 =	vsel vm9, $0x37, v4;
	v3 =	vsel vm13, $0x38, v3  }
0x35a: {  	[tilespmem:$0x1FC70] =	vst v8;
	vm9 =	vnez.u8 v55;
	v3 =	vsel vm8, v4, v3  }
0x35b: {  	v60 =	vld [tilespmem:$0x1FC70];
	v4 =	vsel vm8, $0x38, v4;
	v3 =	vsel vm9, $0x39, v3  }
0x35c: {  	vm11 =	vnez.u8 v57;
	v3 =	vsel vm7, v4, v3;
	v56 =	vpop (erf)  }
0x35d: {  	v4 =	vsel vm7, $0x39, v4;
	v3 =	vsel vm11, $0x3A, v3;
	v58 =	vadd.f32 $1.000000000e+00, v56  }
0x35e: {  	vm12 =	vnez.u8 v59;
	v3 =	vsel vm6, v4, v3  }
0x35f: {  	v4 =	vsel vm6, $0x3A, v4;
	v3 =	vsel vm12, $0x3B, v3;
	(erf) = vrcp.f32 v58  }
0x360: {  	vm13 =	vnez.u8 v60;
	v3 =	vsel vm5, v4, v3  }
0x361: {  	v4 =	vsel vm5, $0x3B, v4;
	v3 =	vsel vm13, $0x3C, v3  }
0x362: {  	v3 =	vsel vm4, v4, v3  }
0x363: {  	v2 =	vshll.u32 v2, $0x1;
	v4 =	vsel vm4, $0x3C, v4;
	v3 =	vsel vm14, $0x3D, v3  }
0x364: {  	v61 =	vor.u32 $0x1, v2;
	v3 =	vsel vm3, v4, v3  }
0x365: {  	v4 =	vsel vm3, $0x3D, v4;
	v3 =	vsel vm15, $0x3E, v3  }
0x366: {  	v3 =	vsel vm2, v4, v3;
	v4 =	vsel vm2, $0x3E, v4  }
0x367: {  	v3 =	vsel vm10, $0x3F, v3;
	v62 =	vsel vm1, $0x3F, v4  }
0x368: {  	v3 =	vsel vm1, v4, v3;
	[tilespmem:v2+s8+$0x0] =	vst.idx.msk $0xffff, v62;
	v63 =	vpop (erf)  }
0x369: {  	[tilespmem:v61+s8+$0x0] =	vst.idx.msk $0xffff, v3;
	v3 =	vmul.f32 v63, v56  }
0x36a: {  	[tilespmem:v2+s9+$0x0] =	vst.idx.msk $0xffff, v63  }
0x36b: {  	[tilespmem:v61+s9+$0x0] =	vst.idx.msk $0xffff, v3  }
0x36c: {  	[hbm4b:s4+s2] =	stream.linear.scatter [tilespmem:s8], [sflag:$0x1], $0x400, $0x38;
	[tilespmem:$0x8800] =	vst v63  }
0x36d: {  	s10 =	sadd.s32 $0x1, s10;
	_ =	swait.ge [sflag:s7], $0x400  }
0x36e: {  	p0 =	sne.s32 s10, s6;
	[sflag:s7] =	ssyncset.done $0x0  }
.Ltmp1:
0x36f: {  	[sflag:s7] =	ssyncadd.s32 $0xFFFFFC00;
	(pc) =	sbr.rel @p0 .LBB2_1-.Ltmp1, $4  }
0x370: {  	[hbm4b:s5+s2] =	stream.linear.scatter [tilespmem:s9], [sflag:$0x1], $0x400, $0x38;
	[tilespmem:$0x8800] =	vst v63  }
0x371: {  	_ =	swait.ge [sflag:s7], $0x400  }
0x372: {  	[sflag:s7] =	ssyncset.done $0x0  }
0x373: {  	[sflag:s7] =	ssyncadd.s32 $0xFFFFFC00  }
0x374: {  	_ =	sfence.sel $0x180000  }
0x375: {  	[bflag:$0x0] =	sbarrier.arrive $0xFFFF  }
0x376: {  	p0 =	sne.s32 s1, $0x0;
	_ =	strace $0x9000004A  }
0x377: {  	s0 =	sadd.s32 @!p0 $0x100000, s0;
	[bflag:$0x2] =	sbarrier.arrive $0xFFFF  }
0x378: {  	[sflag:s0] =	ssyncadd.tile.s32 @!p0 $0x1;
	_ =	shalt  }
.Lfunc_end2:
_tile_overlayer_lowered:
.L_overlay_start_2:
0x379: {  	(tag) =	ssettag $0x2  }
0x37a: {  	s0 =	rddreg [dreg:$0x0];
	s2 =	stileid.u32  }
0x37b: {  	s1 =	rddreg [dreg:$0x1];
	p0 =	sne.s32 s2, $0x0  }
0x37c: {  	s3 =	rddreg [dreg:$0x2];
	[bflag:$0x3] =	sbarrier.arrive $0xFFFF;
	s2 =	simm.s32 @!p0 $0x1C01  }
0x37d: {  	[timem:s3], [sflag:s2] =	dma.local @!p0 [hbm:s0], s1  }
0x37e: {  	s0 =	simm.s32 @!p0 $0x1  }
0x37f: {  	_ =	swait.ge @!p0 [sflag:s0], s1  }
0x380: {  	s1 =	ssub.s32 @!p0 $0x0, s1;
	[sflag:s0] =	ssyncset.done @!p0 $0x0  }
0x381: {  	[sflag:s0] =	ssyncadd.s32 @!p0 s1  }
0x382: {  	[bflag:$0x3] =	sbarrier.arrive $0xFFFF  }
0x383: {  	_ =	shalt  }

</sc_bundles>
